<compile_context>
chip_gen: v7x
topology: tpu7x:2x2x1
jax: 0.10.2.dev20260603
libtpu: 0.0.44.dev20260713+nightly
codegen_flags: <defaults>
</compile_context>

<pallas_src>
import functools

import jax
import jax.numpy as jnp
from jax import lax
from jax.experimental import pallas as pl
from jax.experimental.pallas import tpu as pltpu
from jax.experimental.pallas import tpu_sc as plsc

_K_BOND = 20.0
_NC = 2
_NS = 16
_NW = _NC * _NS
_C = 128


def _rsqrt(s):
    i = lax.bitcast_convert_type(s, jnp.int32)
    i = jnp.int32(0x5F3759DF) - lax.shift_right_logical(i, jnp.int32(1))
    y = lax.bitcast_convert_type(i, jnp.float32)
    for _ in range(2):
        y = y * (1.5 - 0.5 * s * y * y)
    return y


def _make_sc_kernel(n_chunks, G, S, rps):
    mesh = plsc.VectorSubcoreMesh(core_axis_name="c", subcore_axis_name="s")
    npc = n_chunks * _C
    tps = G * 4 // _NS

    scratch = (
        [pltpu.VMEM((n_chunks, _C), jnp.int32)] * 3
        + [pltpu.VMEM((npc,), jnp.float32)]
        + [pltpu.VMEM((_C,), jnp.float32)] * 12
        + [pltpu.VMEM((_C,), jnp.float32)] * 14
        + [pltpu.VMEM((_C,), jnp.int32)] * 12
        + [pltpu.VMEM((tps,), jnp.float32)]
        + [pltpu.VMEM_SHARED((G * 4,), jnp.float32)]
        + [pltpu.VMEM_SHARED((G,), jnp.float32)] * 3
        + [pltpu.VMEM_SHARED((S,), jnp.float32)]
        + [pltpu.SemaphoreType.DMA] * 4
    )

    @functools.partial(
        pl.kernel,
        out_type=[
            jax.ShapeDtypeStruct((_NC * 3 * G,), jnp.float32),
            jax.ShapeDtypeStruct((_NC * S,), jnp.float32),
        ],
        mesh=mesh,
        scratch_types=scratch,
    )
    def sc_kernel(tbl, srcb, dstb, segb, r0b, zeros, gpart, epart,
                  *refs):
        srcv, dstv, segv, r0v = refs[0:4]
        o = 4
        gbuf = tuple(refs[o + 6 * b:o + 6 * (b + 1)] for b in range(2))
        o += 12
        vbuf = tuple(refs[o + 7 * b:o + 7 * (b + 1)] for b in range(2))
        o += 14
        ibuf = tuple(refs[o + 6 * b:o + 6 * (b + 1)] for b in range(2))
        o += 12
        stage = refs[o]
        tb_sh = refs[o + 1]
        gxa, gya, gza, e_sh = refs[o + 2:o + 6]
        semg = refs[o + 6:o + 8]
        sems = refs[o + 8:o + 10]

        c = lax.axis_index("c")
        s = lax.axis_index("s")
        wid = s * _NC + c

        pltpu.async_copy(srcb.at[wid], srcv, semg[0])
        pltpu.async_copy(dstb.at[wid], dstv, semg[0])
        pltpu.async_copy(segb.at[wid], segv, semg[0])
        pltpu.async_copy(r0b.at[pl.ds(wid * npc, npc)], r0v, semg[0])
        pltpu.async_copy(tbl.at[pl.ds(s * tps, tps)], stage, semg[0])
        pltpu.make_async_copy(srcb.at[wid], srcv, semg[0]).wait()
        pltpu.make_async_copy(dstb.at[wid], dstv, semg[0]).wait()
        pltpu.make_async_copy(segb.at[wid], segv, semg[0]).wait()
        pltpu.make_async_copy(r0b.at[pl.ds(wid * npc, npc)], r0v,
                              semg[0]).wait()
        pltpu.make_async_copy(tbl.at[pl.ds(s * tps, tps)], stage,
                              semg[0]).wait()

        pltpu.sync_copy(stage, tb_sh.at[pl.ds(s * tps, tps)])
        pltpu.sync_copy(zeros, stage.at[pl.ds(0, rps)])
        pltpu.async_copy(stage.at[pl.ds(0, rps)],
                         gxa.at[pl.ds(s * rps, rps)], semg[0])
        pltpu.async_copy(stage.at[pl.ds(0, rps)],
                         gya.at[pl.ds(s * rps, rps)], semg[0])
        pltpu.async_copy(stage.at[pl.ds(0, rps)],
                         gza.at[pl.ds(s * rps, rps)], semg[0])
        pltpu.make_async_copy(stage.at[pl.ds(0, rps)],
                              gxa.at[pl.ds(s * rps, rps)], semg[0]).wait()
        pltpu.make_async_copy(stage.at[pl.ds(0, rps)],
                              gya.at[pl.ds(s * rps, rps)], semg[0]).wait()
        pltpu.make_async_copy(stage.at[pl.ds(0, rps)],
                              gza.at[pl.ds(s * rps, rps)], semg[0]).wait()

        @pl.when(s == 0)
        def _():
            pltpu.sync_copy(stage.at[pl.ds(0, S)], e_sh)

        plsc.subcore_barrier()

        def build_idx(j, b):
            for k in range(_C // 16):
                sl = pl.ds(k * 16, 16)
                s4 = lax.shift_left(srcv[j, sl], jnp.int32(2))
                d4 = lax.shift_left(dstv[j, sl], jnp.int32(2))
                ibuf[b][0][sl] = s4 + 1
                ibuf[b][1][sl] = s4 + 2
                ibuf[b][2][sl] = s4 + 3
                ibuf[b][3][sl] = d4 + 1
                ibuf[b][4][sl] = d4 + 2
                ibuf[b][5][sl] = d4 + 3

        def issue_gathers(b):
            for i in range(6):
                pltpu.async_copy(tb_sh.at[ibuf[b][i]], gbuf[b][i], semg[b])

        def wait_gathers(b):
            pltpu.make_async_copy(zeros.at[pl.ds(0, 6 * _C)],
                                  stage.at[pl.ds(0, 6 * _C)],
                                  semg[b]).wait()

        def issue_scatters(j, b):
            gx, gy, gz, nx, ny, nz, ev = vbuf[b]
            pltpu.async_copy(gx, gxa.at[srcv.at[j]], sems[b], add=True)
            pltpu.async_copy(gy, gya.at[srcv.at[j]], sems[b], add=True)
            pltpu.async_copy(gz, gza.at[srcv.at[j]], sems[b], add=True)
            pltpu.async_copy(nx, gxa.at[dstv.at[j]], sems[b], add=True)
            pltpu.async_copy(ny, gya.at[dstv.at[j]], sems[b], add=True)
            pltpu.async_copy(nz, gza.at[dstv.at[j]], sems[b], add=True)
            pltpu.async_copy(ev, e_sh.at[segv.at[j]], sems[b], add=True)

        def wait_scatters(b):
            pltpu.make_async_copy(zeros.at[pl.ds(0, 7 * _C)],
                                  stage.at[pl.ds(0, 7 * _C)],
                                  sems[b]).wait()

        def compute(j, b):
            sxv, syv, szv, txv, tyv, tzv = gbuf[b]
            gxv, gyv, gzv, nxv, nyv, nzv, ev = vbuf[b]
            for k in range(_C // 16):
                sl = pl.ds(k * 16, 16)
                dx = sxv[sl] - txv[sl]
                dy = syv[sl] - tyv[sl]
                dz = szv[sl] - tzv[sl]
                ssq = dx * dx + dy * dy + dz * dz
                y = _rsqrt(ssq)
                r0_ = r0v[pl.ds(j * _C + k * 16, 16)]
                diff = ssq * y - r0_
                e = _K_BOND * diff * diff
                coef = (2.0 * _K_BOND) * diff * y
                gx = coef * dx
                gy = coef * dy
                gz = coef * dz
                gxv[sl] = gx
                gyv[sl] = gy
                gzv[sl] = gz
                nxv[sl] = -gx
                nyv[sl] = -gy
                nzv[sl] = -gz
                ev[sl] = e

        build_idx(0, 0)
        issue_gathers(0)

        def pair(jj, carry):
            for b in range(2):
                jc = 2 * jj + b
                nb = 1 - b

                @pl.when(jc + 1 < n_chunks)
                def _():
                    build_idx(jc + 1, nb)
                    issue_gathers(nb)

                @pl.when(jc >= 2)
                def _():
                    wait_scatters(b)

                wait_gathers(b)
                compute(jc, b)
                issue_scatters(jc, b)
            return carry

        lax.fori_loop(0, n_chunks // 2, pair, 0)
        wait_scatters(0)
        wait_scatters(1)
        plsc.subcore_barrier()

        st = stage.at[pl.ds(0, rps)]
        pltpu.sync_copy(gxa.at[pl.ds(s * rps, rps)], st)
        pltpu.sync_copy(st, gpart.at[pl.ds((c * 3 + 0) * G + s * rps, rps)])
        pltpu.sync_copy(gya.at[pl.ds(s * rps, rps)], st)
        pltpu.sync_copy(st, gpart.at[pl.ds((c * 3 + 1) * G + s * rps, rps)])
        pltpu.sync_copy(gza.at[pl.ds(s * rps, rps)], st)
        pltpu.sync_copy(st, gpart.at[pl.ds((c * 3 + 2) * G + s * rps, rps)])

        @pl.when(s == 0)
        def _():
            pltpu.sync_copy(e_sh, stage.at[pl.ds(0, S)])
            pltpu.sync_copy(stage.at[pl.ds(0, S)], epart.at[pl.ds(c * S, S)])

    return sc_kernel


def _combine_body(g_ref, e_ref, go_ref, eo_ref):
    go_ref[...] = g_ref[0, :] + g_ref[1, :]
    eo_ref[...] = e_ref[0, :] + e_ref[1, :]


def kernel(nxyz, bonds, bond_len, num_bonds):
    n_atoms = nxyz.shape[0]
    n_bonds = bonds.shape[0]
    n_mol = num_bonds.shape[0]

    G = ((n_atoms + 2 + 127) // 128) * 128
    S = ((n_mol + 1 + 15) // 16) * 16
    rps = G // _NS

    chunks_total = -(-n_bonds // _C)
    n_chunks = -(-chunks_total // _NW)
    n_chunks += n_chunks % 2
    n_pad = n_chunks * _NW * _C

    tbl = jnp.concatenate(
        [nxyz.reshape(-1), jnp.zeros(((G - n_atoms) * 4,), jnp.float32)])

    pad = n_pad - n_bonds
    src = jnp.concatenate(
        [bonds[:, 0], jnp.full((pad,), n_atoms, jnp.int32)])
    dst = jnp.concatenate(
        [bonds[:, 1], jnp.full((pad,), n_atoms + 1, jnp.int32)])
    starts = jnp.cumsum(num_bonds)[:-1]
    mark = jnp.zeros((n_bonds,), jnp.int32).at[starts].add(1)
    seg = jnp.concatenate([
        jnp.cumsum(mark, dtype=jnp.int32),
        jnp.full((pad,), n_mol, jnp.int32),
    ])
    r0 = jnp.concatenate([bond_len[:, 0], jnp.zeros((pad,), jnp.float32)])
    zeros = jnp.zeros((rps,), jnp.float32)

    sc_kernel = _make_sc_kernel(n_chunks, G, S, rps)
    gpart, epart = sc_kernel(
        tbl,
        src.reshape(_NW, -1, _C), dst.reshape(_NW, -1, _C),
        seg.reshape(_NW, -1, _C), r0, zeros)

    gsum, esum = pl.pallas_call(
        _combine_body,
        out_shape=[
            jax.ShapeDtypeStruct((3 * G,), jnp.float32),
            jax.ShapeDtypeStruct((S,), jnp.float32),
        ],
    )(gpart.reshape(_NC, 3 * G), epart.reshape(_NC, S))

    g3 = gsum.reshape(3, G)
    energy_grad = jnp.stack(
        [g3[0, :n_atoms], g3[1, :n_atoms], g3[2, :n_atoms]], axis=1)
    E = esum[:n_mol].reshape(n_mol, 1)
    return E, energy_grad

# --- scband reference (transcript-rebuilt; emitter-appended) ---
"""Pipeline reference for scband-bond-prior-5325759447398 (READ-ONLY COPY).

The authoritative reference and input builder live on the scoring server;
editing this copy changes nothing except your own understanding.
"""

import jax, jax.numpy as jnp
import numpy as np

K_BOND = 20.0
N_ATOMS = 50000
N_BONDS = 499500
N_MOL = 1000


def setup_inputs(seed: int = 0):
    key = jax.random.key(seed)
    k1, k2, k3, k4 = jax.random.split(key, 4)
    nxyz = jax.random.normal(k1, (N_ATOMS, 4), dtype=jnp.float32)
    # build bonds with guaranteed src != dst so r > 0 (avoids sqrt(0) NaN grads)
    src = jax.random.randint(k2, (N_BONDS,), 0, N_ATOMS, dtype=jnp.int32)
    off = jax.random.randint(k3, (N_BONDS,), 1, N_ATOMS, dtype=jnp.int32)
    dst = (src + off) % N_ATOMS
    bonds = jnp.stack([src, dst], axis=1)
    bond_len = jax.random.uniform(k4, (N_BONDS, 1), dtype=jnp.float32)
    # per-molecule bond counts: arange(1000) sums to exactly N_BONDS
    num_bonds = jnp.arange(N_MOL, dtype=jnp.int32)
    return {"nxyz": nxyz, "bonds": bonds, "bond_len": bond_len, "num_bonds": num_bonds}


def _segment_ids(num_bonds, total):
    # equivalent of torch.split(e, num_bonds) followed by per-chunk sum:
    # expand counts into a segment id per bond
    return jnp.repeat(jnp.arange(num_bonds.shape[0], dtype=jnp.int32), num_bonds,
                      total_repeat_length=total)


def reference(nxyz, bonds, bond_len, num_bonds):
    xyz = nxyz[:, 1:4]
    seg = _segment_ids(num_bonds, bond_len.shape[0])
    r0 = jnp.squeeze(bond_len)

    def energy_fn(xyz_in):
        d = xyz_in[bonds[:, 0]] - xyz_in[bonds[:, 1]]  # gather
        r = jnp.sqrt(jnp.sum(d * d, axis=-1))
        e = K_BOND * (r - r0) ** 2
        E = jax.ops.segment_sum(e, seg, num_segments=num_bonds.shape[0])
        return E.reshape(-1, 1)

    E = energy_fn(xyz)
    # compute_grad(inputs=xyz, output=E): dE.sum()/dxyz via autograd
    energy_grad = jax.grad(lambda x: jnp.sum(energy_fn(x)))(xyz)
    return E, energy_grad

if __name__ == "__main__":
    import jax
    _d = setup_inputs()
    print(jax.jit(kernel)(*tuple(_d.values())))

</pallas_src>

<mosaic_0001>
#map = affine_map<(d0, d1) -> (0)>
#map1 = affine_map<(d0, d1) -> (0, 0, 0)>
module attributes {stable_mosaic.version = 14 : i64} {
  func.func @sc_kernel(%arg0: i32, %arg1: i32, %arg2: memref<200192xf32, #tpu.memory_space<hbm>>, %arg3: memref<32x122x128xi32, #tpu.memory_space<hbm>>, %arg4: memref<32x122x128xi32, #tpu.memory_space<hbm>>, %arg5: memref<32x122x128xi32, #tpu.memory_space<hbm>>, %arg6: memref<499712xf32, #tpu.memory_space<hbm>>, %arg7: memref<3128xf32, #tpu.memory_space<hbm>>, %arg8: memref<300288xf32, #tpu.memory_space<hbm>>, %arg9: memref<2016xf32, #tpu.memory_space<hbm>>, %arg10: memref<122x128xi32, #tpu.memory_space<vmem>>, %arg11: memref<122x128xi32, #tpu.memory_space<vmem>>, %arg12: memref<122x128xi32, #tpu.memory_space<vmem>>, %arg13: memref<15616xf32, #tpu.memory_space<vmem>>, %arg14: memref<128xf32, #tpu.memory_space<vmem>>, %arg15: memref<128xf32, #tpu.memory_space<vmem>>, %arg16: memref<128xf32, #tpu.memory_space<vmem>>, %arg17: memref<128xf32, #tpu.memory_space<vmem>>, %arg18: memref<128xf32, #tpu.memory_space<vmem>>, %arg19: memref<128xf32, #tpu.memory_space<vmem>>, %arg20: memref<128xf32, #tpu.memory_space<vmem>>, %arg21: memref<128xf32, #tpu.memory_space<vmem>>, %arg22: memref<128xf32, #tpu.memory_space<vmem>>, %arg23: memref<128xf32, #tpu.memory_space<vmem>>, %arg24: memref<128xf32, #tpu.memory_space<vmem>>, %arg25: memref<128xf32, #tpu.memory_space<vmem>>, %arg26: memref<128xf32, #tpu.memory_space<vmem>>, %arg27: memref<128xf32, #tpu.memory_space<vmem>>, %arg28: memref<128xf32, #tpu.memory_space<vmem>>, %arg29: memref<128xf32, #tpu.memory_space<vmem>>, %arg30: memref<128xf32, #tpu.memory_space<vmem>>, %arg31: memref<128xf32, #tpu.memory_space<vmem>>, %arg32: memref<128xf32, #tpu.memory_space<vmem>>, %arg33: memref<128xf32, #tpu.memory_space<vmem>>, %arg34: memref<128xf32, #tpu.memory_space<vmem>>, %arg35: memref<128xf32, #tpu.memory_space<vmem>>, %arg36: memref<128xf32, #tpu.memory_space<vmem>>, %arg37: memref<128xf32, #tpu.memory_space<vmem>>, %arg38: memref<128xf32, #tpu.memory_space<vmem>>, %arg39: memref<128xf32, #tpu.memory_space<vmem>>, %arg40: memref<128xi32, #tpu.memory_space<vmem>>, %arg41: memref<128xi32, #tpu.memory_space<vmem>>, %arg42: memref<128xi32, #tpu.memory_space<vmem>>, %arg43: memref<128xi32, #tpu.memory_space<vmem>>, %arg44: memref<128xi32, #tpu.memory_space<vmem>>, %arg45: memref<128xi32, #tpu.memory_space<vmem>>, %arg46: memref<128xi32, #tpu.memory_space<vmem>>, %arg47: memref<128xi32, #tpu.memory_space<vmem>>, %arg48: memref<128xi32, #tpu.memory_space<vmem>>, %arg49: memref<128xi32, #tpu.memory_space<vmem>>, %arg50: memref<128xi32, #tpu.memory_space<vmem>>, %arg51: memref<128xi32, #tpu.memory_space<vmem>>, %arg52: memref<12512xf32, #tpu.memory_space<vmem>>, %arg53: memref<200192xf32, #tpu.memory_space<vmem_shared>>, %arg54: memref<50048xf32, #tpu.memory_space<vmem_shared>>, %arg55: memref<50048xf32, #tpu.memory_space<vmem_shared>>, %arg56: memref<50048xf32, #tpu.memory_space<vmem_shared>>, %arg57: memref<1008xf32, #tpu.memory_space<vmem_shared>>, %arg58: memref<!tpu.dma_semaphore, #tpu.memory_space<semaphore_mem>>, %arg59: memref<!tpu.dma_semaphore, #tpu.memory_space<semaphore_mem>>, %arg60: memref<!tpu.dma_semaphore, #tpu.memory_space<semaphore_mem>>, %arg61: memref<!tpu.dma_semaphore, #tpu.memory_space<semaphore_mem>>) attributes {dimension_semantics = [#tpu.dimension_semantics<core_parallel>, #tpu.dimension_semantics<subcore_parallel>], iteration_bounds = array<i64: 2, 16>, scalar_prefetch = 0 : i64, scratch_operands = 52 : i64, tpu.core_type = #tpu.core_type<sc_vector_subcore>, window_params = [{transform_indices = #map}, {transform_indices = #map1}, {transform_indices = #map1}, {transform_indices = #map1}, {transform_indices = #map}, {transform_indices = #map}, {transform_indices = #map}, {transform_indices = #map}]} {
    %mul3A = arith.constant 2 : i32
    %mul3A_0 = arith.muli %arg1, %mul3A : i32
    %add3A = arith.addi %mul3A_0, %arg0 : i32
    %dma_start3A = arith.constant 0 : i32
    %dma_start3A_1 = arith.constant 0 : i32
    %dma_start3A_2 = tpu.memref_slice %arg3[%add3A, %dma_start3A, %dma_start3A_1] : memref<32x122x128xi32, #tpu.memory_space<hbm>> -> memref<1x122x128xi32, #tpu.memory_space<hbm>>
    %dma_start3A_3 = tpu.memref_squeeze %dma_start3A_2 : memref<1x122x128xi32, #tpu.memory_space<hbm>> -> memref<122x128xi32, #tpu.memory_space<hbm>>
    %dma_start3A_4 = arith.constant 0 : i32
    %dma_start3A_5 = arith.constant 0 : i32
    %dma_start3A_6 = tpu.memref_slice %arg3[%add3A, %dma_start3A_4, %dma_start3A_5] : memref<32x122x128xi32, #tpu.memory_space<hbm>> -> memref<1x122x128xi32, #tpu.memory_space<hbm>>
    %dma_start3A_7 = tpu.memref_squeeze %dma_start3A_6 : memref<1x122x128xi32, #tpu.memory_space<hbm>> -> memref<122x128xi32, #tpu.memory_space<hbm>>
    tpu.enqueue_dma source(%dma_start3A_7 : memref<122x128xi32, #tpu.memory_space<hbm>>) target(%arg10 : memref<122x128xi32, #tpu.memory_space<vmem>>) target_semaphore(%arg58 : memref<!tpu.dma_semaphore, #tpu.memory_space<semaphore_mem>>)
    %dma_start3A_8 = arith.constant 0 : i32
    %dma_start3A_9 = arith.constant 0 : i32
    %dma_start3A_10 = tpu.memref_slice %arg4[%add3A, %dma_start3A_8, %dma_start3A_9] : memref<32x122x128xi32, #tpu.memory_space<hbm>> -> memref<1x122x128xi32, #tpu.memory_space<hbm>>
    %dma_start3A_11 = tpu.memref_squeeze %dma_start3A_10 : memref<1x122x128xi32, #tpu.memory_space<hbm>> -> memref<122x128xi32, #tpu.memory_space<hbm>>
    %dma_start3A_12 = arith.constant 0 : i32
    %dma_start3A_13 = arith.constant 0 : i32
    %dma_start3A_14 = tpu.memref_slice %arg4[%add3A, %dma_start3A_12, %dma_start3A_13] : memref<32x122x128xi32, #tpu.memory_space<hbm>> -> memref<1x122x128xi32, #tpu.memory_space<hbm>>
    %dma_start3A_15 = tpu.memref_squeeze %dma_start3A_14 : memref<1x122x128xi32, #tpu.memory_space<hbm>> -> memref<122x128xi32, #tpu.memory_space<hbm>>
    tpu.enqueue_dma source(%dma_start3A_15 : memref<122x128xi32, #tpu.memory_space<hbm>>) target(%arg11 : memref<122x128xi32, #tpu.memory_space<vmem>>) target_semaphore(%arg58 : memref<!tpu.dma_semaphore, #tpu.memory_space<semaphore_mem>>)
    %dma_start3A_16 = arith.constant 0 : i32
    %dma_start3A_17 = arith.constant 0 : i32
    %dma_start3A_18 = tpu.memref_slice %arg5[%add3A, %dma_start3A_16, %dma_start3A_17] : memref<32x122x128xi32, #tpu.memory_space<hbm>> -> memref<1x122x128xi32, #tpu.memory_space<hbm>>
    %dma_start3A_19 = tpu.memref_squeeze %dma_start3A_18 : memref<1x122x128xi32, #tpu.memory_space<hbm>> -> memref<122x128xi32, #tpu.memory_space<hbm>>
    %dma_start3A_20 = arith.constant 0 : i32
    %dma_start3A_21 = arith.constant 0 : i32
    %dma_start3A_22 = tpu.memref_slice %arg5[%add3A, %dma_start3A_20, %dma_start3A_21] : memref<32x122x128xi32, #tpu.memory_space<hbm>> -> memref<1x122x128xi32, #tpu.memory_space<hbm>>
    %dma_start3A_23 = tpu.memref_squeeze %dma_start3A_22 : memref<1x122x128xi32, #tpu.memory_space<hbm>> -> memref<122x128xi32, #tpu.memory_space<hbm>>
    tpu.enqueue_dma source(%dma_start3A_23 : memref<122x128xi32, #tpu.memory_space<hbm>>) target(%arg12 : memref<122x128xi32, #tpu.memory_space<vmem>>) target_semaphore(%arg58 : memref<!tpu.dma_semaphore, #tpu.memory_space<semaphore_mem>>)
    %mul3A_24 = arith.constant 15616 : i32
    %mul3A_25 = arith.muli %add3A, %mul3A_24 : i32
    %dma_start3A_26 = tpu.memref_slice %arg6[%mul3A_25] : memref<499712xf32, #tpu.memory_space<hbm>> -> memref<15616xf32, #tpu.memory_space<hbm>>
    %dma_start3A_27 = tpu.memref_slice %arg6[%mul3A_25] : memref<499712xf32, #tpu.memory_space<hbm>> -> memref<15616xf32, #tpu.memory_space<hbm>>
    tpu.enqueue_dma source(%dma_start3A_27 : memref<15616xf32, #tpu.memory_space<hbm>>) target(%arg13 : memref<15616xf32, #tpu.memory_space<vmem>>) target_semaphore(%arg58 : memref<!tpu.dma_semaphore, #tpu.memory_space<semaphore_mem>>)
    %mul3A_28 = arith.constant 12512 : i32
    %mul3A_29 = arith.muli %arg1, %mul3A_28 : i32
    %dma_start3A_30 = tpu.memref_slice %arg2[%mul3A_29] : memref<200192xf32, #tpu.memory_space<hbm>> -> memref<12512xf32, #tpu.memory_space<hbm>>
    %dma_start3A_31 = tpu.memref_slice %arg2[%mul3A_29] : memref<200192xf32, #tpu.memory_space<hbm>> -> memref<12512xf32, #tpu.memory_space<hbm>>
    tpu.enqueue_dma source(%dma_start3A_31 : memref<12512xf32, #tpu.memory_space<hbm>>) target(%arg52 : memref<12512xf32, #tpu.memory_space<vmem>>) target_semaphore(%arg58 : memref<!tpu.dma_semaphore, #tpu.memory_space<semaphore_mem>>)
    %dma_wait3A = arith.constant 0 : i32
    %dma_wait3A_32 = arith.constant 0 : i32
    %dma_wait3A_33 = tpu.memref_slice %arg3[%add3A, %dma_wait3A, %dma_wait3A_32] : memref<32x122x128xi32, #tpu.memory_space<hbm>> -> memref<1x122x128xi32, #tpu.memory_space<hbm>>
    %dma_wait3A_34 = tpu.memref_squeeze %dma_wait3A_33 : memref<1x122x128xi32, #tpu.memory_space<hbm>> -> memref<122x128xi32, #tpu.memory_space<hbm>>
    %dma_wait3A_35 = arith.constant 0 : i32
    %dma_wait3A_36 = arith.constant 0 : i32
    %dma_wait3A_37 = tpu.memref_slice %arg3[%add3A, %dma_wait3A_35, %dma_wait3A_36] : memref<32x122x128xi32, #tpu.memory_space<hbm>> -> memref<1x122x128xi32, #tpu.memory_space<hbm>>
    %dma_wait3A_38 = tpu.memref_squeeze %dma_wait3A_37 : memref<1x122x128xi32, #tpu.memory_space<hbm>> -> memref<122x128xi32, #tpu.memory_space<hbm>>
    tpu.wait_dma2 semaphore(%arg58 : memref<!tpu.dma_semaphore, #tpu.memory_space<semaphore_mem>>) src(%dma_wait3A_38 : memref<122x128xi32, #tpu.memory_space<hbm>>) dst(%arg10 : memref<122x128xi32, #tpu.memory_space<vmem>>)
    %dma_wait3A_39 = arith.constant 0 : i32
    %dma_wait3A_40 = arith.constant 0 : i32
    %dma_wait3A_41 = tpu.memref_slice %arg4[%add3A, %dma_wait3A_39, %dma_wait3A_40] : memref<32x122x128xi32, #tpu.memory_space<hbm>> -> memref<1x122x128xi32, #tpu.memory_space<hbm>>
    %dma_wait3A_42 = tpu.memref_squeeze %dma_wait3A_41 : memref<1x122x128xi32, #tpu.memory_space<hbm>> -> memref<122x128xi32, #tpu.memory_space<hbm>>
    %dma_wait3A_43 = arith.constant 0 : i32
    %dma_wait3A_44 = arith.constant 0 : i32
    %dma_wait3A_45 = tpu.memref_slice %arg4[%add3A, %dma_wait3A_43, %dma_wait3A_44] : memref<32x122x128xi32, #tpu.memory_space<hbm>> -> memref<1x122x128xi32, #tpu.memory_space<hbm>>
    %dma_wait3A_46 = tpu.memref_squeeze %dma_wait3A_45 : memref<1x122x128xi32, #tpu.memory_space<hbm>> -> memref<122x128xi32, #tpu.memory_space<hbm>>
    tpu.wait_dma2 semaphore(%arg58 : memref<!tpu.dma_semaphore, #tpu.memory_space<semaphore_mem>>) src(%dma_wait3A_46 : memref<122x128xi32, #tpu.memory_space<hbm>>) dst(%arg11 : memref<122x128xi32, #tpu.memory_space<vmem>>)
    %dma_wait3A_47 = arith.constant 0 : i32
    %dma_wait3A_48 = arith.constant 0 : i32
    %dma_wait3A_49 = tpu.memref_slice %arg5[%add3A, %dma_wait3A_47, %dma_wait3A_48] : memref<32x122x128xi32, #tpu.memory_space<hbm>> -> memref<1x122x128xi32, #tpu.memory_space<hbm>>
    %dma_wait3A_50 = tpu.memref_squeeze %dma_wait3A_49 : memref<1x122x128xi32, #tpu.memory_space<hbm>> -> memref<122x128xi32, #tpu.memory_space<hbm>>
    %dma_wait3A_51 = arith.constant 0 : i32
    %dma_wait3A_52 = arith.constant 0 : i32
    %dma_wait3A_53 = tpu.memref_slice %arg5[%add3A, %dma_wait3A_51, %dma_wait3A_52] : memref<32x122x128xi32, #tpu.memory_space<hbm>> -> memref<1x122x128xi32, #tpu.memory_space<hbm>>
    %dma_wait3A_54 = tpu.memref_squeeze %dma_wait3A_53 : memref<1x122x128xi32, #tpu.memory_space<hbm>> -> memref<122x128xi32, #tpu.memory_space<hbm>>
    tpu.wait_dma2 semaphore(%arg58 : memref<!tpu.dma_semaphore, #tpu.memory_space<semaphore_mem>>) src(%dma_wait3A_54 : memref<122x128xi32, #tpu.memory_space<hbm>>) dst(%arg12 : memref<122x128xi32, #tpu.memory_space<vmem>>)
    %mul3A_55 = arith.constant 15616 : i32
    %mul3A_56 = arith.muli %add3A, %mul3A_55 : i32
    %dma_wait3A_57 = tpu.memref_slice %arg6[%mul3A_56] : memref<499712xf32, #tpu.memory_space<hbm>> -> memref<15616xf32, #tpu.memory_space<hbm>>
    %dma_wait3A_58 = tpu.memref_slice %arg6[%mul3A_56] : memref<499712xf32, #tpu.memory_space<hbm>> -> memref<15616xf32, #tpu.memory_space<hbm>>
    tpu.wait_dma2 semaphore(%arg58 : memref<!tpu.dma_semaphore, #tpu.memory_space<semaphore_mem>>) src(%dma_wait3A_58 : memref<15616xf32, #tpu.memory_space<hbm>>) dst(%arg13 : memref<15616xf32, #tpu.memory_space<vmem>>)
    %mul3A_59 = arith.constant 12512 : i32
    %mul3A_60 = arith.muli %arg1, %mul3A_59 : i32
    %dma_wait3A_61 = tpu.memref_slice %arg2[%mul3A_60] : memref<200192xf32, #tpu.memory_space<hbm>> -> memref<12512xf32, #tpu.memory_space<hbm>>
    %dma_wait3A_62 = tpu.memref_slice %arg2[%mul3A_60] : memref<200192xf32, #tpu.memory_space<hbm>> -> memref<12512xf32, #tpu.memory_space<hbm>>
    tpu.wait_dma2 semaphore(%arg58 : memref<!tpu.dma_semaphore, #tpu.memory_space<semaphore_mem>>) src(%dma_wait3A_62 : memref<12512xf32, #tpu.memory_space<hbm>>) dst(%arg52 : memref<12512xf32, #tpu.memory_space<vmem>>)
    %mul3A_63 = arith.constant 12512 : i32
    %mul3A_64 = arith.muli %arg1, %mul3A_63 : i32
    "tpu.region"() ({
      %run_scoped3A = tpu.sem_alloc : memref<!tpu.dma_semaphore, #tpu.memory_space<semaphore_mem>>
      %dma_start3A_648 = tpu.memref_slice %arg53[%mul3A_64] : memref<200192xf32, #tpu.memory_space<vmem_shared>> -> memref<12512xf32, #tpu.memory_space<vmem_shared>>
      %dma_start3A_649 = tpu.memref_slice %arg53[%mul3A_64] : memref<200192xf32, #tpu.memory_space<vmem_shared>> -> memref<12512xf32, #tpu.memory_space<vmem_shared>>
      tpu.enqueue_dma source(%arg52 : memref<12512xf32, #tpu.memory_space<vmem>>) target(%dma_start3A_649 : memref<12512xf32, #tpu.memory_space<vmem_shared>>) target_semaphore(%run_scoped3A : memref<!tpu.dma_semaphore, #tpu.memory_space<semaphore_mem>>)
      %dma_wait3A_650 = tpu.memref_slice %arg53[%mul3A_64] : memref<200192xf32, #tpu.memory_space<vmem_shared>> -> memref<12512xf32, #tpu.memory_space<vmem_shared>>
      %dma_wait3A_651 = tpu.memref_slice %arg53[%mul3A_64] : memref<200192xf32, #tpu.memory_space<vmem_shared>> -> memref<12512xf32, #tpu.memory_space<vmem_shared>>
      tpu.wait_dma2 semaphore(%run_scoped3A : memref<!tpu.dma_semaphore, #tpu.memory_space<semaphore_mem>>) src(%arg52 : memref<12512xf32, #tpu.memory_space<vmem>>) dst(%dma_wait3A_651 : memref<12512xf32, #tpu.memory_space<vmem_shared>>)
      tpu.yield
    }) : () -> ()
    "tpu.region"() ({
      %run_scoped3A = tpu.sem_alloc : memref<!tpu.dma_semaphore, #tpu.memory_space<semaphore_mem>>
      %dma_start3A_648 = arith.constant 0 : i32
      %dma_start3A_649 = tpu.memref_slice %arg52[%dma_start3A_648] : memref<12512xf32, #tpu.memory_space<vmem>> -> memref<3128xf32, #tpu.memory_space<vmem>>
      %dma_start3A_650 = arith.constant 0 : i32
      %dma_start3A_651 = tpu.memref_slice %arg52[%dma_start3A_650] : memref<12512xf32, #tpu.memory_space<vmem>> -> memref<3128xf32, #tpu.memory_space<vmem>>
      tpu.enqueue_dma source(%arg7 : memref<3128xf32, #tpu.memory_space<hbm>>) target(%dma_start3A_651 : memref<3128xf32, #tpu.memory_space<vmem>>) target_semaphore(%run_scoped3A : memref<!tpu.dma_semaphore, #tpu.memory_space<semaphore_mem>>)
      %dma_wait3A_652 = arith.constant 0 : i32
      %dma_wait3A_653 = tpu.memref_slice %arg52[%dma_wait3A_652] : memref<12512xf32, #tpu.memory_space<vmem>> -> memref<3128xf32, #tpu.memory_space<vmem>>
      %dma_wait3A_654 = arith.constant 0 : i32
      %dma_wait3A_655 = tpu.memref_slice %arg52[%dma_wait3A_654] : memref<12512xf32, #tpu.memory_space<vmem>> -> memref<3128xf32, #tpu.memory_space<vmem>>
      tpu.wait_dma2 semaphore(%run_scoped3A : memref<!tpu.dma_semaphore, #tpu.memory_space<semaphore_mem>>) src(%arg7 : memref<3128xf32, #tpu.memory_space<hbm>>) dst(%dma_wait3A_655 : memref<3128xf32, #tpu.memory_space<vmem>>)
      tpu.yield
    }) : () -> ()
    %mul3A_65 = arith.constant 3128 : i32
    %mul3A_66 = arith.muli %arg1, %mul3A_65 : i32
    %dma_start3A_67 = arith.constant 0 : i32
    %dma_start3A_68 = tpu.memref_slice %arg52[%dma_start3A_67] : memref<12512xf32, #tpu.memory_space<vmem>> -> memref<3128xf32, #tpu.memory_space<vmem>>
    %dma_start3A_69 = tpu.memref_slice %arg54[%mul3A_66] : memref<50048xf32, #tpu.memory_space<vmem_shared>> -> memref<3128xf32, #tpu.memory_space<vmem_shared>>
    %dma_start3A_70 = tpu.memref_slice %arg54[%mul3A_66] : memref<50048xf32, #tpu.memory_space<vmem_shared>> -> memref<3128xf32, #tpu.memory_space<vmem_shared>>
    %dma_start3A_71 = arith.constant 0 : i32
    %dma_start3A_72 = tpu.memref_slice %arg52[%dma_start3A_71] : memref<12512xf32, #tpu.memory_space<vmem>> -> memref<3128xf32, #tpu.memory_space<vmem>>
    tpu.enqueue_dma source(%dma_start3A_72 : memref<3128xf32, #tpu.memory_space<vmem>>) target(%dma_start3A_70 : memref<3128xf32, #tpu.memory_space<vmem_shared>>) target_semaphore(%arg58 : memref<!tpu.dma_semaphore, #tpu.memory_space<semaphore_mem>>)
    %mul3A_73 = arith.constant 3128 : i32
    %mul3A_74 = arith.muli %arg1, %mul3A_73 : i32
    %dma_start3A_75 = arith.constant 0 : i32
    %dma_start3A_76 = tpu.memref_slice %arg52[%dma_start3A_75] : memref<12512xf32, #tpu.memory_space<vmem>> -> memref<3128xf32, #tpu.memory_space<vmem>>
    %dma_start3A_77 = tpu.memref_slice %arg55[%mul3A_74] : memref<50048xf32, #tpu.memory_space<vmem_shared>> -> memref<3128xf32, #tpu.memory_space<vmem_shared>>
    %dma_start3A_78 = tpu.memref_slice %arg55[%mul3A_74] : memref<50048xf32, #tpu.memory_space<vmem_shared>> -> memref<3128xf32, #tpu.memory_space<vmem_shared>>
    %dma_start3A_79 = arith.constant 0 : i32
    %dma_start3A_80 = tpu.memref_slice %arg52[%dma_start3A_79] : memref<12512xf32, #tpu.memory_space<vmem>> -> memref<3128xf32, #tpu.memory_space<vmem>>
    tpu.enqueue_dma source(%dma_start3A_80 : memref<3128xf32, #tpu.memory_space<vmem>>) target(%dma_start3A_78 : memref<3128xf32, #tpu.memory_space<vmem_shared>>) target_semaphore(%arg58 : memref<!tpu.dma_semaphore, #tpu.memory_space<semaphore_mem>>)
    %mul3A_81 = arith.constant 3128 : i32
    %mul3A_82 = arith.muli %arg1, %mul3A_81 : i32
    %dma_start3A_83 = arith.constant 0 : i32
    %dma_start3A_84 = tpu.memref_slice %arg52[%dma_start3A_83] : memref<12512xf32, #tpu.memory_space<vmem>> -> memref<3128xf32, #tpu.memory_space<vmem>>
    %dma_start3A_85 = tpu.memref_slice %arg56[%mul3A_82] : memref<50048xf32, #tpu.memory_space<vmem_shared>> -> memref<3128xf32, #tpu.memory_space<vmem_shared>>
    %dma_start3A_86 = tpu.memref_slice %arg56[%mul3A_82] : memref<50048xf32, #tpu.memory_space<vmem_shared>> -> memref<3128xf32, #tpu.memory_space<vmem_shared>>
    %dma_start3A_87 = arith.constant 0 : i32
    %dma_start3A_88 = tpu.memref_slice %arg52[%dma_start3A_87] : memref<12512xf32, #tpu.memory_space<vmem>> -> memref<3128xf32, #tpu.memory_space<vmem>>
    tpu.enqueue_dma source(%dma_start3A_88 : memref<3128xf32, #tpu.memory_space<vmem>>) target(%dma_start3A_86 : memref<3128xf32, #tpu.memory_space<vmem_shared>>) target_semaphore(%arg58 : memref<!tpu.dma_semaphore, #tpu.memory_space<semaphore_mem>>)
    %mul3A_89 = arith.constant 3128 : i32
    %mul3A_90 = arith.muli %arg1, %mul3A_89 : i32
    %dma_wait3A_91 = arith.constant 0 : i32
    %dma_wait3A_92 = tpu.memref_slice %arg52[%dma_wait3A_91] : memref<12512xf32, #tpu.memory_space<vmem>> -> memref<3128xf32, #tpu.memory_space<vmem>>
    %dma_wait3A_93 = tpu.memref_slice %arg54[%mul3A_90] : memref<50048xf32, #tpu.memory_space<vmem_shared>> -> memref<3128xf32, #tpu.memory_space<vmem_shared>>
    %dma_wait3A_94 = tpu.memref_slice %arg54[%mul3A_90] : memref<50048xf32, #tpu.memory_space<vmem_shared>> -> memref<3128xf32, #tpu.memory_space<vmem_shared>>
    %dma_wait3A_95 = arith.constant 0 : i32
    %dma_wait3A_96 = tpu.memref_slice %arg52[%dma_wait3A_95] : memref<12512xf32, #tpu.memory_space<vmem>> -> memref<3128xf32, #tpu.memory_space<vmem>>
    tpu.wait_dma2 semaphore(%arg58 : memref<!tpu.dma_semaphore, #tpu.memory_space<semaphore_mem>>) src(%dma_wait3A_96 : memref<3128xf32, #tpu.memory_space<vmem>>) dst(%dma_wait3A_94 : memref<3128xf32, #tpu.memory_space<vmem_shared>>)
    %mul3A_97 = arith.constant 3128 : i32
    %mul3A_98 = arith.muli %arg1, %mul3A_97 : i32
    %dma_wait3A_99 = arith.constant 0 : i32
    %dma_wait3A_100 = tpu.memref_slice %arg52[%dma_wait3A_99] : memref<12512xf32, #tpu.memory_space<vmem>> -> memref<3128xf32, #tpu.memory_space<vmem>>
    %dma_wait3A_101 = tpu.memref_slice %arg55[%mul3A_98] : memref<50048xf32, #tpu.memory_space<vmem_shared>> -> memref<3128xf32, #tpu.memory_space<vmem_shared>>
    %dma_wait3A_102 = tpu.memref_slice %arg55[%mul3A_98] : memref<50048xf32, #tpu.memory_space<vmem_shared>> -> memref<3128xf32, #tpu.memory_space<vmem_shared>>
    %dma_wait3A_103 = arith.constant 0 : i32
    %dma_wait3A_104 = tpu.memref_slice %arg52[%dma_wait3A_103] : memref<12512xf32, #tpu.memory_space<vmem>> -> memref<3128xf32, #tpu.memory_space<vmem>>
    tpu.wait_dma2 semaphore(%arg58 : memref<!tpu.dma_semaphore, #tpu.memory_space<semaphore_mem>>) src(%dma_wait3A_104 : memref<3128xf32, #tpu.memory_space<vmem>>) dst(%dma_wait3A_102 : memref<3128xf32, #tpu.memory_space<vmem_shared>>)
    %mul3A_105 = arith.constant 3128 : i32
    %mul3A_106 = arith.muli %arg1, %mul3A_105 : i32
    %dma_wait3A_107 = arith.constant 0 : i32
    %dma_wait3A_108 = tpu.memref_slice %arg52[%dma_wait3A_107] : memref<12512xf32, #tpu.memory_space<vmem>> -> memref<3128xf32, #tpu.memory_space<vmem>>
    %dma_wait3A_109 = tpu.memref_slice %arg56[%mul3A_106] : memref<50048xf32, #tpu.memory_space<vmem_shared>> -> memref<3128xf32, #tpu.memory_space<vmem_shared>>
    %dma_wait3A_110 = tpu.memref_slice %arg56[%mul3A_106] : memref<50048xf32, #tpu.memory_space<vmem_shared>> -> memref<3128xf32, #tpu.memory_space<vmem_shared>>
    %dma_wait3A_111 = arith.constant 0 : i32
    %dma_wait3A_112 = tpu.memref_slice %arg52[%dma_wait3A_111] : memref<12512xf32, #tpu.memory_space<vmem>> -> memref<3128xf32, #tpu.memory_space<vmem>>
    tpu.wait_dma2 semaphore(%arg58 : memref<!tpu.dma_semaphore, #tpu.memory_space<semaphore_mem>>) src(%dma_wait3A_112 : memref<3128xf32, #tpu.memory_space<vmem>>) dst(%dma_wait3A_110 : memref<3128xf32, #tpu.memory_space<vmem_shared>>)
    %eq3A = arith.constant 0 : i32
    %eq3A_113 = arith.cmpi eq, %arg1, %eq3A : i32
    %convert_element_type3A = arith.extui %eq3A_113 : i1 to i32
    %cond3A = arith.constant 0 : i32
    %cond3A_114 = arith.cmpi ne, %convert_element_type3A, %cond3A : i32
    scf.if %cond3A_114 {
      "tpu.region"() ({
        %run_scoped3A = tpu.sem_alloc : memref<!tpu.dma_semaphore, #tpu.memory_space<semaphore_mem>>
        %dma_start3A_648 = arith.constant 0 : i32
        %dma_start3A_649 = tpu.memref_slice %arg52[%dma_start3A_648] : memref<12512xf32, #tpu.memory_space<vmem>> -> memref<1008xf32, #tpu.memory_space<vmem>>
        %dma_start3A_650 = arith.constant 0 : i32
        %dma_start3A_651 = tpu.memref_slice %arg52[%dma_start3A_650] : memref<12512xf32, #tpu.memory_space<vmem>> -> memref<1008xf32, #tpu.memory_space<vmem>>
        tpu.enqueue_dma source(%dma_start3A_651 : memref<1008xf32, #tpu.memory_space<vmem>>) target(%arg57 : memref<1008xf32, #tpu.memory_space<vmem_shared>>) target_semaphore(%run_scoped3A : memref<!tpu.dma_semaphore, #tpu.memory_space<semaphore_mem>>)
        %dma_wait3A_652 = arith.constant 0 : i32
        %dma_wait3A_653 = tpu.memref_slice %arg52[%dma_wait3A_652] : memref<12512xf32, #tpu.memory_space<vmem>> -> memref<1008xf32, #tpu.memory_space<vmem>>
        %dma_wait3A_654 = arith.constant 0 : i32
        %dma_wait3A_655 = tpu.memref_slice %arg52[%dma_wait3A_654] : memref<12512xf32, #tpu.memory_space<vmem>> -> memref<1008xf32, #tpu.memory_space<vmem>>
        tpu.wait_dma2 semaphore(%run_scoped3A : memref<!tpu.dma_semaphore, #tpu.memory_space<semaphore_mem>>) src(%dma_wait3A_655 : memref<1008xf32, #tpu.memory_space<vmem>>) dst(%arg57 : memref<1008xf32, #tpu.memory_space<vmem_shared>>)
        tpu.yield
      }) : () -> ()
    } else {
    }
    %barrier3A = arith.constant 0 : index
    tpu.barrier barrier_id(%barrier3A)
    %get3A = arith.constant 0 : i32
    %get3A_115 = arith.index_cast %get3A : i32 to index
    %get3A_116 = arith.constant 0 : index
    %get3A_117 = tpu.vector_load %arg10[%get3A_115, %get3A_116] {strides = array<i32>} : memref<122x128xi32, #tpu.memory_space<vmem>>, vector<1x16xi32>,
    %get3A_118 = vector.shape_cast %get3A_117 : vector<1x16xi32> to vector<16xi32>
    %shift_left3A = arith.constant 2 : i32
    %shift_left3A_119 = vector.broadcast %shift_left3A : i32 to vector<16xi32>
    %shift_left3A_120 = arith.shli %get3A_118, %shift_left3A_119 : vector<16xi32>
    %get3A_121 = arith.constant 0 : i32
    %get3A_122 = arith.index_cast %get3A_121 : i32 to index
    %get3A_123 = arith.constant 0 : index
    %get3A_124 = tpu.vector_load %arg11[%get3A_122, %get3A_123] {strides = array<i32>} : memref<122x128xi32, #tpu.memory_space<vmem>>, vector<1x16xi32>,
    %get3A_125 = vector.shape_cast %get3A_124 : vector<1x16xi32> to vector<16xi32>
    %shift_left3A_126 = arith.constant 2 : i32
    %shift_left3A_127 = vector.broadcast %shift_left3A_126 : i32 to vector<16xi32>
    %shift_left3A_128 = arith.shli %get3A_125, %shift_left3A_127 : vector<16xi32>
    %add3A_129 = arith.constant 1 : i32
    %add3A_130 = vector.broadcast %add3A_129 : i32 to vector<16xi32>
    %add3A_131 = arith.addi %shift_left3A_120, %add3A_130 : vector<16xi32>
    %swap3A = arith.constant 0 : index
    %swap3A_132 = tpu.vector_load %arg40[%swap3A] {strides = array<i32>} : memref<128xi32, #tpu.memory_space<vmem>>, vector<16xi32>,
    %swap3A_133 = vector.shape_cast %swap3A_132 : vector<16xi32> to vector<16xi32>
    %swap3A_134 = vector.shape_cast %add3A_131 : vector<16xi32> to vector<16xi32>
    tpu.vector_store %arg40[%swap3A], %swap3A_134 {strides = array<i32>} : memref<128xi32, #tpu.memory_space<vmem>>, vector<16xi32>,
    %add3A_135 = arith.constant 2 : i32
    %add3A_136 = vector.broadcast %add3A_135 : i32 to vector<16xi32>
    %add3A_137 = arith.addi %shift_left3A_120, %add3A_136 : vector<16xi32>
    %swap3A_138 = arith.constant 0 : index
    %swap3A_139 = tpu.vector_load %arg41[%swap3A_138] {strides = array<i32>} : memref<128xi32, #tpu.memory_space<vmem>>, vector<16xi32>,
    %swap3A_140 = vector.shape_cast %swap3A_139 : vector<16xi32> to vector<16xi32>
    %swap3A_141 = vector.shape_cast %add3A_137 : vector<16xi32> to vector<16xi32>
    tpu.vector_store %arg41[%swap3A_138], %swap3A_141 {strides = array<i32>} : memref<128xi32, #tpu.memory_space<vmem>>, vector<16xi32>,
    %add3A_142 = arith.constant 3 : i32
    %add3A_143 = vector.broadcast %add3A_142 : i32 to vector<16xi32>
    %add3A_144 = arith.addi %shift_left3A_120, %add3A_143 : vector<16xi32>
    %swap3A_145 = arith.constant 0 : index
    %swap3A_146 = tpu.vector_load %arg42[%swap3A_145] {strides = array<i32>} : memref<128xi32, #tpu.memory_space<vmem>>, vector<16xi32>,
    %swap3A_147 = vector.shape_cast %swap3A_146 : vector<16xi32> to vector<16xi32>
    %swap3A_148 = vector.shape_cast %add3A_144 : vector<16xi32> to vector<16xi32>
    tpu.vector_store %arg42[%swap3A_145], %swap3A_148 {strides = array<i32>} : memref<128xi32, #tpu.memory_space<vmem>>, vector<16xi32>,
    %add3A_149 = arith.constant 1 : i32
    %add3A_150 = vector.broadcast %add3A_149 : i32 to vector<16xi32>
    %add3A_151 = arith.addi %shift_left3A_128, %add3A_150 : vector<16xi32>
    %swap3A_152 = arith.constant 0 : index
    %swap3A_153 = tpu.vector_load %arg43[%swap3A_152] {strides = array<i32>} : memref<128xi32, #tpu.memory_space<vmem>>, vector<16xi32>,
    %swap3A_154 = vector.shape_cast %swap3A_153 : vector<16xi32> to vector<16xi32>
    %swap3A_155 = vector.shape_cast %add3A_151 : vector<16xi32> to vector<16xi32>
    tpu.vector_store %arg43[%swap3A_152], %swap3A_155 {strides = array<i32>} : memref<128xi32, #tpu.memory_space<vmem>>, vector<16xi32>,
    %add3A_156 = arith.constant 2 : i32
    %add3A_157 = vector.broadcast %add3A_156 : i32 to vector<16xi32>
    %add3A_158 = arith.addi %shift_left3A_128, %add3A_157 : vector<16xi32>
    %swap3A_159 = arith.constant 0 : index
    %swap3A_160 = tpu.vector_load %arg44[%swap3A_159] {strides = array<i32>} : memref<128xi32, #tpu.memory_space<vmem>>, vector<16xi32>,
    %swap3A_161 = vector.shape_cast %swap3A_160 : vector<16xi32> to vector<16xi32>
    %swap3A_162 = vector.shape_cast %add3A_158 : vector<16xi32> to vector<16xi32>
    tpu.vector_store %arg44[%swap3A_159], %swap3A_162 {strides = array<i32>} : memref<128xi32, #tpu.memory_space<vmem>>, vector<16xi32>,
    %add3A_163 = arith.constant 3 : i32
    %add3A_164 = vector.broadcast %add3A_163 : i32 to vector<16xi32>
    %add3A_165 = arith.addi %shift_left3A_128, %add3A_164 : vector<16xi32>
    %swap3A_166 = arith.constant 0 : index
    %swap3A_167 = tpu.vector_load %arg45[%swap3A_166] {strides = array<i32>} : memref<128xi32, #tpu.memory_space<vmem>>, vector<16xi32>,
    %swap3A_168 = vector.shape_cast %swap3A_167 : vector<16xi32> to vector<16xi32>
    %swap3A_169 = vector.shape_cast %add3A_165 : vector<16xi32> to vector<16xi32>
    tpu.vector_store %arg45[%swap3A_166], %swap3A_169 {strides = array<i32>} : memref<128xi32, #tpu.memory_space<vmem>>, vector<16xi32>,
    %get3A_170 = arith.constant 0 : i32
    %get3A_171 = arith.index_cast %get3A_170 : i32 to index
    %get3A_172 = arith.constant 16 : index
    %get3A_173 = tpu.vector_load %arg10[%get3A_171, %get3A_172] {strides = array<i32>} : memref<122x128xi32, #tpu.memory_space<vmem>>, vector<1x16xi32>,
    %get3A_174 = vector.shape_cast %get3A_173 : vector<1x16xi32> to vector<16xi32>
    %shift_left3A_175 = arith.constant 2 : i32
    %shift_left3A_176 = vector.broadcast %shift_left3A_175 : i32 to vector<16xi32>
    %shift_left3A_177 = arith.shli %get3A_174, %shift_left3A_176 : vector<16xi32>
    %get3A_178 = arith.constant 0 : i32
    %get3A_179 = arith.index_cast %get3A_178 : i32 to index
    %get3A_180 = arith.constant 16 : index
    %get3A_181 = tpu.vector_load %arg11[%get3A_179, %get3A_180] {strides = array<i32>} : memref<122x128xi32, #tpu.memory_space<vmem>>, vector<1x16xi32>,
    %get3A_182 = vector.shape_cast %get3A_181 : vector<1x16xi32> to vector<16xi32>
    %shift_left3A_183 = arith.constant 2 : i32
    %shift_left3A_184 = vector.broadcast %shift_left3A_183 : i32 to vector<16xi32>
    %shift_left3A_185 = arith.shli %get3A_182, %shift_left3A_184 : vector<16xi32>
    %add3A_186 = arith.constant 1 : i32
    %add3A_187 = vector.broadcast %add3A_186 : i32 to vector<16xi32>
    %add3A_188 = arith.addi %shift_left3A_177, %add3A_187 : vector<16xi32>
    %swap3A_189 = arith.constant 16 : index
    %swap3A_190 = tpu.vector_load %arg40[%swap3A_189] {strides = array<i32>} : memref<128xi32, #tpu.memory_space<vmem>>, vector<16xi32>,
    %swap3A_191 = vector.shape_cast %swap3A_190 : vector<16xi32> to vector<16xi32>
    %swap3A_192 = vector.shape_cast %add3A_188 : vector<16xi32> to vector<16xi32>
    tpu.vector_store %arg40[%swap3A_189], %swap3A_192 {strides = array<i32>} : memref<128xi32, #tpu.memory_space<vmem>>, vector<16xi32>,
    %add3A_193 = arith.constant 2 : i32
    %add3A_194 = vector.broadcast %add3A_193 : i32 to vector<16xi32>
    %add3A_195 = arith.addi %shift_left3A_177, %add3A_194 : vector<16xi32>
    %swap3A_196 = arith.constant 16 : index
    %swap3A_197 = tpu.vector_load %arg41[%swap3A_196] {strides = array<i32>} : memref<128xi32, #tpu.memory_space<vmem>>, vector<16xi32>,
    %swap3A_198 = vector.shape_cast %swap3A_197 : vector<16xi32> to vector<16xi32>
    %swap3A_199 = vector.shape_cast %add3A_195 : vector<16xi32> to vector<16xi32>
    tpu.vector_store %arg41[%swap3A_196], %swap3A_199 {strides = array<i32>} : memref<128xi32, #tpu.memory_space<vmem>>, vector<16xi32>,
    %add3A_200 = arith.constant 3 : i32
    %add3A_201 = vector.broadcast %add3A_200 : i32 to vector<16xi32>
    %add3A_202 = arith.addi %shift_left3A_177, %add3A_201 : vector<16xi32>
    %swap3A_203 = arith.constant 16 : index
    %swap3A_204 = tpu.vector_load %arg42[%swap3A_203] {strides = array<i32>} : memref<128xi32, #tpu.memory_space<vmem>>, vector<16xi32>,
    %swap3A_205 = vector.shape_cast %swap3A_204 : vector<16xi32> to vector<16xi32>
    %swap3A_206 = vector.shape_cast %add3A_202 : vector<16xi32> to vector<16xi32>
    tpu.vector_store %arg42[%swap3A_203], %swap3A_206 {strides = array<i32>} : memref<128xi32, #tpu.memory_space<vmem>>, vector<16xi32>,
    %add3A_207 = arith.constant 1 : i32
    %add3A_208 = vector.broadcast %add3A_207 : i32 to vector<16xi32>
    %add3A_209 = arith.addi %shift_left3A_185, %add3A_208 : vector<16xi32>
    %swap3A_210 = arith.constant 16 : index
    %swap3A_211 = tpu.vector_load %arg43[%swap3A_210] {strides = array<i32>} : memref<128xi32, #tpu.memory_space<vmem>>, vector<16xi32>,
    %swap3A_212 = vector.shape_cast %swap3A_211 : vector<16xi32> to vector<16xi32>
    %swap3A_213 = vector.shape_cast %add3A_209 : vector<16xi32> to vector<16xi32>
    tpu.vector_store %arg43[%swap3A_210], %swap3A_213 {strides = array<i32>} : memref<128xi32, #tpu.memory_space<vmem>>, vector<16xi32>,
    %add3A_214 = arith.constant 2 : i32
    %add3A_215 = vector.broadcast %add3A_214 : i32 to vector<16xi32>
    %add3A_216 = arith.addi %shift_left3A_185, %add3A_215 : vector<16xi32>
    %swap3A_217 = arith.constant 16 : index
    %swap3A_218 = tpu.vector_load %arg44[%swap3A_217] {strides = array<i32>} : memref<128xi32, #tpu.memory_space<vmem>>, vector<16xi32>,
    %swap3A_219 = vector.shape_cast %swap3A_218 : vector<16xi32> to vector<16xi32>
    %swap3A_220 = vector.shape_cast %add3A_216 : vector<16xi32> to vector<16xi32>
    tpu.vector_store %arg44[%swap3A_217], %swap3A_220 {strides = array<i32>} : memref<128xi32, #tpu.memory_space<vmem>>, vector<16xi32>,
    %add3A_221 = arith.constant 3 : i32
    %add3A_222 = vector.broadcast %add3A_221 : i32 to vector<16xi32>
    %add3A_223 = arith.addi %shift_left3A_185, %add3A_222 : vector<16xi32>
    %swap3A_224 = arith.constant 16 : index
    %swap3A_225 = tpu.vector_load %arg45[%swap3A_224] {strides = array<i32>} : memref<128xi32, #tpu.memory_space<vmem>>, vector<16xi32>,
    %swap3A_226 = vector.shape_cast %swap3A_225 : vector<16xi32> to vector<16xi32>
    %swap3A_227 = vector.shape_cast %add3A_223 : vector<16xi32> to vector<16xi32>
    tpu.vector_store %arg45[%swap3A_224], %swap3A_227 {strides = array<i32>} : memref<128xi32, #tpu.memory_space<vmem>>, vector<16xi32>,
    %get3A_228 = arith.constant 0 : i32
    %get3A_229 = arith.index_cast %get3A_228 : i32 to index
    %get3A_230 = arith.constant 32 : index
    %get3A_231 = tpu.vector_load %arg10[%get3A_229, %get3A_230] {strides = array<i32>} : memref<122x128xi32, #tpu.memory_space<vmem>>, vector<1x16xi32>,
    %get3A_232 = vector.shape_cast %get3A_231 : vector<1x16xi32> to vector<16xi32>
    %shift_left3A_233 = arith.constant 2 : i32
    %shift_left3A_234 = vector.broadcast %shift_left3A_233 : i32 to vector<16xi32>
    %shift_left3A_235 = arith.shli %get3A_232, %shift_left3A_234 : vector<16xi32>
    %get3A_236 = arith.constant 0 : i32
    %get3A_237 = arith.index_cast %get3A_236 : i32 to index
    %get3A_238 = arith.constant 32 : index
    %get3A_239 = tpu.vector_load %arg11[%get3A_237, %get3A_238] {strides = array<i32>} : memref<122x128xi32, #tpu.memory_space<vmem>>, vector<1x16xi32>,
    %get3A_240 = vector.shape_cast %get3A_239 : vector<1x16xi32> to vector<16xi32>
    %shift_left3A_241 = arith.constant 2 : i32
    %shift_left3A_242 = vector.broadcast %shift_left3A_241 : i32 to vector<16xi32>
    %shift_left3A_243 = arith.shli %get3A_240, %shift_left3A_242 : vector<16xi32>
    %add3A_244 = arith.constant 1 : i32
    %add3A_245 = vector.broadcast %add3A_244 : i32 to vector<16xi32>
    %add3A_246 = arith.addi %shift_left3A_235, %add3A_245 : vector<16xi32>
    %swap3A_247 = arith.constant 32 : index
    %swap3A_248 = tpu.vector_load %arg40[%swap3A_247] {strides = array<i32>} : memref<128xi32, #tpu.memory_space<vmem>>, vector<16xi32>,
    %swap3A_249 = vector.shape_cast %swap3A_248 : vector<16xi32> to vector<16xi32>
    %swap3A_250 = vector.shape_cast %add3A_246 : vector<16xi32> to vector<16xi32>
    tpu.vector_store %arg40[%swap3A_247], %swap3A_250 {strides = array<i32>} : memref<128xi32, #tpu.memory_space<vmem>>, vector<16xi32>,
    %add3A_251 = arith.constant 2 : i32
    %add3A_252 = vector.broadcast %add3A_251 : i32 to vector<16xi32>
    %add3A_253 = arith.addi %shift_left3A_235, %add3A_252 : vector<16xi32>
    %swap3A_254 = arith.constant 32 : index
    %swap3A_255 = tpu.vector_load %arg41[%swap3A_254] {strides = array<i32>} : memref<128xi32, #tpu.memory_space<vmem>>, vector<16xi32>,
    %swap3A_256 = vector.shape_cast %swap3A_255 : vector<16xi32> to vector<16xi32>
    %swap3A_257 = vector.shape_cast %add3A_253 : vector<16xi32> to vector<16xi32>
    tpu.vector_store %arg41[%swap3A_254], %swap3A_257 {strides = array<i32>} : memref<128xi32, #tpu.memory_space<vmem>>, vector<16xi32>,
    %add3A_258 = arith.constant 3 : i32
    %add3A_259 = vector.broadcast %add3A_258 : i32 to vector<16xi32>
    %add3A_260 = arith.addi %shift_left3A_235, %add3A_259 : vector<16xi32>
    %swap3A_261 = arith.constant 32 : index
    %swap3A_262 = tpu.vector_load %arg42[%swap3A_261] {strides = array<i32>} : memref<128xi32, #tpu.memory_space<vmem>>, vector<16xi32>,
    %swap3A_263 = vector.shape_cast %swap3A_262 : vector<16xi32> to vector<16xi32>
    %swap3A_264 = vector.shape_cast %add3A_260 : vector<16xi32> to vector<16xi32>
    tpu.vector_store %arg42[%swap3A_261], %swap3A_264 {strides = array<i32>} : memref<128xi32, #tpu.memory_space<vmem>>, vector<16xi32>,
    %add3A_265 = arith.constant 1 : i32
    %add3A_266 = vector.broadcast %add3A_265 : i32 to vector<16xi32>
    %add3A_267 = arith.addi %shift_left3A_243, %add3A_266 : vector<16xi32>
    %swap3A_268 = arith.constant 32 : index
    %swap3A_269 = tpu.vector_load %arg43[%swap3A_268] {strides = array<i32>} : memref<128xi32, #tpu.memory_space<vmem>>, vector<16xi32>,
    %swap3A_270 = vector.shape_cast %swap3A_269 : vector<16xi32> to vector<16xi32>
    %swap3A_271 = vector.shape_cast %add3A_267 : vector<16xi32> to vector<16xi32>
    tpu.vector_store %arg43[%swap3A_268], %swap3A_271 {strides = array<i32>} : memref<128xi32, #tpu.memory_space<vmem>>, vector<16xi32>,
    %add3A_272 = arith.constant 2 : i32
    %add3A_273 = vector.broadcast %add3A_272 : i32 to vector<16xi32>
    %add3A_274 = arith.addi %shift_left3A_243, %add3A_273 : vector<16xi32>
    %swap3A_275 = arith.constant 32 : index
    %swap3A_276 = tpu.vector_load %arg44[%swap3A_275] {strides = array<i32>} : memref<128xi32, #tpu.memory_space<vmem>>, vector<16xi32>,
    %swap3A_277 = vector.shape_cast %swap3A_276 : vector<16xi32> to vector<16xi32>
    %swap3A_278 = vector.shape_cast %add3A_274 : vector<16xi32> to vector<16xi32>
    tpu.vector_store %arg44[%swap3A_275], %swap3A_278 {strides = array<i32>} : memref<128xi32, #tpu.memory_space<vmem>>, vector<16xi32>,
    %add3A_279 = arith.constant 3 : i32
    %add3A_280 = vector.broadcast %add3A_279 : i32 to vector<16xi32>
    %add3A_281 = arith.addi %shift_left3A_243, %add3A_280 : vector<16xi32>
    %swap3A_282 = arith.constant 32 : index
    %swap3A_283 = tpu.vector_load %arg45[%swap3A_282] {strides = array<i32>} : memref<128xi32, #tpu.memory_space<vmem>>, vector<16xi32>,
    %swap3A_284 = vector.shape_cast %swap3A_283 : vector<16xi32> to vector<16xi32>
    %swap3A_285 = vector.shape_cast %add3A_281 : vector<16xi32> to vector<16xi32>
    tpu.vector_store %arg45[%swap3A_282], %swap3A_285 {strides = array<i32>} : memref<128xi32, #tpu.memory_space<vmem>>, vector<16xi32>,
    %get3A_286 = arith.constant 0 : i32
    %get3A_287 = arith.index_cast %get3A_286 : i32 to index
    %get3A_288 = arith.constant 48 : index
    %get3A_289 = tpu.vector_load %arg10[%get3A_287, %get3A_288] {strides = array<i32>} : memref<122x128xi32, #tpu.memory_space<vmem>>, vector<1x16xi32>,
    %get3A_290 = vector.shape_cast %get3A_289 : vector<1x16xi32> to vector<16xi32>
    %shift_left3A_291 = arith.constant 2 : i32
    %shift_left3A_292 = vector.broadcast %shift_left3A_291 : i32 to vector<16xi32>
    %shift_left3A_293 = arith.shli %get3A_290, %shift_left3A_292 : vector<16xi32>
    %get3A_294 = arith.constant 0 : i32
    %get3A_295 = arith.index_cast %get3A_294 : i32 to index
    %get3A_296 = arith.constant 48 : index
    %get3A_297 = tpu.vector_load %arg11[%get3A_295, %get3A_296] {strides = array<i32>} : memref<122x128xi32, #tpu.memory_space<vmem>>, vector<1x16xi32>,
    %get3A_298 = vector.shape_cast %get3A_297 : vector<1x16xi32> to vector<16xi32>
    %shift_left3A_299 = arith.constant 2 : i32
    %shift_left3A_300 = vector.broadcast %shift_left3A_299 : i32 to vector<16xi32>
    %shift_left3A_301 = arith.shli %get3A_298, %shift_left3A_300 : vector<16xi32>
    %add3A_302 = arith.constant 1 : i32
    %add3A_303 = vector.broadcast %add3A_302 : i32 to vector<16xi32>
    %add3A_304 = arith.addi %shift_left3A_293, %add3A_303 : vector<16xi32>
    %swap3A_305 = arith.constant 48 : index
    %swap3A_306 = tpu.vector_load %arg40[%swap3A_305] {strides = array<i32>} : memref<128xi32, #tpu.memory_space<vmem>>, vector<16xi32>,
    %swap3A_307 = vector.shape_cast %swap3A_306 : vector<16xi32> to vector<16xi32>
    %swap3A_308 = vector.shape_cast %add3A_304 : vector<16xi32> to vector<16xi32>
    tpu.vector_store %arg40[%swap3A_305], %swap3A_308 {strides = array<i32>} : memref<128xi32, #tpu.memory_space<vmem>>, vector<16xi32>,
    %add3A_309 = arith.constant 2 : i32
    %add3A_310 = vector.broadcast %add3A_309 : i32 to vector<16xi32>
    %add3A_311 = arith.addi %shift_left3A_293, %add3A_310 : vector<16xi32>
    %swap3A_312 = arith.constant 48 : index
    %swap3A_313 = tpu.vector_load %arg41[%swap3A_312] {strides = array<i32>} : memref<128xi32, #tpu.memory_space<vmem>>, vector<16xi32>,
    %swap3A_314 = vector.shape_cast %swap3A_313 : vector<16xi32> to vector<16xi32>
    %swap3A_315 = vector.shape_cast %add3A_311 : vector<16xi32> to vector<16xi32>
    tpu.vector_store %arg41[%swap3A_312], %swap3A_315 {strides = array<i32>} : memref<128xi32, #tpu.memory_space<vmem>>, vector<16xi32>,
    %add3A_316 = arith.constant 3 : i32
    %add3A_317 = vector.broadcast %add3A_316 : i32 to vector<16xi32>
    %add3A_318 = arith.addi %shift_left3A_293, %add3A_317 : vector<16xi32>
    %swap3A_319 = arith.constant 48 : index
    %swap3A_320 = tpu.vector_load %arg42[%swap3A_319] {strides = array<i32>} : memref<128xi32, #tpu.memory_space<vmem>>, vector<16xi32>,
    %swap3A_321 = vector.shape_cast %swap3A_320 : vector<16xi32> to vector<16xi32>
    %swap3A_322 = vector.shape_cast %add3A_318 : vector<16xi32> to vector<16xi32>
    tpu.vector_store %arg42[%swap3A_319], %swap3A_322 {strides = array<i32>} : memref<128xi32, #tpu.memory_space<vmem>>, vector<16xi32>,
    %add3A_323 = arith.constant 1 : i32
    %add3A_324 = vector.broadcast %add3A_323 : i32 to vector<16xi32>
    %add3A_325 = arith.addi %shift_left3A_301, %add3A_324 : vector<16xi32>
    %swap3A_326 = arith.constant 48 : index
    %swap3A_327 = tpu.vector_load %arg43[%swap3A_326] {strides = array<i32>} : memref<128xi32, #tpu.memory_space<vmem>>, vector<16xi32>,
    %swap3A_328 = vector.shape_cast %swap3A_327 : vector<16xi32> to vector<16xi32>
    %swap3A_329 = vector.shape_cast %add3A_325 : vector<16xi32> to vector<16xi32>
    tpu.vector_store %arg43[%swap3A_326], %swap3A_329 {strides = array<i32>} : memref<128xi32, #tpu.memory_space<vmem>>, vector<16xi32>,
    %add3A_330 = arith.constant 2 : i32
    %add3A_331 = vector.broadcast %add3A_330 : i32 to vector<16xi32>
    %add3A_332 = arith.addi %shift_left3A_301, %add3A_331 : vector<16xi32>
    %swap3A_333 = arith.constant 48 : index
    %swap3A_334 = tpu.vector_load %arg44[%swap3A_333] {strides = array<i32>} : memref<128xi32, #tpu.memory_space<vmem>>, vector<16xi32>,
    %swap3A_335 = vector.shape_cast %swap3A_334 : vector<16xi32> to vector<16xi32>
    %swap3A_336 = vector.shape_cast %add3A_332 : vector<16xi32> to vector<16xi32>
    tpu.vector_store %arg44[%swap3A_333], %swap3A_336 {strides = array<i32>} : memref<128xi32, #tpu.memory_space<vmem>>, vector<16xi32>,
    %add3A_337 = arith.constant 3 : i32
    %add3A_338 = vector.broadcast %add3A_337 : i32 to vector<16xi32>
    %add3A_339 = arith.addi %shift_left3A_301, %add3A_338 : vector<16xi32>
    %swap3A_340 = arith.constant 48 : index
    %swap3A_341 = tpu.vector_load %arg45[%swap3A_340] {strides = array<i32>} : memref<128xi32, #tpu.memory_space<vmem>>, vector<16xi32>,
    %swap3A_342 = vector.shape_cast %swap3A_341 : vector<16xi32> to vector<16xi32>
    %swap3A_343 = vector.shape_cast %add3A_339 : vector<16xi32> to vector<16xi32>
    tpu.vector_store %arg45[%swap3A_340], %swap3A_343 {strides = array<i32>} : memref<128xi32, #tpu.memory_space<vmem>>, vector<16xi32>,
    %get3A_344 = arith.constant 0 : i32
    %get3A_345 = arith.index_cast %get3A_344 : i32 to index
    %get3A_346 = arith.constant 64 : index
    %get3A_347 = tpu.vector_load %arg10[%get3A_345, %get3A_346] {strides = array<i32>} : memref<122x128xi32, #tpu.memory_space<vmem>>, vector<1x16xi32>,
    %get3A_348 = vector.shape_cast %get3A_347 : vector<1x16xi32> to vector<16xi32>
    %shift_left3A_349 = arith.constant 2 : i32
    %shift_left3A_350 = vector.broadcast %shift_left3A_349 : i32 to vector<16xi32>
    %shift_left3A_351 = arith.shli %get3A_348, %shift_left3A_350 : vector<16xi32>
    %get3A_352 = arith.constant 0 : i32
    %get3A_353 = arith.index_cast %get3A_352 : i32 to index
    %get3A_354 = arith.constant 64 : index
    %get3A_355 = tpu.vector_load %arg11[%get3A_353, %get3A_354] {strides = array<i32>} : memref<122x128xi32, #tpu.memory_space<vmem>>, vector<1x16xi32>,
    %get3A_356 = vector.shape_cast %get3A_355 : vector<1x16xi32> to vector<16xi32>
    %shift_left3A_357 = arith.constant 2 : i32
    %shift_left3A_358 = vector.broadcast %shift_left3A_357 : i32 to vector<16xi32>
    %shift_left3A_359 = arith.shli %get3A_356, %shift_left3A_358 : vector<16xi32>
    %add3A_360 = arith.constant 1 : i32
    %add3A_361 = vector.broadcast %add3A_360 : i32 to vector<16xi32>
    %add3A_362 = arith.addi %shift_left3A_351, %add3A_361 : vector<16xi32>
    %swap3A_363 = arith.constant 64 : index
    %swap3A_364 = tpu.vector_load %arg40[%swap3A_363] {strides = array<i32>} : memref<128xi32, #tpu.memory_space<vmem>>, vector<16xi32>,
    %swap3A_365 = vector.shape_cast %swap3A_364 : vector<16xi32> to vector<16xi32>
    %swap3A_366 = vector.shape_cast %add3A_362 : vector<16xi32> to vector<16xi32>
    tpu.vector_store %arg40[%swap3A_363], %swap3A_366 {strides = array<i32>} : memref<128xi32, #tpu.memory_space<vmem>>, vector<16xi32>,
    %add3A_367 = arith.constant 2 : i32
    %add3A_368 = vector.broadcast %add3A_367 : i32 to vector<16xi32>
    %add3A_369 = arith.addi %shift_left3A_351, %add3A_368 : vector<16xi32>
    %swap3A_370 = arith.constant 64 : index
    %swap3A_371 = tpu.vector_load %arg41[%swap3A_370] {strides = array<i32>} : memref<128xi32, #tpu.memory_space<vmem>>, vector<16xi32>,
    %swap3A_372 = vector.shape_cast %swap3A_371 : vector<16xi32> to vector<16xi32>
    %swap3A_373 = vector.shape_cast %add3A_369 : vector<16xi32> to vector<16xi32>
    tpu.vector_store %arg41[%swap3A_370], %swap3A_373 {strides = array<i32>} : memref<128xi32, #tpu.memory_space<vmem>>, vector<16xi32>,
    %add3A_374 = arith.constant 3 : i32
    %add3A_375 = vector.broadcast %add3A_374 : i32 to vector<16xi32>
    %add3A_376 = arith.addi %shift_left3A_351, %add3A_375 : vector<16xi32>
    %swap3A_377 = arith.constant 64 : index
    %swap3A_378 = tpu.vector_load %arg42[%swap3A_377] {strides = array<i32>} : memref<128xi32, #tpu.memory_space<vmem>>, vector<16xi32>,
    %swap3A_379 = vector.shape_cast %swap3A_378 : vector<16xi32> to vector<16xi32>
    %swap3A_380 = vector.shape_cast %add3A_376 : vector<16xi32> to vector<16xi32>
    tpu.vector_store %arg42[%swap3A_377], %swap3A_380 {strides = array<i32>} : memref<128xi32, #tpu.memory_space<vmem>>, vector<16xi32>,
    %add3A_381 = arith.constant 1 : i32
    %add3A_382 = vector.broadcast %add3A_381 : i32 to vector<16xi32>
    %add3A_383 = arith.addi %shift_left3A_359, %add3A_382 : vector<16xi32>
    %swap3A_384 = arith.constant 64 : index
    %swap3A_385 = tpu.vector_load %arg43[%swap3A_384] {strides = array<i32>} : memref<128xi32, #tpu.memory_space<vmem>>, vector<16xi32>,
    %swap3A_386 = vector.shape_cast %swap3A_385 : vector<16xi32> to vector<16xi32>
    %swap3A_387 = vector.shape_cast %add3A_383 : vector<16xi32> to vector<16xi32>
    tpu.vector_store %arg43[%swap3A_384], %swap3A_387 {strides = array<i32>} : memref<128xi32, #tpu.memory_space<vmem>>, vector<16xi32>,
    %add3A_388 = arith.constant 2 : i32
    %add3A_389 = vector.broadcast %add3A_388 : i32 to vector<16xi32>
    %add3A_390 = arith.addi %shift_left3A_359, %add3A_389 : vector<16xi32>
    %swap3A_391 = arith.constant 64 : index
    %swap3A_392 = tpu.vector_load %arg44[%swap3A_391] {strides = array<i32>} : memref<128xi32, #tpu.memory_space<vmem>>, vector<16xi32>,
    %swap3A_393 = vector.shape_cast %swap3A_392 : vector<16xi32> to vector<16xi32>
    %swap3A_394 = vector.shape_cast %add3A_390 : vector<16xi32> to vector<16xi32>
    tpu.vector_store %arg44[%swap3A_391], %swap3A_394 {strides = array<i32>} : memref<128xi32, #tpu.memory_space<vmem>>, vector<16xi32>,
    %add3A_395 = arith.constant 3 : i32
    %add3A_396 = vector.broadcast %add3A_395 : i32 to vector<16xi32>
    %add3A_397 = arith.addi %shift_left3A_359, %add3A_396 : vector<16xi32>
    %swap3A_398 = arith.constant 64 : index
    %swap3A_399 = tpu.vector_load %arg45[%swap3A_398] {strides = array<i32>} : memref<128xi32, #tpu.memory_space<vmem>>, vector<16xi32>,
    %swap3A_400 = vector.shape_cast %swap3A_399 : vector<16xi32> to vector<16xi32>
    %swap3A_401 = vector.shape_cast %add3A_397 : vector<16xi32> to vector<16xi32>
    tpu.vector_store %arg45[%swap3A_398], %swap3A_401 {strides = array<i32>} : memref<128xi32, #tpu.memory_space<vmem>>, vector<16xi32>,
    %get3A_402 = arith.constant 0 : i32
    %get3A_403 = arith.index_cast %get3A_402 : i32 to index
    %get3A_404 = arith.constant 80 : index
    %get3A_405 = tpu.vector_load %arg10[%get3A_403, %get3A_404] {strides = array<i32>} : memref<122x128xi32, #tpu.memory_space<vmem>>, vector<1x16xi32>,
    %get3A_406 = vector.shape_cast %get3A_405 : vector<1x16xi32> to vector<16xi32>
    %shift_left3A_407 = arith.constant 2 : i32
    %shift_left3A_408 = vector.broadcast %shift_left3A_407 : i32 to vector<16xi32>
    %shift_left3A_409 = arith.shli %get3A_406, %shift_left3A_408 : vector<16xi32>
    %get3A_410 = arith.constant 0 : i32
    %get3A_411 = arith.index_cast %get3A_410 : i32 to index
    %get3A_412 = arith.constant 80 : index
    %get3A_413 = tpu.vector_load %arg11[%get3A_411, %get3A_412] {strides = array<i32>} : memref<122x128xi32, #tpu.memory_space<vmem>>, vector<1x16xi32>,
    %get3A_414 = vector.shape_cast %get3A_413 : vector<1x16xi32> to vector<16xi32>
    %shift_left3A_415 = arith.constant 2 : i32
    %shift_left3A_416 = vector.broadcast %shift_left3A_415 : i32 to vector<16xi32>
    %shift_left3A_417 = arith.shli %get3A_414, %shift_left3A_416 : vector<16xi32>
    %add3A_418 = arith.constant 1 : i32
    %add3A_419 = vector.broadcast %add3A_418 : i32 to vector<16xi32>
    %add3A_420 = arith.addi %shift_left3A_409, %add3A_419 : vector<16xi32>
    %swap3A_421 = arith.constant 80 : index
    %swap3A_422 = tpu.vector_load %arg40[%swap3A_421] {strides = array<i32>} : memref<128xi32, #tpu.memory_space<vmem>>, vector<16xi32>,
    %swap3A_423 = vector.shape_cast %swap3A_422 : vector<16xi32> to vector<16xi32>
    %swap3A_424 = vector.shape_cast %add3A_420 : vector<16xi32> to vector<16xi32>
    tpu.vector_store %arg40[%swap3A_421], %swap3A_424 {strides = array<i32>} : memref<128xi32, #tpu.memory_space<vmem>>, vector<16xi32>,
    %add3A_425 = arith.constant 2 : i32
    %add3A_426 = vector.broadcast %add3A_425 : i32 to vector<16xi32>
    %add3A_427 = arith.addi %shift_left3A_409, %add3A_426 : vector<16xi32>
    %swap3A_428 = arith.constant 80 : index
    %swap3A_429 = tpu.vector_load %arg41[%swap3A_428] {strides = array<i32>} : memref<128xi32, #tpu.memory_space<vmem>>, vector<16xi32>,
    %swap3A_430 = vector.shape_cast %swap3A_429 : vector<16xi32> to vector<16xi32>
    %swap3A_431 = vector.shape_cast %add3A_427 : vector<16xi32> to vector<16xi32>
    tpu.vector_store %arg41[%swap3A_428], %swap3A_431 {strides = array<i32>} : memref<128xi32, #tpu.memory_space<vmem>>, vector<16xi32>,
    %add3A_432 = arith.constant 3 : i32
    %add3A_433 = vector.broadcast %add3A_432 : i32 to vector<16xi32>
    %add3A_434 = arith.addi %shift_left3A_409, %add3A_433 : vector<16xi32>
    %swap3A_435 = arith.constant 80 : index
    %swap3A_436 = tpu.vector_load %arg42[%swap3A_435] {strides = array<i32>} : memref<128xi32, #tpu.memory_space<vmem>>, vector<16xi32>,
    %swap3A_437 = vector.shape_cast %swap3A_436 : vector<16xi32> to vector<16xi32>
    %swap3A_438 = vector.shape_cast %add3A_434 : vector<16xi32> to vector<16xi32>
    tpu.vector_store %arg42[%swap3A_435], %swap3A_438 {strides = array<i32>} : memref<128xi32, #tpu.memory_space<vmem>>, vector<16xi32>,
    %add3A_439 = arith.constant 1 : i32
    %add3A_440 = vector.broadcast %add3A_439 : i32 to vector<16xi32>
    %add3A_441 = arith.addi %shift_left3A_417, %add3A_440 : vector<16xi32>
    %swap3A_442 = arith.constant 80 : index
    %swap3A_443 = tpu.vector_load %arg43[%swap3A_442] {strides = array<i32>} : memref<128xi32, #tpu.memory_space<vmem>>, vector<16xi32>,
    %swap3A_444 = vector.shape_cast %swap3A_443 : vector<16xi32> to vector<16xi32>
    %swap3A_445 = vector.shape_cast %add3A_441 : vector<16xi32> to vector<16xi32>
    tpu.vector_store %arg43[%swap3A_442], %swap3A_445 {strides = array<i32>} : memref<128xi32, #tpu.memory_space<vmem>>, vector<16xi32>,
    %add3A_446 = arith.constant 2 : i32
    %add3A_447 = vector.broadcast %add3A_446 : i32 to vector<16xi32>
    %add3A_448 = arith.addi %shift_left3A_417, %add3A_447 : vector<16xi32>
    %swap3A_449 = arith.constant 80 : index
    %swap3A_450 = tpu.vector_load %arg44[%swap3A_449] {strides = array<i32>} : memref<128xi32, #tpu.memory_space<vmem>>, vector<16xi32>,
    %swap3A_451 = vector.shape_cast %swap3A_450 : vector<16xi32> to vector<16xi32>
    %swap3A_452 = vector.shape_cast %add3A_448 : vector<16xi32> to vector<16xi32>
    tpu.vector_store %arg44[%swap3A_449], %swap3A_452 {strides = array<i32>} : memref<128xi32, #tpu.memory_space<vmem>>, vector<16xi32>,
    %add3A_453 = arith.constant 3 : i32
    %add3A_454 = vector.broadcast %add3A_453 : i32 to vector<16xi32>
    %add3A_455 = arith.addi %shift_left3A_417, %add3A_454 : vector<16xi32>
    %swap3A_456 = arith.constant 80 : index
    %swap3A_457 = tpu.vector_load %arg45[%swap3A_456] {strides = array<i32>} : memref<128xi32, #tpu.memory_space<vmem>>, vector<16xi32>,
    %swap3A_458 = vector.shape_cast %swap3A_457 : vector<16xi32> to vector<16xi32>
    %swap3A_459 = vector.shape_cast %add3A_455 : vector<16xi32> to vector<16xi32>
    tpu.vector_store %arg45[%swap3A_456], %swap3A_459 {strides = array<i32>} : memref<128xi32, #tpu.memory_space<vmem>>, vector<16xi32>,
    %get3A_460 = arith.constant 0 : i32
    %get3A_461 = arith.index_cast %get3A_460 : i32 to index
    %get3A_462 = arith.constant 96 : index
    %get3A_463 = tpu.vector_load %arg10[%get3A_461, %get3A_462] {strides = array<i32>} : memref<122x128xi32, #tpu.memory_space<vmem>>, vector<1x16xi32>,
    %get3A_464 = vector.shape_cast %get3A_463 : vector<1x16xi32> to vector<16xi32>
    %shift_left3A_465 = arith.constant 2 : i32
    %shift_left3A_466 = vector.broadcast %shift_left3A_465 : i32 to vector<16xi32>
    %shift_left3A_467 = arith.shli %get3A_464, %shift_left3A_466 : vector<16xi32>
    %get3A_468 = arith.constant 0 : i32
    %get3A_469 = arith.index_cast %get3A_468 : i32 to index
    %get3A_470 = arith.constant 96 : index
    %get3A_471 = tpu.vector_load %arg11[%get3A_469, %get3A_470] {strides = array<i32>} : memref<122x128xi32, #tpu.memory_space<vmem>>, vector<1x16xi32>,
    %get3A_472 = vector.shape_cast %get3A_471 : vector<1x16xi32> to vector<16xi32>
    %shift_left3A_473 = arith.constant 2 : i32
    %shift_left3A_474 = vector.broadcast %shift_left3A_473 : i32 to vector<16xi32>
    %shift_left3A_475 = arith.shli %get3A_472, %shift_left3A_474 : vector<16xi32>
    %add3A_476 = arith.constant 1 : i32
    %add3A_477 = vector.broadcast %add3A_476 : i32 to vector<16xi32>
    %add3A_478 = arith.addi %shift_left3A_467, %add3A_477 : vector<16xi32>
    %swap3A_479 = arith.constant 96 : index
    %swap3A_480 = tpu.vector_load %arg40[%swap3A_479] {strides = array<i32>} : memref<128xi32, #tpu.memory_space<vmem>>, vector<16xi32>,
    %swap3A_481 = vector.shape_cast %swap3A_480 : vector<16xi32> to vector<16xi32>
    %swap3A_482 = vector.shape_cast %add3A_478 : vector<16xi32> to vector<16xi32>
    tpu.vector_store %arg40[%swap3A_479], %swap3A_482 {strides = array<i32>} : memref<128xi32, #tpu.memory_space<vmem>>, vector<16xi32>,
    %add3A_483 = arith.constant 2 : i32
    %add3A_484 = vector.broadcast %add3A_483 : i32 to vector<16xi32>
    %add3A_485 = arith.addi %shift_left3A_467, %add3A_484 : vector<16xi32>
    %swap3A_486 = arith.constant 96 : index
    %swap3A_487 = tpu.vector_load %arg41[%swap3A_486] {strides = array<i32>} : memref<128xi32, #tpu.memory_space<vmem>>, vector<16xi32>,
    %swap3A_488 = vector.shape_cast %swap3A_487 : vector<16xi32> to vector<16xi32>
    %swap3A_489 = vector.shape_cast %add3A_485 : vector<16xi32> to vector<16xi32>
    tpu.vector_store %arg41[%swap3A_486], %swap3A_489 {strides = array<i32>} : memref<128xi32, #tpu.memory_space<vmem>>, vector<16xi32>,
    %add3A_490 = arith.constant 3 : i32
    %add3A_491 = vector.broadcast %add3A_490 : i32 to vector<16xi32>
    %add3A_492 = arith.addi %shift_left3A_467, %add3A_491 : vector<16xi32>
    %swap3A_493 = arith.constant 96 : index
    %swap3A_494 = tpu.vector_load %arg42[%swap3A_493] {strides = array<i32>} : memref<128xi32, #tpu.memory_space<vmem>>, vector<16xi32>,
    %swap3A_495 = vector.shape_cast %swap3A_494 : vector<16xi32> to vector<16xi32>
    %swap3A_496 = vector.shape_cast %add3A_492 : vector<16xi32> to vector<16xi32>
    tpu.vector_store %arg42[%swap3A_493], %swap3A_496 {strides = array<i32>} : memref<128xi32, #tpu.memory_space<vmem>>, vector<16xi32>,
    %add3A_497 = arith.constant 1 : i32
    %add3A_498 = vector.broadcast %add3A_497 : i32 to vector<16xi32>
    %add3A_499 = arith.addi %shift_left3A_475, %add3A_498 : vector<16xi32>
    %swap3A_500 = arith.constant 96 : index
    %swap3A_501 = tpu.vector_load %arg43[%swap3A_500] {strides = array<i32>} : memref<128xi32, #tpu.memory_space<vmem>>, vector<16xi32>,
    %swap3A_502 = vector.shape_cast %swap3A_501 : vector<16xi32> to vector<16xi32>
    %swap3A_503 = vector.shape_cast %add3A_499 : vector<16xi32> to vector<16xi32>
    tpu.vector_store %arg43[%swap3A_500], %swap3A_503 {strides = array<i32>} : memref<128xi32, #tpu.memory_space<vmem>>, vector<16xi32>,
    %add3A_504 = arith.constant 2 : i32
    %add3A_505 = vector.broadcast %add3A_504 : i32 to vector<16xi32>
    %add3A_506 = arith.addi %shift_left3A_475, %add3A_505 : vector<16xi32>
    %swap3A_507 = arith.constant 96 : index
    %swap3A_508 = tpu.vector_load %arg44[%swap3A_507] {strides = array<i32>} : memref<128xi32, #tpu.memory_space<vmem>>, vector<16xi32>,
    %swap3A_509 = vector.shape_cast %swap3A_508 : vector<16xi32> to vector<16xi32>
    %swap3A_510 = vector.shape_cast %add3A_506 : vector<16xi32> to vector<16xi32>
    tpu.vector_store %arg44[%swap3A_507], %swap3A_510 {strides = array<i32>} : memref<128xi32, #tpu.memory_space<vmem>>, vector<16xi32>,
    %add3A_511 = arith.constant 3 : i32
    %add3A_512 = vector.broadcast %add3A_511 : i32 to vector<16xi32>
    %add3A_513 = arith.addi %shift_left3A_475, %add3A_512 : vector<16xi32>
    %swap3A_514 = arith.constant 96 : index
    %swap3A_515 = tpu.vector_load %arg45[%swap3A_514] {strides = array<i32>} : memref<128xi32, #tpu.memory_space<vmem>>, vector<16xi32>,
    %swap3A_516 = vector.shape_cast %swap3A_515 : vector<16xi32> to vector<16xi32>
    %swap3A_517 = vector.shape_cast %add3A_513 : vector<16xi32> to vector<16xi32>
    tpu.vector_store %arg45[%swap3A_514], %swap3A_517 {strides = array<i32>} : memref<128xi32, #tpu.memory_space<vmem>>, vector<16xi32>,
    %get3A_518 = arith.constant 0 : i32
    %get3A_519 = arith.index_cast %get3A_518 : i32 to index
    %get3A_520 = arith.constant 112 : index
    %get3A_521 = tpu.vector_load %arg10[%get3A_519, %get3A_520] {strides = array<i32>} : memref<122x128xi32, #tpu.memory_space<vmem>>, vector<1x16xi32>,
    %get3A_522 = vector.shape_cast %get3A_521 : vector<1x16xi32> to vector<16xi32>
    %shift_left3A_523 = arith.constant 2 : i32
    %shift_left3A_524 = vector.broadcast %shift_left3A_523 : i32 to vector<16xi32>
    %shift_left3A_525 = arith.shli %get3A_522, %shift_left3A_524 : vector<16xi32>
    %get3A_526 = arith.constant 0 : i32
    %get3A_527 = arith.index_cast %get3A_526 : i32 to index
    %get3A_528 = arith.constant 112 : index
    %get3A_529 = tpu.vector_load %arg11[%get3A_527, %get3A_528] {strides = array<i32>} : memref<122x128xi32, #tpu.memory_space<vmem>>, vector<1x16xi32>,
    %get3A_530 = vector.shape_cast %get3A_529 : vector<1x16xi32> to vector<16xi32>
    %shift_left3A_531 = arith.constant 2 : i32
    %shift_left3A_532 = vector.broadcast %shift_left3A_531 : i32 to vector<16xi32>
    %shift_left3A_533 = arith.shli %get3A_530, %shift_left3A_532 : vector<16xi32>
    %add3A_534 = arith.constant 1 : i32
    %add3A_535 = vector.broadcast %add3A_534 : i32 to vector<16xi32>
    %add3A_536 = arith.addi %shift_left3A_525, %add3A_535 : vector<16xi32>
    %swap3A_537 = arith.constant 112 : index
    %swap3A_538 = tpu.vector_load %arg40[%swap3A_537] {strides = array<i32>} : memref<128xi32, #tpu.memory_space<vmem>>, vector<16xi32>,
    %swap3A_539 = vector.shape_cast %swap3A_538 : vector<16xi32> to vector<16xi32>
    %swap3A_540 = vector.shape_cast %add3A_536 : vector<16xi32> to vector<16xi32>
    tpu.vector_store %arg40[%swap3A_537], %swap3A_540 {strides = array<i32>} : memref<128xi32, #tpu.memory_space<vmem>>, vector<16xi32>,
    %add3A_541 = arith.constant 2 : i32
    %add3A_542 = vector.broadcast %add3A_541 : i32 to vector<16xi32>
    %add3A_543 = arith.addi %shift_left3A_525, %add3A_542 : vector<16xi32>
    %swap3A_544 = arith.constant 112 : index
    %swap3A_545 = tpu.vector_load %arg41[%swap3A_544] {strides = array<i32>} : memref<128xi32, #tpu.memory_space<vmem>>, vector<16xi32>,
    %swap3A_546 = vector.shape_cast %swap3A_545 : vector<16xi32> to vector<16xi32>
    %swap3A_547 = vector.shape_cast %add3A_543 : vector<16xi32> to vector<16xi32>
    tpu.vector_store %arg41[%swap3A_544], %swap3A_547 {strides = array<i32>} : memref<128xi32, #tpu.memory_space<vmem>>, vector<16xi32>,
    %add3A_548 = arith.constant 3 : i32
    %add3A_549 = vector.broadcast %add3A_548 : i32 to vector<16xi32>
    %add3A_550 = arith.addi %shift_left3A_525, %add3A_549 : vector<16xi32>
    %swap3A_551 = arith.constant 112 : index
    %swap3A_552 = tpu.vector_load %arg42[%swap3A_551] {strides = array<i32>} : memref<128xi32, #tpu.memory_space<vmem>>, vector<16xi32>,
    %swap3A_553 = vector.shape_cast %swap3A_552 : vector<16xi32> to vector<16xi32>
    %swap3A_554 = vector.shape_cast %add3A_550 : vector<16xi32> to vector<16xi32>
    tpu.vector_store %arg42[%swap3A_551], %swap3A_554 {strides = array<i32>} : memref<128xi32, #tpu.memory_space<vmem>>, vector<16xi32>,
    %add3A_555 = arith.constant 1 : i32
    %add3A_556 = vector.broadcast %add3A_555 : i32 to vector<16xi32>
    %add3A_557 = arith.addi %shift_left3A_533, %add3A_556 : vector<16xi32>
    %swap3A_558 = arith.constant 112 : index
    %swap3A_559 = tpu.vector_load %arg43[%swap3A_558] {strides = array<i32>} : memref<128xi32, #tpu.memory_space<vmem>>, vector<16xi32>,
    %swap3A_560 = vector.shape_cast %swap3A_559 : vector<16xi32> to vector<16xi32>
    %swap3A_561 = vector.shape_cast %add3A_557 : vector<16xi32> to vector<16xi32>
    tpu.vector_store %arg43[%swap3A_558], %swap3A_561 {strides = array<i32>} : memref<128xi32, #tpu.memory_space<vmem>>, vector<16xi32>,
    %add3A_562 = arith.constant 2 : i32
    %add3A_563 = vector.broadcast %add3A_562 : i32 to vector<16xi32>
    %add3A_564 = arith.addi %shift_left3A_533, %add3A_563 : vector<16xi32>
    %swap3A_565 = arith.constant 112 : index
    %swap3A_566 = tpu.vector_load %arg44[%swap3A_565] {strides = array<i32>} : memref<128xi32, #tpu.memory_space<vmem>>, vector<16xi32>,
    %swap3A_567 = vector.shape_cast %swap3A_566 : vector<16xi32> to vector<16xi32>
    %swap3A_568 = vector.shape_cast %add3A_564 : vector<16xi32> to vector<16xi32>
    tpu.vector_store %arg44[%swap3A_565], %swap3A_568 {strides = array<i32>} : memref<128xi32, #tpu.memory_space<vmem>>, vector<16xi32>,
    %add3A_569 = arith.constant 3 : i32
    %add3A_570 = vector.broadcast %add3A_569 : i32 to vector<16xi32>
    %add3A_571 = arith.addi %shift_left3A_533, %add3A_570 : vector<16xi32>
    %swap3A_572 = arith.constant 112 : index
    %swap3A_573 = tpu.vector_load %arg45[%swap3A_572] {strides = array<i32>} : memref<128xi32, #tpu.memory_space<vmem>>, vector<16xi32>,
    %swap3A_574 = vector.shape_cast %swap3A_573 : vector<16xi32> to vector<16xi32>
    %swap3A_575 = vector.shape_cast %add3A_571 : vector<16xi32> to vector<16xi32>
    tpu.vector_store %arg45[%swap3A_572], %swap3A_575 {strides = array<i32>} : memref<128xi32, #tpu.memory_space<vmem>>, vector<16xi32>,
    %dma_start3A_576 = arith.constant 0 : i32
    %dma_start3A_577 = tpu.memref_slice %arg53[%dma_start3A_576] : memref<200192xf32, #tpu.memory_space<vmem_shared>> -> memref<200192xf32, #tpu.memory_space<vmem_shared>>
    tpu.enqueue_indirect_dma source(%dma_start3A_577 : memref<200192xf32, #tpu.memory_space<vmem_shared>>) target(%arg14 : memref<128xf32, #tpu.memory_space<vmem>>) offsets(%arg40 : memref<128xi32, #tpu.memory_space<vmem>>) semaphore(%arg58 : memref<!tpu.dma_semaphore, #tpu.memory_space<semaphore_mem>>)
    %dma_start3A_578 = arith.constant 0 : i32
    %dma_start3A_579 = tpu.memref_slice %arg53[%dma_start3A_578] : memref<200192xf32, #tpu.memory_space<vmem_shared>> -> memref<200192xf32, #tpu.memory_space<vmem_shared>>
    tpu.enqueue_indirect_dma source(%dma_start3A_579 : memref<200192xf32, #tpu.memory_space<vmem_shared>>) target(%arg15 : memref<128xf32, #tpu.memory_space<vmem>>) offsets(%arg41 : memref<128xi32, #tpu.memory_space<vmem>>) semaphore(%arg58 : memref<!tpu.dma_semaphore, #tpu.memory_space<semaphore_mem>>)
    %dma_start3A_580 = arith.constant 0 : i32
    %dma_start3A_581 = tpu.memref_slice %arg53[%dma_start3A_580] : memref<200192xf32, #tpu.memory_space<vmem_shared>> -> memref<200192xf32, #tpu.memory_space<vmem_shared>>
    tpu.enqueue_indirect_dma source(%dma_start3A_581 : memref<200192xf32, #tpu.memory_space<vmem_shared>>) target(%arg16 : memref<128xf32, #tpu.memory_space<vmem>>) offsets(%arg42 : memref<128xi32, #tpu.memory_space<vmem>>) semaphore(%arg58 : memref<!tpu.dma_semaphore, #tpu.memory_space<semaphore_mem>>)
    %dma_start3A_582 = arith.constant 0 : i32
    %dma_start3A_583 = tpu.memref_slice %arg53[%dma_start3A_582] : memref<200192xf32, #tpu.memory_space<vmem_shared>> -> memref<200192xf32, #tpu.memory_space<vmem_shared>>
    tpu.enqueue_indirect_dma source(%dma_start3A_583 : memref<200192xf32, #tpu.memory_space<vmem_shared>>) target(%arg17 : memref<128xf32, #tpu.memory_space<vmem>>) offsets(%arg43 : memref<128xi32, #tpu.memory_space<vmem>>) semaphore(%arg58 : memref<!tpu.dma_semaphore, #tpu.memory_space<semaphore_mem>>)
    %dma_start3A_584 = arith.constant 0 : i32
    %dma_start3A_585 = tpu.memref_slice %arg53[%dma_start3A_584] : memref<200192xf32, #tpu.memory_space<vmem_shared>> -> memref<200192xf32, #tpu.memory_space<vmem_shared>>
    tpu.enqueue_indirect_dma source(%dma_start3A_585 : memref<200192xf32, #tpu.memory_space<vmem_shared>>) target(%arg18 : memref<128xf32, #tpu.memory_space<vmem>>) offsets(%arg44 : memref<128xi32, #tpu.memory_space<vmem>>) semaphore(%arg58 : memref<!tpu.dma_semaphore, #tpu.memory_space<semaphore_mem>>)
    %dma_start3A_586 = arith.constant 0 : i32
    %dma_start3A_587 = tpu.memref_slice %arg53[%dma_start3A_586] : memref<200192xf32, #tpu.memory_space<vmem_shared>> -> memref<200192xf32, #tpu.memory_space<vmem_shared>>
    tpu.enqueue_indirect_dma source(%dma_start3A_587 : memref<200192xf32, #tpu.memory_space<vmem_shared>>) target(%arg19 : memref<128xf32, #tpu.memory_space<vmem>>) offsets(%arg45 : memref<128xi32, #tpu.memory_space<vmem>>) semaphore(%arg58 : memref<!tpu.dma_semaphore, #tpu.memory_space<semaphore_mem>>)
    %scan3A = arith.constant 0 : i32
    %scan3A_588 = arith.constant 0 : i32
    %scan3A_589 = arith.constant 61 : i32
    %scan3A_590 = arith.addi %scan3A_588, %scan3A_589 : i32
    %scan3A_591 = arith.constant 1 : i32
    scf.for %scan3A_648 = %scan3A_588 to %scan3A_590 step %scan3A_591  : i32 {
      %mul3A_649 = arith.constant 2 : i32
      %mul3A_650 = arith.muli %mul3A_649, %scan3A_648 : i32
      %add3A_651 = arith.constant 0 : i32
      %add3A_652 = arith.addi %mul3A_650, %add3A_651 : i32
      %add3A_653 = arith.constant 1 : i32
      %add3A_654 = arith.addi %add3A_652, %add3A_653 : i32
      %lt3A = arith.constant 122 : i32
      %lt3A_655 = arith.cmpi slt, %add3A_654, %lt3A : i32
      %convert_element_type3A_656 = arith.extui %lt3A_655 : i1 to i32
      %cond3A_657 = arith.constant 0 : i32
      %cond3A_658 = arith.cmpi ne, %convert_element_type3A_656, %cond3A_657 : i32
      scf.if %cond3A_658 {
        %add3A_2505 = arith.constant 1 : i32
        %add3A_2506 = arith.addi %add3A_652, %add3A_2505 : i32
        %get3A_2507 = arith.index_cast %add3A_2506 : i32 to index
        %get3A_2508 = arith.constant 0 : index
        %get3A_2509 = tpu.vector_load %arg10[%get3A_2507, %get3A_2508] {strides = array<i32>} : memref<122x128xi32, #tpu.memory_space<vmem>>, vector<1x16xi32>,
        %get3A_2510 = vector.shape_cast %get3A_2509 : vector<1x16xi32> to vector<16xi32>
        %shift_left3A_2511 = arith.constant 2 : i32
        %shift_left3A_2512 = vector.broadcast %shift_left3A_2511 : i32 to vector<16xi32>
        %shift_left3A_2513 = arith.shli %get3A_2510, %shift_left3A_2512 : vector<16xi32>
        %get3A_2514 = arith.index_cast %add3A_2506 : i32 to index
        %get3A_2515 = arith.constant 0 : index
        %get3A_2516 = tpu.vector_load %arg11[%get3A_2514, %get3A_2515] {strides = array<i32>} : memref<122x128xi32, #tpu.memory_space<vmem>>, vector<1x16xi32>,
        %get3A_2517 = vector.shape_cast %get3A_2516 : vector<1x16xi32> to vector<16xi32>
        %shift_left3A_2518 = arith.constant 2 : i32
        %shift_left3A_2519 = vector.broadcast %shift_left3A_2518 : i32 to vector<16xi32>
        %shift_left3A_2520 = arith.shli %get3A_2517, %shift_left3A_2519 : vector<16xi32>
        %add3A_2521 = arith.constant 1 : i32
        %add3A_2522 = vector.broadcast %add3A_2521 : i32 to vector<16xi32>
        %add3A_2523 = arith.addi %shift_left3A_2513, %add3A_2522 : vector<16xi32>
        %swap3A_2524 = arith.constant 0 : index
        %swap3A_2525 = tpu.vector_load %arg46[%swap3A_2524] {strides = array<i32>} : memref<128xi32, #tpu.memory_space<vmem>>, vector<16xi32>,
        %swap3A_2526 = vector.shape_cast %swap3A_2525 : vector<16xi32> to vector<16xi32>
        %swap3A_2527 = vector.shape_cast %add3A_2523 : vector<16xi32> to vector<16xi32>
        tpu.vector_store %arg46[%swap3A_2524], %swap3A_2527 {strides = array<i32>} : memref<128xi32, #tpu.memory_space<vmem>>, vector<16xi32>,
        %add3A_2528 = arith.constant 2 : i32
        %add3A_2529 = vector.broadcast %add3A_2528 : i32 to vector<16xi32>
        %add3A_2530 = arith.addi %shift_left3A_2513, %add3A_2529 : vector<16xi32>
        %swap3A_2531 = arith.constant 0 : index
        %swap3A_2532 = tpu.vector_load %arg47[%swap3A_2531] {strides = array<i32>} : memref<128xi32, #tpu.memory_space<vmem>>, vector<16xi32>,
        %swap3A_2533 = vector.shape_cast %swap3A_2532 : vector<16xi32> to vector<16xi32>
        %swap3A_2534 = vector.shape_cast %add3A_2530 : vector<16xi32> to vector<16xi32>
        tpu.vector_store %arg47[%swap3A_2531], %swap3A_2534 {strides = array<i32>} : memref<128xi32, #tpu.memory_space<vmem>>, vector<16xi32>,
        %add3A_2535 = arith.constant 3 : i32
        %add3A_2536 = vector.broadcast %add3A_2535 : i32 to vector<16xi32>
        %add3A_2537 = arith.addi %shift_left3A_2513, %add3A_2536 : vector<16xi32>
        %swap3A_2538 = arith.constant 0 : index
        %swap3A_2539 = tpu.vector_load %arg48[%swap3A_2538] {strides = array<i32>} : memref<128xi32, #tpu.memory_space<vmem>>, vector<16xi32>,
        %swap3A_2540 = vector.shape_cast %swap3A_2539 : vector<16xi32> to vector<16xi32>
        %swap3A_2541 = vector.shape_cast %add3A_2537 : vector<16xi32> to vector<16xi32>
        tpu.vector_store %arg48[%swap3A_2538], %swap3A_2541 {strides = array<i32>} : memref<128xi32, #tpu.memory_space<vmem>>, vector<16xi32>,
        %add3A_2542 = arith.constant 1 : i32
        %add3A_2543 = vector.broadcast %add3A_2542 : i32 to vector<16xi32>
        %add3A_2544 = arith.addi %shift_left3A_2520, %add3A_2543 : vector<16xi32>
        %swap3A_2545 = arith.constant 0 : index
        %swap3A_2546 = tpu.vector_load %arg49[%swap3A_2545] {strides = array<i32>} : memref<128xi32, #tpu.memory_space<vmem>>, vector<16xi32>,
        %swap3A_2547 = vector.shape_cast %swap3A_2546 : vector<16xi32> to vector<16xi32>
        %swap3A_2548 = vector.shape_cast %add3A_2544 : vector<16xi32> to vector<16xi32>
        tpu.vector_store %arg49[%swap3A_2545], %swap3A_2548 {strides = array<i32>} : memref<128xi32, #tpu.memory_space<vmem>>, vector<16xi32>,
        %add3A_2549 = arith.constant 2 : i32
        %add3A_2550 = vector.broadcast %add3A_2549 : i32 to vector<16xi32>
        %add3A_2551 = arith.addi %shift_left3A_2520, %add3A_2550 : vector<16xi32>
        %swap3A_2552 = arith.constant 0 : index
        %swap3A_2553 = tpu.vector_load %arg50[%swap3A_2552] {strides = array<i32>} : memref<128xi32, #tpu.memory_space<vmem>>, vector<16xi32>,
        %swap3A_2554 = vector.shape_cast %swap3A_2553 : vector<16xi32> to vector<16xi32>
        %swap3A_2555 = vector.shape_cast %add3A_2551 : vector<16xi32> to vector<16xi32>
        tpu.vector_store %arg50[%swap3A_2552], %swap3A_2555 {strides = array<i32>} : memref<128xi32, #tpu.memory_space<vmem>>, vector<16xi32>,
        %add3A_2556 = arith.constant 3 : i32
        %add3A_2557 = vector.broadcast %add3A_2556 : i32 to vector<16xi32>
        %add3A_2558 = arith.addi %shift_left3A_2520, %add3A_2557 : vector<16xi32>
        %swap3A_2559 = arith.constant 0 : index
        %swap3A_2560 = tpu.vector_load %arg51[%swap3A_2559] {strides = array<i32>} : memref<128xi32, #tpu.memory_space<vmem>>, vector<16xi32>,
        %swap3A_2561 = vector.shape_cast %swap3A_2560 : vector<16xi32> to vector<16xi32>
        %swap3A_2562 = vector.shape_cast %add3A_2558 : vector<16xi32> to vector<16xi32>
        tpu.vector_store %arg51[%swap3A_2559], %swap3A_2562 {strides = array<i32>} : memref<128xi32, #tpu.memory_space<vmem>>, vector<16xi32>,
        %get3A_2563 = arith.index_cast %add3A_2506 : i32 to index
        %get3A_2564 = arith.constant 16 : index
        %get3A_2565 = tpu.vector_load %arg10[%get3A_2563, %get3A_2564] {strides = array<i32>} : memref<122x128xi32, #tpu.memory_space<vmem>>, vector<1x16xi32>,
        %get3A_2566 = vector.shape_cast %get3A_2565 : vector<1x16xi32> to vector<16xi32>
        %shift_left3A_2567 = arith.constant 2 : i32
        %shift_left3A_2568 = vector.broadcast %shift_left3A_2567 : i32 to vector<16xi32>
        %shift_left3A_2569 = arith.shli %get3A_2566, %shift_left3A_2568 : vector<16xi32>
        %get3A_2570 = arith.index_cast %add3A_2506 : i32 to index
        %get3A_2571 = arith.constant 16 : index
        %get3A_2572 = tpu.vector_load %arg11[%get3A_2570, %get3A_2571] {strides = array<i32>} : memref<122x128xi32, #tpu.memory_space<vmem>>, vector<1x16xi32>,
        %get3A_2573 = vector.shape_cast %get3A_2572 : vector<1x16xi32> to vector<16xi32>
        %shift_left3A_2574 = arith.constant 2 : i32
        %shift_left3A_2575 = vector.broadcast %shift_left3A_2574 : i32 to vector<16xi32>
        %shift_left3A_2576 = arith.shli %get3A_2573, %shift_left3A_2575 : vector<16xi32>
        %add3A_2577 = arith.constant 1 : i32
        %add3A_2578 = vector.broadcast %add3A_2577 : i32 to vector<16xi32>
        %add3A_2579 = arith.addi %shift_left3A_2569, %add3A_2578 : vector<16xi32>
        %swap3A_2580 = arith.constant 16 : index
        %swap3A_2581 = tpu.vector_load %arg46[%swap3A_2580] {strides = array<i32>} : memref<128xi32, #tpu.memory_space<vmem>>, vector<16xi32>,
        %swap3A_2582 = vector.shape_cast %swap3A_2581 : vector<16xi32> to vector<16xi32>
        %swap3A_2583 = vector.shape_cast %add3A_2579 : vector<16xi32> to vector<16xi32>
        tpu.vector_store %arg46[%swap3A_2580], %swap3A_2583 {strides = array<i32>} : memref<128xi32, #tpu.memory_space<vmem>>, vector<16xi32>,
        %add3A_2584 = arith.constant 2 : i32
        %add3A_2585 = vector.broadcast %add3A_2584 : i32 to vector<16xi32>
        %add3A_2586 = arith.addi %shift_left3A_2569, %add3A_2585 : vector<16xi32>
        %swap3A_2587 = arith.constant 16 : index
        %swap3A_2588 = tpu.vector_load %arg47[%swap3A_2587] {strides = array<i32>} : memref<128xi32, #tpu.memory_space<vmem>>, vector<16xi32>,
        %swap3A_2589 = vector.shape_cast %swap3A_2588 : vector<16xi32> to vector<16xi32>
        %swap3A_2590 = vector.shape_cast %add3A_2586 : vector<16xi32> to vector<16xi32>
        tpu.vector_store %arg47[%swap3A_2587], %swap3A_2590 {strides = array<i32>} : memref<128xi32, #tpu.memory_space<vmem>>, vector<16xi32>,
        %add3A_2591 = arith.constant 3 : i32
        %add3A_2592 = vector.broadcast %add3A_2591 : i32 to vector<16xi32>
        %add3A_2593 = arith.addi %shift_left3A_2569, %add3A_2592 : vector<16xi32>
        %swap3A_2594 = arith.constant 16 : index
        %swap3A_2595 = tpu.vector_load %arg48[%swap3A_2594] {strides = array<i32>} : memref<128xi32, #tpu.memory_space<vmem>>, vector<16xi32>,
        %swap3A_2596 = vector.shape_cast %swap3A_2595 : vector<16xi32> to vector<16xi32>
        %swap3A_2597 = vector.shape_cast %add3A_2593 : vector<16xi32> to vector<16xi32>
        tpu.vector_store %arg48[%swap3A_2594], %swap3A_2597 {strides = array<i32>} : memref<128xi32, #tpu.memory_space<vmem>>, vector<16xi32>,
        %add3A_2598 = arith.constant 1 : i32
        %add3A_2599 = vector.broadcast %add3A_2598 : i32 to vector<16xi32>
        %add3A_2600 = arith.addi %shift_left3A_2576, %add3A_2599 : vector<16xi32>
        %swap3A_2601 = arith.constant 16 : index
        %swap3A_2602 = tpu.vector_load %arg49[%swap3A_2601] {strides = array<i32>} : memref<128xi32, #tpu.memory_space<vmem>>, vector<16xi32>,
        %swap3A_2603 = vector.shape_cast %swap3A_2602 : vector<16xi32> to vector<16xi32>
        %swap3A_2604 = vector.shape_cast %add3A_2600 : vector<16xi32> to vector<16xi32>
        tpu.vector_store %arg49[%swap3A_2601], %swap3A_2604 {strides = array<i32>} : memref<128xi32, #tpu.memory_space<vmem>>, vector<16xi32>,
        %add3A_2605 = arith.constant 2 : i32
        %add3A_2606 = vector.broadcast %add3A_2605 : i32 to vector<16xi32>
        %add3A_2607 = arith.addi %shift_left3A_2576, %add3A_2606 : vector<16xi32>
        %swap3A_2608 = arith.constant 16 : index
        %swap3A_2609 = tpu.vector_load %arg50[%swap3A_2608] {strides = array<i32>} : memref<128xi32, #tpu.memory_space<vmem>>, vector<16xi32>,
        %swap3A_2610 = vector.shape_cast %swap3A_2609 : vector<16xi32> to vector<16xi32>
        %swap3A_2611 = vector.shape_cast %add3A_2607 : vector<16xi32> to vector<16xi32>
        tpu.vector_store %arg50[%swap3A_2608], %swap3A_2611 {strides = array<i32>} : memref<128xi32, #tpu.memory_space<vmem>>, vector<16xi32>,
        %add3A_2612 = arith.constant 3 : i32
        %add3A_2613 = vector.broadcast %add3A_2612 : i32 to vector<16xi32>
        %add3A_2614 = arith.addi %shift_left3A_2576, %add3A_2613 : vector<16xi32>
        %swap3A_2615 = arith.constant 16 : index
        %swap3A_2616 = tpu.vector_load %arg51[%swap3A_2615] {strides = array<i32>} : memref<128xi32, #tpu.memory_space<vmem>>, vector<16xi32>,
        %swap3A_2617 = vector.shape_cast %swap3A_2616 : vector<16xi32> to vector<16xi32>
        %swap3A_2618 = vector.shape_cast %add3A_2614 : vector<16xi32> to vector<16xi32>
        tpu.vector_store %arg51[%swap3A_2615], %swap3A_2618 {strides = array<i32>} : memref<128xi32, #tpu.memory_space<vmem>>, vector<16xi32>,
        %get3A_2619 = arith.index_cast %add3A_2506 : i32 to index
        %get3A_2620 = arith.constant 32 : index
        %get3A_2621 = tpu.vector_load %arg10[%get3A_2619, %get3A_2620] {strides = array<i32>} : memref<122x128xi32, #tpu.memory_space<vmem>>, vector<1x16xi32>,
        %get3A_2622 = vector.shape_cast %get3A_2621 : vector<1x16xi32> to vector<16xi32>
        %shift_left3A_2623 = arith.constant 2 : i32
        %shift_left3A_2624 = vector.broadcast %shift_left3A_2623 : i32 to vector<16xi32>
        %shift_left3A_2625 = arith.shli %get3A_2622, %shift_left3A_2624 : vector<16xi32>
        %get3A_2626 = arith.index_cast %add3A_2506 : i32 to index
        %get3A_2627 = arith.constant 32 : index
        %get3A_2628 = tpu.vector_load %arg11[%get3A_2626, %get3A_2627] {strides = array<i32>} : memref<122x128xi32, #tpu.memory_space<vmem>>, vector<1x16xi32>,
        %get3A_2629 = vector.shape_cast %get3A_2628 : vector<1x16xi32> to vector<16xi32>
        %shift_left3A_2630 = arith.constant 2 : i32
        %shift_left3A_2631 = vector.broadcast %shift_left3A_2630 : i32 to vector<16xi32>
        %shift_left3A_2632 = arith.shli %get3A_2629, %shift_left3A_2631 : vector<16xi32>
        %add3A_2633 = arith.constant 1 : i32
        %add3A_2634 = vector.broadcast %add3A_2633 : i32 to vector<16xi32>
        %add3A_2635 = arith.addi %shift_left3A_2625, %add3A_2634 : vector<16xi32>
        %swap3A_2636 = arith.constant 32 : index
        %swap3A_2637 = tpu.vector_load %arg46[%swap3A_2636] {strides = array<i32>} : memref<128xi32, #tpu.memory_space<vmem>>, vector<16xi32>,
        %swap3A_2638 = vector.shape_cast %swap3A_2637 : vector<16xi32> to vector<16xi32>
        %swap3A_2639 = vector.shape_cast %add3A_2635 : vector<16xi32> to vector<16xi32>
        tpu.vector_store %arg46[%swap3A_2636], %swap3A_2639 {strides = array<i32>} : memref<128xi32, #tpu.memory_space<vmem>>, vector<16xi32>,
        %add3A_2640 = arith.constant 2 : i32
        %add3A_2641 = vector.broadcast %add3A_2640 : i32 to vector<16xi32>
        %add3A_2642 = arith.addi %shift_left3A_2625, %add3A_2641 : vector<16xi32>
        %swap3A_2643 = arith.constant 32 : index
        %swap3A_2644 = tpu.vector_load %arg47[%swap3A_2643] {strides = array<i32>} : memref<128xi32, #tpu.memory_space<vmem>>, vector<16xi32>,
        %swap3A_2645 = vector.shape_cast %swap3A_2644 : vector<16xi32> to vector<16xi32>
        %swap3A_2646 = vector.shape_cast %add3A_2642 : vector<16xi32> to vector<16xi32>
        tpu.vector_store %arg47[%swap3A_2643], %swap3A_2646 {strides = array<i32>} : memref<128xi32, #tpu.memory_space<vmem>>, vector<16xi32>,
        %add3A_2647 = arith.constant 3 : i32
        %add3A_2648 = vector.broadcast %add3A_2647 : i32 to vector<16xi32>
        %add3A_2649 = arith.addi %shift_left3A_2625, %add3A_2648 : vector<16xi32>
        %swap3A_2650 = arith.constant 32 : index
        %swap3A_2651 = tpu.vector_load %arg48[%swap3A_2650] {strides = array<i32>} : memref<128xi32, #tpu.memory_space<vmem>>, vector<16xi32>,
        %swap3A_2652 = vector.shape_cast %swap3A_2651 : vector<16xi32> to vector<16xi32>
        %swap3A_2653 = vector.shape_cast %add3A_2649 : vector<16xi32> to vector<16xi32>
        tpu.vector_store %arg48[%swap3A_2650], %swap3A_2653 {strides = array<i32>} : memref<128xi32, #tpu.memory_space<vmem>>, vector<16xi32>,
        %add3A_2654 = arith.constant 1 : i32
        %add3A_2655 = vector.broadcast %add3A_2654 : i32 to vector<16xi32>
        %add3A_2656 = arith.addi %shift_left3A_2632, %add3A_2655 : vector<16xi32>
        %swap3A_2657 = arith.constant 32 : index
        %swap3A_2658 = tpu.vector_load %arg49[%swap3A_2657] {strides = array<i32>} : memref<128xi32, #tpu.memory_space<vmem>>, vector<16xi32>,
        %swap3A_2659 = vector.shape_cast %swap3A_2658 : vector<16xi32> to vector<16xi32>
        %swap3A_2660 = vector.shape_cast %add3A_2656 : vector<16xi32> to vector<16xi32>
        tpu.vector_store %arg49[%swap3A_2657], %swap3A_2660 {strides = array<i32>} : memref<128xi32, #tpu.memory_space<vmem>>, vector<16xi32>,
        %add3A_2661 = arith.constant 2 : i32
        %add3A_2662 = vector.broadcast %add3A_2661 : i32 to vector<16xi32>
        %add3A_2663 = arith.addi %shift_left3A_2632, %add3A_2662 : vector<16xi32>
        %swap3A_2664 = arith.constant 32 : index
        %swap3A_2665 = tpu.vector_load %arg50[%swap3A_2664] {strides = array<i32>} : memref<128xi32, #tpu.memory_space<vmem>>, vector<16xi32>,
        %swap3A_2666 = vector.shape_cast %swap3A_2665 : vector<16xi32> to vector<16xi32>
        %swap3A_2667 = vector.shape_cast %add3A_2663 : vector<16xi32> to vector<16xi32>
        tpu.vector_store %arg50[%swap3A_2664], %swap3A_2667 {strides = array<i32>} : memref<128xi32, #tpu.memory_space<vmem>>, vector<16xi32>,
        %add3A_2668 = arith.constant 3 : i32
        %add3A_2669 = vector.broadcast %add3A_2668 : i32 to vector<16xi32>
        %add3A_2670 = arith.addi %shift_left3A_2632, %add3A_2669 : vector<16xi32>
        %swap3A_2671 = arith.constant 32 : index
        %swap3A_2672 = tpu.vector_load %arg51[%swap3A_2671] {strides = array<i32>} : memref<128xi32, #tpu.memory_space<vmem>>, vector<16xi32>,
        %swap3A_2673 = vector.shape_cast %swap3A_2672 : vector<16xi32> to vector<16xi32>
        %swap3A_2674 = vector.shape_cast %add3A_2670 : vector<16xi32> to vector<16xi32>
        tpu.vector_store %arg51[%swap3A_2671], %swap3A_2674 {strides = array<i32>} : memref<128xi32, #tpu.memory_space<vmem>>, vector<16xi32>,
        %get3A_2675 = arith.index_cast %add3A_2506 : i32 to index
        %get3A_2676 = arith.constant 48 : index
        %get3A_2677 = tpu.vector_load %arg10[%get3A_2675, %get3A_2676] {strides = array<i32>} : memref<122x128xi32, #tpu.memory_space<vmem>>, vector<1x16xi32>,
        %get3A_2678 = vector.shape_cast %get3A_2677 : vector<1x16xi32> to vector<16xi32>
        %shift_left3A_2679 = arith.constant 2 : i32
        %shift_left3A_2680 = vector.broadcast %shift_left3A_2679 : i32 to vector<16xi32>
        %shift_left3A_2681 = arith.shli %get3A_2678, %shift_left3A_2680 : vector<16xi32>
        %get3A_2682 = arith.index_cast %add3A_2506 : i32 to index
        %get3A_2683 = arith.constant 48 : index
        %get3A_2684 = tpu.vector_load %arg11[%get3A_2682, %get3A_2683] {strides = array<i32>} : memref<122x128xi32, #tpu.memory_space<vmem>>, vector<1x16xi32>,
        %get3A_2685 = vector.shape_cast %get3A_2684 : vector<1x16xi32> to vector<16xi32>
        %shift_left3A_2686 = arith.constant 2 : i32
        %shift_left3A_2687 = vector.broadcast %shift_left3A_2686 : i32 to vector<16xi32>
        %shift_left3A_2688 = arith.shli %get3A_2685, %shift_left3A_2687 : vector<16xi32>
        %add3A_2689 = arith.constant 1 : i32
        %add3A_2690 = vector.broadcast %add3A_2689 : i32 to vector<16xi32>
        %add3A_2691 = arith.addi %shift_left3A_2681, %add3A_2690 : vector<16xi32>
        %swap3A_2692 = arith.constant 48 : index
        %swap3A_2693 = tpu.vector_load %arg46[%swap3A_2692] {strides = array<i32>} : memref<128xi32, #tpu.memory_space<vmem>>, vector<16xi32>,
        %swap3A_2694 = vector.shape_cast %swap3A_2693 : vector<16xi32> to vector<16xi32>
        %swap3A_2695 = vector.shape_cast %add3A_2691 : vector<16xi32> to vector<16xi32>
        tpu.vector_store %arg46[%swap3A_2692], %swap3A_2695 {strides = array<i32>} : memref<128xi32, #tpu.memory_space<vmem>>, vector<16xi32>,
        %add3A_2696 = arith.constant 2 : i32
        %add3A_2697 = vector.broadcast %add3A_2696 : i32 to vector<16xi32>
        %add3A_2698 = arith.addi %shift_left3A_2681, %add3A_2697 : vector<16xi32>
        %swap3A_2699 = arith.constant 48 : index
        %swap3A_2700 = tpu.vector_load %arg47[%swap3A_2699] {strides = array<i32>} : memref<128xi32, #tpu.memory_space<vmem>>, vector<16xi32>,
        %swap3A_2701 = vector.shape_cast %swap3A_2700 : vector<16xi32> to vector<16xi32>
        %swap3A_2702 = vector.shape_cast %add3A_2698 : vector<16xi32> to vector<16xi32>
        tpu.vector_store %arg47[%swap3A_2699], %swap3A_2702 {strides = array<i32>} : memref<128xi32, #tpu.memory_space<vmem>>, vector<16xi32>,
        %add3A_2703 = arith.constant 3 : i32
        %add3A_2704 = vector.broadcast %add3A_2703 : i32 to vector<16xi32>
        %add3A_2705 = arith.addi %shift_left3A_2681, %add3A_2704 : vector<16xi32>
        %swap3A_2706 = arith.constant 48 : index
        %swap3A_2707 = tpu.vector_load %arg48[%swap3A_2706] {strides = array<i32>} : memref<128xi32, #tpu.memory_space<vmem>>, vector<16xi32>,
        %swap3A_2708 = vector.shape_cast %swap3A_2707 : vector<16xi32> to vector<16xi32>
        %swap3A_2709 = vector.shape_cast %add3A_2705 : vector<16xi32> to vector<16xi32>
        tpu.vector_store %arg48[%swap3A_2706], %swap3A_2709 {strides = array<i32>} : memref<128xi32, #tpu.memory_space<vmem>>, vector<16xi32>,
        %add3A_2710 = arith.constant 1 : i32
        %add3A_2711 = vector.broadcast %add3A_2710 : i32 to vector<16xi32>
        %add3A_2712 = arith.addi %shift_left3A_2688, %add3A_2711 : vector<16xi32>
        %swap3A_2713 = arith.constant 48 : index
        %swap3A_2714 = tpu.vector_load %arg49[%swap3A_2713] {strides = array<i32>} : memref<128xi32, #tpu.memory_space<vmem>>, vector<16xi32>,
        %swap3A_2715 = vector.shape_cast %swap3A_2714 : vector<16xi32> to vector<16xi32>
        %swap3A_2716 = vector.shape_cast %add3A_2712 : vector<16xi32> to vector<16xi32>
        tpu.vector_store %arg49[%swap3A_2713], %swap3A_2716 {strides = array<i32>} : memref<128xi32, #tpu.memory_space<vmem>>, vector<16xi32>,
        %add3A_2717 = arith.constant 2 : i32
        %add3A_2718 = vector.broadcast %add3A_2717 : i32 to vector<16xi32>
        %add3A_2719 = arith.addi %shift_left3A_2688, %add3A_2718 : vector<16xi32>
        %swap3A_2720 = arith.constant 48 : index
        %swap3A_2721 = tpu.vector_load %arg50[%swap3A_2720] {strides = array<i32>} : memref<128xi32, #tpu.memory_space<vmem>>, vector<16xi32>,
        %swap3A_2722 = vector.shape_cast %swap3A_2721 : vector<16xi32> to vector<16xi32>
        %swap3A_2723 = vector.shape_cast %add3A_2719 : vector<16xi32> to vector<16xi32>
        tpu.vector_store %arg50[%swap3A_2720], %swap3A_2723 {strides = array<i32>} : memref<128xi32, #tpu.memory_space<vmem>>, vector<16xi32>,
        %add3A_2724 = arith.constant 3 : i32
        %add3A_2725 = vector.broadcast %add3A_2724 : i32 to vector<16xi32>
        %add3A_2726 = arith.addi %shift_left3A_2688, %add3A_2725 : vector<16xi32>
        %swap3A_2727 = arith.constant 48 : index
        %swap3A_2728 = tpu.vector_load %arg51[%swap3A_2727] {strides = array<i32>} : memref<128xi32, #tpu.memory_space<vmem>>, vector<16xi32>,
        %swap3A_2729 = vector.shape_cast %swap3A_2728 : vector<16xi32> to vector<16xi32>
        %swap3A_2730 = vector.shape_cast %add3A_2726 : vector<16xi32> to vector<16xi32>
        tpu.vector_store %arg51[%swap3A_2727], %swap3A_2730 {strides = array<i32>} : memref<128xi32, #tpu.memory_space<vmem>>, vector<16xi32>,
        %get3A_2731 = arith.index_cast %add3A_2506 : i32 to index
        %get3A_2732 = arith.constant 64 : index
        %get3A_2733 = tpu.vector_load %arg10[%get3A_2731, %get3A_2732] {strides = array<i32>} : memref<122x128xi32, #tpu.memory_space<vmem>>, vector<1x16xi32>,
        %get3A_2734 = vector.shape_cast %get3A_2733 : vector<1x16xi32> to vector<16xi32>
        %shift_left3A_2735 = arith.constant 2 : i32
        %shift_left3A_2736 = vector.broadcast %shift_left3A_2735 : i32 to vector<16xi32>
        %shift_left3A_2737 = arith.shli %get3A_2734, %shift_left3A_2736 : vector<16xi32>
        %get3A_2738 = arith.index_cast %add3A_2506 : i32 to index
        %get3A_2739 = arith.constant 64 : index
        %get3A_2740 = tpu.vector_load %arg11[%get3A_2738, %get3A_2739] {strides = array<i32>} : memref<122x128xi32, #tpu.memory_space<vmem>>, vector<1x16xi32>,
        %get3A_2741 = vector.shape_cast %get3A_2740 : vector<1x16xi32> to vector<16xi32>
        %shift_left3A_2742 = arith.constant 2 : i32
        %shift_left3A_2743 = vector.broadcast %shift_left3A_2742 : i32 to vector<16xi32>
        %shift_left3A_2744 = arith.shli %get3A_2741, %shift_left3A_2743 : vector<16xi32>
        %add3A_2745 = arith.constant 1 : i32
        %add3A_2746 = vector.broadcast %add3A_2745 : i32 to vector<16xi32>
        %add3A_2747 = arith.addi %shift_left3A_2737, %add3A_2746 : vector<16xi32>
        %swap3A_2748 = arith.constant 64 : index
        %swap3A_2749 = tpu.vector_load %arg46[%swap3A_2748] {strides = array<i32>} : memref<128xi32, #tpu.memory_space<vmem>>, vector<16xi32>,
        %swap3A_2750 = vector.shape_cast %swap3A_2749 : vector<16xi32> to vector<16xi32>
        %swap3A_2751 = vector.shape_cast %add3A_2747 : vector<16xi32> to vector<16xi32>
        tpu.vector_store %arg46[%swap3A_2748], %swap3A_2751 {strides = array<i32>} : memref<128xi32, #tpu.memory_space<vmem>>, vector<16xi32>,
        %add3A_2752 = arith.constant 2 : i32
        %add3A_2753 = vector.broadcast %add3A_2752 : i32 to vector<16xi32>
        %add3A_2754 = arith.addi %shift_left3A_2737, %add3A_2753 : vector<16xi32>
        %swap3A_2755 = arith.constant 64 : index
        %swap3A_2756 = tpu.vector_load %arg47[%swap3A_2755] {strides = array<i32>} : memref<128xi32, #tpu.memory_space<vmem>>, vector<16xi32>,
        %swap3A_2757 = vector.shape_cast %swap3A_2756 : vector<16xi32> to vector<16xi32>
        %swap3A_2758 = vector.shape_cast %add3A_2754 : vector<16xi32> to vector<16xi32>
        tpu.vector_store %arg47[%swap3A_2755], %swap3A_2758 {strides = array<i32>} : memref<128xi32, #tpu.memory_space<vmem>>, vector<16xi32>,
        %add3A_2759 = arith.constant 3 : i32
        %add3A_2760 = vector.broadcast %add3A_2759 : i32 to vector<16xi32>
        %add3A_2761 = arith.addi %shift_left3A_2737, %add3A_2760 : vector<16xi32>
        %swap3A_2762 = arith.constant 64 : index
        %swap3A_2763 = tpu.vector_load %arg48[%swap3A_2762] {strides = array<i32>} : memref<128xi32, #tpu.memory_space<vmem>>, vector<16xi32>,
        %swap3A_2764 = vector.shape_cast %swap3A_2763 : vector<16xi32> to vector<16xi32>
        %swap3A_2765 = vector.shape_cast %add3A_2761 : vector<16xi32> to vector<16xi32>
        tpu.vector_store %arg48[%swap3A_2762], %swap3A_2765 {strides = array<i32>} : memref<128xi32, #tpu.memory_space<vmem>>, vector<16xi32>,
        %add3A_2766 = arith.constant 1 : i32
        %add3A_2767 = vector.broadcast %add3A_2766 : i32 to vector<16xi32>
        %add3A_2768 = arith.addi %shift_left3A_2744, %add3A_2767 : vector<16xi32>
        %swap3A_2769 = arith.constant 64 : index
        %swap3A_2770 = tpu.vector_load %arg49[%swap3A_2769] {strides = array<i32>} : memref<128xi32, #tpu.memory_space<vmem>>, vector<16xi32>,
        %swap3A_2771 = vector.shape_cast %swap3A_2770 : vector<16xi32> to vector<16xi32>
        %swap3A_2772 = vector.shape_cast %add3A_2768 : vector<16xi32> to vector<16xi32>
        tpu.vector_store %arg49[%swap3A_2769], %swap3A_2772 {strides = array<i32>} : memref<128xi32, #tpu.memory_space<vmem>>, vector<16xi32>,
        %add3A_2773 = arith.constant 2 : i32
        %add3A_2774 = vector.broadcast %add3A_2773 : i32 to vector<16xi32>
        %add3A_2775 = arith.addi %shift_left3A_2744, %add3A_2774 : vector<16xi32>
        %swap3A_2776 = arith.constant 64 : index
        %swap3A_2777 = tpu.vector_load %arg50[%swap3A_2776] {strides = array<i32>} : memref<128xi32, #tpu.memory_space<vmem>>, vector<16xi32>,
        %swap3A_2778 = vector.shape_cast %swap3A_2777 : vector<16xi32> to vector<16xi32>
        %swap3A_2779 = vector.shape_cast %add3A_2775 : vector<16xi32> to vector<16xi32>
        tpu.vector_store %arg50[%swap3A_2776], %swap3A_2779 {strides = array<i32>} : memref<128xi32, #tpu.memory_space<vmem>>, vector<16xi32>,
        %add3A_2780 = arith.constant 3 : i32
        %add3A_2781 = vector.broadcast %add3A_2780 : i32 to vector<16xi32>
        %add3A_2782 = arith.addi %shift_left3A_2744, %add3A_2781 : vector<16xi32>
        %swap3A_2783 = arith.constant 64 : index
        %swap3A_2784 = tpu.vector_load %arg51[%swap3A_2783] {strides = array<i32>} : memref<128xi32, #tpu.memory_space<vmem>>, vector<16xi32>,
        %swap3A_2785 = vector.shape_cast %swap3A_2784 : vector<16xi32> to vector<16xi32>
        %swap3A_2786 = vector.shape_cast %add3A_2782 : vector<16xi32> to vector<16xi32>
        tpu.vector_store %arg51[%swap3A_2783], %swap3A_2786 {strides = array<i32>} : memref<128xi32, #tpu.memory_space<vmem>>, vector<16xi32>,
        %get3A_2787 = arith.index_cast %add3A_2506 : i32 to index
        %get3A_2788 = arith.constant 80 : index
        %get3A_2789 = tpu.vector_load %arg10[%get3A_2787, %get3A_2788] {strides = array<i32>} : memref<122x128xi32, #tpu.memory_space<vmem>>, vector<1x16xi32>,
        %get3A_2790 = vector.shape_cast %get3A_2789 : vector<1x16xi32> to vector<16xi32>
        %shift_left3A_2791 = arith.constant 2 : i32
        %shift_left3A_2792 = vector.broadcast %shift_left3A_2791 : i32 to vector<16xi32>
        %shift_left3A_2793 = arith.shli %get3A_2790, %shift_left3A_2792 : vector<16xi32>
        %get3A_2794 = arith.index_cast %add3A_2506 : i32 to index
        %get3A_2795 = arith.constant 80 : index
        %get3A_2796 = tpu.vector_load %arg11[%get3A_2794, %get3A_2795] {strides = array<i32>} : memref<122x128xi32, #tpu.memory_space<vmem>>, vector<1x16xi32>,
        %get3A_2797 = vector.shape_cast %get3A_2796 : vector<1x16xi32> to vector<16xi32>
        %shift_left3A_2798 = arith.constant 2 : i32
        %shift_left3A_2799 = vector.broadcast %shift_left3A_2798 : i32 to vector<16xi32>
        %shift_left3A_2800 = arith.shli %get3A_2797, %shift_left3A_2799 : vector<16xi32>
        %add3A_2801 = arith.constant 1 : i32
        %add3A_2802 = vector.broadcast %add3A_2801 : i32 to vector<16xi32>
        %add3A_2803 = arith.addi %shift_left3A_2793, %add3A_2802 : vector<16xi32>
        %swap3A_2804 = arith.constant 80 : index
        %swap3A_2805 = tpu.vector_load %arg46[%swap3A_2804] {strides = array<i32>} : memref<128xi32, #tpu.memory_space<vmem>>, vector<16xi32>,
        %swap3A_2806 = vector.shape_cast %swap3A_2805 : vector<16xi32> to vector<16xi32>
        %swap3A_2807 = vector.shape_cast %add3A_2803 : vector<16xi32> to vector<16xi32>
        tpu.vector_store %arg46[%swap3A_2804], %swap3A_2807 {strides = array<i32>} : memref<128xi32, #tpu.memory_space<vmem>>, vector<16xi32>,
        %add3A_2808 = arith.constant 2 : i32
        %add3A_2809 = vector.broadcast %add3A_2808 : i32 to vector<16xi32>
        %add3A_2810 = arith.addi %shift_left3A_2793, %add3A_2809 : vector<16xi32>
        %swap3A_2811 = arith.constant 80 : index
        %swap3A_2812 = tpu.vector_load %arg47[%swap3A_2811] {strides = array<i32>} : memref<128xi32, #tpu.memory_space<vmem>>, vector<16xi32>,
        %swap3A_2813 = vector.shape_cast %swap3A_2812 : vector<16xi32> to vector<16xi32>
        %swap3A_2814 = vector.shape_cast %add3A_2810 : vector<16xi32> to vector<16xi32>
        tpu.vector_store %arg47[%swap3A_2811], %swap3A_2814 {strides = array<i32>} : memref<128xi32, #tpu.memory_space<vmem>>, vector<16xi32>,
        %add3A_2815 = arith.constant 3 : i32
        %add3A_2816 = vector.broadcast %add3A_2815 : i32 to vector<16xi32>
        %add3A_2817 = arith.addi %shift_left3A_2793, %add3A_2816 : vector<16xi32>
        %swap3A_2818 = arith.constant 80 : index
        %swap3A_2819 = tpu.vector_load %arg48[%swap3A_2818] {strides = array<i32>} : memref<128xi32, #tpu.memory_space<vmem>>, vector<16xi32>,
        %swap3A_2820 = vector.shape_cast %swap3A_2819 : vector<16xi32> to vector<16xi32>
        %swap3A_2821 = vector.shape_cast %add3A_2817 : vector<16xi32> to vector<16xi32>
        tpu.vector_store %arg48[%swap3A_2818], %swap3A_2821 {strides = array<i32>} : memref<128xi32, #tpu.memory_space<vmem>>, vector<16xi32>,
        %add3A_2822 = arith.constant 1 : i32
        %add3A_2823 = vector.broadcast %add3A_2822 : i32 to vector<16xi32>
        %add3A_2824 = arith.addi %shift_left3A_2800, %add3A_2823 : vector<16xi32>
        %swap3A_2825 = arith.constant 80 : index
        %swap3A_2826 = tpu.vector_load %arg49[%swap3A_2825] {strides = array<i32>} : memref<128xi32, #tpu.memory_space<vmem>>, vector<16xi32>,
        %swap3A_2827 = vector.shape_cast %swap3A_2826 : vector<16xi32> to vector<16xi32>
        %swap3A_2828 = vector.shape_cast %add3A_2824 : vector<16xi32> to vector<16xi32>
        tpu.vector_store %arg49[%swap3A_2825], %swap3A_2828 {strides = array<i32>} : memref<128xi32, #tpu.memory_space<vmem>>, vector<16xi32>,
        %add3A_2829 = arith.constant 2 : i32
        %add3A_2830 = vector.broadcast %add3A_2829 : i32 to vector<16xi32>
        %add3A_2831 = arith.addi %shift_left3A_2800, %add3A_2830 : vector<16xi32>
        %swap3A_2832 = arith.constant 80 : index
        %swap3A_2833 = tpu.vector_load %arg50[%swap3A_2832] {strides = array<i32>} : memref<128xi32, #tpu.memory_space<vmem>>, vector<16xi32>,
        %swap3A_2834 = vector.shape_cast %swap3A_2833 : vector<16xi32> to vector<16xi32>
        %swap3A_2835 = vector.shape_cast %add3A_2831 : vector<16xi32> to vector<16xi32>
        tpu.vector_store %arg50[%swap3A_2832], %swap3A_2835 {strides = array<i32>} : memref<128xi32, #tpu.memory_space<vmem>>, vector<16xi32>,
        %add3A_2836 = arith.constant 3 : i32
        %add3A_2837 = vector.broadcast %add3A_2836 : i32 to vector<16xi32>
        %add3A_2838 = arith.addi %shift_left3A_2800, %add3A_2837 : vector<16xi32>
        %swap3A_2839 = arith.constant 80 : index
        %swap3A_2840 = tpu.vector_load %arg51[%swap3A_2839] {strides = array<i32>} : memref<128xi32, #tpu.memory_space<vmem>>, vector<16xi32>,
        %swap3A_2841 = vector.shape_cast %swap3A_2840 : vector<16xi32> to vector<16xi32>
        %swap3A_2842 = vector.shape_cast %add3A_2838 : vector<16xi32> to vector<16xi32>
        tpu.vector_store %arg51[%swap3A_2839], %swap3A_2842 {strides = array<i32>} : memref<128xi32, #tpu.memory_space<vmem>>, vector<16xi32>,
        %get3A_2843 = arith.index_cast %add3A_2506 : i32 to index
        %get3A_2844 = arith.constant 96 : index
        %get3A_2845 = tpu.vector_load %arg10[%get3A_2843, %get3A_2844] {strides = array<i32>} : memref<122x128xi32, #tpu.memory_space<vmem>>, vector<1x16xi32>,
        %get3A_2846 = vector.shape_cast %get3A_2845 : vector<1x16xi32> to vector<16xi32>
        %shift_left3A_2847 = arith.constant 2 : i32
        %shift_left3A_2848 = vector.broadcast %shift_left3A_2847 : i32 to vector<16xi32>
        %shift_left3A_2849 = arith.shli %get3A_2846, %shift_left3A_2848 : vector<16xi32>
        %get3A_2850 = arith.index_cast %add3A_2506 : i32 to index
        %get3A_2851 = arith.constant 96 : index
        %get3A_2852 = tpu.vector_load %arg11[%get3A_2850, %get3A_2851] {strides = array<i32>} : memref<122x128xi32, #tpu.memory_space<vmem>>, vector<1x16xi32>,
        %get3A_2853 = vector.shape_cast %get3A_2852 : vector<1x16xi32> to vector<16xi32>
        %shift_left3A_2854 = arith.constant 2 : i32
        %shift_left3A_2855 = vector.broadcast %shift_left3A_2854 : i32 to vector<16xi32>
        %shift_left3A_2856 = arith.shli %get3A_2853, %shift_left3A_2855 : vector<16xi32>
        %add3A_2857 = arith.constant 1 : i32
        %add3A_2858 = vector.broadcast %add3A_2857 : i32 to vector<16xi32>
        %add3A_2859 = arith.addi %shift_left3A_2849, %add3A_2858 : vector<16xi32>
        %swap3A_2860 = arith.constant 96 : index
        %swap3A_2861 = tpu.vector_load %arg46[%swap3A_2860] {strides = array<i32>} : memref<128xi32, #tpu.memory_space<vmem>>, vector<16xi32>,
        %swap3A_2862 = vector.shape_cast %swap3A_2861 : vector<16xi32> to vector<16xi32>
        %swap3A_2863 = vector.shape_cast %add3A_2859 : vector<16xi32> to vector<16xi32>
        tpu.vector_store %arg46[%swap3A_2860], %swap3A_2863 {strides = array<i32>} : memref<128xi32, #tpu.memory_space<vmem>>, vector<16xi32>,
        %add3A_2864 = arith.constant 2 : i32
        %add3A_2865 = vector.broadcast %add3A_2864 : i32 to vector<16xi32>
        %add3A_2866 = arith.addi %shift_left3A_2849, %add3A_2865 : vector<16xi32>
        %swap3A_2867 = arith.constant 96 : index
        %swap3A_2868 = tpu.vector_load %arg47[%swap3A_2867] {strides = array<i32>} : memref<128xi32, #tpu.memory_space<vmem>>, vector<16xi32>,
        %swap3A_2869 = vector.shape_cast %swap3A_2868 : vector<16xi32> to vector<16xi32>
        %swap3A_2870 = vector.shape_cast %add3A_2866 : vector<16xi32> to vector<16xi32>
        tpu.vector_store %arg47[%swap3A_2867], %swap3A_2870 {strides = array<i32>} : memref<128xi32, #tpu.memory_space<vmem>>, vector<16xi32>,
        %add3A_2871 = arith.constant 3 : i32
        %add3A_2872 = vector.broadcast %add3A_2871 : i32 to vector<16xi32>
        %add3A_2873 = arith.addi %shift_left3A_2849, %add3A_2872 : vector<16xi32>
        %swap3A_2874 = arith.constant 96 : index
        %swap3A_2875 = tpu.vector_load %arg48[%swap3A_2874] {strides = array<i32>} : memref<128xi32, #tpu.memory_space<vmem>>, vector<16xi32>,
        %swap3A_2876 = vector.shape_cast %swap3A_2875 : vector<16xi32> to vector<16xi32>
        %swap3A_2877 = vector.shape_cast %add3A_2873 : vector<16xi32> to vector<16xi32>
        tpu.vector_store %arg48[%swap3A_2874], %swap3A_2877 {strides = array<i32>} : memref<128xi32, #tpu.memory_space<vmem>>, vector<16xi32>,
        %add3A_2878 = arith.constant 1 : i32
        %add3A_2879 = vector.broadcast %add3A_2878 : i32 to vector<16xi32>
        %add3A_2880 = arith.addi %shift_left3A_2856, %add3A_2879 : vector<16xi32>
        %swap3A_2881 = arith.constant 96 : index
        %swap3A_2882 = tpu.vector_load %arg49[%swap3A_2881] {strides = array<i32>} : memref<128xi32, #tpu.memory_space<vmem>>, vector<16xi32>,
        %swap3A_2883 = vector.shape_cast %swap3A_2882 : vector<16xi32> to vector<16xi32>
        %swap3A_2884 = vector.shape_cast %add3A_2880 : vector<16xi32> to vector<16xi32>
        tpu.vector_store %arg49[%swap3A_2881], %swap3A_2884 {strides = array<i32>} : memref<128xi32, #tpu.memory_space<vmem>>, vector<16xi32>,
        %add3A_2885 = arith.constant 2 : i32
        %add3A_2886 = vector.broadcast %add3A_2885 : i32 to vector<16xi32>
        %add3A_2887 = arith.addi %shift_left3A_2856, %add3A_2886 : vector<16xi32>
        %swap3A_2888 = arith.constant 96 : index
        %swap3A_2889 = tpu.vector_load %arg50[%swap3A_2888] {strides = array<i32>} : memref<128xi32, #tpu.memory_space<vmem>>, vector<16xi32>,
        %swap3A_2890 = vector.shape_cast %swap3A_2889 : vector<16xi32> to vector<16xi32>
        %swap3A_2891 = vector.shape_cast %add3A_2887 : vector<16xi32> to vector<16xi32>
        tpu.vector_store %arg50[%swap3A_2888], %swap3A_2891 {strides = array<i32>} : memref<128xi32, #tpu.memory_space<vmem>>, vector<16xi32>,
        %add3A_2892 = arith.constant 3 : i32
        %add3A_2893 = vector.broadcast %add3A_2892 : i32 to vector<16xi32>
        %add3A_2894 = arith.addi %shift_left3A_2856, %add3A_2893 : vector<16xi32>
        %swap3A_2895 = arith.constant 96 : index
        %swap3A_2896 = tpu.vector_load %arg51[%swap3A_2895] {strides = array<i32>} : memref<128xi32, #tpu.memory_space<vmem>>, vector<16xi32>,
        %swap3A_2897 = vector.shape_cast %swap3A_2896 : vector<16xi32> to vector<16xi32>
        %swap3A_2898 = vector.shape_cast %add3A_2894 : vector<16xi32> to vector<16xi32>
        tpu.vector_store %arg51[%swap3A_2895], %swap3A_2898 {strides = array<i32>} : memref<128xi32, #tpu.memory_space<vmem>>, vector<16xi32>,
        %get3A_2899 = arith.index_cast %add3A_2506 : i32 to index
        %get3A_2900 = arith.constant 112 : index
        %get3A_2901 = tpu.vector_load %arg10[%get3A_2899, %get3A_2900] {strides = array<i32>} : memref<122x128xi32, #tpu.memory_space<vmem>>, vector<1x16xi32>,
        %get3A_2902 = vector.shape_cast %get3A_2901 : vector<1x16xi32> to vector<16xi32>
        %shift_left3A_2903 = arith.constant 2 : i32
        %shift_left3A_2904 = vector.broadcast %shift_left3A_2903 : i32 to vector<16xi32>
        %shift_left3A_2905 = arith.shli %get3A_2902, %shift_left3A_2904 : vector<16xi32>
        %get3A_2906 = arith.index_cast %add3A_2506 : i32 to index
        %get3A_2907 = arith.constant 112 : index
        %get3A_2908 = tpu.vector_load %arg11[%get3A_2906, %get3A_2907] {strides = array<i32>} : memref<122x128xi32, #tpu.memory_space<vmem>>, vector<1x16xi32>,
        %get3A_2909 = vector.shape_cast %get3A_2908 : vector<1x16xi32> to vector<16xi32>
        %shift_left3A_2910 = arith.constant 2 : i32
        %shift_left3A_2911 = vector.broadcast %shift_left3A_2910 : i32 to vector<16xi32>
        %shift_left3A_2912 = arith.shli %get3A_2909, %shift_left3A_2911 : vector<16xi32>
        %add3A_2913 = arith.constant 1 : i32
        %add3A_2914 = vector.broadcast %add3A_2913 : i32 to vector<16xi32>
        %add3A_2915 = arith.addi %shift_left3A_2905, %add3A_2914 : vector<16xi32>
        %swap3A_2916 = arith.constant 112 : index
        %swap3A_2917 = tpu.vector_load %arg46[%swap3A_2916] {strides = array<i32>} : memref<128xi32, #tpu.memory_space<vmem>>, vector<16xi32>,
        %swap3A_2918 = vector.shape_cast %swap3A_2917 : vector<16xi32> to vector<16xi32>
        %swap3A_2919 = vector.shape_cast %add3A_2915 : vector<16xi32> to vector<16xi32>
        tpu.vector_store %arg46[%swap3A_2916], %swap3A_2919 {strides = array<i32>} : memref<128xi32, #tpu.memory_space<vmem>>, vector<16xi32>,
        %add3A_2920 = arith.constant 2 : i32
        %add3A_2921 = vector.broadcast %add3A_2920 : i32 to vector<16xi32>
        %add3A_2922 = arith.addi %shift_left3A_2905, %add3A_2921 : vector<16xi32>
        %swap3A_2923 = arith.constant 112 : index
        %swap3A_2924 = tpu.vector_load %arg47[%swap3A_2923] {strides = array<i32>} : memref<128xi32, #tpu.memory_space<vmem>>, vector<16xi32>,
        %swap3A_2925 = vector.shape_cast %swap3A_2924 : vector<16xi32> to vector<16xi32>
        %swap3A_2926 = vector.shape_cast %add3A_2922 : vector<16xi32> to vector<16xi32>
        tpu.vector_store %arg47[%swap3A_2923], %swap3A_2926 {strides = array<i32>} : memref<128xi32, #tpu.memory_space<vmem>>, vector<16xi32>,
        %add3A_2927 = arith.constant 3 : i32
        %add3A_2928 = vector.broadcast %add3A_2927 : i32 to vector<16xi32>
        %add3A_2929 = arith.addi %shift_left3A_2905, %add3A_2928 : vector<16xi32>
        %swap3A_2930 = arith.constant 112 : index
        %swap3A_2931 = tpu.vector_load %arg48[%swap3A_2930] {strides = array<i32>} : memref<128xi32, #tpu.memory_space<vmem>>, vector<16xi32>,
        %swap3A_2932 = vector.shape_cast %swap3A_2931 : vector<16xi32> to vector<16xi32>
        %swap3A_2933 = vector.shape_cast %add3A_2929 : vector<16xi32> to vector<16xi32>
        tpu.vector_store %arg48[%swap3A_2930], %swap3A_2933 {strides = array<i32>} : memref<128xi32, #tpu.memory_space<vmem>>, vector<16xi32>,
        %add3A_2934 = arith.constant 1 : i32
        %add3A_2935 = vector.broadcast %add3A_2934 : i32 to vector<16xi32>
        %add3A_2936 = arith.addi %shift_left3A_2912, %add3A_2935 : vector<16xi32>
        %swap3A_2937 = arith.constant 112 : index
        %swap3A_2938 = tpu.vector_load %arg49[%swap3A_2937] {strides = array<i32>} : memref<128xi32, #tpu.memory_space<vmem>>, vector<16xi32>,
        %swap3A_2939 = vector.shape_cast %swap3A_2938 : vector<16xi32> to vector<16xi32>
        %swap3A_2940 = vector.shape_cast %add3A_2936 : vector<16xi32> to vector<16xi32>
        tpu.vector_store %arg49[%swap3A_2937], %swap3A_2940 {strides = array<i32>} : memref<128xi32, #tpu.memory_space<vmem>>, vector<16xi32>,
        %add3A_2941 = arith.constant 2 : i32
        %add3A_2942 = vector.broadcast %add3A_2941 : i32 to vector<16xi32>
        %add3A_2943 = arith.addi %shift_left3A_2912, %add3A_2942 : vector<16xi32>
        %swap3A_2944 = arith.constant 112 : index
        %swap3A_2945 = tpu.vector_load %arg50[%swap3A_2944] {strides = array<i32>} : memref<128xi32, #tpu.memory_space<vmem>>, vector<16xi32>,
        %swap3A_2946 = vector.shape_cast %swap3A_2945 : vector<16xi32> to vector<16xi32>
        %swap3A_2947 = vector.shape_cast %add3A_2943 : vector<16xi32> to vector<16xi32>
        tpu.vector_store %arg50[%swap3A_2944], %swap3A_2947 {strides = array<i32>} : memref<128xi32, #tpu.memory_space<vmem>>, vector<16xi32>,
        %add3A_2948 = arith.constant 3 : i32
        %add3A_2949 = vector.broadcast %add3A_2948 : i32 to vector<16xi32>
        %add3A_2950 = arith.addi %shift_left3A_2912, %add3A_2949 : vector<16xi32>
        %swap3A_2951 = arith.constant 112 : index
        %swap3A_2952 = tpu.vector_load %arg51[%swap3A_2951] {strides = array<i32>} : memref<128xi32, #tpu.memory_space<vmem>>, vector<16xi32>,
        %swap3A_2953 = vector.shape_cast %swap3A_2952 : vector<16xi32> to vector<16xi32>
        %swap3A_2954 = vector.shape_cast %add3A_2950 : vector<16xi32> to vector<16xi32>
        tpu.vector_store %arg51[%swap3A_2951], %swap3A_2954 {strides = array<i32>} : memref<128xi32, #tpu.memory_space<vmem>>, vector<16xi32>,
        %dma_start3A_2955 = arith.constant 0 : i32
        %dma_start3A_2956 = tpu.memref_slice %arg53[%dma_start3A_2955] : memref<200192xf32, #tpu.memory_space<vmem_shared>> -> memref<200192xf32, #tpu.memory_space<vmem_shared>>
        tpu.enqueue_indirect_dma source(%dma_start3A_2956 : memref<200192xf32, #tpu.memory_space<vmem_shared>>) target(%arg20 : memref<128xf32, #tpu.memory_space<vmem>>) offsets(%arg46 : memref<128xi32, #tpu.memory_space<vmem>>) semaphore(%arg59 : memref<!tpu.dma_semaphore, #tpu.memory_space<semaphore_mem>>)
        %dma_start3A_2957 = arith.constant 0 : i32
        %dma_start3A_2958 = tpu.memref_slice %arg53[%dma_start3A_2957] : memref<200192xf32, #tpu.memory_space<vmem_shared>> -> memref<200192xf32, #tpu.memory_space<vmem_shared>>
        tpu.enqueue_indirect_dma source(%dma_start3A_2958 : memref<200192xf32, #tpu.memory_space<vmem_shared>>) target(%arg21 : memref<128xf32, #tpu.memory_space<vmem>>) offsets(%arg47 : memref<128xi32, #tpu.memory_space<vmem>>) semaphore(%arg59 : memref<!tpu.dma_semaphore, #tpu.memory_space<semaphore_mem>>)
        %dma_start3A_2959 = arith.constant 0 : i32
        %dma_start3A_2960 = tpu.memref_slice %arg53[%dma_start3A_2959] : memref<200192xf32, #tpu.memory_space<vmem_shared>> -> memref<200192xf32, #tpu.memory_space<vmem_shared>>
        tpu.enqueue_indirect_dma source(%dma_start3A_2960 : memref<200192xf32, #tpu.memory_space<vmem_shared>>) target(%arg22 : memref<128xf32, #tpu.memory_space<vmem>>) offsets(%arg48 : memref<128xi32, #tpu.memory_space<vmem>>) semaphore(%arg59 : memref<!tpu.dma_semaphore, #tpu.memory_space<semaphore_mem>>)
        %dma_start3A_2961 = arith.constant 0 : i32
        %dma_start3A_2962 = tpu.memref_slice %arg53[%dma_start3A_2961] : memref<200192xf32, #tpu.memory_space<vmem_shared>> -> memref<200192xf32, #tpu.memory_space<vmem_shared>>
        tpu.enqueue_indirect_dma source(%dma_start3A_2962 : memref<200192xf32, #tpu.memory_space<vmem_shared>>) target(%arg23 : memref<128xf32, #tpu.memory_space<vmem>>) offsets(%arg49 : memref<128xi32, #tpu.memory_space<vmem>>) semaphore(%arg59 : memref<!tpu.dma_semaphore, #tpu.memory_space<semaphore_mem>>)
        %dma_start3A_2963 = arith.constant 0 : i32
        %dma_start3A_2964 = tpu.memref_slice %arg53[%dma_start3A_2963] : memref<200192xf32, #tpu.memory_space<vmem_shared>> -> memref<200192xf32, #tpu.memory_space<vmem_shared>>
        tpu.enqueue_indirect_dma source(%dma_start3A_2964 : memref<200192xf32, #tpu.memory_space<vmem_shared>>) target(%arg24 : memref<128xf32, #tpu.memory_space<vmem>>) offsets(%arg50 : memref<128xi32, #tpu.memory_space<vmem>>) semaphore(%arg59 : memref<!tpu.dma_semaphore, #tpu.memory_space<semaphore_mem>>)
        %dma_start3A_2965 = arith.constant 0 : i32
        %dma_start3A_2966 = tpu.memref_slice %arg53[%dma_start3A_2965] : memref<200192xf32, #tpu.memory_space<vmem_shared>> -> memref<200192xf32, #tpu.memory_space<vmem_shared>>
        tpu.enqueue_indirect_dma source(%dma_start3A_2966 : memref<200192xf32, #tpu.memory_space<vmem_shared>>) target(%arg25 : memref<128xf32, #tpu.memory_space<vmem>>) offsets(%arg51 : memref<128xi32, #tpu.memory_space<vmem>>) semaphore(%arg59 : memref<!tpu.dma_semaphore, #tpu.memory_space<semaphore_mem>>)
      } else {
      }
      %ge3A = arith.constant 2 : i32
      %ge3A_659 = arith.cmpi sge, %add3A_652, %ge3A : i32
      %convert_element_type3A_660 = arith.extui %ge3A_659 : i1 to i32
      %cond3A_661 = arith.constant 0 : i32
      %cond3A_662 = arith.cmpi ne, %convert_element_type3A_660, %cond3A_661 : i32
      scf.if %cond3A_662 {
        %dma_wait3A_2505 = arith.constant 0 : i32
        %dma_wait3A_2506 = tpu.memref_slice %arg52[%dma_wait3A_2505] : memref<12512xf32, #tpu.memory_space<vmem>> -> memref<896xf32, #tpu.memory_space<vmem>>
        %dma_wait3A_2507 = arith.constant 0 : i32
        %dma_wait3A_2508 = tpu.memref_slice %arg7[%dma_wait3A_2507] : memref<3128xf32, #tpu.memory_space<hbm>> -> memref<896xf32, #tpu.memory_space<hbm>>
        %dma_wait3A_2509 = arith.constant 0 : i32
        %dma_wait3A_2510 = tpu.memref_slice %arg52[%dma_wait3A_2509] : memref<12512xf32, #tpu.memory_space<vmem>> -> memref<896xf32, #tpu.memory_space<vmem>>
        %dma_wait3A_2511 = arith.constant 0 : i32
        %dma_wait3A_2512 = tpu.memref_slice %arg7[%dma_wait3A_2511] : memref<3128xf32, #tpu.memory_space<hbm>> -> memref<896xf32, #tpu.memory_space<hbm>>
        tpu.wait_dma2 semaphore(%arg60 : memref<!tpu.dma_semaphore, #tpu.memory_space<semaphore_mem>>) src(%dma_wait3A_2512 : memref<896xf32, #tpu.memory_space<hbm>>) dst(%dma_wait3A_2510 : memref<896xf32, #tpu.memory_space<vmem>>)
      } else {
      }
      %dma_wait3A_663 = arith.constant 0 : i32
      %dma_wait3A_664 = tpu.memref_slice %arg52[%dma_wait3A_663] : memref<12512xf32, #tpu.memory_space<vmem>> -> memref<768xf32, #tpu.memory_space<vmem>>
      %dma_wait3A_665 = arith.constant 0 : i32
      %dma_wait3A_666 = tpu.memref_slice %arg7[%dma_wait3A_665] : memref<3128xf32, #tpu.memory_space<hbm>> -> memref<768xf32, #tpu.memory_space<hbm>>
      %dma_wait3A_667 = arith.constant 0 : i32
      %dma_wait3A_668 = tpu.memref_slice %arg52[%dma_wait3A_667] : memref<12512xf32, #tpu.memory_space<vmem>> -> memref<768xf32, #tpu.memory_space<vmem>>
      %dma_wait3A_669 = arith.constant 0 : i32
      %dma_wait3A_670 = tpu.memref_slice %arg7[%dma_wait3A_669] : memref<3128xf32, #tpu.memory_space<hbm>> -> memref<768xf32, #tpu.memory_space<hbm>>
      tpu.wait_dma2 semaphore(%arg58 : memref<!tpu.dma_semaphore, #tpu.memory_space<semaphore_mem>>) src(%dma_wait3A_670 : memref<768xf32, #tpu.memory_space<hbm>>) dst(%dma_wait3A_668 : memref<768xf32, #tpu.memory_space<vmem>>)
      %get3A_671 = arith.constant 0 : index
      %get3A_672 = tpu.vector_load %arg14[%get3A_671] {strides = array<i32>} : memref<128xf32, #tpu.memory_space<vmem>>, vector<16xf32>,
      %get3A_673 = vector.shape_cast %get3A_672 : vector<16xf32> to vector<16xf32>
      %get3A_674 = arith.constant 0 : index
      %get3A_675 = tpu.vector_load %arg17[%get3A_674] {strides = array<i32>} : memref<128xf32, #tpu.memory_space<vmem>>, vector<16xf32>,
      %get3A_676 = vector.shape_cast %get3A_675 : vector<16xf32> to vector<16xf32>
      %sub3A = arith.subf %get3A_673, %get3A_676 : vector<16xf32>
      %get3A_677 = arith.constant 0 : index
      %get3A_678 = tpu.vector_load %arg15[%get3A_677] {strides = array<i32>} : memref<128xf32, #tpu.memory_space<vmem>>, vector<16xf32>,
      %get3A_679 = vector.shape_cast %get3A_678 : vector<16xf32> to vector<16xf32>
      %get3A_680 = arith.constant 0 : index
      %get3A_681 = tpu.vector_load %arg18[%get3A_680] {strides = array<i32>} : memref<128xf32, #tpu.memory_space<vmem>>, vector<16xf32>,
      %get3A_682 = vector.shape_cast %get3A_681 : vector<16xf32> to vector<16xf32>
      %sub3A_683 = arith.subf %get3A_679, %get3A_682 : vector<16xf32>
      %get3A_684 = arith.constant 0 : index
      %get3A_685 = tpu.vector_load %arg16[%get3A_684] {strides = array<i32>} : memref<128xf32, #tpu.memory_space<vmem>>, vector<16xf32>,
      %get3A_686 = vector.shape_cast %get3A_685 : vector<16xf32> to vector<16xf32>
      %get3A_687 = arith.constant 0 : index
      %get3A_688 = tpu.vector_load %arg19[%get3A_687] {strides = array<i32>} : memref<128xf32, #tpu.memory_space<vmem>>, vector<16xf32>,
      %get3A_689 = vector.shape_cast %get3A_688 : vector<16xf32> to vector<16xf32>
      %sub3A_690 = arith.subf %get3A_686, %get3A_689 : vector<16xf32>
      %mul3A_691 = arith.mulf %sub3A, %sub3A : vector<16xf32>
      %mul3A_692 = arith.mulf %sub3A_683, %sub3A_683 : vector<16xf32>
      %add3A_693 = arith.addf %mul3A_691, %mul3A_692 : vector<16xf32>
      %mul3A_694 = arith.mulf %sub3A_690, %sub3A_690 : vector<16xf32>
      %add3A_695 = arith.addf %add3A_693, %mul3A_694 : vector<16xf32>
      %bitcast_convert_type3A = tpu.bitcast %add3A_695 : vector<16xf32> -> vector<16xi32>
      %shift_right_logical3A = arith.constant 1 : i32
      %shift_right_logical3A_696 = vector.broadcast %shift_right_logical3A : i32 to vector<16xi32>
      %shift_right_logical3A_697 = arith.shrui %bitcast_convert_type3A, %shift_right_logical3A_696 : vector<16xi32>
      %sub3A_698 = arith.constant 1597463007 : i32
      %sub3A_699 = vector.broadcast %sub3A_698 : i32 to vector<16xi32>
      %sub3A_700 = arith.subi %sub3A_699, %shift_right_logical3A_697 : vector<16xi32>
      %bitcast_convert_type3A_701 = tpu.bitcast %sub3A_700 : vector<16xi32> -> vector<16xf32>
      %mul3A_702 = arith.constant 5.000000e-01 : f32
      %mul3A_703 = vector.broadcast %mul3A_702 : f32 to vector<16xf32>
      %mul3A_704 = arith.mulf %mul3A_703, %add3A_695 : vector<16xf32>
      %mul3A_705 = arith.mulf %mul3A_704, %bitcast_convert_type3A_701 : vector<16xf32>
      %mul3A_706 = arith.mulf %mul3A_705, %bitcast_convert_type3A_701 : vector<16xf32>
      %sub3A_707 = arith.constant 1.500000e+00 : f32
      %sub3A_708 = vector.broadcast %sub3A_707 : f32 to vector<16xf32>
      %sub3A_709 = arith.subf %sub3A_708, %mul3A_706 : vector<16xf32>
      %mul3A_710 = arith.mulf %bitcast_convert_type3A_701, %sub3A_709 : vector<16xf32>
      %mul3A_711 = arith.constant 5.000000e-01 : f32
      %mul3A_712 = vector.broadcast %mul3A_711 : f32 to vector<16xf32>
      %mul3A_713 = arith.mulf %mul3A_712, %add3A_695 : vector<16xf32>
      %mul3A_714 = arith.mulf %mul3A_713, %mul3A_710 : vector<16xf32>
      %mul3A_715 = arith.mulf %mul3A_714, %mul3A_710 : vector<16xf32>
      %sub3A_716 = arith.constant 1.500000e+00 : f32
      %sub3A_717 = vector.broadcast %sub3A_716 : f32 to vector<16xf32>
      %sub3A_718 = arith.subf %sub3A_717, %mul3A_715 : vector<16xf32>
      %mul3A_719 = arith.mulf %mul3A_710, %sub3A_718 : vector<16xf32>
      %mul3A_720 = arith.constant 128 : i32
      %mul3A_721 = arith.muli %add3A_652, %mul3A_720 : i32
      %add3A_722 = arith.constant 0 : i32
      %add3A_723 = arith.addi %mul3A_721, %add3A_722 : i32
      %get3A_724 = arith.index_cast %add3A_723 : i32 to index
      %get3A_725 = tpu.vector_load %arg13[%get3A_724] {strides = array<i32>} : memref<15616xf32, #tpu.memory_space<vmem>>, vector<16xf32>,
      %get3A_726 = vector.shape_cast %get3A_725 : vector<16xf32> to vector<16xf32>
      %mul3A_727 = arith.mulf %add3A_695, %mul3A_719 : vector<16xf32>
      %sub3A_728 = arith.subf %mul3A_727, %get3A_726 : vector<16xf32>
      %mul3A_729 = arith.constant 2.000000e+01 : f32
      %mul3A_730 = vector.broadcast %mul3A_729 : f32 to vector<16xf32>
      %mul3A_731 = arith.mulf %mul3A_730, %sub3A_728 : vector<16xf32>
      %mul3A_732 = arith.mulf %mul3A_731, %sub3A_728 : vector<16xf32>
      %mul3A_733 = arith.constant 4.000000e+01 : f32
      %mul3A_734 = vector.broadcast %mul3A_733 : f32 to vector<16xf32>
      %mul3A_735 = arith.mulf %mul3A_734, %sub3A_728 : vector<16xf32>
      %mul3A_736 = arith.mulf %mul3A_735, %mul3A_719 : vector<16xf32>
      %mul3A_737 = arith.mulf %mul3A_736, %sub3A : vector<16xf32>
      %mul3A_738 = arith.mulf %mul3A_736, %sub3A_683 : vector<16xf32>
      %mul3A_739 = arith.mulf %mul3A_736, %sub3A_690 : vector<16xf32>
      %swap3A_740 = arith.constant 0 : index
      %swap3A_741 = tpu.vector_load %arg26[%swap3A_740] {strides = array<i32>} : memref<128xf32, #tpu.memory_space<vmem>>, vector<16xf32>,
      %swap3A_742 = vector.shape_cast %swap3A_741 : vector<16xf32> to vector<16xf32>
      %swap3A_743 = vector.shape_cast %mul3A_737 : vector<16xf32> to vector<16xf32>
      tpu.vector_store %arg26[%swap3A_740], %swap3A_743 {strides = array<i32>} : memref<128xf32, #tpu.memory_space<vmem>>, vector<16xf32>,
      %swap3A_744 = arith.constant 0 : index
      %swap3A_745 = tpu.vector_load %arg27[%swap3A_744] {strides = array<i32>} : memref<128xf32, #tpu.memory_space<vmem>>, vector<16xf32>,
      %swap3A_746 = vector.shape_cast %swap3A_745 : vector<16xf32> to vector<16xf32>
      %swap3A_747 = vector.shape_cast %mul3A_738 : vector<16xf32> to vector<16xf32>
      tpu.vector_store %arg27[%swap3A_744], %swap3A_747 {strides = array<i32>} : memref<128xf32, #tpu.memory_space<vmem>>, vector<16xf32>,
      %swap3A_748 = arith.constant 0 : index
      %swap3A_749 = tpu.vector_load %arg28[%swap3A_748] {strides = array<i32>} : memref<128xf32, #tpu.memory_space<vmem>>, vector<16xf32>,
      %swap3A_750 = vector.shape_cast %swap3A_749 : vector<16xf32> to vector<16xf32>
      %swap3A_751 = vector.shape_cast %mul3A_739 : vector<16xf32> to vector<16xf32>
      tpu.vector_store %arg28[%swap3A_748], %swap3A_751 {strides = array<i32>} : memref<128xf32, #tpu.memory_space<vmem>>, vector<16xf32>,
      %neg3A = arith.constant 0.000000e+00 : f32
      %neg3A_752 = vector.broadcast %neg3A : f32 to vector<16xf32>
      %neg3A_753 = arith.subf %neg3A_752, %mul3A_737 : vector<16xf32>
      %swap3A_754 = arith.constant 0 : index
      %swap3A_755 = tpu.vector_load %arg29[%swap3A_754] {strides = array<i32>} : memref<128xf32, #tpu.memory_space<vmem>>, vector<16xf32>,
      %swap3A_756 = vector.shape_cast %swap3A_755 : vector<16xf32> to vector<16xf32>
      %swap3A_757 = vector.shape_cast %neg3A_753 : vector<16xf32> to vector<16xf32>
      tpu.vector_store %arg29[%swap3A_754], %swap3A_757 {strides = array<i32>} : memref<128xf32, #tpu.memory_space<vmem>>, vector<16xf32>,
      %neg3A_758 = arith.constant 0.000000e+00 : f32
      %neg3A_759 = vector.broadcast %neg3A_758 : f32 to vector<16xf32>
      %neg3A_760 = arith.subf %neg3A_759, %mul3A_738 : vector<16xf32>
      %swap3A_761 = arith.constant 0 : index
      %swap3A_762 = tpu.vector_load %arg30[%swap3A_761] {strides = array<i32>} : memref<128xf32, #tpu.memory_space<vmem>>, vector<16xf32>,
      %swap3A_763 = vector.shape_cast %swap3A_762 : vector<16xf32> to vector<16xf32>
      %swap3A_764 = vector.shape_cast %neg3A_760 : vector<16xf32> to vector<16xf32>
      tpu.vector_store %arg30[%swap3A_761], %swap3A_764 {strides = array<i32>} : memref<128xf32, #tpu.memory_space<vmem>>, vector<16xf32>,
      %neg3A_765 = arith.constant 0.000000e+00 : f32
      %neg3A_766 = vector.broadcast %neg3A_765 : f32 to vector<16xf32>
      %neg3A_767 = arith.subf %neg3A_766, %mul3A_739 : vector<16xf32>
      %swap3A_768 = arith.constant 0 : index
      %swap3A_769 = tpu.vector_load %arg31[%swap3A_768] {strides = array<i32>} : memref<128xf32, #tpu.memory_space<vmem>>, vector<16xf32>,
      %swap3A_770 = vector.shape_cast %swap3A_769 : vector<16xf32> to vector<16xf32>
      %swap3A_771 = vector.shape_cast %neg3A_767 : vector<16xf32> to vector<16xf32>
      tpu.vector_store %arg31[%swap3A_768], %swap3A_771 {strides = array<i32>} : memref<128xf32, #tpu.memory_space<vmem>>, vector<16xf32>,
      %swap3A_772 = arith.constant 0 : index
      %swap3A_773 = tpu.vector_load %arg32[%swap3A_772] {strides = array<i32>} : memref<128xf32, #tpu.memory_space<vmem>>, vector<16xf32>,
      %swap3A_774 = vector.shape_cast %swap3A_773 : vector<16xf32> to vector<16xf32>
      %swap3A_775 = vector.shape_cast %mul3A_732 : vector<16xf32> to vector<16xf32>
      tpu.vector_store %arg32[%swap3A_772], %swap3A_775 {strides = array<i32>} : memref<128xf32, #tpu.memory_space<vmem>>, vector<16xf32>,
      %get3A_776 = arith.constant 16 : index
      %get3A_777 = tpu.vector_load %arg14[%get3A_776] {strides = array<i32>} : memref<128xf32, #tpu.memory_space<vmem>>, vector<16xf32>,
      %get3A_778 = vector.shape_cast %get3A_777 : vector<16xf32> to vector<16xf32>
      %get3A_779 = arith.constant 16 : index
      %get3A_780 = tpu.vector_load %arg17[%get3A_779] {strides = array<i32>} : memref<128xf32, #tpu.memory_space<vmem>>, vector<16xf32>,
      %get3A_781 = vector.shape_cast %get3A_780 : vector<16xf32> to vector<16xf32>
      %sub3A_782 = arith.subf %get3A_778, %get3A_781 : vector<16xf32>
      %get3A_783 = arith.constant 16 : index
      %get3A_784 = tpu.vector_load %arg15[%get3A_783] {strides = array<i32>} : memref<128xf32, #tpu.memory_space<vmem>>, vector<16xf32>,
      %get3A_785 = vector.shape_cast %get3A_784 : vector<16xf32> to vector<16xf32>
      %get3A_786 = arith.constant 16 : index
      %get3A_787 = tpu.vector_load %arg18[%get3A_786] {strides = array<i32>} : memref<128xf32, #tpu.memory_space<vmem>>, vector<16xf32>,
      %get3A_788 = vector.shape_cast %get3A_787 : vector<16xf32> to vector<16xf32>
      %sub3A_789 = arith.subf %get3A_785, %get3A_788 : vector<16xf32>
      %get3A_790 = arith.constant 16 : index
      %get3A_791 = tpu.vector_load %arg16[%get3A_790] {strides = array<i32>} : memref<128xf32, #tpu.memory_space<vmem>>, vector<16xf32>,
      %get3A_792 = vector.shape_cast %get3A_791 : vector<16xf32> to vector<16xf32>
      %get3A_793 = arith.constant 16 : index
      %get3A_794 = tpu.vector_load %arg19[%get3A_793] {strides = array<i32>} : memref<128xf32, #tpu.memory_space<vmem>>, vector<16xf32>,
      %get3A_795 = vector.shape_cast %get3A_794 : vector<16xf32> to vector<16xf32>
      %sub3A_796 = arith.subf %get3A_792, %get3A_795 : vector<16xf32>
      %mul3A_797 = arith.mulf %sub3A_782, %sub3A_782 : vector<16xf32>
      %mul3A_798 = arith.mulf %sub3A_789, %sub3A_789 : vector<16xf32>
      %add3A_799 = arith.addf %mul3A_797, %mul3A_798 : vector<16xf32>
      %mul3A_800 = arith.mulf %sub3A_796, %sub3A_796 : vector<16xf32>
      %add3A_801 = arith.addf %add3A_799, %mul3A_800 : vector<16xf32>
      %bitcast_convert_type3A_802 = tpu.bitcast %add3A_801 : vector<16xf32> -> vector<16xi32>
      %shift_right_logical3A_803 = arith.constant 1 : i32
      %shift_right_logical3A_804 = vector.broadcast %shift_right_logical3A_803 : i32 to vector<16xi32>
      %shift_right_logical3A_805 = arith.shrui %bitcast_convert_type3A_802, %shift_right_logical3A_804 : vector<16xi32>
      %sub3A_806 = arith.constant 1597463007 : i32
      %sub3A_807 = vector.broadcast %sub3A_806 : i32 to vector<16xi32>
      %sub3A_808 = arith.subi %sub3A_807, %shift_right_logical3A_805 : vector<16xi32>
      %bitcast_convert_type3A_809 = tpu.bitcast %sub3A_808 : vector<16xi32> -> vector<16xf32>
      %mul3A_810 = arith.constant 5.000000e-01 : f32
      %mul3A_811 = vector.broadcast %mul3A_810 : f32 to vector<16xf32>
      %mul3A_812 = arith.mulf %mul3A_811, %add3A_801 : vector<16xf32>
      %mul3A_813 = arith.mulf %mul3A_812, %bitcast_convert_type3A_809 : vector<16xf32>
      %mul3A_814 = arith.mulf %mul3A_813, %bitcast_convert_type3A_809 : vector<16xf32>
      %sub3A_815 = arith.constant 1.500000e+00 : f32
      %sub3A_816 = vector.broadcast %sub3A_815 : f32 to vector<16xf32>
      %sub3A_817 = arith.subf %sub3A_816, %mul3A_814 : vector<16xf32>
      %mul3A_818 = arith.mulf %bitcast_convert_type3A_809, %sub3A_817 : vector<16xf32>
      %mul3A_819 = arith.constant 5.000000e-01 : f32
      %mul3A_820 = vector.broadcast %mul3A_819 : f32 to vector<16xf32>
      %mul3A_821 = arith.mulf %mul3A_820, %add3A_801 : vector<16xf32>
      %mul3A_822 = arith.mulf %mul3A_821, %mul3A_818 : vector<16xf32>
      %mul3A_823 = arith.mulf %mul3A_822, %mul3A_818 : vector<16xf32>
      %sub3A_824 = arith.constant 1.500000e+00 : f32
      %sub3A_825 = vector.broadcast %sub3A_824 : f32 to vector<16xf32>
      %sub3A_826 = arith.subf %sub3A_825, %mul3A_823 : vector<16xf32>
      %mul3A_827 = arith.mulf %mul3A_818, %sub3A_826 : vector<16xf32>
      %mul3A_828 = arith.constant 128 : i32
      %mul3A_829 = arith.muli %add3A_652, %mul3A_828 : i32
      %add3A_830 = arith.constant 16 : i32
      %add3A_831 = arith.addi %mul3A_829, %add3A_830 : i32
      %get3A_832 = arith.index_cast %add3A_831 : i32 to index
      %get3A_833 = tpu.vector_load %arg13[%get3A_832] {strides = array<i32>} : memref<15616xf32, #tpu.memory_space<vmem>>, vector<16xf32>,
      %get3A_834 = vector.shape_cast %get3A_833 : vector<16xf32> to vector<16xf32>
      %mul3A_835 = arith.mulf %add3A_801, %mul3A_827 : vector<16xf32>
      %sub3A_836 = arith.subf %mul3A_835, %get3A_834 : vector<16xf32>
      %mul3A_837 = arith.constant 2.000000e+01 : f32
      %mul3A_838 = vector.broadcast %mul3A_837 : f32 to vector<16xf32>
      %mul3A_839 = arith.mulf %mul3A_838, %sub3A_836 : vector<16xf32>
      %mul3A_840 = arith.mulf %mul3A_839, %sub3A_836 : vector<16xf32>
      %mul3A_841 = arith.constant 4.000000e+01 : f32
      %mul3A_842 = vector.broadcast %mul3A_841 : f32 to vector<16xf32>
      %mul3A_843 = arith.mulf %mul3A_842, %sub3A_836 : vector<16xf32>
      %mul3A_844 = arith.mulf %mul3A_843, %mul3A_827 : vector<16xf32>
      %mul3A_845 = arith.mulf %mul3A_844, %sub3A_782 : vector<16xf32>
      %mul3A_846 = arith.mulf %mul3A_844, %sub3A_789 : vector<16xf32>
      %mul3A_847 = arith.mulf %mul3A_844, %sub3A_796 : vector<16xf32>
      %swap3A_848 = arith.constant 16 : index
      %swap3A_849 = tpu.vector_load %arg26[%swap3A_848] {strides = array<i32>} : memref<128xf32, #tpu.memory_space<vmem>>, vector<16xf32>,
      %swap3A_850 = vector.shape_cast %swap3A_849 : vector<16xf32> to vector<16xf32>
      %swap3A_851 = vector.shape_cast %mul3A_845 : vector<16xf32> to vector<16xf32>
      tpu.vector_store %arg26[%swap3A_848], %swap3A_851 {strides = array<i32>} : memref<128xf32, #tpu.memory_space<vmem>>, vector<16xf32>,
      %swap3A_852 = arith.constant 16 : index
      %swap3A_853 = tpu.vector_load %arg27[%swap3A_852] {strides = array<i32>} : memref<128xf32, #tpu.memory_space<vmem>>, vector<16xf32>,
      %swap3A_854 = vector.shape_cast %swap3A_853 : vector<16xf32> to vector<16xf32>
      %swap3A_855 = vector.shape_cast %mul3A_846 : vector<16xf32> to vector<16xf32>
      tpu.vector_store %arg27[%swap3A_852], %swap3A_855 {strides = array<i32>} : memref<128xf32, #tpu.memory_space<vmem>>, vector<16xf32>,
      %swap3A_856 = arith.constant 16 : index
      %swap3A_857 = tpu.vector_load %arg28[%swap3A_856] {strides = array<i32>} : memref<128xf32, #tpu.memory_space<vmem>>, vector<16xf32>,
      %swap3A_858 = vector.shape_cast %swap3A_857 : vector<16xf32> to vector<16xf32>
      %swap3A_859 = vector.shape_cast %mul3A_847 : vector<16xf32> to vector<16xf32>
      tpu.vector_store %arg28[%swap3A_856], %swap3A_859 {strides = array<i32>} : memref<128xf32, #tpu.memory_space<vmem>>, vector<16xf32>,
      %neg3A_860 = arith.constant 0.000000e+00 : f32
      %neg3A_861 = vector.broadcast %neg3A_860 : f32 to vector<16xf32>
      %neg3A_862 = arith.subf %neg3A_861, %mul3A_845 : vector<16xf32>
      %swap3A_863 = arith.constant 16 : index
      %swap3A_864 = tpu.vector_load %arg29[%swap3A_863] {strides = array<i32>} : memref<128xf32, #tpu.memory_space<vmem>>, vector<16xf32>,
      %swap3A_865 = vector.shape_cast %swap3A_864 : vector<16xf32> to vector<16xf32>
      %swap3A_866 = vector.shape_cast %neg3A_862 : vector<16xf32> to vector<16xf32>
      tpu.vector_store %arg29[%swap3A_863], %swap3A_866 {strides = array<i32>} : memref<128xf32, #tpu.memory_space<vmem>>, vector<16xf32>,
      %neg3A_867 = arith.constant 0.000000e+00 : f32
      %neg3A_868 = vector.broadcast %neg3A_867 : f32 to vector<16xf32>
      %neg3A_869 = arith.subf %neg3A_868, %mul3A_846 : vector<16xf32>
      %swap3A_870 = arith.constant 16 : index
      %swap3A_871 = tpu.vector_load %arg30[%swap3A_870] {strides = array<i32>} : memref<128xf32, #tpu.memory_space<vmem>>, vector<16xf32>,
      %swap3A_872 = vector.shape_cast %swap3A_871 : vector<16xf32> to vector<16xf32>
      %swap3A_873 = vector.shape_cast %neg3A_869 : vector<16xf32> to vector<16xf32>
      tpu.vector_store %arg30[%swap3A_870], %swap3A_873 {strides = array<i32>} : memref<128xf32, #tpu.memory_space<vmem>>, vector<16xf32>,
      %neg3A_874 = arith.constant 0.000000e+00 : f32
      %neg3A_875 = vector.broadcast %neg3A_874 : f32 to vector<16xf32>
      %neg3A_876 = arith.subf %neg3A_875, %mul3A_847 : vector<16xf32>
      %swap3A_877 = arith.constant 16 : index
      %swap3A_878 = tpu.vector_load %arg31[%swap3A_877] {strides = array<i32>} : memref<128xf32, #tpu.memory_space<vmem>>, vector<16xf32>,
      %swap3A_879 = vector.shape_cast %swap3A_878 : vector<16xf32> to vector<16xf32>
      %swap3A_880 = vector.shape_cast %neg3A_876 : vector<16xf32> to vector<16xf32>
      tpu.vector_store %arg31[%swap3A_877], %swap3A_880 {strides = array<i32>} : memref<128xf32, #tpu.memory_space<vmem>>, vector<16xf32>,
      %swap3A_881 = arith.constant 16 : index
      %swap3A_882 = tpu.vector_load %arg32[%swap3A_881] {strides = array<i32>} : memref<128xf32, #tpu.memory_space<vmem>>, vector<16xf32>,
      %swap3A_883 = vector.shape_cast %swap3A_882 : vector<16xf32> to vector<16xf32>
      %swap3A_884 = vector.shape_cast %mul3A_840 : vector<16xf32> to vector<16xf32>
      tpu.vector_store %arg32[%swap3A_881], %swap3A_884 {strides = array<i32>} : memref<128xf32, #tpu.memory_space<vmem>>, vector<16xf32>,
      %get3A_885 = arith.constant 32 : index
      %get3A_886 = tpu.vector_load %arg14[%get3A_885] {strides = array<i32>} : memref<128xf32, #tpu.memory_space<vmem>>, vector<16xf32>,
      %get3A_887 = vector.shape_cast %get3A_886 : vector<16xf32> to vector<16xf32>
      %get3A_888 = arith.constant 32 : index
      %get3A_889 = tpu.vector_load %arg17[%get3A_888] {strides = array<i32>} : memref<128xf32, #tpu.memory_space<vmem>>, vector<16xf32>,
      %get3A_890 = vector.shape_cast %get3A_889 : vector<16xf32> to vector<16xf32>
      %sub3A_891 = arith.subf %get3A_887, %get3A_890 : vector<16xf32>
      %get3A_892 = arith.constant 32 : index
      %get3A_893 = tpu.vector_load %arg15[%get3A_892] {strides = array<i32>} : memref<128xf32, #tpu.memory_space<vmem>>, vector<16xf32>,
      %get3A_894 = vector.shape_cast %get3A_893 : vector<16xf32> to vector<16xf32>
      %get3A_895 = arith.constant 32 : index
      %get3A_896 = tpu.vector_load %arg18[%get3A_895] {strides = array<i32>} : memref<128xf32, #tpu.memory_space<vmem>>, vector<16xf32>,
      %get3A_897 = vector.shape_cast %get3A_896 : vector<16xf32> to vector<16xf32>
      %sub3A_898 = arith.subf %get3A_894, %get3A_897 : vector<16xf32>
      %get3A_899 = arith.constant 32 : index
      %get3A_900 = tpu.vector_load %arg16[%get3A_899] {strides = array<i32>} : memref<128xf32, #tpu.memory_space<vmem>>, vector<16xf32>,
      %get3A_901 = vector.shape_cast %get3A_900 : vector<16xf32> to vector<16xf32>
      %get3A_902 = arith.constant 32 : index
      %get3A_903 = tpu.vector_load %arg19[%get3A_902] {strides = array<i32>} : memref<128xf32, #tpu.memory_space<vmem>>, vector<16xf32>,
      %get3A_904 = vector.shape_cast %get3A_903 : vector<16xf32> to vector<16xf32>
      %sub3A_905 = arith.subf %get3A_901, %get3A_904 : vector<16xf32>
      %mul3A_906 = arith.mulf %sub3A_891, %sub3A_891 : vector<16xf32>
      %mul3A_907 = arith.mulf %sub3A_898, %sub3A_898 : vector<16xf32>
      %add3A_908 = arith.addf %mul3A_906, %mul3A_907 : vector<16xf32>
      %mul3A_909 = arith.mulf %sub3A_905, %sub3A_905 : vector<16xf32>
      %add3A_910 = arith.addf %add3A_908, %mul3A_909 : vector<16xf32>
      %bitcast_convert_type3A_911 = tpu.bitcast %add3A_910 : vector<16xf32> -> vector<16xi32>
      %shift_right_logical3A_912 = arith.constant 1 : i32
      %shift_right_logical3A_913 = vector.broadcast %shift_right_logical3A_912 : i32 to vector<16xi32>
      %shift_right_logical3A_914 = arith.shrui %bitcast_convert_type3A_911, %shift_right_logical3A_913 : vector<16xi32>
      %sub3A_915 = arith.constant 1597463007 : i32
      %sub3A_916 = vector.broadcast %sub3A_915 : i32 to vector<16xi32>
      %sub3A_917 = arith.subi %sub3A_916, %shift_right_logical3A_914 : vector<16xi32>
      %bitcast_convert_type3A_918 = tpu.bitcast %sub3A_917 : vector<16xi32> -> vector<16xf32>
      %mul3A_919 = arith.constant 5.000000e-01 : f32
      %mul3A_920 = vector.broadcast %mul3A_919 : f32 to vector<16xf32>
      %mul3A_921 = arith.mulf %mul3A_920, %add3A_910 : vector<16xf32>
      %mul3A_922 = arith.mulf %mul3A_921, %bitcast_convert_type3A_918 : vector<16xf32>
      %mul3A_923 = arith.mulf %mul3A_922, %bitcast_convert_type3A_918 : vector<16xf32>
      %sub3A_924 = arith.constant 1.500000e+00 : f32
      %sub3A_925 = vector.broadcast %sub3A_924 : f32 to vector<16xf32>
      %sub3A_926 = arith.subf %sub3A_925, %mul3A_923 : vector<16xf32>
      %mul3A_927 = arith.mulf %bitcast_convert_type3A_918, %sub3A_926 : vector<16xf32>
      %mul3A_928 = arith.constant 5.000000e-01 : f32
      %mul3A_929 = vector.broadcast %mul3A_928 : f32 to vector<16xf32>
      %mul3A_930 = arith.mulf %mul3A_929, %add3A_910 : vector<16xf32>
      %mul3A_931 = arith.mulf %mul3A_930, %mul3A_927 : vector<16xf32>
      %mul3A_932 = arith.mulf %mul3A_931, %mul3A_927 : vector<16xf32>
      %sub3A_933 = arith.constant 1.500000e+00 : f32
      %sub3A_934 = vector.broadcast %sub3A_933 : f32 to vector<16xf32>
      %sub3A_935 = arith.subf %sub3A_934, %mul3A_932 : vector<16xf32>
      %mul3A_936 = arith.mulf %mul3A_927, %sub3A_935 : vector<16xf32>
      %mul3A_937 = arith.constant 128 : i32
      %mul3A_938 = arith.muli %add3A_652, %mul3A_937 : i32
      %add3A_939 = arith.constant 32 : i32
      %add3A_940 = arith.addi %mul3A_938, %add3A_939 : i32
      %get3A_941 = arith.index_cast %add3A_940 : i32 to index
      %get3A_942 = tpu.vector_load %arg13[%get3A_941] {strides = array<i32>} : memref<15616xf32, #tpu.memory_space<vmem>>, vector<16xf32>,
      %get3A_943 = vector.shape_cast %get3A_942 : vector<16xf32> to vector<16xf32>
      %mul3A_944 = arith.mulf %add3A_910, %mul3A_936 : vector<16xf32>
      %sub3A_945 = arith.subf %mul3A_944, %get3A_943 : vector<16xf32>
      %mul3A_946 = arith.constant 2.000000e+01 : f32
      %mul3A_947 = vector.broadcast %mul3A_946 : f32 to vector<16xf32>
      %mul3A_948 = arith.mulf %mul3A_947, %sub3A_945 : vector<16xf32>
      %mul3A_949 = arith.mulf %mul3A_948, %sub3A_945 : vector<16xf32>
      %mul3A_950 = arith.constant 4.000000e+01 : f32
      %mul3A_951 = vector.broadcast %mul3A_950 : f32 to vector<16xf32>
      %mul3A_952 = arith.mulf %mul3A_951, %sub3A_945 : vector<16xf32>
      %mul3A_953 = arith.mulf %mul3A_952, %mul3A_936 : vector<16xf32>
      %mul3A_954 = arith.mulf %mul3A_953, %sub3A_891 : vector<16xf32>
      %mul3A_955 = arith.mulf %mul3A_953, %sub3A_898 : vector<16xf32>
      %mul3A_956 = arith.mulf %mul3A_953, %sub3A_905 : vector<16xf32>
      %swap3A_957 = arith.constant 32 : index
      %swap3A_958 = tpu.vector_load %arg26[%swap3A_957] {strides = array<i32>} : memref<128xf32, #tpu.memory_space<vmem>>, vector<16xf32>,
      %swap3A_959 = vector.shape_cast %swap3A_958 : vector<16xf32> to vector<16xf32>
      %swap3A_960 = vector.shape_cast %mul3A_954 : vector<16xf32> to vector<16xf32>
      tpu.vector_store %arg26[%swap3A_957], %swap3A_960 {strides = array<i32>} : memref<128xf32, #tpu.memory_space<vmem>>, vector<16xf32>,
      %swap3A_961 = arith.constant 32 : index
      %swap3A_962 = tpu.vector_load %arg27[%swap3A_961] {strides = array<i32>} : memref<128xf32, #tpu.memory_space<vmem>>, vector<16xf32>,
      %swap3A_963 = vector.shape_cast %swap3A_962 : vector<16xf32> to vector<16xf32>
      %swap3A_964 = vector.shape_cast %mul3A_955 : vector<16xf32> to vector<16xf32>
      tpu.vector_store %arg27[%swap3A_961], %swap3A_964 {strides = array<i32>} : memref<128xf32, #tpu.memory_space<vmem>>, vector<16xf32>,
      %swap3A_965 = arith.constant 32 : index
      %swap3A_966 = tpu.vector_load %arg28[%swap3A_965] {strides = array<i32>} : memref<128xf32, #tpu.memory_space<vmem>>, vector<16xf32>,
      %swap3A_967 = vector.shape_cast %swap3A_966 : vector<16xf32> to vector<16xf32>
      %swap3A_968 = vector.shape_cast %mul3A_956 : vector<16xf32> to vector<16xf32>
      tpu.vector_store %arg28[%swap3A_965], %swap3A_968 {strides = array<i32>} : memref<128xf32, #tpu.memory_space<vmem>>, vector<16xf32>,
      %neg3A_969 = arith.constant 0.000000e+00 : f32
      %neg3A_970 = vector.broadcast %neg3A_969 : f32 to vector<16xf32>
      %neg3A_971 = arith.subf %neg3A_970, %mul3A_954 : vector<16xf32>
      %swap3A_972 = arith.constant 32 : index
      %swap3A_973 = tpu.vector_load %arg29[%swap3A_972] {strides = array<i32>} : memref<128xf32, #tpu.memory_space<vmem>>, vector<16xf32>,
      %swap3A_974 = vector.shape_cast %swap3A_973 : vector<16xf32> to vector<16xf32>
      %swap3A_975 = vector.shape_cast %neg3A_971 : vector<16xf32> to vector<16xf32>
      tpu.vector_store %arg29[%swap3A_972], %swap3A_975 {strides = array<i32>} : memref<128xf32, #tpu.memory_space<vmem>>, vector<16xf32>,
      %neg3A_976 = arith.constant 0.000000e+00 : f32
      %neg3A_977 = vector.broadcast %neg3A_976 : f32 to vector<16xf32>
      %neg3A_978 = arith.subf %neg3A_977, %mul3A_955 : vector<16xf32>
      %swap3A_979 = arith.constant 32 : index
      %swap3A_980 = tpu.vector_load %arg30[%swap3A_979] {strides = array<i32>} : memref<128xf32, #tpu.memory_space<vmem>>, vector<16xf32>,
      %swap3A_981 = vector.shape_cast %swap3A_980 : vector<16xf32> to vector<16xf32>
      %swap3A_982 = vector.shape_cast %neg3A_978 : vector<16xf32> to vector<16xf32>
      tpu.vector_store %arg30[%swap3A_979], %swap3A_982 {strides = array<i32>} : memref<128xf32, #tpu.memory_space<vmem>>, vector<16xf32>,
      %neg3A_983 = arith.constant 0.000000e+00 : f32
      %neg3A_984 = vector.broadcast %neg3A_983 : f32 to vector<16xf32>
      %neg3A_985 = arith.subf %neg3A_984, %mul3A_956 : vector<16xf32>
      %swap3A_986 = arith.constant 32 : index
      %swap3A_987 = tpu.vector_load %arg31[%swap3A_986] {strides = array<i32>} : memref<128xf32, #tpu.memory_space<vmem>>, vector<16xf32>,
      %swap3A_988 = vector.shape_cast %swap3A_987 : vector<16xf32> to vector<16xf32>
      %swap3A_989 = vector.shape_cast %neg3A_985 : vector<16xf32> to vector<16xf32>
      tpu.vector_store %arg31[%swap3A_986], %swap3A_989 {strides = array<i32>} : memref<128xf32, #tpu.memory_space<vmem>>, vector<16xf32>,
      %swap3A_990 = arith.constant 32 : index
      %swap3A_991 = tpu.vector_load %arg32[%swap3A_990] {strides = array<i32>} : memref<128xf32, #tpu.memory_space<vmem>>, vector<16xf32>,
      %swap3A_992 = vector.shape_cast %swap3A_991 : vector<16xf32> to vector<16xf32>
      %swap3A_993 = vector.shape_cast %mul3A_949 : vector<16xf32> to vector<16xf32>
      tpu.vector_store %arg32[%swap3A_990], %swap3A_993 {strides = array<i32>} : memref<128xf32, #tpu.memory_space<vmem>>, vector<16xf32>,
      %get3A_994 = arith.constant 48 : index
      %get3A_995 = tpu.vector_load %arg14[%get3A_994] {strides = array<i32>} : memref<128xf32, #tpu.memory_space<vmem>>, vector<16xf32>,
      %get3A_996 = vector.shape_cast %get3A_995 : vector<16xf32> to vector<16xf32>
      %get3A_997 = arith.constant 48 : index
      %get3A_998 = tpu.vector_load %arg17[%get3A_997] {strides = array<i32>} : memref<128xf32, #tpu.memory_space<vmem>>, vector<16xf32>,
      %get3A_999 = vector.shape_cast %get3A_998 : vector<16xf32> to vector<16xf32>
      %sub3A_1000 = arith.subf %get3A_996, %get3A_999 : vector<16xf32>
      %get3A_1001 = arith.constant 48 : index
      %get3A_1002 = tpu.vector_load %arg15[%get3A_1001] {strides = array<i32>} : memref<128xf32, #tpu.memory_space<vmem>>, vector<16xf32>,
      %get3A_1003 = vector.shape_cast %get3A_1002 : vector<16xf32> to vector<16xf32>
      %get3A_1004 = arith.constant 48 : index
      %get3A_1005 = tpu.vector_load %arg18[%get3A_1004] {strides = array<i32>} : memref<128xf32, #tpu.memory_space<vmem>>, vector<16xf32>,
      %get3A_1006 = vector.shape_cast %get3A_1005 : vector<16xf32> to vector<16xf32>
      %sub3A_1007 = arith.subf %get3A_1003, %get3A_1006 : vector<16xf32>
      %get3A_1008 = arith.constant 48 : index
      %get3A_1009 = tpu.vector_load %arg16[%get3A_1008] {strides = array<i32>} : memref<128xf32, #tpu.memory_space<vmem>>, vector<16xf32>,
      %get3A_1010 = vector.shape_cast %get3A_1009 : vector<16xf32> to vector<16xf32>
      %get3A_1011 = arith.constant 48 : index
      %get3A_1012 = tpu.vector_load %arg19[%get3A_1011] {strides = array<i32>} : memref<128xf32, #tpu.memory_space<vmem>>, vector<16xf32>,
      %get3A_1013 = vector.shape_cast %get3A_1012 : vector<16xf32> to vector<16xf32>
      %sub3A_1014 = arith.subf %get3A_1010, %get3A_1013 : vector<16xf32>
      %mul3A_1015 = arith.mulf %sub3A_1000, %sub3A_1000 : vector<16xf32>
      %mul3A_1016 = arith.mulf %sub3A_1007, %sub3A_1007 : vector<16xf32>
      %add3A_1017 = arith.addf %mul3A_1015, %mul3A_1016 : vector<16xf32>
      %mul3A_1018 = arith.mulf %sub3A_1014, %sub3A_1014 : vector<16xf32>
      %add3A_1019 = arith.addf %add3A_1017, %mul3A_1018 : vector<16xf32>
      %bitcast_convert_type3A_1020 = tpu.bitcast %add3A_1019 : vector<16xf32> -> vector<16xi32>
      %shift_right_logical3A_1021 = arith.constant 1 : i32
      %shift_right_logical3A_1022 = vector.broadcast %shift_right_logical3A_1021 : i32 to vector<16xi32>
      %shift_right_logical3A_1023 = arith.shrui %bitcast_convert_type3A_1020, %shift_right_logical3A_1022 : vector<16xi32>
      %sub3A_1024 = arith.constant 1597463007 : i32
      %sub3A_1025 = vector.broadcast %sub3A_1024 : i32 to vector<16xi32>
      %sub3A_1026 = arith.subi %sub3A_1025, %shift_right_logical3A_1023 : vector<16xi32>
      %bitcast_convert_type3A_1027 = tpu.bitcast %sub3A_1026 : vector<16xi32> -> vector<16xf32>
      %mul3A_1028 = arith.constant 5.000000e-01 : f32
      %mul3A_1029 = vector.broadcast %mul3A_1028 : f32 to vector<16xf32>
      %mul3A_1030 = arith.mulf %mul3A_1029, %add3A_1019 : vector<16xf32>
      %mul3A_1031 = arith.mulf %mul3A_1030, %bitcast_convert_type3A_1027 : vector<16xf32>
      %mul3A_1032 = arith.mulf %mul3A_1031, %bitcast_convert_type3A_1027 : vector<16xf32>
      %sub3A_1033 = arith.constant 1.500000e+00 : f32
      %sub3A_1034 = vector.broadcast %sub3A_1033 : f32 to vector<16xf32>
      %sub3A_1035 = arith.subf %sub3A_1034, %mul3A_1032 : vector<16xf32>
      %mul3A_1036 = arith.mulf %bitcast_convert_type3A_1027, %sub3A_1035 : vector<16xf32>
      %mul3A_1037 = arith.constant 5.000000e-01 : f32
      %mul3A_1038 = vector.broadcast %mul3A_1037 : f32 to vector<16xf32>
      %mul3A_1039 = arith.mulf %mul3A_1038, %add3A_1019 : vector<16xf32>
      %mul3A_1040 = arith.mulf %mul3A_1039, %mul3A_1036 : vector<16xf32>
      %mul3A_1041 = arith.mulf %mul3A_1040, %mul3A_1036 : vector<16xf32>
      %sub3A_1042 = arith.constant 1.500000e+00 : f32
      %sub3A_1043 = vector.broadcast %sub3A_1042 : f32 to vector<16xf32>
      %sub3A_1044 = arith.subf %sub3A_1043, %mul3A_1041 : vector<16xf32>
      %mul3A_1045 = arith.mulf %mul3A_1036, %sub3A_1044 : vector<16xf32>
      %mul3A_1046 = arith.constant 128 : i32
      %mul3A_1047 = arith.muli %add3A_652, %mul3A_1046 : i32
      %add3A_1048 = arith.constant 48 : i32
      %add3A_1049 = arith.addi %mul3A_1047, %add3A_1048 : i32
      %get3A_1050 = arith.index_cast %add3A_1049 : i32 to index
      %get3A_1051 = tpu.vector_load %arg13[%get3A_1050] {strides = array<i32>} : memref<15616xf32, #tpu.memory_space<vmem>>, vector<16xf32>,
      %get3A_1052 = vector.shape_cast %get3A_1051 : vector<16xf32> to vector<16xf32>
      %mul3A_1053 = arith.mulf %add3A_1019, %mul3A_1045 : vector<16xf32>
      %sub3A_1054 = arith.subf %mul3A_1053, %get3A_1052 : vector<16xf32>
      %mul3A_1055 = arith.constant 2.000000e+01 : f32
      %mul3A_1056 = vector.broadcast %mul3A_1055 : f32 to vector<16xf32>
      %mul3A_1057 = arith.mulf %mul3A_1056, %sub3A_1054 : vector<16xf32>
      %mul3A_1058 = arith.mulf %mul3A_1057, %sub3A_1054 : vector<16xf32>
      %mul3A_1059 = arith.constant 4.000000e+01 : f32
      %mul3A_1060 = vector.broadcast %mul3A_1059 : f32 to vector<16xf32>
      %mul3A_1061 = arith.mulf %mul3A_1060, %sub3A_1054 : vector<16xf32>
      %mul3A_1062 = arith.mulf %mul3A_1061, %mul3A_1045 : vector<16xf32>
      %mul3A_1063 = arith.mulf %mul3A_1062, %sub3A_1000 : vector<16xf32>
      %mul3A_1064 = arith.mulf %mul3A_1062, %sub3A_1007 : vector<16xf32>
      %mul3A_1065 = arith.mulf %mul3A_1062, %sub3A_1014 : vector<16xf32>
      %swap3A_1066 = arith.constant 48 : index
      %swap3A_1067 = tpu.vector_load %arg26[%swap3A_1066] {strides = array<i32>} : memref<128xf32, #tpu.memory_space<vmem>>, vector<16xf32>,
      %swap3A_1068 = vector.shape_cast %swap3A_1067 : vector<16xf32> to vector<16xf32>
      %swap3A_1069 = vector.shape_cast %mul3A_1063 : vector<16xf32> to vector<16xf32>
      tpu.vector_store %arg26[%swap3A_1066], %swap3A_1069 {strides = array<i32>} : memref<128xf32, #tpu.memory_space<vmem>>, vector<16xf32>,
      %swap3A_1070 = arith.constant 48 : index
      %swap3A_1071 = tpu.vector_load %arg27[%swap3A_1070] {strides = array<i32>} : memref<128xf32, #tpu.memory_space<vmem>>, vector<16xf32>,
      %swap3A_1072 = vector.shape_cast %swap3A_1071 : vector<16xf32> to vector<16xf32>
      %swap3A_1073 = vector.shape_cast %mul3A_1064 : vector<16xf32> to vector<16xf32>
      tpu.vector_store %arg27[%swap3A_1070], %swap3A_1073 {strides = array<i32>} : memref<128xf32, #tpu.memory_space<vmem>>, vector<16xf32>,
      %swap3A_1074 = arith.constant 48 : index
      %swap3A_1075 = tpu.vector_load %arg28[%swap3A_1074] {strides = array<i32>} : memref<128xf32, #tpu.memory_space<vmem>>, vector<16xf32>,
      %swap3A_1076 = vector.shape_cast %swap3A_1075 : vector<16xf32> to vector<16xf32>
      %swap3A_1077 = vector.shape_cast %mul3A_1065 : vector<16xf32> to vector<16xf32>
      tpu.vector_store %arg28[%swap3A_1074], %swap3A_1077 {strides = array<i32>} : memref<128xf32, #tpu.memory_space<vmem>>, vector<16xf32>,
      %neg3A_1078 = arith.constant 0.000000e+00 : f32
      %neg3A_1079 = vector.broadcast %neg3A_1078 : f32 to vector<16xf32>
      %neg3A_1080 = arith.subf %neg3A_1079, %mul3A_1063 : vector<16xf32>
      %swap3A_1081 = arith.constant 48 : index
      %swap3A_1082 = tpu.vector_load %arg29[%swap3A_1081] {strides = array<i32>} : memref<128xf32, #tpu.memory_space<vmem>>, vector<16xf32>,
      %swap3A_1083 = vector.shape_cast %swap3A_1082 : vector<16xf32> to vector<16xf32>
      %swap3A_1084 = vector.shape_cast %neg3A_1080 : vector<16xf32> to vector<16xf32>
      tpu.vector_store %arg29[%swap3A_1081], %swap3A_1084 {strides = array<i32>} : memref<128xf32, #tpu.memory_space<vmem>>, vector<16xf32>,
      %neg3A_1085 = arith.constant 0.000000e+00 : f32
      %neg3A_1086 = vector.broadcast %neg3A_1085 : f32 to vector<16xf32>
      %neg3A_1087 = arith.subf %neg3A_1086, %mul3A_1064 : vector<16xf32>
      %swap3A_1088 = arith.constant 48 : index
      %swap3A_1089 = tpu.vector_load %arg30[%swap3A_1088] {strides = array<i32>} : memref<128xf32, #tpu.memory_space<vmem>>, vector<16xf32>,
      %swap3A_1090 = vector.shape_cast %swap3A_1089 : vector<16xf32> to vector<16xf32>
      %swap3A_1091 = vector.shape_cast %neg3A_1087 : vector<16xf32> to vector<16xf32>
      tpu.vector_store %arg30[%swap3A_1088], %swap3A_1091 {strides = array<i32>} : memref<128xf32, #tpu.memory_space<vmem>>, vector<16xf32>,
      %neg3A_1092 = arith.constant 0.000000e+00 : f32
      %neg3A_1093 = vector.broadcast %neg3A_1092 : f32 to vector<16xf32>
      %neg3A_1094 = arith.subf %neg3A_1093, %mul3A_1065 : vector<16xf32>
      %swap3A_1095 = arith.constant 48 : index
      %swap3A_1096 = tpu.vector_load %arg31[%swap3A_1095] {strides = array<i32>} : memref<128xf32, #tpu.memory_space<vmem>>, vector<16xf32>,
      %swap3A_1097 = vector.shape_cast %swap3A_1096 : vector<16xf32> to vector<16xf32>
      %swap3A_1098 = vector.shape_cast %neg3A_1094 : vector<16xf32> to vector<16xf32>
      tpu.vector_store %arg31[%swap3A_1095], %swap3A_1098 {strides = array<i32>} : memref<128xf32, #tpu.memory_space<vmem>>, vector<16xf32>,
      %swap3A_1099 = arith.constant 48 : index
      %swap3A_1100 = tpu.vector_load %arg32[%swap3A_1099] {strides = array<i32>} : memref<128xf32, #tpu.memory_space<vmem>>, vector<16xf32>,
      %swap3A_1101 = vector.shape_cast %swap3A_1100 : vector<16xf32> to vector<16xf32>
      %swap3A_1102 = vector.shape_cast %mul3A_1058 : vector<16xf32> to vector<16xf32>
      tpu.vector_store %arg32[%swap3A_1099], %swap3A_1102 {strides = array<i32>} : memref<128xf32, #tpu.memory_space<vmem>>, vector<16xf32>,
      %get3A_1103 = arith.constant 64 : index
      %get3A_1104 = tpu.vector_load %arg14[%get3A_1103] {strides = array<i32>} : memref<128xf32, #tpu.memory_space<vmem>>, vector<16xf32>,
      %get3A_1105 = vector.shape_cast %get3A_1104 : vector<16xf32> to vector<16xf32>
      %get3A_1106 = arith.constant 64 : index
      %get3A_1107 = tpu.vector_load %arg17[%get3A_1106] {strides = array<i32>} : memref<128xf32, #tpu.memory_space<vmem>>, vector<16xf32>,
      %get3A_1108 = vector.shape_cast %get3A_1107 : vector<16xf32> to vector<16xf32>
      %sub3A_1109 = arith.subf %get3A_1105, %get3A_1108 : vector<16xf32>
      %get3A_1110 = arith.constant 64 : index
      %get3A_1111 = tpu.vector_load %arg15[%get3A_1110] {strides = array<i32>} : memref<128xf32, #tpu.memory_space<vmem>>, vector<16xf32>,
      %get3A_1112 = vector.shape_cast %get3A_1111 : vector<16xf32> to vector<16xf32>
      %get3A_1113 = arith.constant 64 : index
      %get3A_1114 = tpu.vector_load %arg18[%get3A_1113] {strides = array<i32>} : memref<128xf32, #tpu.memory_space<vmem>>, vector<16xf32>,
      %get3A_1115 = vector.shape_cast %get3A_1114 : vector<16xf32> to vector<16xf32>
      %sub3A_1116 = arith.subf %get3A_1112, %get3A_1115 : vector<16xf32>
      %get3A_1117 = arith.constant 64 : index
      %get3A_1118 = tpu.vector_load %arg16[%get3A_1117] {strides = array<i32>} : memref<128xf32, #tpu.memory_space<vmem>>, vector<16xf32>,
      %get3A_1119 = vector.shape_cast %get3A_1118 : vector<16xf32> to vector<16xf32>
      %get3A_1120 = arith.constant 64 : index
      %get3A_1121 = tpu.vector_load %arg19[%get3A_1120] {strides = array<i32>} : memref<128xf32, #tpu.memory_space<vmem>>, vector<16xf32>,
      %get3A_1122 = vector.shape_cast %get3A_1121 : vector<16xf32> to vector<16xf32>
      %sub3A_1123 = arith.subf %get3A_1119, %get3A_1122 : vector<16xf32>
      %mul3A_1124 = arith.mulf %sub3A_1109, %sub3A_1109 : vector<16xf32>
      %mul3A_1125 = arith.mulf %sub3A_1116, %sub3A_1116 : vector<16xf32>
      %add3A_1126 = arith.addf %mul3A_1124, %mul3A_1125 : vector<16xf32>
      %mul3A_1127 = arith.mulf %sub3A_1123, %sub3A_1123 : vector<16xf32>
      %add3A_1128 = arith.addf %add3A_1126, %mul3A_1127 : vector<16xf32>
      %bitcast_convert_type3A_1129 = tpu.bitcast %add3A_1128 : vector<16xf32> -> vector<16xi32>
      %shift_right_logical3A_1130 = arith.constant 1 : i32
      %shift_right_logical3A_1131 = vector.broadcast %shift_right_logical3A_1130 : i32 to vector<16xi32>
      %shift_right_logical3A_1132 = arith.shrui %bitcast_convert_type3A_1129, %shift_right_logical3A_1131 : vector<16xi32>
      %sub3A_1133 = arith.constant 1597463007 : i32
      %sub3A_1134 = vector.broadcast %sub3A_1133 : i32 to vector<16xi32>
      %sub3A_1135 = arith.subi %sub3A_1134, %shift_right_logical3A_1132 : vector<16xi32>
      %bitcast_convert_type3A_1136 = tpu.bitcast %sub3A_1135 : vector<16xi32> -> vector<16xf32>
      %mul3A_1137 = arith.constant 5.000000e-01 : f32
      %mul3A_1138 = vector.broadcast %mul3A_1137 : f32 to vector<16xf32>
      %mul3A_1139 = arith.mulf %mul3A_1138, %add3A_1128 : vector<16xf32>
      %mul3A_1140 = arith.mulf %mul3A_1139, %bitcast_convert_type3A_1136 : vector<16xf32>
      %mul3A_1141 = arith.mulf %mul3A_1140, %bitcast_convert_type3A_1136 : vector<16xf32>
      %sub3A_1142 = arith.constant 1.500000e+00 : f32
      %sub3A_1143 = vector.broadcast %sub3A_1142 : f32 to vector<16xf32>
      %sub3A_1144 = arith.subf %sub3A_1143, %mul3A_1141 : vector<16xf32>
      %mul3A_1145 = arith.mulf %bitcast_convert_type3A_1136, %sub3A_1144 : vector<16xf32>
      %mul3A_1146 = arith.constant 5.000000e-01 : f32
      %mul3A_1147 = vector.broadcast %mul3A_1146 : f32 to vector<16xf32>
      %mul3A_1148 = arith.mulf %mul3A_1147, %add3A_1128 : vector<16xf32>
      %mul3A_1149 = arith.mulf %mul3A_1148, %mul3A_1145 : vector<16xf32>
      %mul3A_1150 = arith.mulf %mul3A_1149, %mul3A_1145 : vector<16xf32>
      %sub3A_1151 = arith.constant 1.500000e+00 : f32
      %sub3A_1152 = vector.broadcast %sub3A_1151 : f32 to vector<16xf32>
      %sub3A_1153 = arith.subf %sub3A_1152, %mul3A_1150 : vector<16xf32>
      %mul3A_1154 = arith.mulf %mul3A_1145, %sub3A_1153 : vector<16xf32>
      %mul3A_1155 = arith.constant 128 : i32
      %mul3A_1156 = arith.muli %add3A_652, %mul3A_1155 : i32
      %add3A_1157 = arith.constant 64 : i32
      %add3A_1158 = arith.addi %mul3A_1156, %add3A_1157 : i32
      %get3A_1159 = arith.index_cast %add3A_1158 : i32 to index
      %get3A_1160 = tpu.vector_load %arg13[%get3A_1159] {strides = array<i32>} : memref<15616xf32, #tpu.memory_space<vmem>>, vector<16xf32>,
      %get3A_1161 = vector.shape_cast %get3A_1160 : vector<16xf32> to vector<16xf32>
      %mul3A_1162 = arith.mulf %add3A_1128, %mul3A_1154 : vector<16xf32>
      %sub3A_1163 = arith.subf %mul3A_1162, %get3A_1161 : vector<16xf32>
      %mul3A_1164 = arith.constant 2.000000e+01 : f32
      %mul3A_1165 = vector.broadcast %mul3A_1164 : f32 to vector<16xf32>
      %mul3A_1166 = arith.mulf %mul3A_1165, %sub3A_1163 : vector<16xf32>
      %mul3A_1167 = arith.mulf %mul3A_1166, %sub3A_1163 : vector<16xf32>
      %mul3A_1168 = arith.constant 4.000000e+01 : f32
      %mul3A_1169 = vector.broadcast %mul3A_1168 : f32 to vector<16xf32>
      %mul3A_1170 = arith.mulf %mul3A_1169, %sub3A_1163 : vector<16xf32>
      %mul3A_1171 = arith.mulf %mul3A_1170, %mul3A_1154 : vector<16xf32>
      %mul3A_1172 = arith.mulf %mul3A_1171, %sub3A_1109 : vector<16xf32>
      %mul3A_1173 = arith.mulf %mul3A_1171, %sub3A_1116 : vector<16xf32>
      %mul3A_1174 = arith.mulf %mul3A_1171, %sub3A_1123 : vector<16xf32>
      %swap3A_1175 = arith.constant 64 : index
      %swap3A_1176 = tpu.vector_load %arg26[%swap3A_1175] {strides = array<i32>} : memref<128xf32, #tpu.memory_space<vmem>>, vector<16xf32>,
      %swap3A_1177 = vector.shape_cast %swap3A_1176 : vector<16xf32> to vector<16xf32>
      %swap3A_1178 = vector.shape_cast %mul3A_1172 : vector<16xf32> to vector<16xf32>
      tpu.vector_store %arg26[%swap3A_1175], %swap3A_1178 {strides = array<i32>} : memref<128xf32, #tpu.memory_space<vmem>>, vector<16xf32>,
      %swap3A_1179 = arith.constant 64 : index
      %swap3A_1180 = tpu.vector_load %arg27[%swap3A_1179] {strides = array<i32>} : memref<128xf32, #tpu.memory_space<vmem>>, vector<16xf32>,
      %swap3A_1181 = vector.shape_cast %swap3A_1180 : vector<16xf32> to vector<16xf32>
      %swap3A_1182 = vector.shape_cast %mul3A_1173 : vector<16xf32> to vector<16xf32>
      tpu.vector_store %arg27[%swap3A_1179], %swap3A_1182 {strides = array<i32>} : memref<128xf32, #tpu.memory_space<vmem>>, vector<16xf32>,
      %swap3A_1183 = arith.constant 64 : index
      %swap3A_1184 = tpu.vector_load %arg28[%swap3A_1183] {strides = array<i32>} : memref<128xf32, #tpu.memory_space<vmem>>, vector<16xf32>,
      %swap3A_1185 = vector.shape_cast %swap3A_1184 : vector<16xf32> to vector<16xf32>
      %swap3A_1186 = vector.shape_cast %mul3A_1174 : vector<16xf32> to vector<16xf32>
      tpu.vector_store %arg28[%swap3A_1183], %swap3A_1186 {strides = array<i32>} : memref<128xf32, #tpu.memory_space<vmem>>, vector<16xf32>,
      %neg3A_1187 = arith.constant 0.000000e+00 : f32
      %neg3A_1188 = vector.broadcast %neg3A_1187 : f32 to vector<16xf32>
      %neg3A_1189 = arith.subf %neg3A_1188, %mul3A_1172 : vector<16xf32>
      %swap3A_1190 = arith.constant 64 : index
      %swap3A_1191 = tpu.vector_load %arg29[%swap3A_1190] {strides = array<i32>} : memref<128xf32, #tpu.memory_space<vmem>>, vector<16xf32>,
      %swap3A_1192 = vector.shape_cast %swap3A_1191 : vector<16xf32> to vector<16xf32>
      %swap3A_1193 = vector.shape_cast %neg3A_1189 : vector<16xf32> to vector<16xf32>
      tpu.vector_store %arg29[%swap3A_1190], %swap3A_1193 {strides = array<i32>} : memref<128xf32, #tpu.memory_space<vmem>>, vector<16xf32>,
      %neg3A_1194 = arith.constant 0.000000e+00 : f32
      %neg3A_1195 = vector.broadcast %neg3A_1194 : f32 to vector<16xf32>
      %neg3A_1196 = arith.subf %neg3A_1195, %mul3A_1173 : vector<16xf32>
      %swap3A_1197 = arith.constant 64 : index
      %swap3A_1198 = tpu.vector_load %arg30[%swap3A_1197] {strides = array<i32>} : memref<128xf32, #tpu.memory_space<vmem>>, vector<16xf32>,
      %swap3A_1199 = vector.shape_cast %swap3A_1198 : vector<16xf32> to vector<16xf32>
      %swap3A_1200 = vector.shape_cast %neg3A_1196 : vector<16xf32> to vector<16xf32>
      tpu.vector_store %arg30[%swap3A_1197], %swap3A_1200 {strides = array<i32>} : memref<128xf32, #tpu.memory_space<vmem>>, vector<16xf32>,
      %neg3A_1201 = arith.constant 0.000000e+00 : f32
      %neg3A_1202 = vector.broadcast %neg3A_1201 : f32 to vector<16xf32>
      %neg3A_1203 = arith.subf %neg3A_1202, %mul3A_1174 : vector<16xf32>
      %swap3A_1204 = arith.constant 64 : index
      %swap3A_1205 = tpu.vector_load %arg31[%swap3A_1204] {strides = array<i32>} : memref<128xf32, #tpu.memory_space<vmem>>, vector<16xf32>,
      %swap3A_1206 = vector.shape_cast %swap3A_1205 : vector<16xf32> to vector<16xf32>
      %swap3A_1207 = vector.shape_cast %neg3A_1203 : vector<16xf32> to vector<16xf32>
      tpu.vector_store %arg31[%swap3A_1204], %swap3A_1207 {strides = array<i32>} : memref<128xf32, #tpu.memory_space<vmem>>, vector<16xf32>,
      %swap3A_1208 = arith.constant 64 : index
      %swap3A_1209 = tpu.vector_load %arg32[%swap3A_1208] {strides = array<i32>} : memref<128xf32, #tpu.memory_space<vmem>>, vector<16xf32>,
      %swap3A_1210 = vector.shape_cast %swap3A_1209 : vector<16xf32> to vector<16xf32>
      %swap3A_1211 = vector.shape_cast %mul3A_1167 : vector<16xf32> to vector<16xf32>
      tpu.vector_store %arg32[%swap3A_1208], %swap3A_1211 {strides = array<i32>} : memref<128xf32, #tpu.memory_space<vmem>>, vector<16xf32>,
      %get3A_1212 = arith.constant 80 : index
      %get3A_1213 = tpu.vector_load %arg14[%get3A_1212] {strides = array<i32>} : memref<128xf32, #tpu.memory_space<vmem>>, vector<16xf32>,
      %get3A_1214 = vector.shape_cast %get3A_1213 : vector<16xf32> to vector<16xf32>
      %get3A_1215 = arith.constant 80 : index
      %get3A_1216 = tpu.vector_load %arg17[%get3A_1215] {strides = array<i32>} : memref<128xf32, #tpu.memory_space<vmem>>, vector<16xf32>,
      %get3A_1217 = vector.shape_cast %get3A_1216 : vector<16xf32> to vector<16xf32>
      %sub3A_1218 = arith.subf %get3A_1214, %get3A_1217 : vector<16xf32>
      %get3A_1219 = arith.constant 80 : index
      %get3A_1220 = tpu.vector_load %arg15[%get3A_1219] {strides = array<i32>} : memref<128xf32, #tpu.memory_space<vmem>>, vector<16xf32>,
      %get3A_1221 = vector.shape_cast %get3A_1220 : vector<16xf32> to vector<16xf32>
      %get3A_1222 = arith.constant 80 : index
      %get3A_1223 = tpu.vector_load %arg18[%get3A_1222] {strides = array<i32>} : memref<128xf32, #tpu.memory_space<vmem>>, vector<16xf32>,
      %get3A_1224 = vector.shape_cast %get3A_1223 : vector<16xf32> to vector<16xf32>
      %sub3A_1225 = arith.subf %get3A_1221, %get3A_1224 : vector<16xf32>
      %get3A_1226 = arith.constant 80 : index
      %get3A_1227 = tpu.vector_load %arg16[%get3A_1226] {strides = array<i32>} : memref<128xf32, #tpu.memory_space<vmem>>, vector<16xf32>,
      %get3A_1228 = vector.shape_cast %get3A_1227 : vector<16xf32> to vector<16xf32>
      %get3A_1229 = arith.constant 80 : index
      %get3A_1230 = tpu.vector_load %arg19[%get3A_1229] {strides = array<i32>} : memref<128xf32, #tpu.memory_space<vmem>>, vector<16xf32>,
      %get3A_1231 = vector.shape_cast %get3A_1230 : vector<16xf32> to vector<16xf32>
      %sub3A_1232 = arith.subf %get3A_1228, %get3A_1231 : vector<16xf32>
      %mul3A_1233 = arith.mulf %sub3A_1218, %sub3A_1218 : vector<16xf32>
      %mul3A_1234 = arith.mulf %sub3A_1225, %sub3A_1225 : vector<16xf32>
      %add3A_1235 = arith.addf %mul3A_1233, %mul3A_1234 : vector<16xf32>
      %mul3A_1236 = arith.mulf %sub3A_1232, %sub3A_1232 : vector<16xf32>
      %add3A_1237 = arith.addf %add3A_1235, %mul3A_1236 : vector<16xf32>
      %bitcast_convert_type3A_1238 = tpu.bitcast %add3A_1237 : vector<16xf32> -> vector<16xi32>
      %shift_right_logical3A_1239 = arith.constant 1 : i32
      %shift_right_logical3A_1240 = vector.broadcast %shift_right_logical3A_1239 : i32 to vector<16xi32>
      %shift_right_logical3A_1241 = arith.shrui %bitcast_convert_type3A_1238, %shift_right_logical3A_1240 : vector<16xi32>
      %sub3A_1242 = arith.constant 1597463007 : i32
      %sub3A_1243 = vector.broadcast %sub3A_1242 : i32 to vector<16xi32>
      %sub3A_1244 = arith.subi %sub3A_1243, %shift_right_logical3A_1241 : vector<16xi32>
      %bitcast_convert_type3A_1245 = tpu.bitcast %sub3A_1244 : vector<16xi32> -> vector<16xf32>
      %mul3A_1246 = arith.constant 5.000000e-01 : f32
      %mul3A_1247 = vector.broadcast %mul3A_1246 : f32 to vector<16xf32>
      %mul3A_1248 = arith.mulf %mul3A_1247, %add3A_1237 : vector<16xf32>
      %mul3A_1249 = arith.mulf %mul3A_1248, %bitcast_convert_type3A_1245 : vector<16xf32>
      %mul3A_1250 = arith.mulf %mul3A_1249, %bitcast_convert_type3A_1245 : vector<16xf32>
      %sub3A_1251 = arith.constant 1.500000e+00 : f32
      %sub3A_1252 = vector.broadcast %sub3A_1251 : f32 to vector<16xf32>
      %sub3A_1253 = arith.subf %sub3A_1252, %mul3A_1250 : vector<16xf32>
      %mul3A_1254 = arith.mulf %bitcast_convert_type3A_1245, %sub3A_1253 : vector<16xf32>
      %mul3A_1255 = arith.constant 5.000000e-01 : f32
      %mul3A_1256 = vector.broadcast %mul3A_1255 : f32 to vector<16xf32>
      %mul3A_1257 = arith.mulf %mul3A_1256, %add3A_1237 : vector<16xf32>
      %mul3A_1258 = arith.mulf %mul3A_1257, %mul3A_1254 : vector<16xf32>
      %mul3A_1259 = arith.mulf %mul3A_1258, %mul3A_1254 : vector<16xf32>
      %sub3A_1260 = arith.constant 1.500000e+00 : f32
      %sub3A_1261 = vector.broadcast %sub3A_1260 : f32 to vector<16xf32>
      %sub3A_1262 = arith.subf %sub3A_1261, %mul3A_1259 : vector<16xf32>
      %mul3A_1263 = arith.mulf %mul3A_1254, %sub3A_1262 : vector<16xf32>
      %mul3A_1264 = arith.constant 128 : i32
      %mul3A_1265 = arith.muli %add3A_652, %mul3A_1264 : i32
      %add3A_1266 = arith.constant 80 : i32
      %add3A_1267 = arith.addi %mul3A_1265, %add3A_1266 : i32
      %get3A_1268 = arith.index_cast %add3A_1267 : i32 to index
      %get3A_1269 = tpu.vector_load %arg13[%get3A_1268] {strides = array<i32>} : memref<15616xf32, #tpu.memory_space<vmem>>, vector<16xf32>,
      %get3A_1270 = vector.shape_cast %get3A_1269 : vector<16xf32> to vector<16xf32>
      %mul3A_1271 = arith.mulf %add3A_1237, %mul3A_1263 : vector<16xf32>
      %sub3A_1272 = arith.subf %mul3A_1271, %get3A_1270 : vector<16xf32>
      %mul3A_1273 = arith.constant 2.000000e+01 : f32
      %mul3A_1274 = vector.broadcast %mul3A_1273 : f32 to vector<16xf32>
      %mul3A_1275 = arith.mulf %mul3A_1274, %sub3A_1272 : vector<16xf32>
      %mul3A_1276 = arith.mulf %mul3A_1275, %sub3A_1272 : vector<16xf32>
      %mul3A_1277 = arith.constant 4.000000e+01 : f32
      %mul3A_1278 = vector.broadcast %mul3A_1277 : f32 to vector<16xf32>
      %mul3A_1279 = arith.mulf %mul3A_1278, %sub3A_1272 : vector<16xf32>
      %mul3A_1280 = arith.mulf %mul3A_1279, %mul3A_1263 : vector<16xf32>
      %mul3A_1281 = arith.mulf %mul3A_1280, %sub3A_1218 : vector<16xf32>
      %mul3A_1282 = arith.mulf %mul3A_1280, %sub3A_1225 : vector<16xf32>
      %mul3A_1283 = arith.mulf %mul3A_1280, %sub3A_1232 : vector<16xf32>
      %swap3A_1284 = arith.constant 80 : index
      %swap3A_1285 = tpu.vector_load %arg26[%swap3A_1284] {strides = array<i32>} : memref<128xf32, #tpu.memory_space<vmem>>, vector<16xf32>,
      %swap3A_1286 = vector.shape_cast %swap3A_1285 : vector<16xf32> to vector<16xf32>
      %swap3A_1287 = vector.shape_cast %mul3A_1281 : vector<16xf32> to vector<16xf32>
      tpu.vector_store %arg26[%swap3A_1284], %swap3A_1287 {strides = array<i32>} : memref<128xf32, #tpu.memory_space<vmem>>, vector<16xf32>,
      %swap3A_1288 = arith.constant 80 : index
      %swap3A_1289 = tpu.vector_load %arg27[%swap3A_1288] {strides = array<i32>} : memref<128xf32, #tpu.memory_space<vmem>>, vector<16xf32>,
      %swap3A_1290 = vector.shape_cast %swap3A_1289 : vector<16xf32> to vector<16xf32>
      %swap3A_1291 = vector.shape_cast %mul3A_1282 : vector<16xf32> to vector<16xf32>
      tpu.vector_store %arg27[%swap3A_1288], %swap3A_1291 {strides = array<i32>} : memref<128xf32, #tpu.memory_space<vmem>>, vector<16xf32>,
      %swap3A_1292 = arith.constant 80 : index
      %swap3A_1293 = tpu.vector_load %arg28[%swap3A_1292] {strides = array<i32>} : memref<128xf32, #tpu.memory_space<vmem>>, vector<16xf32>,
      %swap3A_1294 = vector.shape_cast %swap3A_1293 : vector<16xf32> to vector<16xf32>
      %swap3A_1295 = vector.shape_cast %mul3A_1283 : vector<16xf32> to vector<16xf32>
      tpu.vector_store %arg28[%swap3A_1292], %swap3A_1295 {strides = array<i32>} : memref<128xf32, #tpu.memory_space<vmem>>, vector<16xf32>,
      %neg3A_1296 = arith.constant 0.000000e+00 : f32
      %neg3A_1297 = vector.broadcast %neg3A_1296 : f32 to vector<16xf32>
      %neg3A_1298 = arith.subf %neg3A_1297, %mul3A_1281 : vector<16xf32>
      %swap3A_1299 = arith.constant 80 : index
      %swap3A_1300 = tpu.vector_load %arg29[%swap3A_1299] {strides = array<i32>} : memref<128xf32, #tpu.memory_space<vmem>>, vector<16xf32>,
      %swap3A_1301 = vector.shape_cast %swap3A_1300 : vector<16xf32> to vector<16xf32>
      %swap3A_1302 = vector.shape_cast %neg3A_1298 : vector<16xf32> to vector<16xf32>
      tpu.vector_store %arg29[%swap3A_1299], %swap3A_1302 {strides = array<i32>} : memref<128xf32, #tpu.memory_space<vmem>>, vector<16xf32>,
      %neg3A_1303 = arith.constant 0.000000e+00 : f32
      %neg3A_1304 = vector.broadcast %neg3A_1303 : f32 to vector<16xf32>
      %neg3A_1305 = arith.subf %neg3A_1304, %mul3A_1282 : vector<16xf32>
      %swap3A_1306 = arith.constant 80 : index
      %swap3A_1307 = tpu.vector_load %arg30[%swap3A_1306] {strides = array<i32>} : memref<128xf32, #tpu.memory_space<vmem>>, vector<16xf32>,
      %swap3A_1308 = vector.shape_cast %swap3A_1307 : vector<16xf32> to vector<16xf32>
      %swap3A_1309 = vector.shape_cast %neg3A_1305 : vector<16xf32> to vector<16xf32>
      tpu.vector_store %arg30[%swap3A_1306], %swap3A_1309 {strides = array<i32>} : memref<128xf32, #tpu.memory_space<vmem>>, vector<16xf32>,
      %neg3A_1310 = arith.constant 0.000000e+00 : f32
      %neg3A_1311 = vector.broadcast %neg3A_1310 : f32 to vector<16xf32>
      %neg3A_1312 = arith.subf %neg3A_1311, %mul3A_1283 : vector<16xf32>
      %swap3A_1313 = arith.constant 80 : index
      %swap3A_1314 = tpu.vector_load %arg31[%swap3A_1313] {strides = array<i32>} : memref<128xf32, #tpu.memory_space<vmem>>, vector<16xf32>,
      %swap3A_1315 = vector.shape_cast %swap3A_1314 : vector<16xf32> to vector<16xf32>
      %swap3A_1316 = vector.shape_cast %neg3A_1312 : vector<16xf32> to vector<16xf32>
      tpu.vector_store %arg31[%swap3A_1313], %swap3A_1316 {strides = array<i32>} : memref<128xf32, #tpu.memory_space<vmem>>, vector<16xf32>,
      %swap3A_1317 = arith.constant 80 : index
      %swap3A_1318 = tpu.vector_load %arg32[%swap3A_1317] {strides = array<i32>} : memref<128xf32, #tpu.memory_space<vmem>>, vector<16xf32>,
      %swap3A_1319 = vector.shape_cast %swap3A_1318 : vector<16xf32> to vector<16xf32>
      %swap3A_1320 = vector.shape_cast %mul3A_1276 : vector<16xf32> to vector<16xf32>
      tpu.vector_store %arg32[%swap3A_1317], %swap3A_1320 {strides = array<i32>} : memref<128xf32, #tpu.memory_space<vmem>>, vector<16xf32>,
      %get3A_1321 = arith.constant 96 : index
      %get3A_1322 = tpu.vector_load %arg14[%get3A_1321] {strides = array<i32>} : memref<128xf32, #tpu.memory_space<vmem>>, vector<16xf32>,
      %get3A_1323 = vector.shape_cast %get3A_1322 : vector<16xf32> to vector<16xf32>
      %get3A_1324 = arith.constant 96 : index
      %get3A_1325 = tpu.vector_load %arg17[%get3A_1324] {strides = array<i32>} : memref<128xf32, #tpu.memory_space<vmem>>, vector<16xf32>,
      %get3A_1326 = vector.shape_cast %get3A_1325 : vector<16xf32> to vector<16xf32>
      %sub3A_1327 = arith.subf %get3A_1323, %get3A_1326 : vector<16xf32>
      %get3A_1328 = arith.constant 96 : index
      %get3A_1329 = tpu.vector_load %arg15[%get3A_1328] {strides = array<i32>} : memref<128xf32, #tpu.memory_space<vmem>>, vector<16xf32>,
      %get3A_1330 = vector.shape_cast %get3A_1329 : vector<16xf32> to vector<16xf32>
      %get3A_1331 = arith.constant 96 : index
      %get3A_1332 = tpu.vector_load %arg18[%get3A_1331] {strides = array<i32>} : memref<128xf32, #tpu.memory_space<vmem>>, vector<16xf32>,
      %get3A_1333 = vector.shape_cast %get3A_1332 : vector<16xf32> to vector<16xf32>
      %sub3A_1334 = arith.subf %get3A_1330, %get3A_1333 : vector<16xf32>
      %get3A_1335 = arith.constant 96 : index
      %get3A_1336 = tpu.vector_load %arg16[%get3A_1335] {strides = array<i32>} : memref<128xf32, #tpu.memory_space<vmem>>, vector<16xf32>,
      %get3A_1337 = vector.shape_cast %get3A_1336 : vector<16xf32> to vector<16xf32>
      %get3A_1338 = arith.constant 96 : index
      %get3A_1339 = tpu.vector_load %arg19[%get3A_1338] {strides = array<i32>} : memref<128xf32, #tpu.memory_space<vmem>>, vector<16xf32>,
      %get3A_1340 = vector.shape_cast %get3A_1339 : vector<16xf32> to vector<16xf32>
      %sub3A_1341 = arith.subf %get3A_1337, %get3A_1340 : vector<16xf32>
      %mul3A_1342 = arith.mulf %sub3A_1327, %sub3A_1327 : vector<16xf32>
      %mul3A_1343 = arith.mulf %sub3A_1334, %sub3A_1334 : vector<16xf32>
      %add3A_1344 = arith.addf %mul3A_1342, %mul3A_1343 : vector<16xf32>
      %mul3A_1345 = arith.mulf %sub3A_1341, %sub3A_1341 : vector<16xf32>
      %add3A_1346 = arith.addf %add3A_1344, %mul3A_1345 : vector<16xf32>
      %bitcast_convert_type3A_1347 = tpu.bitcast %add3A_1346 : vector<16xf32> -> vector<16xi32>
      %shift_right_logical3A_1348 = arith.constant 1 : i32
      %shift_right_logical3A_1349 = vector.broadcast %shift_right_logical3A_1348 : i32 to vector<16xi32>
      %shift_right_logical3A_1350 = arith.shrui %bitcast_convert_type3A_1347, %shift_right_logical3A_1349 : vector<16xi32>
      %sub3A_1351 = arith.constant 1597463007 : i32
      %sub3A_1352 = vector.broadcast %sub3A_1351 : i32 to vector<16xi32>
      %sub3A_1353 = arith.subi %sub3A_1352, %shift_right_logical3A_1350 : vector<16xi32>
      %bitcast_convert_type3A_1354 = tpu.bitcast %sub3A_1353 : vector<16xi32> -> vector<16xf32>
      %mul3A_1355 = arith.constant 5.000000e-01 : f32
      %mul3A_1356 = vector.broadcast %mul3A_1355 : f32 to vector<16xf32>
      %mul3A_1357 = arith.mulf %mul3A_1356, %add3A_1346 : vector<16xf32>
      %mul3A_1358 = arith.mulf %mul3A_1357, %bitcast_convert_type3A_1354 : vector<16xf32>
      %mul3A_1359 = arith.mulf %mul3A_1358, %bitcast_convert_type3A_1354 : vector<16xf32>
      %sub3A_1360 = arith.constant 1.500000e+00 : f32
      %sub3A_1361 = vector.broadcast %sub3A_1360 : f32 to vector<16xf32>
      %sub3A_1362 = arith.subf %sub3A_1361, %mul3A_1359 : vector<16xf32>
      %mul3A_1363 = arith.mulf %bitcast_convert_type3A_1354, %sub3A_1362 : vector<16xf32>
      %mul3A_1364 = arith.constant 5.000000e-01 : f32
      %mul3A_1365 = vector.broadcast %mul3A_1364 : f32 to vector<16xf32>
      %mul3A_1366 = arith.mulf %mul3A_1365, %add3A_1346 : vector<16xf32>
      %mul3A_1367 = arith.mulf %mul3A_1366, %mul3A_1363 : vector<16xf32>
      %mul3A_1368 = arith.mulf %mul3A_1367, %mul3A_1363 : vector<16xf32>
      %sub3A_1369 = arith.constant 1.500000e+00 : f32
      %sub3A_1370 = vector.broadcast %sub3A_1369 : f32 to vector<16xf32>
      %sub3A_1371 = arith.subf %sub3A_1370, %mul3A_1368 : vector<16xf32>
      %mul3A_1372 = arith.mulf %mul3A_1363, %sub3A_1371 : vector<16xf32>
      %mul3A_1373 = arith.constant 128 : i32
      %mul3A_1374 = arith.muli %add3A_652, %mul3A_1373 : i32
      %add3A_1375 = arith.constant 96 : i32
      %add3A_1376 = arith.addi %mul3A_1374, %add3A_1375 : i32
      %get3A_1377 = arith.index_cast %add3A_1376 : i32 to index
      %get3A_1378 = tpu.vector_load %arg13[%get3A_1377] {strides = array<i32>} : memref<15616xf32, #tpu.memory_space<vmem>>, vector<16xf32>,
      %get3A_1379 = vector.shape_cast %get3A_1378 : vector<16xf32> to vector<16xf32>
      %mul3A_1380 = arith.mulf %add3A_1346, %mul3A_1372 : vector<16xf32>
      %sub3A_1381 = arith.subf %mul3A_1380, %get3A_1379 : vector<16xf32>
      %mul3A_1382 = arith.constant 2.000000e+01 : f32
      %mul3A_1383 = vector.broadcast %mul3A_1382 : f32 to vector<16xf32>
      %mul3A_1384 = arith.mulf %mul3A_1383, %sub3A_1381 : vector<16xf32>
      %mul3A_1385 = arith.mulf %mul3A_1384, %sub3A_1381 : vector<16xf32>
      %mul3A_1386 = arith.constant 4.000000e+01 : f32
      %mul3A_1387 = vector.broadcast %mul3A_1386 : f32 to vector<16xf32>
      %mul3A_1388 = arith.mulf %mul3A_1387, %sub3A_1381 : vector<16xf32>
      %mul3A_1389 = arith.mulf %mul3A_1388, %mul3A_1372 : vector<16xf32>
      %mul3A_1390 = arith.mulf %mul3A_1389, %sub3A_1327 : vector<16xf32>
      %mul3A_1391 = arith.mulf %mul3A_1389, %sub3A_1334 : vector<16xf32>
      %mul3A_1392 = arith.mulf %mul3A_1389, %sub3A_1341 : vector<16xf32>
      %swap3A_1393 = arith.constant 96 : index
      %swap3A_1394 = tpu.vector_load %arg26[%swap3A_1393] {strides = array<i32>} : memref<128xf32, #tpu.memory_space<vmem>>, vector<16xf32>,
      %swap3A_1395 = vector.shape_cast %swap3A_1394 : vector<16xf32> to vector<16xf32>
      %swap3A_1396 = vector.shape_cast %mul3A_1390 : vector<16xf32> to vector<16xf32>
      tpu.vector_store %arg26[%swap3A_1393], %swap3A_1396 {strides = array<i32>} : memref<128xf32, #tpu.memory_space<vmem>>, vector<16xf32>,
      %swap3A_1397 = arith.constant 96 : index
      %swap3A_1398 = tpu.vector_load %arg27[%swap3A_1397] {strides = array<i32>} : memref<128xf32, #tpu.memory_space<vmem>>, vector<16xf32>,
      %swap3A_1399 = vector.shape_cast %swap3A_1398 : vector<16xf32> to vector<16xf32>
      %swap3A_1400 = vector.shape_cast %mul3A_1391 : vector<16xf32> to vector<16xf32>
      tpu.vector_store %arg27[%swap3A_1397], %swap3A_1400 {strides = array<i32>} : memref<128xf32, #tpu.memory_space<vmem>>, vector<16xf32>,
      %swap3A_1401 = arith.constant 96 : index
      %swap3A_1402 = tpu.vector_load %arg28[%swap3A_1401] {strides = array<i32>} : memref<128xf32, #tpu.memory_space<vmem>>, vector<16xf32>,
      %swap3A_1403 = vector.shape_cast %swap3A_1402 : vector<16xf32> to vector<16xf32>
      %swap3A_1404 = vector.shape_cast %mul3A_1392 : vector<16xf32> to vector<16xf32>
      tpu.vector_store %arg28[%swap3A_1401], %swap3A_1404 {strides = array<i32>} : memref<128xf32, #tpu.memory_space<vmem>>, vector<16xf32>,
      %neg3A_1405 = arith.constant 0.000000e+00 : f32
      %neg3A_1406 = vector.broadcast %neg3A_1405 : f32 to vector<16xf32>
      %neg3A_1407 = arith.subf %neg3A_1406, %mul3A_1390 : vector<16xf32>
      %swap3A_1408 = arith.constant 96 : index
      %swap3A_1409 = tpu.vector_load %arg29[%swap3A_1408] {strides = array<i32>} : memref<128xf32, #tpu.memory_space<vmem>>, vector<16xf32>,
      %swap3A_1410 = vector.shape_cast %swap3A_1409 : vector<16xf32> to vector<16xf32>
      %swap3A_1411 = vector.shape_cast %neg3A_1407 : vector<16xf32> to vector<16xf32>
      tpu.vector_store %arg29[%swap3A_1408], %swap3A_1411 {strides = array<i32>} : memref<128xf32, #tpu.memory_space<vmem>>, vector<16xf32>,
      %neg3A_1412 = arith.constant 0.000000e+00 : f32
      %neg3A_1413 = vector.broadcast %neg3A_1412 : f32 to vector<16xf32>
      %neg3A_1414 = arith.subf %neg3A_1413, %mul3A_1391 : vector<16xf32>
      %swap3A_1415 = arith.constant 96 : index
      %swap3A_1416 = tpu.vector_load %arg30[%swap3A_1415] {strides = array<i32>} : memref<128xf32, #tpu.memory_space<vmem>>, vector<16xf32>,
      %swap3A_1417 = vector.shape_cast %swap3A_1416 : vector<16xf32> to vector<16xf32>
      %swap3A_1418 = vector.shape_cast %neg3A_1414 : vector<16xf32> to vector<16xf32>
      tpu.vector_store %arg30[%swap3A_1415], %swap3A_1418 {strides = array<i32>} : memref<128xf32, #tpu.memory_space<vmem>>, vector<16xf32>,
      %neg3A_1419 = arith.constant 0.000000e+00 : f32
      %neg3A_1420 = vector.broadcast %neg3A_1419 : f32 to vector<16xf32>
      %neg3A_1421 = arith.subf %neg3A_1420, %mul3A_1392 : vector<16xf32>
      %swap3A_1422 = arith.constant 96 : index
      %swap3A_1423 = tpu.vector_load %arg31[%swap3A_1422] {strides = array<i32>} : memref<128xf32, #tpu.memory_space<vmem>>, vector<16xf32>,
      %swap3A_1424 = vector.shape_cast %swap3A_1423 : vector<16xf32> to vector<16xf32>
      %swap3A_1425 = vector.shape_cast %neg3A_1421 : vector<16xf32> to vector<16xf32>
      tpu.vector_store %arg31[%swap3A_1422], %swap3A_1425 {strides = array<i32>} : memref<128xf32, #tpu.memory_space<vmem>>, vector<16xf32>,
      %swap3A_1426 = arith.constant 96 : index
      %swap3A_1427 = tpu.vector_load %arg32[%swap3A_1426] {strides = array<i32>} : memref<128xf32, #tpu.memory_space<vmem>>, vector<16xf32>,
      %swap3A_1428 = vector.shape_cast %swap3A_1427 : vector<16xf32> to vector<16xf32>
      %swap3A_1429 = vector.shape_cast %mul3A_1385 : vector<16xf32> to vector<16xf32>
      tpu.vector_store %arg32[%swap3A_1426], %swap3A_1429 {strides = array<i32>} : memref<128xf32, #tpu.memory_space<vmem>>, vector<16xf32>,
      %get3A_1430 = arith.constant 112 : index
      %get3A_1431 = tpu.vector_load %arg14[%get3A_1430] {strides = array<i32>} : memref<128xf32, #tpu.memory_space<vmem>>, vector<16xf32>,
      %get3A_1432 = vector.shape_cast %get3A_1431 : vector<16xf32> to vector<16xf32>
      %get3A_1433 = arith.constant 112 : index
      %get3A_1434 = tpu.vector_load %arg17[%get3A_1433] {strides = array<i32>} : memref<128xf32, #tpu.memory_space<vmem>>, vector<16xf32>,
      %get3A_1435 = vector.shape_cast %get3A_1434 : vector<16xf32> to vector<16xf32>
      %sub3A_1436 = arith.subf %get3A_1432, %get3A_1435 : vector<16xf32>
      %get3A_1437 = arith.constant 112 : index
      %get3A_1438 = tpu.vector_load %arg15[%get3A_1437] {strides = array<i32>} : memref<128xf32, #tpu.memory_space<vmem>>, vector<16xf32>,
      %get3A_1439 = vector.shape_cast %get3A_1438 : vector<16xf32> to vector<16xf32>
      %get3A_1440 = arith.constant 112 : index
      %get3A_1441 = tpu.vector_load %arg18[%get3A_1440] {strides = array<i32>} : memref<128xf32, #tpu.memory_space<vmem>>, vector<16xf32>,
      %get3A_1442 = vector.shape_cast %get3A_1441 : vector<16xf32> to vector<16xf32>
      %sub3A_1443 = arith.subf %get3A_1439, %get3A_1442 : vector<16xf32>
      %get3A_1444 = arith.constant 112 : index
      %get3A_1445 = tpu.vector_load %arg16[%get3A_1444] {strides = array<i32>} : memref<128xf32, #tpu.memory_space<vmem>>, vector<16xf32>,
      %get3A_1446 = vector.shape_cast %get3A_1445 : vector<16xf32> to vector<16xf32>
      %get3A_1447 = arith.constant 112 : index
      %get3A_1448 = tpu.vector_load %arg19[%get3A_1447] {strides = array<i32>} : memref<128xf32, #tpu.memory_space<vmem>>, vector<16xf32>,
      %get3A_1449 = vector.shape_cast %get3A_1448 : vector<16xf32> to vector<16xf32>
      %sub3A_1450 = arith.subf %get3A_1446, %get3A_1449 : vector<16xf32>
      %mul3A_1451 = arith.mulf %sub3A_1436, %sub3A_1436 : vector<16xf32>
      %mul3A_1452 = arith.mulf %sub3A_1443, %sub3A_1443 : vector<16xf32>
      %add3A_1453 = arith.addf %mul3A_1451, %mul3A_1452 : vector<16xf32>
      %mul3A_1454 = arith.mulf %sub3A_1450, %sub3A_1450 : vector<16xf32>
      %add3A_1455 = arith.addf %add3A_1453, %mul3A_1454 : vector<16xf32>
      %bitcast_convert_type3A_1456 = tpu.bitcast %add3A_1455 : vector<16xf32> -> vector<16xi32>
      %shift_right_logical3A_1457 = arith.constant 1 : i32
      %shift_right_logical3A_1458 = vector.broadcast %shift_right_logical3A_1457 : i32 to vector<16xi32>
      %shift_right_logical3A_1459 = arith.shrui %bitcast_convert_type3A_1456, %shift_right_logical3A_1458 : vector<16xi32>
      %sub3A_1460 = arith.constant 1597463007 : i32
      %sub3A_1461 = vector.broadcast %sub3A_1460 : i32 to vector<16xi32>
      %sub3A_1462 = arith.subi %sub3A_1461, %shift_right_logical3A_1459 : vector<16xi32>
      %bitcast_convert_type3A_1463 = tpu.bitcast %sub3A_1462 : vector<16xi32> -> vector<16xf32>
      %mul3A_1464 = arith.constant 5.000000e-01 : f32
      %mul3A_1465 = vector.broadcast %mul3A_1464 : f32 to vector<16xf32>
      %mul3A_1466 = arith.mulf %mul3A_1465, %add3A_1455 : vector<16xf32>
      %mul3A_1467 = arith.mulf %mul3A_1466, %bitcast_convert_type3A_1463 : vector<16xf32>
      %mul3A_1468 = arith.mulf %mul3A_1467, %bitcast_convert_type3A_1463 : vector<16xf32>
      %sub3A_1469 = arith.constant 1.500000e+00 : f32
      %sub3A_1470 = vector.broadcast %sub3A_1469 : f32 to vector<16xf32>
      %sub3A_1471 = arith.subf %sub3A_1470, %mul3A_1468 : vector<16xf32>
      %mul3A_1472 = arith.mulf %bitcast_convert_type3A_1463, %sub3A_1471 : vector<16xf32>
      %mul3A_1473 = arith.constant 5.000000e-01 : f32
      %mul3A_1474 = vector.broadcast %mul3A_1473 : f32 to vector<16xf32>
      %mul3A_1475 = arith.mulf %mul3A_1474, %add3A_1455 : vector<16xf32>
      %mul3A_1476 = arith.mulf %mul3A_1475, %mul3A_1472 : vector<16xf32>
      %mul3A_1477 = arith.mulf %mul3A_1476, %mul3A_1472 : vector<16xf32>
      %sub3A_1478 = arith.constant 1.500000e+00 : f32
      %sub3A_1479 = vector.broadcast %sub3A_1478 : f32 to vector<16xf32>
      %sub3A_1480 = arith.subf %sub3A_1479, %mul3A_1477 : vector<16xf32>
      %mul3A_1481 = arith.mulf %mul3A_1472, %sub3A_1480 : vector<16xf32>
      %mul3A_1482 = arith.constant 128 : i32
      %mul3A_1483 = arith.muli %add3A_652, %mul3A_1482 : i32
      %add3A_1484 = arith.constant 112 : i32
      %add3A_1485 = arith.addi %mul3A_1483, %add3A_1484 : i32
      %get3A_1486 = arith.index_cast %add3A_1485 : i32 to index
      %get3A_1487 = tpu.vector_load %arg13[%get3A_1486] {strides = array<i32>} : memref<15616xf32, #tpu.memory_space<vmem>>, vector<16xf32>,
      %get3A_1488 = vector.shape_cast %get3A_1487 : vector<16xf32> to vector<16xf32>
      %mul3A_1489 = arith.mulf %add3A_1455, %mul3A_1481 : vector<16xf32>
      %sub3A_1490 = arith.subf %mul3A_1489, %get3A_1488 : vector<16xf32>
      %mul3A_1491 = arith.constant 2.000000e+01 : f32
      %mul3A_1492 = vector.broadcast %mul3A_1491 : f32 to vector<16xf32>
      %mul3A_1493 = arith.mulf %mul3A_1492, %sub3A_1490 : vector<16xf32>
      %mul3A_1494 = arith.mulf %mul3A_1493, %sub3A_1490 : vector<16xf32>
      %mul3A_1495 = arith.constant 4.000000e+01 : f32
      %mul3A_1496 = vector.broadcast %mul3A_1495 : f32 to vector<16xf32>
      %mul3A_1497 = arith.mulf %mul3A_1496, %sub3A_1490 : vector<16xf32>
      %mul3A_1498 = arith.mulf %mul3A_1497, %mul3A_1481 : vector<16xf32>
      %mul3A_1499 = arith.mulf %mul3A_1498, %sub3A_1436 : vector<16xf32>
      %mul3A_1500 = arith.mulf %mul3A_1498, %sub3A_1443 : vector<16xf32>
      %mul3A_1501 = arith.mulf %mul3A_1498, %sub3A_1450 : vector<16xf32>
      %swap3A_1502 = arith.constant 112 : index
      %swap3A_1503 = tpu.vector_load %arg26[%swap3A_1502] {strides = array<i32>} : memref<128xf32, #tpu.memory_space<vmem>>, vector<16xf32>,
      %swap3A_1504 = vector.shape_cast %swap3A_1503 : vector<16xf32> to vector<16xf32>
      %swap3A_1505 = vector.shape_cast %mul3A_1499 : vector<16xf32> to vector<16xf32>
      tpu.vector_store %arg26[%swap3A_1502], %swap3A_1505 {strides = array<i32>} : memref<128xf32, #tpu.memory_space<vmem>>, vector<16xf32>,
      %swap3A_1506 = arith.constant 112 : index
      %swap3A_1507 = tpu.vector_load %arg27[%swap3A_1506] {strides = array<i32>} : memref<128xf32, #tpu.memory_space<vmem>>, vector<16xf32>,
      %swap3A_1508 = vector.shape_cast %swap3A_1507 : vector<16xf32> to vector<16xf32>
      %swap3A_1509 = vector.shape_cast %mul3A_1500 : vector<16xf32> to vector<16xf32>
      tpu.vector_store %arg27[%swap3A_1506], %swap3A_1509 {strides = array<i32>} : memref<128xf32, #tpu.memory_space<vmem>>, vector<16xf32>,
      %swap3A_1510 = arith.constant 112 : index
      %swap3A_1511 = tpu.vector_load %arg28[%swap3A_1510] {strides = array<i32>} : memref<128xf32, #tpu.memory_space<vmem>>, vector<16xf32>,
      %swap3A_1512 = vector.shape_cast %swap3A_1511 : vector<16xf32> to vector<16xf32>
      %swap3A_1513 = vector.shape_cast %mul3A_1501 : vector<16xf32> to vector<16xf32>
      tpu.vector_store %arg28[%swap3A_1510], %swap3A_1513 {strides = array<i32>} : memref<128xf32, #tpu.memory_space<vmem>>, vector<16xf32>,
      %neg3A_1514 = arith.constant 0.000000e+00 : f32
      %neg3A_1515 = vector.broadcast %neg3A_1514 : f32 to vector<16xf32>
      %neg3A_1516 = arith.subf %neg3A_1515, %mul3A_1499 : vector<16xf32>
      %swap3A_1517 = arith.constant 112 : index
      %swap3A_1518 = tpu.vector_load %arg29[%swap3A_1517] {strides = array<i32>} : memref<128xf32, #tpu.memory_space<vmem>>, vector<16xf32>,
      %swap3A_1519 = vector.shape_cast %swap3A_1518 : vector<16xf32> to vector<16xf32>
      %swap3A_1520 = vector.shape_cast %neg3A_1516 : vector<16xf32> to vector<16xf32>
      tpu.vector_store %arg29[%swap3A_1517], %swap3A_1520 {strides = array<i32>} : memref<128xf32, #tpu.memory_space<vmem>>, vector<16xf32>,
      %neg3A_1521 = arith.constant 0.000000e+00 : f32
      %neg3A_1522 = vector.broadcast %neg3A_1521 : f32 to vector<16xf32>
      %neg3A_1523 = arith.subf %neg3A_1522, %mul3A_1500 : vector<16xf32>
      %swap3A_1524 = arith.constant 112 : index
      %swap3A_1525 = tpu.vector_load %arg30[%swap3A_1524] {strides = array<i32>} : memref<128xf32, #tpu.memory_space<vmem>>, vector<16xf32>,
      %swap3A_1526 = vector.shape_cast %swap3A_1525 : vector<16xf32> to vector<16xf32>
      %swap3A_1527 = vector.shape_cast %neg3A_1523 : vector<16xf32> to vector<16xf32>
      tpu.vector_store %arg30[%swap3A_1524], %swap3A_1527 {strides = array<i32>} : memref<128xf32, #tpu.memory_space<vmem>>, vector<16xf32>,
      %neg3A_1528 = arith.constant 0.000000e+00 : f32
      %neg3A_1529 = vector.broadcast %neg3A_1528 : f32 to vector<16xf32>
      %neg3A_1530 = arith.subf %neg3A_1529, %mul3A_1501 : vector<16xf32>
      %swap3A_1531 = arith.constant 112 : index
      %swap3A_1532 = tpu.vector_load %arg31[%swap3A_1531] {strides = array<i32>} : memref<128xf32, #tpu.memory_space<vmem>>, vector<16xf32>,
      %swap3A_1533 = vector.shape_cast %swap3A_1532 : vector<16xf32> to vector<16xf32>
      %swap3A_1534 = vector.shape_cast %neg3A_1530 : vector<16xf32> to vector<16xf32>
      tpu.vector_store %arg31[%swap3A_1531], %swap3A_1534 {strides = array<i32>} : memref<128xf32, #tpu.memory_space<vmem>>, vector<16xf32>,
      %swap3A_1535 = arith.constant 112 : index
      %swap3A_1536 = tpu.vector_load %arg32[%swap3A_1535] {strides = array<i32>} : memref<128xf32, #tpu.memory_space<vmem>>, vector<16xf32>,
      %swap3A_1537 = vector.shape_cast %swap3A_1536 : vector<16xf32> to vector<16xf32>
      %swap3A_1538 = vector.shape_cast %mul3A_1494 : vector<16xf32> to vector<16xf32>
      tpu.vector_store %arg32[%swap3A_1535], %swap3A_1538 {strides = array<i32>} : memref<128xf32, #tpu.memory_space<vmem>>, vector<16xf32>,
      %dma_start3A_1539 = arith.constant 0 : i32
      %dma_start3A_1540 = tpu.memref_slice %arg10[%add3A_652, %dma_start3A_1539] : memref<122x128xi32, #tpu.memory_space<vmem>> -> memref<1x128xi32, #tpu.memory_space<vmem>>
      %dma_start3A_1541 = tpu.memref_squeeze %dma_start3A_1540 : memref<1x128xi32, #tpu.memory_space<vmem>> -> memref<128xi32, #tpu.memory_space<vmem>>
      %dma_start3A_1542 = arith.constant 0 : i32
      %dma_start3A_1543 = tpu.memref_slice %arg54[%dma_start3A_1542] : memref<50048xf32, #tpu.memory_space<vmem_shared>> -> memref<50048xf32, #tpu.memory_space<vmem_shared>>
      tpu.enqueue_indirect_dma source(%arg26 : memref<128xf32, #tpu.memory_space<vmem>>) target(%dma_start3A_1543 : memref<50048xf32, #tpu.memory_space<vmem_shared>>) offsets(%dma_start3A_1541 : memref<128xi32, #tpu.memory_space<vmem>>) semaphore(%arg60 : memref<!tpu.dma_semaphore, #tpu.memory_space<semaphore_mem>>) {add = true}
      %dma_start3A_1544 = arith.constant 0 : i32
      %dma_start3A_1545 = tpu.memref_slice %arg10[%add3A_652, %dma_start3A_1544] : memref<122x128xi32, #tpu.memory_space<vmem>> -> memref<1x128xi32, #tpu.memory_space<vmem>>
      %dma_start3A_1546 = tpu.memref_squeeze %dma_start3A_1545 : memref<1x128xi32, #tpu.memory_space<vmem>> -> memref<128xi32, #tpu.memory_space<vmem>>
      %dma_start3A_1547 = arith.constant 0 : i32
      %dma_start3A_1548 = tpu.memref_slice %arg55[%dma_start3A_1547] : memref<50048xf32, #tpu.memory_space<vmem_shared>> -> memref<50048xf32, #tpu.memory_space<vmem_shared>>
      tpu.enqueue_indirect_dma source(%arg27 : memref<128xf32, #tpu.memory_space<vmem>>) target(%dma_start3A_1548 : memref<50048xf32, #tpu.memory_space<vmem_shared>>) offsets(%dma_start3A_1546 : memref<128xi32, #tpu.memory_space<vmem>>) semaphore(%arg60 : memref<!tpu.dma_semaphore, #tpu.memory_space<semaphore_mem>>) {add = true}
      %dma_start3A_1549 = arith.constant 0 : i32
      %dma_start3A_1550 = tpu.memref_slice %arg10[%add3A_652, %dma_start3A_1549] : memref<122x128xi32, #tpu.memory_space<vmem>> -> memref<1x128xi32, #tpu.memory_space<vmem>>
      %dma_start3A_1551 = tpu.memref_squeeze %dma_start3A_1550 : memref<1x128xi32, #tpu.memory_space<vmem>> -> memref<128xi32, #tpu.memory_space<vmem>>
      %dma_start3A_1552 = arith.constant 0 : i32
      %dma_start3A_1553 = tpu.memref_slice %arg56[%dma_start3A_1552] : memref<50048xf32, #tpu.memory_space<vmem_shared>> -> memref<50048xf32, #tpu.memory_space<vmem_shared>>
      tpu.enqueue_indirect_dma source(%arg28 : memref<128xf32, #tpu.memory_space<vmem>>) target(%dma_start3A_1553 : memref<50048xf32, #tpu.memory_space<vmem_shared>>) offsets(%dma_start3A_1551 : memref<128xi32, #tpu.memory_space<vmem>>) semaphore(%arg60 : memref<!tpu.dma_semaphore, #tpu.memory_space<semaphore_mem>>) {add = true}
      %dma_start3A_1554 = arith.constant 0 : i32
      %dma_start3A_1555 = tpu.memref_slice %arg11[%add3A_652, %dma_start3A_1554] : memref<122x128xi32, #tpu.memory_space<vmem>> -> memref<1x128xi32, #tpu.memory_space<vmem>>
      %dma_start3A_1556 = tpu.memref_squeeze %dma_start3A_1555 : memref<1x128xi32, #tpu.memory_space<vmem>> -> memref<128xi32, #tpu.memory_space<vmem>>
      %dma_start3A_1557 = arith.constant 0 : i32
      %dma_start3A_1558 = tpu.memref_slice %arg54[%dma_start3A_1557] : memref<50048xf32, #tpu.memory_space<vmem_shared>> -> memref<50048xf32, #tpu.memory_space<vmem_shared>>
      tpu.enqueue_indirect_dma source(%arg29 : memref<128xf32, #tpu.memory_space<vmem>>) target(%dma_start3A_1558 : memref<50048xf32, #tpu.memory_space<vmem_shared>>) offsets(%dma_start3A_1556 : memref<128xi32, #tpu.memory_space<vmem>>) semaphore(%arg60 : memref<!tpu.dma_semaphore, #tpu.memory_space<semaphore_mem>>) {add = true}
      %dma_start3A_1559 = arith.constant 0 : i32
      %dma_start3A_1560 = tpu.memref_slice %arg11[%add3A_652, %dma_start3A_1559] : memref<122x128xi32, #tpu.memory_space<vmem>> -> memref<1x128xi32, #tpu.memory_space<vmem>>
      %dma_start3A_1561 = tpu.memref_squeeze %dma_start3A_1560 : memref<1x128xi32, #tpu.memory_space<vmem>> -> memref<128xi32, #tpu.memory_space<vmem>>
      %dma_start3A_1562 = arith.constant 0 : i32
      %dma_start3A_1563 = tpu.memref_slice %arg55[%dma_start3A_1562] : memref<50048xf32, #tpu.memory_space<vmem_shared>> -> memref<50048xf32, #tpu.memory_space<vmem_shared>>
      tpu.enqueue_indirect_dma source(%arg30 : memref<128xf32, #tpu.memory_space<vmem>>) target(%dma_start3A_1563 : memref<50048xf32, #tpu.memory_space<vmem_shared>>) offsets(%dma_start3A_1561 : memref<128xi32, #tpu.memory_space<vmem>>) semaphore(%arg60 : memref<!tpu.dma_semaphore, #tpu.memory_space<semaphore_mem>>) {add = true}
      %dma_start3A_1564 = arith.constant 0 : i32
      %dma_start3A_1565 = tpu.memref_slice %arg11[%add3A_652, %dma_start3A_1564] : memref<122x128xi32, #tpu.memory_space<vmem>> -> memref<1x128xi32, #tpu.memory_space<vmem>>
      %dma_start3A_1566 = tpu.memref_squeeze %dma_start3A_1565 : memref<1x128xi32, #tpu.memory_space<vmem>> -> memref<128xi32, #tpu.memory_space<vmem>>
      %dma_start3A_1567 = arith.constant 0 : i32
      %dma_start3A_1568 = tpu.memref_slice %arg56[%dma_start3A_1567] : memref<50048xf32, #tpu.memory_space<vmem_shared>> -> memref<50048xf32, #tpu.memory_space<vmem_shared>>
      tpu.enqueue_indirect_dma source(%arg31 : memref<128xf32, #tpu.memory_space<vmem>>) target(%dma_start3A_1568 : memref<50048xf32, #tpu.memory_space<vmem_shared>>) offsets(%dma_start3A_1566 : memref<128xi32, #tpu.memory_space<vmem>>) semaphore(%arg60 : memref<!tpu.dma_semaphore, #tpu.memory_space<semaphore_mem>>) {add = true}
      %dma_start3A_1569 = arith.constant 0 : i32
      %dma_start3A_1570 = tpu.memref_slice %arg12[%add3A_652, %dma_start3A_1569] : memref<122x128xi32, #tpu.memory_space<vmem>> -> memref<1x128xi32, #tpu.memory_space<vmem>>
      %dma_start3A_1571 = tpu.memref_squeeze %dma_start3A_1570 : memref<1x128xi32, #tpu.memory_space<vmem>> -> memref<128xi32, #tpu.memory_space<vmem>>
      %dma_start3A_1572 = arith.constant 0 : i32
      %dma_start3A_1573 = tpu.memref_slice %arg57[%dma_start3A_1572] : memref<1008xf32, #tpu.memory_space<vmem_shared>> -> memref<1008xf32, #tpu.memory_space<vmem_shared>>
      tpu.enqueue_indirect_dma source(%arg32 : memref<128xf32, #tpu.memory_space<vmem>>) target(%dma_start3A_1573 : memref<1008xf32, #tpu.memory_space<vmem_shared>>) offsets(%dma_start3A_1571 : memref<128xi32, #tpu.memory_space<vmem>>) semaphore(%arg60 : memref<!tpu.dma_semaphore, #tpu.memory_space<semaphore_mem>>) {add = true}
      %mul3A_1574 = arith.constant 2 : i32
      %mul3A_1575 = arith.muli %mul3A_1574, %scan3A_648 : i32
      %add3A_1576 = arith.constant 1 : i32
      %add3A_1577 = arith.addi %mul3A_1575, %add3A_1576 : i32
      %add3A_1578 = arith.constant 1 : i32
      %add3A_1579 = arith.addi %add3A_1577, %add3A_1578 : i32
      %lt3A_1580 = arith.constant 122 : i32
      %lt3A_1581 = arith.cmpi slt, %add3A_1579, %lt3A_1580 : i32
      %convert_element_type3A_1582 = arith.extui %lt3A_1581 : i1 to i32
      %cond3A_1583 = arith.constant 0 : i32
      %cond3A_1584 = arith.cmpi ne, %convert_element_type3A_1582, %cond3A_1583 : i32
      scf.if %cond3A_1584 {
        %add3A_2505 = arith.constant 1 : i32
        %add3A_2506 = arith.addi %add3A_1577, %add3A_2505 : i32
        %get3A_2507 = arith.index_cast %add3A_2506 : i32 to index
        %get3A_2508 = arith.constant 0 : index
        %get3A_2509 = tpu.vector_load %arg10[%get3A_2507, %get3A_2508] {strides = array<i32>} : memref<122x128xi32, #tpu.memory_space<vmem>>, vector<1x16xi32>,
        %get3A_2510 = vector.shape_cast %get3A_2509 : vector<1x16xi32> to vector<16xi32>
        %shift_left3A_2511 = arith.constant 2 : i32
        %shift_left3A_2512 = vector.broadcast %shift_left3A_2511 : i32 to vector<16xi32>
        %shift_left3A_2513 = arith.shli %get3A_2510, %shift_left3A_2512 : vector<16xi32>
        %get3A_2514 = arith.index_cast %add3A_2506 : i32 to index
        %get3A_2515 = arith.constant 0 : index
        %get3A_2516 = tpu.vector_load %arg11[%get3A_2514, %get3A_2515] {strides = array<i32>} : memref<122x128xi32, #tpu.memory_space<vmem>>, vector<1x16xi32>,
        %get3A_2517 = vector.shape_cast %get3A_2516 : vector<1x16xi32> to vector<16xi32>
        %shift_left3A_2518 = arith.constant 2 : i32
        %shift_left3A_2519 = vector.broadcast %shift_left3A_2518 : i32 to vector<16xi32>
        %shift_left3A_2520 = arith.shli %get3A_2517, %shift_left3A_2519 : vector<16xi32>
        %add3A_2521 = arith.constant 1 : i32
        %add3A_2522 = vector.broadcast %add3A_2521 : i32 to vector<16xi32>
        %add3A_2523 = arith.addi %shift_left3A_2513, %add3A_2522 : vector<16xi32>
        %swap3A_2524 = arith.constant 0 : index
        %swap3A_2525 = tpu.vector_load %arg40[%swap3A_2524] {strides = array<i32>} : memref<128xi32, #tpu.memory_space<vmem>>, vector<16xi32>,
        %swap3A_2526 = vector.shape_cast %swap3A_2525 : vector<16xi32> to vector<16xi32>
        %swap3A_2527 = vector.shape_cast %add3A_2523 : vector<16xi32> to vector<16xi32>
        tpu.vector_store %arg40[%swap3A_2524], %swap3A_2527 {strides = array<i32>} : memref<128xi32, #tpu.memory_space<vmem>>, vector<16xi32>,
        %add3A_2528 = arith.constant 2 : i32
        %add3A_2529 = vector.broadcast %add3A_2528 : i32 to vector<16xi32>
        %add3A_2530 = arith.addi %shift_left3A_2513, %add3A_2529 : vector<16xi32>
        %swap3A_2531 = arith.constant 0 : index
        %swap3A_2532 = tpu.vector_load %arg41[%swap3A_2531] {strides = array<i32>} : memref<128xi32, #tpu.memory_space<vmem>>, vector<16xi32>,
        %swap3A_2533 = vector.shape_cast %swap3A_2532 : vector<16xi32> to vector<16xi32>
        %swap3A_2534 = vector.shape_cast %add3A_2530 : vector<16xi32> to vector<16xi32>
        tpu.vector_store %arg41[%swap3A_2531], %swap3A_2534 {strides = array<i32>} : memref<128xi32, #tpu.memory_space<vmem>>, vector<16xi32>,
        %add3A_2535 = arith.constant 3 : i32
        %add3A_2536 = vector.broadcast %add3A_2535 : i32 to vector<16xi32>
        %add3A_2537 = arith.addi %shift_left3A_2513, %add3A_2536 : vector<16xi32>
        %swap3A_2538 = arith.constant 0 : index
        %swap3A_2539 = tpu.vector_load %arg42[%swap3A_2538] {strides = array<i32>} : memref<128xi32, #tpu.memory_space<vmem>>, vector<16xi32>,
        %swap3A_2540 = vector.shape_cast %swap3A_2539 : vector<16xi32> to vector<16xi32>
        %swap3A_2541 = vector.shape_cast %add3A_2537 : vector<16xi32> to vector<16xi32>
        tpu.vector_store %arg42[%swap3A_2538], %swap3A_2541 {strides = array<i32>} : memref<128xi32, #tpu.memory_space<vmem>>, vector<16xi32>,
        %add3A_2542 = arith.constant 1 : i32
        %add3A_2543 = vector.broadcast %add3A_2542 : i32 to vector<16xi32>
        %add3A_2544 = arith.addi %shift_left3A_2520, %add3A_2543 : vector<16xi32>
        %swap3A_2545 = arith.constant 0 : index
        %swap3A_2546 = tpu.vector_load %arg43[%swap3A_2545] {strides = array<i32>} : memref<128xi32, #tpu.memory_space<vmem>>, vector<16xi32>,
        %swap3A_2547 = vector.shape_cast %swap3A_2546 : vector<16xi32> to vector<16xi32>
        %swap3A_2548 = vector.shape_cast %add3A_2544 : vector<16xi32> to vector<16xi32>
        tpu.vector_store %arg43[%swap3A_2545], %swap3A_2548 {strides = array<i32>} : memref<128xi32, #tpu.memory_space<vmem>>, vector<16xi32>,
        %add3A_2549 = arith.constant 2 : i32
        %add3A_2550 = vector.broadcast %add3A_2549 : i32 to vector<16xi32>
        %add3A_2551 = arith.addi %shift_left3A_2520, %add3A_2550 : vector<16xi32>
        %swap3A_2552 = arith.constant 0 : index
        %swap3A_2553 = tpu.vector_load %arg44[%swap3A_2552] {strides = array<i32>} : memref<128xi32, #tpu.memory_space<vmem>>, vector<16xi32>,
        %swap3A_2554 = vector.shape_cast %swap3A_2553 : vector<16xi32> to vector<16xi32>
        %swap3A_2555 = vector.shape_cast %add3A_2551 : vector<16xi32> to vector<16xi32>
        tpu.vector_store %arg44[%swap3A_2552], %swap3A_2555 {strides = array<i32>} : memref<128xi32, #tpu.memory_space<vmem>>, vector<16xi32>,
        %add3A_2556 = arith.constant 3 : i32
        %add3A_2557 = vector.broadcast %add3A_2556 : i32 to vector<16xi32>
        %add3A_2558 = arith.addi %shift_left3A_2520, %add3A_2557 : vector<16xi32>
        %swap3A_2559 = arith.constant 0 : index
        %swap3A_2560 = tpu.vector_load %arg45[%swap3A_2559] {strides = array<i32>} : memref<128xi32, #tpu.memory_space<vmem>>, vector<16xi32>,
        %swap3A_2561 = vector.shape_cast %swap3A_2560 : vector<16xi32> to vector<16xi32>
        %swap3A_2562 = vector.shape_cast %add3A_2558 : vector<16xi32> to vector<16xi32>
        tpu.vector_store %arg45[%swap3A_2559], %swap3A_2562 {strides = array<i32>} : memref<128xi32, #tpu.memory_space<vmem>>, vector<16xi32>,
        %get3A_2563 = arith.index_cast %add3A_2506 : i32 to index
        %get3A_2564 = arith.constant 16 : index
        %get3A_2565 = tpu.vector_load %arg10[%get3A_2563, %get3A_2564] {strides = array<i32>} : memref<122x128xi32, #tpu.memory_space<vmem>>, vector<1x16xi32>,
        %get3A_2566 = vector.shape_cast %get3A_2565 : vector<1x16xi32> to vector<16xi32>
        %shift_left3A_2567 = arith.constant 2 : i32
        %shift_left3A_2568 = vector.broadcast %shift_left3A_2567 : i32 to vector<16xi32>
        %shift_left3A_2569 = arith.shli %get3A_2566, %shift_left3A_2568 : vector<16xi32>
        %get3A_2570 = arith.index_cast %add3A_2506 : i32 to index
        %get3A_2571 = arith.constant 16 : index
        %get3A_2572 = tpu.vector_load %arg11[%get3A_2570, %get3A_2571] {strides = array<i32>} : memref<122x128xi32, #tpu.memory_space<vmem>>, vector<1x16xi32>,
        %get3A_2573 = vector.shape_cast %get3A_2572 : vector<1x16xi32> to vector<16xi32>
        %shift_left3A_2574 = arith.constant 2 : i32
        %shift_left3A_2575 = vector.broadcast %shift_left3A_2574 : i32 to vector<16xi32>
        %shift_left3A_2576 = arith.shli %get3A_2573, %shift_left3A_2575 : vector<16xi32>
        %add3A_2577 = arith.constant 1 : i32
        %add3A_2578 = vector.broadcast %add3A_2577 : i32 to vector<16xi32>
        %add3A_2579 = arith.addi %shift_left3A_2569, %add3A_2578 : vector<16xi32>
        %swap3A_2580 = arith.constant 16 : index
        %swap3A_2581 = tpu.vector_load %arg40[%swap3A_2580] {strides = array<i32>} : memref<128xi32, #tpu.memory_space<vmem>>, vector<16xi32>,
        %swap3A_2582 = vector.shape_cast %swap3A_2581 : vector<16xi32> to vector<16xi32>
        %swap3A_2583 = vector.shape_cast %add3A_2579 : vector<16xi32> to vector<16xi32>
        tpu.vector_store %arg40[%swap3A_2580], %swap3A_2583 {strides = array<i32>} : memref<128xi32, #tpu.memory_space<vmem>>, vector<16xi32>,
        %add3A_2584 = arith.constant 2 : i32
        %add3A_2585 = vector.broadcast %add3A_2584 : i32 to vector<16xi32>
        %add3A_2586 = arith.addi %shift_left3A_2569, %add3A_2585 : vector<16xi32>
        %swap3A_2587 = arith.constant 16 : index
        %swap3A_2588 = tpu.vector_load %arg41[%swap3A_2587] {strides = array<i32>} : memref<128xi32, #tpu.memory_space<vmem>>, vector<16xi32>,
        %swap3A_2589 = vector.shape_cast %swap3A_2588 : vector<16xi32> to vector<16xi32>
        %swap3A_2590 = vector.shape_cast %add3A_2586 : vector<16xi32> to vector<16xi32>
        tpu.vector_store %arg41[%swap3A_2587], %swap3A_2590 {strides = array<i32>} : memref<128xi32, #tpu.memory_space<vmem>>, vector<16xi32>,
        %add3A_2591 = arith.constant 3 : i32
        %add3A_2592 = vector.broadcast %add3A_2591 : i32 to vector<16xi32>
        %add3A_2593 = arith.addi %shift_left3A_2569, %add3A_2592 : vector<16xi32>
        %swap3A_2594 = arith.constant 16 : index
        %swap3A_2595 = tpu.vector_load %arg42[%swap3A_2594] {strides = array<i32>} : memref<128xi32, #tpu.memory_space<vmem>>, vector<16xi32>,
        %swap3A_2596 = vector.shape_cast %swap3A_2595 : vector<16xi32> to vector<16xi32>
        %swap3A_2597 = vector.shape_cast %add3A_2593 : vector<16xi32> to vector<16xi32>
        tpu.vector_store %arg42[%swap3A_2594], %swap3A_2597 {strides = array<i32>} : memref<128xi32, #tpu.memory_space<vmem>>, vector<16xi32>,
        %add3A_2598 = arith.constant 1 : i32
        %add3A_2599 = vector.broadcast %add3A_2598 : i32 to vector<16xi32>
        %add3A_2600 = arith.addi %shift_left3A_2576, %add3A_2599 : vector<16xi32>
        %swap3A_2601 = arith.constant 16 : index
        %swap3A_2602 = tpu.vector_load %arg43[%swap3A_2601] {strides = array<i32>} : memref<128xi32, #tpu.memory_space<vmem>>, vector<16xi32>,
        %swap3A_2603 = vector.shape_cast %swap3A_2602 : vector<16xi32> to vector<16xi32>
        %swap3A_2604 = vector.shape_cast %add3A_2600 : vector<16xi32> to vector<16xi32>
        tpu.vector_store %arg43[%swap3A_2601], %swap3A_2604 {strides = array<i32>} : memref<128xi32, #tpu.memory_space<vmem>>, vector<16xi32>,
        %add3A_2605 = arith.constant 2 : i32
        %add3A_2606 = vector.broadcast %add3A_2605 : i32 to vector<16xi32>
        %add3A_2607 = arith.addi %shift_left3A_2576, %add3A_2606 : vector<16xi32>
        %swap3A_2608 = arith.constant 16 : index
        %swap3A_2609 = tpu.vector_load %arg44[%swap3A_2608] {strides = array<i32>} : memref<128xi32, #tpu.memory_space<vmem>>, vector<16xi32>,
        %swap3A_2610 = vector.shape_cast %swap3A_2609 : vector<16xi32> to vector<16xi32>
        %swap3A_2611 = vector.shape_cast %add3A_2607 : vector<16xi32> to vector<16xi32>
        tpu.vector_store %arg44[%swap3A_2608], %swap3A_2611 {strides = array<i32>} : memref<128xi32, #tpu.memory_space<vmem>>, vector<16xi32>,
        %add3A_2612 = arith.constant 3 : i32
        %add3A_2613 = vector.broadcast %add3A_2612 : i32 to vector<16xi32>
        %add3A_2614 = arith.addi %shift_left3A_2576, %add3A_2613 : vector<16xi32>
        %swap3A_2615 = arith.constant 16 : index
        %swap3A_2616 = tpu.vector_load %arg45[%swap3A_2615] {strides = array<i32>} : memref<128xi32, #tpu.memory_space<vmem>>, vector<16xi32>,
        %swap3A_2617 = vector.shape_cast %swap3A_2616 : vector<16xi32> to vector<16xi32>
        %swap3A_2618 = vector.shape_cast %add3A_2614 : vector<16xi32> to vector<16xi32>
        tpu.vector_store %arg45[%swap3A_2615], %swap3A_2618 {strides = array<i32>} : memref<128xi32, #tpu.memory_space<vmem>>, vector<16xi32>,
        %get3A_2619 = arith.index_cast %add3A_2506 : i32 to index
        %get3A_2620 = arith.constant 32 : index
        %get3A_2621 = tpu.vector_load %arg10[%get3A_2619, %get3A_2620] {strides = array<i32>} : memref<122x128xi32, #tpu.memory_space<vmem>>, vector<1x16xi32>,
        %get3A_2622 = vector.shape_cast %get3A_2621 : vector<1x16xi32> to vector<16xi32>
        %shift_left3A_2623 = arith.constant 2 : i32
        %shift_left3A_2624 = vector.broadcast %shift_left3A_2623 : i32 to vector<16xi32>
        %shift_left3A_2625 = arith.shli %get3A_2622, %shift_left3A_2624 : vector<16xi32>
        %get3A_2626 = arith.index_cast %add3A_2506 : i32 to index
        %get3A_2627 = arith.constant 32 : index
        %get3A_2628 = tpu.vector_load %arg11[%get3A_2626, %get3A_2627] {strides = array<i32>} : memref<122x128xi32, #tpu.memory_space<vmem>>, vector<1x16xi32>,
        %get3A_2629 = vector.shape_cast %get3A_2628 : vector<1x16xi32> to vector<16xi32>
        %shift_left3A_2630 = arith.constant 2 : i32
        %shift_left3A_2631 = vector.broadcast %shift_left3A_2630 : i32 to vector<16xi32>
        %shift_left3A_2632 = arith.shli %get3A_2629, %shift_left3A_2631 : vector<16xi32>
        %add3A_2633 = arith.constant 1 : i32
        %add3A_2634 = vector.broadcast %add3A_2633 : i32 to vector<16xi32>
        %add3A_2635 = arith.addi %shift_left3A_2625, %add3A_2634 : vector<16xi32>
        %swap3A_2636 = arith.constant 32 : index
        %swap3A_2637 = tpu.vector_load %arg40[%swap3A_2636] {strides = array<i32>} : memref<128xi32, #tpu.memory_space<vmem>>, vector<16xi32>,
        %swap3A_2638 = vector.shape_cast %swap3A_2637 : vector<16xi32> to vector<16xi32>
        %swap3A_2639 = vector.shape_cast %add3A_2635 : vector<16xi32> to vector<16xi32>
        tpu.vector_store %arg40[%swap3A_2636], %swap3A_2639 {strides = array<i32>} : memref<128xi32, #tpu.memory_space<vmem>>, vector<16xi32>,
        %add3A_2640 = arith.constant 2 : i32
        %add3A_2641 = vector.broadcast %add3A_2640 : i32 to vector<16xi32>
        %add3A_2642 = arith.addi %shift_left3A_2625, %add3A_2641 : vector<16xi32>
        %swap3A_2643 = arith.constant 32 : index
        %swap3A_2644 = tpu.vector_load %arg41[%swap3A_2643] {strides = array<i32>} : memref<128xi32, #tpu.memory_space<vmem>>, vector<16xi32>,
        %swap3A_2645 = vector.shape_cast %swap3A_2644 : vector<16xi32> to vector<16xi32>
        %swap3A_2646 = vector.shape_cast %add3A_2642 : vector<16xi32> to vector<16xi32>
        tpu.vector_store %arg41[%swap3A_2643], %swap3A_2646 {strides = array<i32>} : memref<128xi32, #tpu.memory_space<vmem>>, vector<16xi32>,
        %add3A_2647 = arith.constant 3 : i32
        %add3A_2648 = vector.broadcast %add3A_2647 : i32 to vector<16xi32>
        %add3A_2649 = arith.addi %shift_left3A_2625, %add3A_2648 : vector<16xi32>
        %swap3A_2650 = arith.constant 32 : index
        %swap3A_2651 = tpu.vector_load %arg42[%swap3A_2650] {strides = array<i32>} : memref<128xi32, #tpu.memory_space<vmem>>, vector<16xi32>,
        %swap3A_2652 = vector.shape_cast %swap3A_2651 : vector<16xi32> to vector<16xi32>
        %swap3A_2653 = vector.shape_cast %add3A_2649 : vector<16xi32> to vector<16xi32>
        tpu.vector_store %arg42[%swap3A_2650], %swap3A_2653 {strides = array<i32>} : memref<128xi32, #tpu.memory_space<vmem>>, vector<16xi32>,
        %add3A_2654 = arith.constant 1 : i32
        %add3A_2655 = vector.broadcast %add3A_2654 : i32 to vector<16xi32>
        %add3A_2656 = arith.addi %shift_left3A_2632, %add3A_2655 : vector<16xi32>
        %swap3A_2657 = arith.constant 32 : index
        %swap3A_2658 = tpu.vector_load %arg43[%swap3A_2657] {strides = array<i32>} : memref<128xi32, #tpu.memory_space<vmem>>, vector<16xi32>,
        %swap3A_2659 = vector.shape_cast %swap3A_2658 : vector<16xi32> to vector<16xi32>
        %swap3A_2660 = vector.shape_cast %add3A_2656 : vector<16xi32> to vector<16xi32>
        tpu.vector_store %arg43[%swap3A_2657], %swap3A_2660 {strides = array<i32>} : memref<128xi32, #tpu.memory_space<vmem>>, vector<16xi32>,
        %add3A_2661 = arith.constant 2 : i32
        %add3A_2662 = vector.broadcast %add3A_2661 : i32 to vector<16xi32>
        %add3A_2663 = arith.addi %shift_left3A_2632, %add3A_2662 : vector<16xi32>
        %swap3A_2664 = arith.constant 32 : index
        %swap3A_2665 = tpu.vector_load %arg44[%swap3A_2664] {strides = array<i32>} : memref<128xi32, #tpu.memory_space<vmem>>, vector<16xi32>,
        %swap3A_2666 = vector.shape_cast %swap3A_2665 : vector<16xi32> to vector<16xi32>
        %swap3A_2667 = vector.shape_cast %add3A_2663 : vector<16xi32> to vector<16xi32>
        tpu.vector_store %arg44[%swap3A_2664], %swap3A_2667 {strides = array<i32>} : memref<128xi32, #tpu.memory_space<vmem>>, vector<16xi32>,
        %add3A_2668 = arith.constant 3 : i32
        %add3A_2669 = vector.broadcast %add3A_2668 : i32 to vector<16xi32>
        %add3A_2670 = arith.addi %shift_left3A_2632, %add3A_2669 : vector<16xi32>
        %swap3A_2671 = arith.constant 32 : index
        %swap3A_2672 = tpu.vector_load %arg45[%swap3A_2671] {strides = array<i32>} : memref<128xi32, #tpu.memory_space<vmem>>, vector<16xi32>,
        %swap3A_2673 = vector.shape_cast %swap3A_2672 : vector<16xi32> to vector<16xi32>
        %swap3A_2674 = vector.shape_cast %add3A_2670 : vector<16xi32> to vector<16xi32>
        tpu.vector_store %arg45[%swap3A_2671], %swap3A_2674 {strides = array<i32>} : memref<128xi32, #tpu.memory_space<vmem>>, vector<16xi32>,
        %get3A_2675 = arith.index_cast %add3A_2506 : i32 to index
        %get3A_2676 = arith.constant 48 : index
        %get3A_2677 = tpu.vector_load %arg10[%get3A_2675, %get3A_2676] {strides = array<i32>} : memref<122x128xi32, #tpu.memory_space<vmem>>, vector<1x16xi32>,
        %get3A_2678 = vector.shape_cast %get3A_2677 : vector<1x16xi32> to vector<16xi32>
        %shift_left3A_2679 = arith.constant 2 : i32
        %shift_left3A_2680 = vector.broadcast %shift_left3A_2679 : i32 to vector<16xi32>
        %shift_left3A_2681 = arith.shli %get3A_2678, %shift_left3A_2680 : vector<16xi32>
        %get3A_2682 = arith.index_cast %add3A_2506 : i32 to index
        %get3A_2683 = arith.constant 48 : index
        %get3A_2684 = tpu.vector_load %arg11[%get3A_2682, %get3A_2683] {strides = array<i32>} : memref<122x128xi32, #tpu.memory_space<vmem>>, vector<1x16xi32>,
        %get3A_2685 = vector.shape_cast %get3A_2684 : vector<1x16xi32> to vector<16xi32>
        %shift_left3A_2686 = arith.constant 2 : i32
        %shift_left3A_2687 = vector.broadcast %shift_left3A_2686 : i32 to vector<16xi32>
        %shift_left3A_2688 = arith.shli %get3A_2685, %shift_left3A_2687 : vector<16xi32>
        %add3A_2689 = arith.constant 1 : i32
        %add3A_2690 = vector.broadcast %add3A_2689 : i32 to vector<16xi32>
        %add3A_2691 = arith.addi %shift_left3A_2681, %add3A_2690 : vector<16xi32>
        %swap3A_2692 = arith.constant 48 : index
        %swap3A_2693 = tpu.vector_load %arg40[%swap3A_2692] {strides = array<i32>} : memref<128xi32, #tpu.memory_space<vmem>>, vector<16xi32>,
        %swap3A_2694 = vector.shape_cast %swap3A_2693 : vector<16xi32> to vector<16xi32>
        %swap3A_2695 = vector.shape_cast %add3A_2691 : vector<16xi32> to vector<16xi32>
        tpu.vector_store %arg40[%swap3A_2692], %swap3A_2695 {strides = array<i32>} : memref<128xi32, #tpu.memory_space<vmem>>, vector<16xi32>,
        %add3A_2696 = arith.constant 2 : i32
        %add3A_2697 = vector.broadcast %add3A_2696 : i32 to vector<16xi32>
        %add3A_2698 = arith.addi %shift_left3A_2681, %add3A_2697 : vector<16xi32>
        %swap3A_2699 = arith.constant 48 : index
        %swap3A_2700 = tpu.vector_load %arg41[%swap3A_2699] {strides = array<i32>} : memref<128xi32, #tpu.memory_space<vmem>>, vector<16xi32>,
        %swap3A_2701 = vector.shape_cast %swap3A_2700 : vector<16xi32> to vector<16xi32>
        %swap3A_2702 = vector.shape_cast %add3A_2698 : vector<16xi32> to vector<16xi32>
        tpu.vector_store %arg41[%swap3A_2699], %swap3A_2702 {strides = array<i32>} : memref<128xi32, #tpu.memory_space<vmem>>, vector<16xi32>,
        %add3A_2703 = arith.constant 3 : i32
        %add3A_2704 = vector.broadcast %add3A_2703 : i32 to vector<16xi32>
        %add3A_2705 = arith.addi %shift_left3A_2681, %add3A_2704 : vector<16xi32>
        %swap3A_2706 = arith.constant 48 : index
        %swap3A_2707 = tpu.vector_load %arg42[%swap3A_2706] {strides = array<i32>} : memref<128xi32, #tpu.memory_space<vmem>>, vector<16xi32>,
        %swap3A_2708 = vector.shape_cast %swap3A_2707 : vector<16xi32> to vector<16xi32>
        %swap3A_2709 = vector.shape_cast %add3A_2705 : vector<16xi32> to vector<16xi32>
        tpu.vector_store %arg42[%swap3A_2706], %swap3A_2709 {strides = array<i32>} : memref<128xi32, #tpu.memory_space<vmem>>, vector<16xi32>,
        %add3A_2710 = arith.constant 1 : i32
        %add3A_2711 = vector.broadcast %add3A_2710 : i32 to vector<16xi32>
        %add3A_2712 = arith.addi %shift_left3A_2688, %add3A_2711 : vector<16xi32>
        %swap3A_2713 = arith.constant 48 : index
        %swap3A_2714 = tpu.vector_load %arg43[%swap3A_2713] {strides = array<i32>} : memref<128xi32, #tpu.memory_space<vmem>>, vector<16xi32>,
        %swap3A_2715 = vector.shape_cast %swap3A_2714 : vector<16xi32> to vector<16xi32>
        %swap3A_2716 = vector.shape_cast %add3A_2712 : vector<16xi32> to vector<16xi32>
        tpu.vector_store %arg43[%swap3A_2713], %swap3A_2716 {strides = array<i32>} : memref<128xi32, #tpu.memory_space<vmem>>, vector<16xi32>,
        %add3A_2717 = arith.constant 2 : i32
        %add3A_2718 = vector.broadcast %add3A_2717 : i32 to vector<16xi32>
        %add3A_2719 = arith.addi %shift_left3A_2688, %add3A_2718 : vector<16xi32>
        %swap3A_2720 = arith.constant 48 : index
        %swap3A_2721 = tpu.vector_load %arg44[%swap3A_2720] {strides = array<i32>} : memref<128xi32, #tpu.memory_space<vmem>>, vector<16xi32>,
        %swap3A_2722 = vector.shape_cast %swap3A_2721 : vector<16xi32> to vector<16xi32>
        %swap3A_2723 = vector.shape_cast %add3A_2719 : vector<16xi32> to vector<16xi32>
        tpu.vector_store %arg44[%swap3A_2720], %swap3A_2723 {strides = array<i32>} : memref<128xi32, #tpu.memory_space<vmem>>, vector<16xi32>,
        %add3A_2724 = arith.constant 3 : i32
        %add3A_2725 = vector.broadcast %add3A_2724 : i32 to vector<16xi32>
        %add3A_2726 = arith.addi %shift_left3A_2688, %add3A_2725 : vector<16xi32>
        %swap3A_2727 = arith.constant 48 : index
        %swap3A_2728 = tpu.vector_load %arg45[%swap3A_2727] {strides = array<i32>} : memref<128xi32, #tpu.memory_space<vmem>>, vector<16xi32>,
        %swap3A_2729 = vector.shape_cast %swap3A_2728 : vector<16xi32> to vector<16xi32>
        %swap3A_2730 = vector.shape_cast %add3A_2726 : vector<16xi32> to vector<16xi32>
        tpu.vector_store %arg45[%swap3A_2727], %swap3A_2730 {strides = array<i32>} : memref<128xi32, #tpu.memory_space<vmem>>, vector<16xi32>,
        %get3A_2731 = arith.index_cast %add3A_2506 : i32 to index
        %get3A_2732 = arith.constant 64 : index
        %get3A_2733 = tpu.vector_load %arg10[%get3A_2731, %get3A_2732] {strides = array<i32>} : memref<122x128xi32, #tpu.memory_space<vmem>>, vector<1x16xi32>,
        %get3A_2734 = vector.shape_cast %get3A_2733 : vector<1x16xi32> to vector<16xi32>
        %shift_left3A_2735 = arith.constant 2 : i32
        %shift_left3A_2736 = vector.broadcast %shift_left3A_2735 : i32 to vector<16xi32>
        %shift_left3A_2737 = arith.shli %get3A_2734, %shift_left3A_2736 : vector<16xi32>
        %get3A_2738 = arith.index_cast %add3A_2506 : i32 to index
        %get3A_2739 = arith.constant 64 : index
        %get3A_2740 = tpu.vector_load %arg11[%get3A_2738, %get3A_2739] {strides = array<i32>} : memref<122x128xi32, #tpu.memory_space<vmem>>, vector<1x16xi32>,
        %get3A_2741 = vector.shape_cast %get3A_2740 : vector<1x16xi32> to vector<16xi32>
        %shift_left3A_2742 = arith.constant 2 : i32
        %shift_left3A_2743 = vector.broadcast %shift_left3A_2742 : i32 to vector<16xi32>
        %shift_left3A_2744 = arith.shli %get3A_2741, %shift_left3A_2743 : vector<16xi32>
        %add3A_2745 = arith.constant 1 : i32
        %add3A_2746 = vector.broadcast %add3A_2745 : i32 to vector<16xi32>
        %add3A_2747 = arith.addi %shift_left3A_2737, %add3A_2746 : vector<16xi32>
        %swap3A_2748 = arith.constant 64 : index
        %swap3A_2749 = tpu.vector_load %arg40[%swap3A_2748] {strides = array<i32>} : memref<128xi32, #tpu.memory_space<vmem>>, vector<16xi32>,
        %swap3A_2750 = vector.shape_cast %swap3A_2749 : vector<16xi32> to vector<16xi32>
        %swap3A_2751 = vector.shape_cast %add3A_2747 : vector<16xi32> to vector<16xi32>
        tpu.vector_store %arg40[%swap3A_2748], %swap3A_2751 {strides = array<i32>} : memref<128xi32, #tpu.memory_space<vmem>>, vector<16xi32>,
        %add3A_2752 = arith.constant 2 : i32
        %add3A_2753 = vector.broadcast %add3A_2752 : i32 to vector<16xi32>
        %add3A_2754 = arith.addi %shift_left3A_2737, %add3A_2753 : vector<16xi32>
        %swap3A_2755 = arith.constant 64 : index
        %swap3A_2756 = tpu.vector_load %arg41[%swap3A_2755] {strides = array<i32>} : memref<128xi32, #tpu.memory_space<vmem>>, vector<16xi32>,
        %swap3A_2757 = vector.shape_cast %swap3A_2756 : vector<16xi32> to vector<16xi32>
        %swap3A_2758 = vector.shape_cast %add3A_2754 : vector<16xi32> to vector<16xi32>
        tpu.vector_store %arg41[%swap3A_2755], %swap3A_2758 {strides = array<i32>} : memref<128xi32, #tpu.memory_space<vmem>>, vector<16xi32>,
        %add3A_2759 = arith.constant 3 : i32
        %add3A_2760 = vector.broadcast %add3A_2759 : i32 to vector<16xi32>
        %add3A_2761 = arith.addi %shift_left3A_2737, %add3A_2760 : vector<16xi32>
        %swap3A_2762 = arith.constant 64 : index
        %swap3A_2763 = tpu.vector_load %arg42[%swap3A_2762] {strides = array<i32>} : memref<128xi32, #tpu.memory_space<vmem>>, vector<16xi32>,
        %swap3A_2764 = vector.shape_cast %swap3A_2763 : vector<16xi32> to vector<16xi32>
        %swap3A_2765 = vector.shape_cast %add3A_2761 : vector<16xi32> to vector<16xi32>
        tpu.vector_store %arg42[%swap3A_2762], %swap3A_2765 {strides = array<i32>} : memref<128xi32, #tpu.memory_space<vmem>>, vector<16xi32>,
        %add3A_2766 = arith.constant 1 : i32
        %add3A_2767 = vector.broadcast %add3A_2766 : i32 to vector<16xi32>
        %add3A_2768 = arith.addi %shift_left3A_2744, %add3A_2767 : vector<16xi32>
        %swap3A_2769 = arith.constant 64 : index
        %swap3A_2770 = tpu.vector_load %arg43[%swap3A_2769] {strides = array<i32>} : memref<128xi32, #tpu.memory_space<vmem>>, vector<16xi32>,
        %swap3A_2771 = vector.shape_cast %swap3A_2770 : vector<16xi32> to vector<16xi32>
        %swap3A_2772 = vector.shape_cast %add3A_2768 : vector<16xi32> to vector<16xi32>
        tpu.vector_store %arg43[%swap3A_2769], %swap3A_2772 {strides = array<i32>} : memref<128xi32, #tpu.memory_space<vmem>>, vector<16xi32>,
        %add3A_2773 = arith.constant 2 : i32
        %add3A_2774 = vector.broadcast %add3A_2773 : i32 to vector<16xi32>
        %add3A_2775 = arith.addi %shift_left3A_2744, %add3A_2774 : vector<16xi32>
        %swap3A_2776 = arith.constant 64 : index
        %swap3A_2777 = tpu.vector_load %arg44[%swap3A_2776] {strides = array<i32>} : memref<128xi32, #tpu.memory_space<vmem>>, vector<16xi32>,
        %swap3A_2778 = vector.shape_cast %swap3A_2777 : vector<16xi32> to vector<16xi32>
        %swap3A_2779 = vector.shape_cast %add3A_2775 : vector<16xi32> to vector<16xi32>
        tpu.vector_store %arg44[%swap3A_2776], %swap3A_2779 {strides = array<i32>} : memref<128xi32, #tpu.memory_space<vmem>>, vector<16xi32>,
        %add3A_2780 = arith.constant 3 : i32
        %add3A_2781 = vector.broadcast %add3A_2780 : i32 to vector<16xi32>
        %add3A_2782 = arith.addi %shift_left3A_2744, %add3A_2781 : vector<16xi32>
        %swap3A_2783 = arith.constant 64 : index
        %swap3A_2784 = tpu.vector_load %arg45[%swap3A_2783] {strides = array<i32>} : memref<128xi32, #tpu.memory_space<vmem>>, vector<16xi32>,
        %swap3A_2785 = vector.shape_cast %swap3A_2784 : vector<16xi32> to vector<16xi32>
        %swap3A_2786 = vector.shape_cast %add3A_2782 : vector<16xi32> to vector<16xi32>
        tpu.vector_store %arg45[%swap3A_2783], %swap3A_2786 {strides = array<i32>} : memref<128xi32, #tpu.memory_space<vmem>>, vector<16xi32>,
        %get3A_2787 = arith.index_cast %add3A_2506 : i32 to index
        %get3A_2788 = arith.constant 80 : index
        %get3A_2789 = tpu.vector_load %arg10[%get3A_2787, %get3A_2788] {strides = array<i32>} : memref<122x128xi32, #tpu.memory_space<vmem>>, vector<1x16xi32>,
        %get3A_2790 = vector.shape_cast %get3A_2789 : vector<1x16xi32> to vector<16xi32>
        %shift_left3A_2791 = arith.constant 2 : i32
        %shift_left3A_2792 = vector.broadcast %shift_left3A_2791 : i32 to vector<16xi32>
        %shift_left3A_2793 = arith.shli %get3A_2790, %shift_left3A_2792 : vector<16xi32>
        %get3A_2794 = arith.index_cast %add3A_2506 : i32 to index
        %get3A_2795 = arith.constant 80 : index
        %get3A_2796 = tpu.vector_load %arg11[%get3A_2794, %get3A_2795] {strides = array<i32>} : memref<122x128xi32, #tpu.memory_space<vmem>>, vector<1x16xi32>,
        %get3A_2797 = vector.shape_cast %get3A_2796 : vector<1x16xi32> to vector<16xi32>
        %shift_left3A_2798 = arith.constant 2 : i32
        %shift_left3A_2799 = vector.broadcast %shift_left3A_2798 : i32 to vector<16xi32>
        %shift_left3A_2800 = arith.shli %get3A_2797, %shift_left3A_2799 : vector<16xi32>
        %add3A_2801 = arith.constant 1 : i32
        %add3A_2802 = vector.broadcast %add3A_2801 : i32 to vector<16xi32>
        %add3A_2803 = arith.addi %shift_left3A_2793, %add3A_2802 : vector<16xi32>
        %swap3A_2804 = arith.constant 80 : index
        %swap3A_2805 = tpu.vector_load %arg40[%swap3A_2804] {strides = array<i32>} : memref<128xi32, #tpu.memory_space<vmem>>, vector<16xi32>,
        %swap3A_2806 = vector.shape_cast %swap3A_2805 : vector<16xi32> to vector<16xi32>
        %swap3A_2807 = vector.shape_cast %add3A_2803 : vector<16xi32> to vector<16xi32>
        tpu.vector_store %arg40[%swap3A_2804], %swap3A_2807 {strides = array<i32>} : memref<128xi32, #tpu.memory_space<vmem>>, vector<16xi32>,
        %add3A_2808 = arith.constant 2 : i32
        %add3A_2809 = vector.broadcast %add3A_2808 : i32 to vector<16xi32>
        %add3A_2810 = arith.addi %shift_left3A_2793, %add3A_2809 : vector<16xi32>
        %swap3A_2811 = arith.constant 80 : index
        %swap3A_2812 = tpu.vector_load %arg41[%swap3A_2811] {strides = array<i32>} : memref<128xi32, #tpu.memory_space<vmem>>, vector<16xi32>,
        %swap3A_2813 = vector.shape_cast %swap3A_2812 : vector<16xi32> to vector<16xi32>
        %swap3A_2814 = vector.shape_cast %add3A_2810 : vector<16xi32> to vector<16xi32>
        tpu.vector_store %arg41[%swap3A_2811], %swap3A_2814 {strides = array<i32>} : memref<128xi32, #tpu.memory_space<vmem>>, vector<16xi32>,
        %add3A_2815 = arith.constant 3 : i32
        %add3A_2816 = vector.broadcast %add3A_2815 : i32 to vector<16xi32>
        %add3A_2817 = arith.addi %shift_left3A_2793, %add3A_2816 : vector<16xi32>
        %swap3A_2818 = arith.constant 80 : index
        %swap3A_2819 = tpu.vector_load %arg42[%swap3A_2818] {strides = array<i32>} : memref<128xi32, #tpu.memory_space<vmem>>, vector<16xi32>,
        %swap3A_2820 = vector.shape_cast %swap3A_2819 : vector<16xi32> to vector<16xi32>
        %swap3A_2821 = vector.shape_cast %add3A_2817 : vector<16xi32> to vector<16xi32>
        tpu.vector_store %arg42[%swap3A_2818], %swap3A_2821 {strides = array<i32>} : memref<128xi32, #tpu.memory_space<vmem>>, vector<16xi32>,
        %add3A_2822 = arith.constant 1 : i32
        %add3A_2823 = vector.broadcast %add3A_2822 : i32 to vector<16xi32>
        %add3A_2824 = arith.addi %shift_left3A_2800, %add3A_2823 : vector<16xi32>
        %swap3A_2825 = arith.constant 80 : index
        %swap3A_2826 = tpu.vector_load %arg43[%swap3A_2825] {strides = array<i32>} : memref<128xi32, #tpu.memory_space<vmem>>, vector<16xi32>,
        %swap3A_2827 = vector.shape_cast %swap3A_2826 : vector<16xi32> to vector<16xi32>
        %swap3A_2828 = vector.shape_cast %add3A_2824 : vector<16xi32> to vector<16xi32>
        tpu.vector_store %arg43[%swap3A_2825], %swap3A_2828 {strides = array<i32>} : memref<128xi32, #tpu.memory_space<vmem>>, vector<16xi32>,
        %add3A_2829 = arith.constant 2 : i32
        %add3A_2830 = vector.broadcast %add3A_2829 : i32 to vector<16xi32>
        %add3A_2831 = arith.addi %shift_left3A_2800, %add3A_2830 : vector<16xi32>
        %swap3A_2832 = arith.constant 80 : index
        %swap3A_2833 = tpu.vector_load %arg44[%swap3A_2832] {strides = array<i32>} : memref<128xi32, #tpu.memory_space<vmem>>, vector<16xi32>,
        %swap3A_2834 = vector.shape_cast %swap3A_2833 : vector<16xi32> to vector<16xi32>
        %swap3A_2835 = vector.shape_cast %add3A_2831 : vector<16xi32> to vector<16xi32>
        tpu.vector_store %arg44[%swap3A_2832], %swap3A_2835 {strides = array<i32>} : memref<128xi32, #tpu.memory_space<vmem>>, vector<16xi32>,
        %add3A_2836 = arith.constant 3 : i32
        %add3A_2837 = vector.broadcast %add3A_2836 : i32 to vector<16xi32>
        %add3A_2838 = arith.addi %shift_left3A_2800, %add3A_2837 : vector<16xi32>
        %swap3A_2839 = arith.constant 80 : index
        %swap3A_2840 = tpu.vector_load %arg45[%swap3A_2839] {strides = array<i32>} : memref<128xi32, #tpu.memory_space<vmem>>, vector<16xi32>,
        %swap3A_2841 = vector.shape_cast %swap3A_2840 : vector<16xi32> to vector<16xi32>
        %swap3A_2842 = vector.shape_cast %add3A_2838 : vector<16xi32> to vector<16xi32>
        tpu.vector_store %arg45[%swap3A_2839], %swap3A_2842 {strides = array<i32>} : memref<128xi32, #tpu.memory_space<vmem>>, vector<16xi32>,
        %get3A_2843 = arith.index_cast %add3A_2506 : i32 to index
        %get3A_2844 = arith.constant 96 : index
        %get3A_2845 = tpu.vector_load %arg10[%get3A_2843, %get3A_2844] {strides = array<i32>} : memref<122x128xi32, #tpu.memory_space<vmem>>, vector<1x16xi32>,
        %get3A_2846 = vector.shape_cast %get3A_2845 : vector<1x16xi32> to vector<16xi32>
        %shift_left3A_2847 = arith.constant 2 : i32
        %shift_left3A_2848 = vector.broadcast %shift_left3A_2847 : i32 to vector<16xi32>
        %shift_left3A_2849 = arith.shli %get3A_2846, %shift_left3A_2848 : vector<16xi32>
        %get3A_2850 = arith.index_cast %add3A_2506 : i32 to index
        %get3A_2851 = arith.constant 96 : index
        %get3A_2852 = tpu.vector_load %arg11[%get3A_2850, %get3A_2851] {strides = array<i32>} : memref<122x128xi32, #tpu.memory_space<vmem>>, vector<1x16xi32>,
        %get3A_2853 = vector.shape_cast %get3A_2852 : vector<1x16xi32> to vector<16xi32>
        %shift_left3A_2854 = arith.constant 2 : i32
        %shift_left3A_2855 = vector.broadcast %shift_left3A_2854 : i32 to vector<16xi32>
        %shift_left3A_2856 = arith.shli %get3A_2853, %shift_left3A_2855 : vector<16xi32>
        %add3A_2857 = arith.constant 1 : i32
        %add3A_2858 = vector.broadcast %add3A_2857 : i32 to vector<16xi32>
        %add3A_2859 = arith.addi %shift_left3A_2849, %add3A_2858 : vector<16xi32>
        %swap3A_2860 = arith.constant 96 : index
        %swap3A_2861 = tpu.vector_load %arg40[%swap3A_2860] {strides = array<i32>} : memref<128xi32, #tpu.memory_space<vmem>>, vector<16xi32>,
        %swap3A_2862 = vector.shape_cast %swap3A_2861 : vector<16xi32> to vector<16xi32>
        %swap3A_2863 = vector.shape_cast %add3A_2859 : vector<16xi32> to vector<16xi32>
        tpu.vector_store %arg40[%swap3A_2860], %swap3A_2863 {strides = array<i32>} : memref<128xi32, #tpu.memory_space<vmem>>, vector<16xi32>,
        %add3A_2864 = arith.constant 2 : i32
        %add3A_2865 = vector.broadcast %add3A_2864 : i32 to vector<16xi32>
        %add3A_2866 = arith.addi %shift_left3A_2849, %add3A_2865 : vector<16xi32>
        %swap3A_2867 = arith.constant 96 : index
        %swap3A_2868 = tpu.vector_load %arg41[%swap3A_2867] {strides = array<i32>} : memref<128xi32, #tpu.memory_space<vmem>>, vector<16xi32>,
        %swap3A_2869 = vector.shape_cast %swap3A_2868 : vector<16xi32> to vector<16xi32>
        %swap3A_2870 = vector.shape_cast %add3A_2866 : vector<16xi32> to vector<16xi32>
        tpu.vector_store %arg41[%swap3A_2867], %swap3A_2870 {strides = array<i32>} : memref<128xi32, #tpu.memory_space<vmem>>, vector<16xi32>,
        %add3A_2871 = arith.constant 3 : i32
        %add3A_2872 = vector.broadcast %add3A_2871 : i32 to vector<16xi32>
        %add3A_2873 = arith.addi %shift_left3A_2849, %add3A_2872 : vector<16xi32>
        %swap3A_2874 = arith.constant 96 : index
        %swap3A_2875 = tpu.vector_load %arg42[%swap3A_2874] {strides = array<i32>} : memref<128xi32, #tpu.memory_space<vmem>>, vector<16xi32>,
        %swap3A_2876 = vector.shape_cast %swap3A_2875 : vector<16xi32> to vector<16xi32>
        %swap3A_2877 = vector.shape_cast %add3A_2873 : vector<16xi32> to vector<16xi32>
        tpu.vector_store %arg42[%swap3A_2874], %swap3A_2877 {strides = array<i32>} : memref<128xi32, #tpu.memory_space<vmem>>, vector<16xi32>,
        %add3A_2878 = arith.constant 1 : i32
        %add3A_2879 = vector.broadcast %add3A_2878 : i32 to vector<16xi32>
        %add3A_2880 = arith.addi %shift_left3A_2856, %add3A_2879 : vector<16xi32>
        %swap3A_2881 = arith.constant 96 : index
        %swap3A_2882 = tpu.vector_load %arg43[%swap3A_2881] {strides = array<i32>} : memref<128xi32, #tpu.memory_space<vmem>>, vector<16xi32>,
        %swap3A_2883 = vector.shape_cast %swap3A_2882 : vector<16xi32> to vector<16xi32>
        %swap3A_2884 = vector.shape_cast %add3A_2880 : vector<16xi32> to vector<16xi32>
        tpu.vector_store %arg43[%swap3A_2881], %swap3A_2884 {strides = array<i32>} : memref<128xi32, #tpu.memory_space<vmem>>, vector<16xi32>,
        %add3A_2885 = arith.constant 2 : i32
        %add3A_2886 = vector.broadcast %add3A_2885 : i32 to vector<16xi32>
        %add3A_2887 = arith.addi %shift_left3A_2856, %add3A_2886 : vector<16xi32>
        %swap3A_2888 = arith.constant 96 : index
        %swap3A_2889 = tpu.vector_load %arg44[%swap3A_2888] {strides = array<i32>} : memref<128xi32, #tpu.memory_space<vmem>>, vector<16xi32>,
        %swap3A_2890 = vector.shape_cast %swap3A_2889 : vector<16xi32> to vector<16xi32>
        %swap3A_2891 = vector.shape_cast %add3A_2887 : vector<16xi32> to vector<16xi32>
        tpu.vector_store %arg44[%swap3A_2888], %swap3A_2891 {strides = array<i32>} : memref<128xi32, #tpu.memory_space<vmem>>, vector<16xi32>,
        %add3A_2892 = arith.constant 3 : i32
        %add3A_2893 = vector.broadcast %add3A_2892 : i32 to vector<16xi32>
        %add3A_2894 = arith.addi %shift_left3A_2856, %add3A_2893 : vector<16xi32>
        %swap3A_2895 = arith.constant 96 : index
        %swap3A_2896 = tpu.vector_load %arg45[%swap3A_2895] {strides = array<i32>} : memref<128xi32, #tpu.memory_space<vmem>>, vector<16xi32>,
        %swap3A_2897 = vector.shape_cast %swap3A_2896 : vector<16xi32> to vector<16xi32>
        %swap3A_2898 = vector.shape_cast %add3A_2894 : vector<16xi32> to vector<16xi32>
        tpu.vector_store %arg45[%swap3A_2895], %swap3A_2898 {strides = array<i32>} : memref<128xi32, #tpu.memory_space<vmem>>, vector<16xi32>,
        %get3A_2899 = arith.index_cast %add3A_2506 : i32 to index
        %get3A_2900 = arith.constant 112 : index
        %get3A_2901 = tpu.vector_load %arg10[%get3A_2899, %get3A_2900] {strides = array<i32>} : memref<122x128xi32, #tpu.memory_space<vmem>>, vector<1x16xi32>,
        %get3A_2902 = vector.shape_cast %get3A_2901 : vector<1x16xi32> to vector<16xi32>
        %shift_left3A_2903 = arith.constant 2 : i32
        %shift_left3A_2904 = vector.broadcast %shift_left3A_2903 : i32 to vector<16xi32>
        %shift_left3A_2905 = arith.shli %get3A_2902, %shift_left3A_2904 : vector<16xi32>
        %get3A_2906 = arith.index_cast %add3A_2506 : i32 to index
        %get3A_2907 = arith.constant 112 : index
        %get3A_2908 = tpu.vector_load %arg11[%get3A_2906, %get3A_2907] {strides = array<i32>} : memref<122x128xi32, #tpu.memory_space<vmem>>, vector<1x16xi32>,
        %get3A_2909 = vector.shape_cast %get3A_2908 : vector<1x16xi32> to vector<16xi32>
        %shift_left3A_2910 = arith.constant 2 : i32
        %shift_left3A_2911 = vector.broadcast %shift_left3A_2910 : i32 to vector<16xi32>
        %shift_left3A_2912 = arith.shli %get3A_2909, %shift_left3A_2911 : vector<16xi32>
        %add3A_2913 = arith.constant 1 : i32
        %add3A_2914 = vector.broadcast %add3A_2913 : i32 to vector<16xi32>
        %add3A_2915 = arith.addi %shift_left3A_2905, %add3A_2914 : vector<16xi32>
        %swap3A_2916 = arith.constant 112 : index
        %swap3A_2917 = tpu.vector_load %arg40[%swap3A_2916] {strides = array<i32>} : memref<128xi32, #tpu.memory_space<vmem>>, vector<16xi32>,
        %swap3A_2918 = vector.shape_cast %swap3A_2917 : vector<16xi32> to vector<16xi32>
        %swap3A_2919 = vector.shape_cast %add3A_2915 : vector<16xi32> to vector<16xi32>
        tpu.vector_store %arg40[%swap3A_2916], %swap3A_2919 {strides = array<i32>} : memref<128xi32, #tpu.memory_space<vmem>>, vector<16xi32>,
        %add3A_2920 = arith.constant 2 : i32
        %add3A_2921 = vector.broadcast %add3A_2920 : i32 to vector<16xi32>
        %add3A_2922 = arith.addi %shift_left3A_2905, %add3A_2921 : vector<16xi32>
        %swap3A_2923 = arith.constant 112 : index
        %swap3A_2924 = tpu.vector_load %arg41[%swap3A_2923] {strides = array<i32>} : memref<128xi32, #tpu.memory_space<vmem>>, vector<16xi32>,
        %swap3A_2925 = vector.shape_cast %swap3A_2924 : vector<16xi32> to vector<16xi32>
        %swap3A_2926 = vector.shape_cast %add3A_2922 : vector<16xi32> to vector<16xi32>
        tpu.vector_store %arg41[%swap3A_2923], %swap3A_2926 {strides = array<i32>} : memref<128xi32, #tpu.memory_space<vmem>>, vector<16xi32>,
        %add3A_2927 = arith.constant 3 : i32
        %add3A_2928 = vector.broadcast %add3A_2927 : i32 to vector<16xi32>
        %add3A_2929 = arith.addi %shift_left3A_2905, %add3A_2928 : vector<16xi32>
        %swap3A_2930 = arith.constant 112 : index
        %swap3A_2931 = tpu.vector_load %arg42[%swap3A_2930] {strides = array<i32>} : memref<128xi32, #tpu.memory_space<vmem>>, vector<16xi32>,
        %swap3A_2932 = vector.shape_cast %swap3A_2931 : vector<16xi32> to vector<16xi32>
        %swap3A_2933 = vector.shape_cast %add3A_2929 : vector<16xi32> to vector<16xi32>
        tpu.vector_store %arg42[%swap3A_2930], %swap3A_2933 {strides = array<i32>} : memref<128xi32, #tpu.memory_space<vmem>>, vector<16xi32>,
        %add3A_2934 = arith.constant 1 : i32
        %add3A_2935 = vector.broadcast %add3A_2934 : i32 to vector<16xi32>
        %add3A_2936 = arith.addi %shift_left3A_2912, %add3A_2935 : vector<16xi32>
        %swap3A_2937 = arith.constant 112 : index
        %swap3A_2938 = tpu.vector_load %arg43[%swap3A_2937] {strides = array<i32>} : memref<128xi32, #tpu.memory_space<vmem>>, vector<16xi32>,
        %swap3A_2939 = vector.shape_cast %swap3A_2938 : vector<16xi32> to vector<16xi32>
        %swap3A_2940 = vector.shape_cast %add3A_2936 : vector<16xi32> to vector<16xi32>
        tpu.vector_store %arg43[%swap3A_2937], %swap3A_2940 {strides = array<i32>} : memref<128xi32, #tpu.memory_space<vmem>>, vector<16xi32>,
        %add3A_2941 = arith.constant 2 : i32
        %add3A_2942 = vector.broadcast %add3A_2941 : i32 to vector<16xi32>
        %add3A_2943 = arith.addi %shift_left3A_2912, %add3A_2942 : vector<16xi32>
        %swap3A_2944 = arith.constant 112 : index
        %swap3A_2945 = tpu.vector_load %arg44[%swap3A_2944] {strides = array<i32>} : memref<128xi32, #tpu.memory_space<vmem>>, vector<16xi32>,
        %swap3A_2946 = vector.shape_cast %swap3A_2945 : vector<16xi32> to vector<16xi32>
        %swap3A_2947 = vector.shape_cast %add3A_2943 : vector<16xi32> to vector<16xi32>
        tpu.vector_store %arg44[%swap3A_2944], %swap3A_2947 {strides = array<i32>} : memref<128xi32, #tpu.memory_space<vmem>>, vector<16xi32>,
        %add3A_2948 = arith.constant 3 : i32
        %add3A_2949 = vector.broadcast %add3A_2948 : i32 to vector<16xi32>
        %add3A_2950 = arith.addi %shift_left3A_2912, %add3A_2949 : vector<16xi32>
        %swap3A_2951 = arith.constant 112 : index
        %swap3A_2952 = tpu.vector_load %arg45[%swap3A_2951] {strides = array<i32>} : memref<128xi32, #tpu.memory_space<vmem>>, vector<16xi32>,
        %swap3A_2953 = vector.shape_cast %swap3A_2952 : vector<16xi32> to vector<16xi32>
        %swap3A_2954 = vector.shape_cast %add3A_2950 : vector<16xi32> to vector<16xi32>
        tpu.vector_store %arg45[%swap3A_2951], %swap3A_2954 {strides = array<i32>} : memref<128xi32, #tpu.memory_space<vmem>>, vector<16xi32>,
        %dma_start3A_2955 = arith.constant 0 : i32
        %dma_start3A_2956 = tpu.memref_slice %arg53[%dma_start3A_2955] : memref<200192xf32, #tpu.memory_space<vmem_shared>> -> memref<200192xf32, #tpu.memory_space<vmem_shared>>
        tpu.enqueue_indirect_dma source(%dma_start3A_2956 : memref<200192xf32, #tpu.memory_space<vmem_shared>>) target(%arg14 : memref<128xf32, #tpu.memory_space<vmem>>) offsets(%arg40 : memref<128xi32, #tpu.memory_space<vmem>>) semaphore(%arg58 : memref<!tpu.dma_semaphore, #tpu.memory_space<semaphore_mem>>)
        %dma_start3A_2957 = arith.constant 0 : i32
        %dma_start3A_2958 = tpu.memref_slice %arg53[%dma_start3A_2957] : memref<200192xf32, #tpu.memory_space<vmem_shared>> -> memref<200192xf32, #tpu.memory_space<vmem_shared>>
        tpu.enqueue_indirect_dma source(%dma_start3A_2958 : memref<200192xf32, #tpu.memory_space<vmem_shared>>) target(%arg15 : memref<128xf32, #tpu.memory_space<vmem>>) offsets(%arg41 : memref<128xi32, #tpu.memory_space<vmem>>) semaphore(%arg58 : memref<!tpu.dma_semaphore, #tpu.memory_space<semaphore_mem>>)
        %dma_start3A_2959 = arith.constant 0 : i32
        %dma_start3A_2960 = tpu.memref_slice %arg53[%dma_start3A_2959] : memref<200192xf32, #tpu.memory_space<vmem_shared>> -> memref<200192xf32, #tpu.memory_space<vmem_shared>>
        tpu.enqueue_indirect_dma source(%dma_start3A_2960 : memref<200192xf32, #tpu.memory_space<vmem_shared>>) target(%arg16 : memref<128xf32, #tpu.memory_space<vmem>>) offsets(%arg42 : memref<128xi32, #tpu.memory_space<vmem>>) semaphore(%arg58 : memref<!tpu.dma_semaphore, #tpu.memory_space<semaphore_mem>>)
        %dma_start3A_2961 = arith.constant 0 : i32
        %dma_start3A_2962 = tpu.memref_slice %arg53[%dma_start3A_2961] : memref<200192xf32, #tpu.memory_space<vmem_shared>> -> memref<200192xf32, #tpu.memory_space<vmem_shared>>
        tpu.enqueue_indirect_dma source(%dma_start3A_2962 : memref<200192xf32, #tpu.memory_space<vmem_shared>>) target(%arg17 : memref<128xf32, #tpu.memory_space<vmem>>) offsets(%arg43 : memref<128xi32, #tpu.memory_space<vmem>>) semaphore(%arg58 : memref<!tpu.dma_semaphore, #tpu.memory_space<semaphore_mem>>)
        %dma_start3A_2963 = arith.constant 0 : i32
        %dma_start3A_2964 = tpu.memref_slice %arg53[%dma_start3A_2963] : memref<200192xf32, #tpu.memory_space<vmem_shared>> -> memref<200192xf32, #tpu.memory_space<vmem_shared>>
        tpu.enqueue_indirect_dma source(%dma_start3A_2964 : memref<200192xf32, #tpu.memory_space<vmem_shared>>) target(%arg18 : memref<128xf32, #tpu.memory_space<vmem>>) offsets(%arg44 : memref<128xi32, #tpu.memory_space<vmem>>) semaphore(%arg58 : memref<!tpu.dma_semaphore, #tpu.memory_space<semaphore_mem>>)
        %dma_start3A_2965 = arith.constant 0 : i32
        %dma_start3A_2966 = tpu.memref_slice %arg53[%dma_start3A_2965] : memref<200192xf32, #tpu.memory_space<vmem_shared>> -> memref<200192xf32, #tpu.memory_space<vmem_shared>>
        tpu.enqueue_indirect_dma source(%dma_start3A_2966 : memref<200192xf32, #tpu.memory_space<vmem_shared>>) target(%arg19 : memref<128xf32, #tpu.memory_space<vmem>>) offsets(%arg45 : memref<128xi32, #tpu.memory_space<vmem>>) semaphore(%arg58 : memref<!tpu.dma_semaphore, #tpu.memory_space<semaphore_mem>>)
      } else {
      }
      %ge3A_1585 = arith.constant 2 : i32
      %ge3A_1586 = arith.cmpi sge, %add3A_1577, %ge3A_1585 : i32
      %convert_element_type3A_1587 = arith.extui %ge3A_1586 : i1 to i32
      %cond3A_1588 = arith.constant 0 : i32
      %cond3A_1589 = arith.cmpi ne, %convert_element_type3A_1587, %cond3A_1588 : i32
      scf.if %cond3A_1589 {
        %dma_wait3A_2505 = arith.constant 0 : i32
        %dma_wait3A_2506 = tpu.memref_slice %arg52[%dma_wait3A_2505] : memref<12512xf32, #tpu.memory_space<vmem>> -> memref<896xf32, #tpu.memory_space<vmem>>
        %dma_wait3A_2507 = arith.constant 0 : i32
        %dma_wait3A_2508 = tpu.memref_slice %arg7[%dma_wait3A_2507] : memref<3128xf32, #tpu.memory_space<hbm>> -> memref<896xf32, #tpu.memory_space<hbm>>
        %dma_wait3A_2509 = arith.constant 0 : i32
        %dma_wait3A_2510 = tpu.memref_slice %arg52[%dma_wait3A_2509] : memref<12512xf32, #tpu.memory_space<vmem>> -> memref<896xf32, #tpu.memory_space<vmem>>
        %dma_wait3A_2511 = arith.constant 0 : i32
        %dma_wait3A_2512 = tpu.memref_slice %arg7[%dma_wait3A_2511] : memref<3128xf32, #tpu.memory_space<hbm>> -> memref<896xf32, #tpu.memory_space<hbm>>
        tpu.wait_dma2 semaphore(%arg61 : memref<!tpu.dma_semaphore, #tpu.memory_space<semaphore_mem>>) src(%dma_wait3A_2512 : memref<896xf32, #tpu.memory_space<hbm>>) dst(%dma_wait3A_2510 : memref<896xf32, #tpu.memory_space<vmem>>)
      } else {
      }
      %dma_wait3A_1590 = arith.constant 0 : i32
      %dma_wait3A_1591 = tpu.memref_slice %arg52[%dma_wait3A_1590] : memref<12512xf32, #tpu.memory_space<vmem>> -> memref<768xf32, #tpu.memory_space<vmem>>
      %dma_wait3A_1592 = arith.constant 0 : i32
      %dma_wait3A_1593 = tpu.memref_slice %arg7[%dma_wait3A_1592] : memref<3128xf32, #tpu.memory_space<hbm>> -> memref<768xf32, #tpu.memory_space<hbm>>
      %dma_wait3A_1594 = arith.constant 0 : i32
      %dma_wait3A_1595 = tpu.memref_slice %arg52[%dma_wait3A_1594] : memref<12512xf32, #tpu.memory_space<vmem>> -> memref<768xf32, #tpu.memory_space<vmem>>
      %dma_wait3A_1596 = arith.constant 0 : i32
      %dma_wait3A_1597 = tpu.memref_slice %arg7[%dma_wait3A_1596] : memref<3128xf32, #tpu.memory_space<hbm>> -> memref<768xf32, #tpu.memory_space<hbm>>
      tpu.wait_dma2 semaphore(%arg59 : memref<!tpu.dma_semaphore, #tpu.memory_space<semaphore_mem>>) src(%dma_wait3A_1597 : memref<768xf32, #tpu.memory_space<hbm>>) dst(%dma_wait3A_1595 : memref<768xf32, #tpu.memory_space<vmem>>)
      %get3A_1598 = arith.constant 0 : index
      %get3A_1599 = tpu.vector_load %arg20[%get3A_1598] {strides = array<i32>} : memref<128xf32, #tpu.memory_space<vmem>>, vector<16xf32>,
      %get3A_1600 = vector.shape_cast %get3A_1599 : vector<16xf32> to vector<16xf32>
      %get3A_1601 = arith.constant 0 : index
      %get3A_1602 = tpu.vector_load %arg23[%get3A_1601] {strides = array<i32>} : memref<128xf32, #tpu.memory_space<vmem>>, vector<16xf32>,
      %get3A_1603 = vector.shape_cast %get3A_1602 : vector<16xf32> to vector<16xf32>
      %sub3A_1604 = arith.subf %get3A_1600, %get3A_1603 : vector<16xf32>
      %get3A_1605 = arith.constant 0 : index
      %get3A_1606 = tpu.vector_load %arg21[%get3A_1605] {strides = array<i32>} : memref<128xf32, #tpu.memory_space<vmem>>, vector<16xf32>,
      %get3A_1607 = vector.shape_cast %get3A_1606 : vector<16xf32> to vector<16xf32>
      %get3A_1608 = arith.constant 0 : index
      %get3A_1609 = tpu.vector_load %arg24[%get3A_1608] {strides = array<i32>} : memref<128xf32, #tpu.memory_space<vmem>>, vector<16xf32>,
      %get3A_1610 = vector.shape_cast %get3A_1609 : vector<16xf32> to vector<16xf32>
      %sub3A_1611 = arith.subf %get3A_1607, %get3A_1610 : vector<16xf32>
      %get3A_1612 = arith.constant 0 : index
      %get3A_1613 = tpu.vector_load %arg22[%get3A_1612] {strides = array<i32>} : memref<128xf32, #tpu.memory_space<vmem>>, vector<16xf32>,
      %get3A_1614 = vector.shape_cast %get3A_1613 : vector<16xf32> to vector<16xf32>
      %get3A_1615 = arith.constant 0 : index
      %get3A_1616 = tpu.vector_load %arg25[%get3A_1615] {strides = array<i32>} : memref<128xf32, #tpu.memory_space<vmem>>, vector<16xf32>,
      %get3A_1617 = vector.shape_cast %get3A_1616 : vector<16xf32> to vector<16xf32>
      %sub3A_1618 = arith.subf %get3A_1614, %get3A_1617 : vector<16xf32>
      %mul3A_1619 = arith.mulf %sub3A_1604, %sub3A_1604 : vector<16xf32>
      %mul3A_1620 = arith.mulf %sub3A_1611, %sub3A_1611 : vector<16xf32>
      %add3A_1621 = arith.addf %mul3A_1619, %mul3A_1620 : vector<16xf32>
      %mul3A_1622 = arith.mulf %sub3A_1618, %sub3A_1618 : vector<16xf32>
      %add3A_1623 = arith.addf %add3A_1621, %mul3A_1622 : vector<16xf32>
      %bitcast_convert_type3A_1624 = tpu.bitcast %add3A_1623 : vector<16xf32> -> vector<16xi32>
      %shift_right_logical3A_1625 = arith.constant 1 : i32
      %shift_right_logical3A_1626 = vector.broadcast %shift_right_logical3A_1625 : i32 to vector<16xi32>
      %shift_right_logical3A_1627 = arith.shrui %bitcast_convert_type3A_1624, %shift_right_logical3A_1626 : vector<16xi32>
      %sub3A_1628 = arith.constant 1597463007 : i32
      %sub3A_1629 = vector.broadcast %sub3A_1628 : i32 to vector<16xi32>
      %sub3A_1630 = arith.subi %sub3A_1629, %shift_right_logical3A_1627 : vector<16xi32>
      %bitcast_convert_type3A_1631 = tpu.bitcast %sub3A_1630 : vector<16xi32> -> vector<16xf32>
      %mul3A_1632 = arith.constant 5.000000e-01 : f32
      %mul3A_1633 = vector.broadcast %mul3A_1632 : f32 to vector<16xf32>
      %mul3A_1634 = arith.mulf %mul3A_1633, %add3A_1623 : vector<16xf32>
      %mul3A_1635 = arith.mulf %mul3A_1634, %bitcast_convert_type3A_1631 : vector<16xf32>
      %mul3A_1636 = arith.mulf %mul3A_1635, %bitcast_convert_type3A_1631 : vector<16xf32>
      %sub3A_1637 = arith.constant 1.500000e+00 : f32
      %sub3A_1638 = vector.broadcast %sub3A_1637 : f32 to vector<16xf32>
      %sub3A_1639 = arith.subf %sub3A_1638, %mul3A_1636 : vector<16xf32>
      %mul3A_1640 = arith.mulf %bitcast_convert_type3A_1631, %sub3A_1639 : vector<16xf32>
      %mul3A_1641 = arith.constant 5.000000e-01 : f32
      %mul3A_1642 = vector.broadcast %mul3A_1641 : f32 to vector<16xf32>
      %mul3A_1643 = arith.mulf %mul3A_1642, %add3A_1623 : vector<16xf32>
      %mul3A_1644 = arith.mulf %mul3A_1643, %mul3A_1640 : vector<16xf32>
      %mul3A_1645 = arith.mulf %mul3A_1644, %mul3A_1640 : vector<16xf32>
      %sub3A_1646 = arith.constant 1.500000e+00 : f32
      %sub3A_1647 = vector.broadcast %sub3A_1646 : f32 to vector<16xf32>
      %sub3A_1648 = arith.subf %sub3A_1647, %mul3A_1645 : vector<16xf32>
      %mul3A_1649 = arith.mulf %mul3A_1640, %sub3A_1648 : vector<16xf32>
      %mul3A_1650 = arith.constant 128 : i32
      %mul3A_1651 = arith.muli %add3A_1577, %mul3A_1650 : i32
      %add3A_1652 = arith.constant 0 : i32
      %add3A_1653 = arith.addi %mul3A_1651, %add3A_1652 : i32
      %get3A_1654 = arith.index_cast %add3A_1653 : i32 to index
      %get3A_1655 = tpu.vector_load %arg13[%get3A_1654] {strides = array<i32>} : memref<15616xf32, #tpu.memory_space<vmem>>, vector<16xf32>,
      %get3A_1656 = vector.shape_cast %get3A_1655 : vector<16xf32> to vector<16xf32>
      %mul3A_1657 = arith.mulf %add3A_1623, %mul3A_1649 : vector<16xf32>
      %sub3A_1658 = arith.subf %mul3A_1657, %get3A_1656 : vector<16xf32>
      %mul3A_1659 = arith.constant 2.000000e+01 : f32
      %mul3A_1660 = vector.broadcast %mul3A_1659 : f32 to vector<16xf32>
      %mul3A_1661 = arith.mulf %mul3A_1660, %sub3A_1658 : vector<16xf32>
      %mul3A_1662 = arith.mulf %mul3A_1661, %sub3A_1658 : vector<16xf32>
      %mul3A_1663 = arith.constant 4.000000e+01 : f32
      %mul3A_1664 = vector.broadcast %mul3A_1663 : f32 to vector<16xf32>
      %mul3A_1665 = arith.mulf %mul3A_1664, %sub3A_1658 : vector<16xf32>
      %mul3A_1666 = arith.mulf %mul3A_1665, %mul3A_1649 : vector<16xf32>
      %mul3A_1667 = arith.mulf %mul3A_1666, %sub3A_1604 : vector<16xf32>
      %mul3A_1668 = arith.mulf %mul3A_1666, %sub3A_1611 : vector<16xf32>
      %mul3A_1669 = arith.mulf %mul3A_1666, %sub3A_1618 : vector<16xf32>
      %swap3A_1670 = arith.constant 0 : index
      %swap3A_1671 = tpu.vector_load %arg33[%swap3A_1670] {strides = array<i32>} : memref<128xf32, #tpu.memory_space<vmem>>, vector<16xf32>,
      %swap3A_1672 = vector.shape_cast %swap3A_1671 : vector<16xf32> to vector<16xf32>
      %swap3A_1673 = vector.shape_cast %mul3A_1667 : vector<16xf32> to vector<16xf32>
      tpu.vector_store %arg33[%swap3A_1670], %swap3A_1673 {strides = array<i32>} : memref<128xf32, #tpu.memory_space<vmem>>, vector<16xf32>,
      %swap3A_1674 = arith.constant 0 : index
      %swap3A_1675 = tpu.vector_load %arg34[%swap3A_1674] {strides = array<i32>} : memref<128xf32, #tpu.memory_space<vmem>>, vector<16xf32>,
      %swap3A_1676 = vector.shape_cast %swap3A_1675 : vector<16xf32> to vector<16xf32>
      %swap3A_1677 = vector.shape_cast %mul3A_1668 : vector<16xf32> to vector<16xf32>
      tpu.vector_store %arg34[%swap3A_1674], %swap3A_1677 {strides = array<i32>} : memref<128xf32, #tpu.memory_space<vmem>>, vector<16xf32>,
      %swap3A_1678 = arith.constant 0 : index
      %swap3A_1679 = tpu.vector_load %arg35[%swap3A_1678] {strides = array<i32>} : memref<128xf32, #tpu.memory_space<vmem>>, vector<16xf32>,
      %swap3A_1680 = vector.shape_cast %swap3A_1679 : vector<16xf32> to vector<16xf32>
      %swap3A_1681 = vector.shape_cast %mul3A_1669 : vector<16xf32> to vector<16xf32>
      tpu.vector_store %arg35[%swap3A_1678], %swap3A_1681 {strides = array<i32>} : memref<128xf32, #tpu.memory_space<vmem>>, vector<16xf32>,
      %neg3A_1682 = arith.constant 0.000000e+00 : f32
      %neg3A_1683 = vector.broadcast %neg3A_1682 : f32 to vector<16xf32>
      %neg3A_1684 = arith.subf %neg3A_1683, %mul3A_1667 : vector<16xf32>
      %swap3A_1685 = arith.constant 0 : index
      %swap3A_1686 = tpu.vector_load %arg36[%swap3A_1685] {strides = array<i32>} : memref<128xf32, #tpu.memory_space<vmem>>, vector<16xf32>,
      %swap3A_1687 = vector.shape_cast %swap3A_1686 : vector<16xf32> to vector<16xf32>
      %swap3A_1688 = vector.shape_cast %neg3A_1684 : vector<16xf32> to vector<16xf32>
      tpu.vector_store %arg36[%swap3A_1685], %swap3A_1688 {strides = array<i32>} : memref<128xf32, #tpu.memory_space<vmem>>, vector<16xf32>,
      %neg3A_1689 = arith.constant 0.000000e+00 : f32
      %neg3A_1690 = vector.broadcast %neg3A_1689 : f32 to vector<16xf32>
      %neg3A_1691 = arith.subf %neg3A_1690, %mul3A_1668 : vector<16xf32>
      %swap3A_1692 = arith.constant 0 : index
      %swap3A_1693 = tpu.vector_load %arg37[%swap3A_1692] {strides = array<i32>} : memref<128xf32, #tpu.memory_space<vmem>>, vector<16xf32>,
      %swap3A_1694 = vector.shape_cast %swap3A_1693 : vector<16xf32> to vector<16xf32>
      %swap3A_1695 = vector.shape_cast %neg3A_1691 : vector<16xf32> to vector<16xf32>
      tpu.vector_store %arg37[%swap3A_1692], %swap3A_1695 {strides = array<i32>} : memref<128xf32, #tpu.memory_space<vmem>>, vector<16xf32>,
      %neg3A_1696 = arith.constant 0.000000e+00 : f32
      %neg3A_1697 = vector.broadcast %neg3A_1696 : f32 to vector<16xf32>
      %neg3A_1698 = arith.subf %neg3A_1697, %mul3A_1669 : vector<16xf32>
      %swap3A_1699 = arith.constant 0 : index
      %swap3A_1700 = tpu.vector_load %arg38[%swap3A_1699] {strides = array<i32>} : memref<128xf32, #tpu.memory_space<vmem>>, vector<16xf32>,
      %swap3A_1701 = vector.shape_cast %swap3A_1700 : vector<16xf32> to vector<16xf32>
      %swap3A_1702 = vector.shape_cast %neg3A_1698 : vector<16xf32> to vector<16xf32>
      tpu.vector_store %arg38[%swap3A_1699], %swap3A_1702 {strides = array<i32>} : memref<128xf32, #tpu.memory_space<vmem>>, vector<16xf32>,
      %swap3A_1703 = arith.constant 0 : index
      %swap3A_1704 = tpu.vector_load %arg39[%swap3A_1703] {strides = array<i32>} : memref<128xf32, #tpu.memory_space<vmem>>, vector<16xf32>,
      %swap3A_1705 = vector.shape_cast %swap3A_1704 : vector<16xf32> to vector<16xf32>
      %swap3A_1706 = vector.shape_cast %mul3A_1662 : vector<16xf32> to vector<16xf32>
      tpu.vector_store %arg39[%swap3A_1703], %swap3A_1706 {strides = array<i32>} : memref<128xf32, #tpu.memory_space<vmem>>, vector<16xf32>,
      %get3A_1707 = arith.constant 16 : index
      %get3A_1708 = tpu.vector_load %arg20[%get3A_1707] {strides = array<i32>} : memref<128xf32, #tpu.memory_space<vmem>>, vector<16xf32>,
      %get3A_1709 = vector.shape_cast %get3A_1708 : vector<16xf32> to vector<16xf32>
      %get3A_1710 = arith.constant 16 : index
      %get3A_1711 = tpu.vector_load %arg23[%get3A_1710] {strides = array<i32>} : memref<128xf32, #tpu.memory_space<vmem>>, vector<16xf32>,
      %get3A_1712 = vector.shape_cast %get3A_1711 : vector<16xf32> to vector<16xf32>
      %sub3A_1713 = arith.subf %get3A_1709, %get3A_1712 : vector<16xf32>
      %get3A_1714 = arith.constant 16 : index
      %get3A_1715 = tpu.vector_load %arg21[%get3A_1714] {strides = array<i32>} : memref<128xf32, #tpu.memory_space<vmem>>, vector<16xf32>,
      %get3A_1716 = vector.shape_cast %get3A_1715 : vector<16xf32> to vector<16xf32>
      %get3A_1717 = arith.constant 16 : index
      %get3A_1718 = tpu.vector_load %arg24[%get3A_1717] {strides = array<i32>} : memref<128xf32, #tpu.memory_space<vmem>>, vector<16xf32>,
      %get3A_1719 = vector.shape_cast %get3A_1718 : vector<16xf32> to vector<16xf32>
      %sub3A_1720 = arith.subf %get3A_1716, %get3A_1719 : vector<16xf32>
      %get3A_1721 = arith.constant 16 : index
      %get3A_1722 = tpu.vector_load %arg22[%get3A_1721] {strides = array<i32>} : memref<128xf32, #tpu.memory_space<vmem>>, vector<16xf32>,
      %get3A_1723 = vector.shape_cast %get3A_1722 : vector<16xf32> to vector<16xf32>
      %get3A_1724 = arith.constant 16 : index
      %get3A_1725 = tpu.vector_load %arg25[%get3A_1724] {strides = array<i32>} : memref<128xf32, #tpu.memory_space<vmem>>, vector<16xf32>,
      %get3A_1726 = vector.shape_cast %get3A_1725 : vector<16xf32> to vector<16xf32>
      %sub3A_1727 = arith.subf %get3A_1723, %get3A_1726 : vector<16xf32>
      %mul3A_1728 = arith.mulf %sub3A_1713, %sub3A_1713 : vector<16xf32>
      %mul3A_1729 = arith.mulf %sub3A_1720, %sub3A_1720 : vector<16xf32>
      %add3A_1730 = arith.addf %mul3A_1728, %mul3A_1729 : vector<16xf32>
      %mul3A_1731 = arith.mulf %sub3A_1727, %sub3A_1727 : vector<16xf32>
      %add3A_1732 = arith.addf %add3A_1730, %mul3A_1731 : vector<16xf32>
      %bitcast_convert_type3A_1733 = tpu.bitcast %add3A_1732 : vector<16xf32> -> vector<16xi32>
      %shift_right_logical3A_1734 = arith.constant 1 : i32
      %shift_right_logical3A_1735 = vector.broadcast %shift_right_logical3A_1734 : i32 to vector<16xi32>
      %shift_right_logical3A_1736 = arith.shrui %bitcast_convert_type3A_1733, %shift_right_logical3A_1735 : vector<16xi32>
      %sub3A_1737 = arith.constant 1597463007 : i32
      %sub3A_1738 = vector.broadcast %sub3A_1737 : i32 to vector<16xi32>
      %sub3A_1739 = arith.subi %sub3A_1738, %shift_right_logical3A_1736 : vector<16xi32>
      %bitcast_convert_type3A_1740 = tpu.bitcast %sub3A_1739 : vector<16xi32> -> vector<16xf32>
      %mul3A_1741 = arith.constant 5.000000e-01 : f32
      %mul3A_1742 = vector.broadcast %mul3A_1741 : f32 to vector<16xf32>
      %mul3A_1743 = arith.mulf %mul3A_1742, %add3A_1732 : vector<16xf32>
      %mul3A_1744 = arith.mulf %mul3A_1743, %bitcast_convert_type3A_1740 : vector<16xf32>
      %mul3A_1745 = arith.mulf %mul3A_1744, %bitcast_convert_type3A_1740 : vector<16xf32>
      %sub3A_1746 = arith.constant 1.500000e+00 : f32
      %sub3A_1747 = vector.broadcast %sub3A_1746 : f32 to vector<16xf32>
      %sub3A_1748 = arith.subf %sub3A_1747, %mul3A_1745 : vector<16xf32>
      %mul3A_1749 = arith.mulf %bitcast_convert_type3A_1740, %sub3A_1748 : vector<16xf32>
      %mul3A_1750 = arith.constant 5.000000e-01 : f32
      %mul3A_1751 = vector.broadcast %mul3A_1750 : f32 to vector<16xf32>
      %mul3A_1752 = arith.mulf %mul3A_1751, %add3A_1732 : vector<16xf32>
      %mul3A_1753 = arith.mulf %mul3A_1752, %mul3A_1749 : vector<16xf32>
      %mul3A_1754 = arith.mulf %mul3A_1753, %mul3A_1749 : vector<16xf32>
      %sub3A_1755 = arith.constant 1.500000e+00 : f32
      %sub3A_1756 = vector.broadcast %sub3A_1755 : f32 to vector<16xf32>
      %sub3A_1757 = arith.subf %sub3A_1756, %mul3A_1754 : vector<16xf32>
      %mul3A_1758 = arith.mulf %mul3A_1749, %sub3A_1757 : vector<16xf32>
      %mul3A_1759 = arith.constant 128 : i32
      %mul3A_1760 = arith.muli %add3A_1577, %mul3A_1759 : i32
      %add3A_1761 = arith.constant 16 : i32
      %add3A_1762 = arith.addi %mul3A_1760, %add3A_1761 : i32
      %get3A_1763 = arith.index_cast %add3A_1762 : i32 to index
      %get3A_1764 = tpu.vector_load %arg13[%get3A_1763] {strides = array<i32>} : memref<15616xf32, #tpu.memory_space<vmem>>, vector<16xf32>,
      %get3A_1765 = vector.shape_cast %get3A_1764 : vector<16xf32> to vector<16xf32>
      %mul3A_1766 = arith.mulf %add3A_1732, %mul3A_1758 : vector<16xf32>
      %sub3A_1767 = arith.subf %mul3A_1766, %get3A_1765 : vector<16xf32>
      %mul3A_1768 = arith.constant 2.000000e+01 : f32
      %mul3A_1769 = vector.broadcast %mul3A_1768 : f32 to vector<16xf32>
      %mul3A_1770 = arith.mulf %mul3A_1769, %sub3A_1767 : vector<16xf32>
      %mul3A_1771 = arith.mulf %mul3A_1770, %sub3A_1767 : vector<16xf32>
      %mul3A_1772 = arith.constant 4.000000e+01 : f32
      %mul3A_1773 = vector.broadcast %mul3A_1772 : f32 to vector<16xf32>
      %mul3A_1774 = arith.mulf %mul3A_1773, %sub3A_1767 : vector<16xf32>
      %mul3A_1775 = arith.mulf %mul3A_1774, %mul3A_1758 : vector<16xf32>
      %mul3A_1776 = arith.mulf %mul3A_1775, %sub3A_1713 : vector<16xf32>
      %mul3A_1777 = arith.mulf %mul3A_1775, %sub3A_1720 : vector<16xf32>
      %mul3A_1778 = arith.mulf %mul3A_1775, %sub3A_1727 : vector<16xf32>
      %swap3A_1779 = arith.constant 16 : index
      %swap3A_1780 = tpu.vector_load %arg33[%swap3A_1779] {strides = array<i32>} : memref<128xf32, #tpu.memory_space<vmem>>, vector<16xf32>,
      %swap3A_1781 = vector.shape_cast %swap3A_1780 : vector<16xf32> to vector<16xf32>
      %swap3A_1782 = vector.shape_cast %mul3A_1776 : vector<16xf32> to vector<16xf32>
      tpu.vector_store %arg33[%swap3A_1779], %swap3A_1782 {strides = array<i32>} : memref<128xf32, #tpu.memory_space<vmem>>, vector<16xf32>,
      %swap3A_1783 = arith.constant 16 : index
      %swap3A_1784 = tpu.vector_load %arg34[%swap3A_1783] {strides = array<i32>} : memref<128xf32, #tpu.memory_space<vmem>>, vector<16xf32>,
      %swap3A_1785 = vector.shape_cast %swap3A_1784 : vector<16xf32> to vector<16xf32>
      %swap3A_1786 = vector.shape_cast %mul3A_1777 : vector<16xf32> to vector<16xf32>
      tpu.vector_store %arg34[%swap3A_1783], %swap3A_1786 {strides = array<i32>} : memref<128xf32, #tpu.memory_space<vmem>>, vector<16xf32>,
      %swap3A_1787 = arith.constant 16 : index
      %swap3A_1788 = tpu.vector_load %arg35[%swap3A_1787] {strides = array<i32>} : memref<128xf32, #tpu.memory_space<vmem>>, vector<16xf32>,
      %swap3A_1789 = vector.shape_cast %swap3A_1788 : vector<16xf32> to vector<16xf32>
      %swap3A_1790 = vector.shape_cast %mul3A_1778 : vector<16xf32> to vector<16xf32>
      tpu.vector_store %arg35[%swap3A_1787], %swap3A_1790 {strides = array<i32>} : memref<128xf32, #tpu.memory_space<vmem>>, vector<16xf32>,
      %neg3A_1791 = arith.constant 0.000000e+00 : f32
      %neg3A_1792 = vector.broadcast %neg3A_1791 : f32 to vector<16xf32>
      %neg3A_1793 = arith.subf %neg3A_1792, %mul3A_1776 : vector<16xf32>
      %swap3A_1794 = arith.constant 16 : index
      %swap3A_1795 = tpu.vector_load %arg36[%swap3A_1794] {strides = array<i32>} : memref<128xf32, #tpu.memory_space<vmem>>, vector<16xf32>,
      %swap3A_1796 = vector.shape_cast %swap3A_1795 : vector<16xf32> to vector<16xf32>
      %swap3A_1797 = vector.shape_cast %neg3A_1793 : vector<16xf32> to vector<16xf32>
      tpu.vector_store %arg36[%swap3A_1794], %swap3A_1797 {strides = array<i32>} : memref<128xf32, #tpu.memory_space<vmem>>, vector<16xf32>,
      %neg3A_1798 = arith.constant 0.000000e+00 : f32
      %neg3A_1799 = vector.broadcast %neg3A_1798 : f32 to vector<16xf32>
      %neg3A_1800 = arith.subf %neg3A_1799, %mul3A_1777 : vector<16xf32>
      %swap3A_1801 = arith.constant 16 : index
      %swap3A_1802 = tpu.vector_load %arg37[%swap3A_1801] {strides = array<i32>} : memref<128xf32, #tpu.memory_space<vmem>>, vector<16xf32>,
      %swap3A_1803 = vector.shape_cast %swap3A_1802 : vector<16xf32> to vector<16xf32>
      %swap3A_1804 = vector.shape_cast %neg3A_1800 : vector<16xf32> to vector<16xf32>
      tpu.vector_store %arg37[%swap3A_1801], %swap3A_1804 {strides = array<i32>} : memref<128xf32, #tpu.memory_space<vmem>>, vector<16xf32>,
      %neg3A_1805 = arith.constant 0.000000e+00 : f32
      %neg3A_1806 = vector.broadcast %neg3A_1805 : f32 to vector<16xf32>
      %neg3A_1807 = arith.subf %neg3A_1806, %mul3A_1778 : vector<16xf32>
      %swap3A_1808 = arith.constant 16 : index
      %swap3A_1809 = tpu.vector_load %arg38[%swap3A_1808] {strides = array<i32>} : memref<128xf32, #tpu.memory_space<vmem>>, vector<16xf32>,
      %swap3A_1810 = vector.shape_cast %swap3A_1809 : vector<16xf32> to vector<16xf32>
      %swap3A_1811 = vector.shape_cast %neg3A_1807 : vector<16xf32> to vector<16xf32>
      tpu.vector_store %arg38[%swap3A_1808], %swap3A_1811 {strides = array<i32>} : memref<128xf32, #tpu.memory_space<vmem>>, vector<16xf32>,
      %swap3A_1812 = arith.constant 16 : index
      %swap3A_1813 = tpu.vector_load %arg39[%swap3A_1812] {strides = array<i32>} : memref<128xf32, #tpu.memory_space<vmem>>, vector<16xf32>,
      %swap3A_1814 = vector.shape_cast %swap3A_1813 : vector<16xf32> to vector<16xf32>
      %swap3A_1815 = vector.shape_cast %mul3A_1771 : vector<16xf32> to vector<16xf32>
      tpu.vector_store %arg39[%swap3A_1812], %swap3A_1815 {strides = array<i32>} : memref<128xf32, #tpu.memory_space<vmem>>, vector<16xf32>,
      %get3A_1816 = arith.constant 32 : index
      %get3A_1817 = tpu.vector_load %arg20[%get3A_1816] {strides = array<i32>} : memref<128xf32, #tpu.memory_space<vmem>>, vector<16xf32>,
      %get3A_1818 = vector.shape_cast %get3A_1817 : vector<16xf32> to vector<16xf32>
      %get3A_1819 = arith.constant 32 : index
      %get3A_1820 = tpu.vector_load %arg23[%get3A_1819] {strides = array<i32>} : memref<128xf32, #tpu.memory_space<vmem>>, vector<16xf32>,
      %get3A_1821 = vector.shape_cast %get3A_1820 : vector<16xf32> to vector<16xf32>
      %sub3A_1822 = arith.subf %get3A_1818, %get3A_1821 : vector<16xf32>
      %get3A_1823 = arith.constant 32 : index
      %get3A_1824 = tpu.vector_load %arg21[%get3A_1823] {strides = array<i32>} : memref<128xf32, #tpu.memory_space<vmem>>, vector<16xf32>,
      %get3A_1825 = vector.shape_cast %get3A_1824 : vector<16xf32> to vector<16xf32>
      %get3A_1826 = arith.constant 32 : index
      %get3A_1827 = tpu.vector_load %arg24[%get3A_1826] {strides = array<i32>} : memref<128xf32, #tpu.memory_space<vmem>>, vector<16xf32>,
      %get3A_1828 = vector.shape_cast %get3A_1827 : vector<16xf32> to vector<16xf32>
      %sub3A_1829 = arith.subf %get3A_1825, %get3A_1828 : vector<16xf32>
      %get3A_1830 = arith.constant 32 : index
      %get3A_1831 = tpu.vector_load %arg22[%get3A_1830] {strides = array<i32>} : memref<128xf32, #tpu.memory_space<vmem>>, vector<16xf32>,
      %get3A_1832 = vector.shape_cast %get3A_1831 : vector<16xf32> to vector<16xf32>
      %get3A_1833 = arith.constant 32 : index
      %get3A_1834 = tpu.vector_load %arg25[%get3A_1833] {strides = array<i32>} : memref<128xf32, #tpu.memory_space<vmem>>, vector<16xf32>,
      %get3A_1835 = vector.shape_cast %get3A_1834 : vector<16xf32> to vector<16xf32>
      %sub3A_1836 = arith.subf %get3A_1832, %get3A_1835 : vector<16xf32>
      %mul3A_1837 = arith.mulf %sub3A_1822, %sub3A_1822 : vector<16xf32>
      %mul3A_1838 = arith.mulf %sub3A_1829, %sub3A_1829 : vector<16xf32>
      %add3A_1839 = arith.addf %mul3A_1837, %mul3A_1838 : vector<16xf32>
      %mul3A_1840 = arith.mulf %sub3A_1836, %sub3A_1836 : vector<16xf32>
      %add3A_1841 = arith.addf %add3A_1839, %mul3A_1840 : vector<16xf32>
      %bitcast_convert_type3A_1842 = tpu.bitcast %add3A_1841 : vector<16xf32> -> vector<16xi32>
      %shift_right_logical3A_1843 = arith.constant 1 : i32
      %shift_right_logical3A_1844 = vector.broadcast %shift_right_logical3A_1843 : i32 to vector<16xi32>
      %shift_right_logical3A_1845 = arith.shrui %bitcast_convert_type3A_1842, %shift_right_logical3A_1844 : vector<16xi32>
      %sub3A_1846 = arith.constant 1597463007 : i32
      %sub3A_1847 = vector.broadcast %sub3A_1846 : i32 to vector<16xi32>
      %sub3A_1848 = arith.subi %sub3A_1847, %shift_right_logical3A_1845 : vector<16xi32>
      %bitcast_convert_type3A_1849 = tpu.bitcast %sub3A_1848 : vector<16xi32> -> vector<16xf32>
      %mul3A_1850 = arith.constant 5.000000e-01 : f32
      %mul3A_1851 = vector.broadcast %mul3A_1850 : f32 to vector<16xf32>
      %mul3A_1852 = arith.mulf %mul3A_1851, %add3A_1841 : vector<16xf32>
      %mul3A_1853 = arith.mulf %mul3A_1852, %bitcast_convert_type3A_1849 : vector<16xf32>
      %mul3A_1854 = arith.mulf %mul3A_1853, %bitcast_convert_type3A_1849 : vector<16xf32>
      %sub3A_1855 = arith.constant 1.500000e+00 : f32
      %sub3A_1856 = vector.broadcast %sub3A_1855 : f32 to vector<16xf32>
      %sub3A_1857 = arith.subf %sub3A_1856, %mul3A_1854 : vector<16xf32>
      %mul3A_1858 = arith.mulf %bitcast_convert_type3A_1849, %sub3A_1857 : vector<16xf32>
      %mul3A_1859 = arith.constant 5.000000e-01 : f32
      %mul3A_1860 = vector.broadcast %mul3A_1859 : f32 to vector<16xf32>
      %mul3A_1861 = arith.mulf %mul3A_1860, %add3A_1841 : vector<16xf32>
      %mul3A_1862 = arith.mulf %mul3A_1861, %mul3A_1858 : vector<16xf32>
      %mul3A_1863 = arith.mulf %mul3A_1862, %mul3A_1858 : vector<16xf32>
      %sub3A_1864 = arith.constant 1.500000e+00 : f32
      %sub3A_1865 = vector.broadcast %sub3A_1864 : f32 to vector<16xf32>
      %sub3A_1866 = arith.subf %sub3A_1865, %mul3A_1863 : vector<16xf32>
      %mul3A_1867 = arith.mulf %mul3A_1858, %sub3A_1866 : vector<16xf32>
      %mul3A_1868 = arith.constant 128 : i32
      %mul3A_1869 = arith.muli %add3A_1577, %mul3A_1868 : i32
      %add3A_1870 = arith.constant 32 : i32
      %add3A_1871 = arith.addi %mul3A_1869, %add3A_1870 : i32
      %get3A_1872 = arith.index_cast %add3A_1871 : i32 to index
      %get3A_1873 = tpu.vector_load %arg13[%get3A_1872] {strides = array<i32>} : memref<15616xf32, #tpu.memory_space<vmem>>, vector<16xf32>,
      %get3A_1874 = vector.shape_cast %get3A_1873 : vector<16xf32> to vector<16xf32>
      %mul3A_1875 = arith.mulf %add3A_1841, %mul3A_1867 : vector<16xf32>
      %sub3A_1876 = arith.subf %mul3A_1875, %get3A_1874 : vector<16xf32>
      %mul3A_1877 = arith.constant 2.000000e+01 : f32
      %mul3A_1878 = vector.broadcast %mul3A_1877 : f32 to vector<16xf32>
      %mul3A_1879 = arith.mulf %mul3A_1878, %sub3A_1876 : vector<16xf32>
      %mul3A_1880 = arith.mulf %mul3A_1879, %sub3A_1876 : vector<16xf32>
      %mul3A_1881 = arith.constant 4.000000e+01 : f32
      %mul3A_1882 = vector.broadcast %mul3A_1881 : f32 to vector<16xf32>
      %mul3A_1883 = arith.mulf %mul3A_1882, %sub3A_1876 : vector<16xf32>
      %mul3A_1884 = arith.mulf %mul3A_1883, %mul3A_1867 : vector<16xf32>
      %mul3A_1885 = arith.mulf %mul3A_1884, %sub3A_1822 : vector<16xf32>
      %mul3A_1886 = arith.mulf %mul3A_1884, %sub3A_1829 : vector<16xf32>
      %mul3A_1887 = arith.mulf %mul3A_1884, %sub3A_1836 : vector<16xf32>
      %swap3A_1888 = arith.constant 32 : index
      %swap3A_1889 = tpu.vector_load %arg33[%swap3A_1888] {strides = array<i32>} : memref<128xf32, #tpu.memory_space<vmem>>, vector<16xf32>,
      %swap3A_1890 = vector.shape_cast %swap3A_1889 : vector<16xf32> to vector<16xf32>
      %swap3A_1891 = vector.shape_cast %mul3A_1885 : vector<16xf32> to vector<16xf32>
      tpu.vector_store %arg33[%swap3A_1888], %swap3A_1891 {strides = array<i32>} : memref<128xf32, #tpu.memory_space<vmem>>, vector<16xf32>,
      %swap3A_1892 = arith.constant 32 : index
      %swap3A_1893 = tpu.vector_load %arg34[%swap3A_1892] {strides = array<i32>} : memref<128xf32, #tpu.memory_space<vmem>>, vector<16xf32>,
      %swap3A_1894 = vector.shape_cast %swap3A_1893 : vector<16xf32> to vector<16xf32>
      %swap3A_1895 = vector.shape_cast %mul3A_1886 : vector<16xf32> to vector<16xf32>
      tpu.vector_store %arg34[%swap3A_1892], %swap3A_1895 {strides = array<i32>} : memref<128xf32, #tpu.memory_space<vmem>>, vector<16xf32>,
      %swap3A_1896 = arith.constant 32 : index
      %swap3A_1897 = tpu.vector_load %arg35[%swap3A_1896] {strides = array<i32>} : memref<128xf32, #tpu.memory_space<vmem>>, vector<16xf32>,
      %swap3A_1898 = vector.shape_cast %swap3A_1897 : vector<16xf32> to vector<16xf32>
      %swap3A_1899 = vector.shape_cast %mul3A_1887 : vector<16xf32> to vector<16xf32>
      tpu.vector_store %arg35[%swap3A_1896], %swap3A_1899 {strides = array<i32>} : memref<128xf32, #tpu.memory_space<vmem>>, vector<16xf32>,
      %neg3A_1900 = arith.constant 0.000000e+00 : f32
      %neg3A_1901 = vector.broadcast %neg3A_1900 : f32 to vector<16xf32>
      %neg3A_1902 = arith.subf %neg3A_1901, %mul3A_1885 : vector<16xf32>
      %swap3A_1903 = arith.constant 32 : index
      %swap3A_1904 = tpu.vector_load %arg36[%swap3A_1903] {strides = array<i32>} : memref<128xf32, #tpu.memory_space<vmem>>, vector<16xf32>,
      %swap3A_1905 = vector.shape_cast %swap3A_1904 : vector<16xf32> to vector<16xf32>
      %swap3A_1906 = vector.shape_cast %neg3A_1902 : vector<16xf32> to vector<16xf32>
      tpu.vector_store %arg36[%swap3A_1903], %swap3A_1906 {strides = array<i32>} : memref<128xf32, #tpu.memory_space<vmem>>, vector<16xf32>,
      %neg3A_1907 = arith.constant 0.000000e+00 : f32
      %neg3A_1908 = vector.broadcast %neg3A_1907 : f32 to vector<16xf32>
      %neg3A_1909 = arith.subf %neg3A_1908, %mul3A_1886 : vector<16xf32>
      %swap3A_1910 = arith.constant 32 : index
      %swap3A_1911 = tpu.vector_load %arg37[%swap3A_1910] {strides = array<i32>} : memref<128xf32, #tpu.memory_space<vmem>>, vector<16xf32>,
      %swap3A_1912 = vector.shape_cast %swap3A_1911 : vector<16xf32> to vector<16xf32>
      %swap3A_1913 = vector.shape_cast %neg3A_1909 : vector<16xf32> to vector<16xf32>
      tpu.vector_store %arg37[%swap3A_1910], %swap3A_1913 {strides = array<i32>} : memref<128xf32, #tpu.memory_space<vmem>>, vector<16xf32>,
      %neg3A_1914 = arith.constant 0.000000e+00 : f32
      %neg3A_1915 = vector.broadcast %neg3A_1914 : f32 to vector<16xf32>
      %neg3A_1916 = arith.subf %neg3A_1915, %mul3A_1887 : vector<16xf32>
      %swap3A_1917 = arith.constant 32 : index
      %swap3A_1918 = tpu.vector_load %arg38[%swap3A_1917] {strides = array<i32>} : memref<128xf32, #tpu.memory_space<vmem>>, vector<16xf32>,
      %swap3A_1919 = vector.shape_cast %swap3A_1918 : vector<16xf32> to vector<16xf32>
      %swap3A_1920 = vector.shape_cast %neg3A_1916 : vector<16xf32> to vector<16xf32>
      tpu.vector_store %arg38[%swap3A_1917], %swap3A_1920 {strides = array<i32>} : memref<128xf32, #tpu.memory_space<vmem>>, vector<16xf32>,
      %swap3A_1921 = arith.constant 32 : index
      %swap3A_1922 = tpu.vector_load %arg39[%swap3A_1921] {strides = array<i32>} : memref<128xf32, #tpu.memory_space<vmem>>, vector<16xf32>,
      %swap3A_1923 = vector.shape_cast %swap3A_1922 : vector<16xf32> to vector<16xf32>
      %swap3A_1924 = vector.shape_cast %mul3A_1880 : vector<16xf32> to vector<16xf32>
      tpu.vector_store %arg39[%swap3A_1921], %swap3A_1924 {strides = array<i32>} : memref<128xf32, #tpu.memory_space<vmem>>, vector<16xf32>,
      %get3A_1925 = arith.constant 48 : index
      %get3A_1926 = tpu.vector_load %arg20[%get3A_1925] {strides = array<i32>} : memref<128xf32, #tpu.memory_space<vmem>>, vector<16xf32>,
      %get3A_1927 = vector.shape_cast %get3A_1926 : vector<16xf32> to vector<16xf32>
      %get3A_1928 = arith.constant 48 : index
      %get3A_1929 = tpu.vector_load %arg23[%get3A_1928] {strides = array<i32>} : memref<128xf32, #tpu.memory_space<vmem>>, vector<16xf32>,
      %get3A_1930 = vector.shape_cast %get3A_1929 : vector<16xf32> to vector<16xf32>
      %sub3A_1931 = arith.subf %get3A_1927, %get3A_1930 : vector<16xf32>
      %get3A_1932 = arith.constant 48 : index
      %get3A_1933 = tpu.vector_load %arg21[%get3A_1932] {strides = array<i32>} : memref<128xf32, #tpu.memory_space<vmem>>, vector<16xf32>,
      %get3A_1934 = vector.shape_cast %get3A_1933 : vector<16xf32> to vector<16xf32>
      %get3A_1935 = arith.constant 48 : index
      %get3A_1936 = tpu.vector_load %arg24[%get3A_1935] {strides = array<i32>} : memref<128xf32, #tpu.memory_space<vmem>>, vector<16xf32>,
      %get3A_1937 = vector.shape_cast %get3A_1936 : vector<16xf32> to vector<16xf32>
      %sub3A_1938 = arith.subf %get3A_1934, %get3A_1937 : vector<16xf32>
      %get3A_1939 = arith.constant 48 : index
      %get3A_1940 = tpu.vector_load %arg22[%get3A_1939] {strides = array<i32>} : memref<128xf32, #tpu.memory_space<vmem>>, vector<16xf32>,
      %get3A_1941 = vector.shape_cast %get3A_1940 : vector<16xf32> to vector<16xf32>
      %get3A_1942 = arith.constant 48 : index
      %get3A_1943 = tpu.vector_load %arg25[%get3A_1942] {strides = array<i32>} : memref<128xf32, #tpu.memory_space<vmem>>, vector<16xf32>,
      %get3A_1944 = vector.shape_cast %get3A_1943 : vector<16xf32> to vector<16xf32>
      %sub3A_1945 = arith.subf %get3A_1941, %get3A_1944 : vector<16xf32>
      %mul3A_1946 = arith.mulf %sub3A_1931, %sub3A_1931 : vector<16xf32>
      %mul3A_1947 = arith.mulf %sub3A_1938, %sub3A_1938 : vector<16xf32>
      %add3A_1948 = arith.addf %mul3A_1946, %mul3A_1947 : vector<16xf32>
      %mul3A_1949 = arith.mulf %sub3A_1945, %sub3A_1945 : vector<16xf32>
      %add3A_1950 = arith.addf %add3A_1948, %mul3A_1949 : vector<16xf32>
      %bitcast_convert_type3A_1951 = tpu.bitcast %add3A_1950 : vector<16xf32> -> vector<16xi32>
      %shift_right_logical3A_1952 = arith.constant 1 : i32
      %shift_right_logical3A_1953 = vector.broadcast %shift_right_logical3A_1952 : i32 to vector<16xi32>
      %shift_right_logical3A_1954 = arith.shrui %bitcast_convert_type3A_1951, %shift_right_logical3A_1953 : vector<16xi32>
      %sub3A_1955 = arith.constant 1597463007 : i32
      %sub3A_1956 = vector.broadcast %sub3A_1955 : i32 to vector<16xi32>
      %sub3A_1957 = arith.subi %sub3A_1956, %shift_right_logical3A_1954 : vector<16xi32>
      %bitcast_convert_type3A_1958 = tpu.bitcast %sub3A_1957 : vector<16xi32> -> vector<16xf32>
      %mul3A_1959 = arith.constant 5.000000e-01 : f32
      %mul3A_1960 = vector.broadcast %mul3A_1959 : f32 to vector<16xf32>
      %mul3A_1961 = arith.mulf %mul3A_1960, %add3A_1950 : vector<16xf32>
      %mul3A_1962 = arith.mulf %mul3A_1961, %bitcast_convert_type3A_1958 : vector<16xf32>
      %mul3A_1963 = arith.mulf %mul3A_1962, %bitcast_convert_type3A_1958 : vector<16xf32>
      %sub3A_1964 = arith.constant 1.500000e+00 : f32
      %sub3A_1965 = vector.broadcast %sub3A_1964 : f32 to vector<16xf32>
      %sub3A_1966 = arith.subf %sub3A_1965, %mul3A_1963 : vector<16xf32>
      %mul3A_1967 = arith.mulf %bitcast_convert_type3A_1958, %sub3A_1966 : vector<16xf32>
      %mul3A_1968 = arith.constant 5.000000e-01 : f32
      %mul3A_1969 = vector.broadcast %mul3A_1968 : f32 to vector<16xf32>
      %mul3A_1970 = arith.mulf %mul3A_1969, %add3A_1950 : vector<16xf32>
      %mul3A_1971 = arith.mulf %mul3A_1970, %mul3A_1967 : vector<16xf32>
      %mul3A_1972 = arith.mulf %mul3A_1971, %mul3A_1967 : vector<16xf32>
      %sub3A_1973 = arith.constant 1.500000e+00 : f32
      %sub3A_1974 = vector.broadcast %sub3A_1973 : f32 to vector<16xf32>
      %sub3A_1975 = arith.subf %sub3A_1974, %mul3A_1972 : vector<16xf32>
      %mul3A_1976 = arith.mulf %mul3A_1967, %sub3A_1975 : vector<16xf32>
      %mul3A_1977 = arith.constant 128 : i32
      %mul3A_1978 = arith.muli %add3A_1577, %mul3A_1977 : i32
      %add3A_1979 = arith.constant 48 : i32
      %add3A_1980 = arith.addi %mul3A_1978, %add3A_1979 : i32
      %get3A_1981 = arith.index_cast %add3A_1980 : i32 to index
      %get3A_1982 = tpu.vector_load %arg13[%get3A_1981] {strides = array<i32>} : memref<15616xf32, #tpu.memory_space<vmem>>, vector<16xf32>,
      %get3A_1983 = vector.shape_cast %get3A_1982 : vector<16xf32> to vector<16xf32>
      %mul3A_1984 = arith.mulf %add3A_1950, %mul3A_1976 : vector<16xf32>
      %sub3A_1985 = arith.subf %mul3A_1984, %get3A_1983 : vector<16xf32>
      %mul3A_1986 = arith.constant 2.000000e+01 : f32
      %mul3A_1987 = vector.broadcast %mul3A_1986 : f32 to vector<16xf32>
      %mul3A_1988 = arith.mulf %mul3A_1987, %sub3A_1985 : vector<16xf32>
      %mul3A_1989 = arith.mulf %mul3A_1988, %sub3A_1985 : vector<16xf32>
      %mul3A_1990 = arith.constant 4.000000e+01 : f32
      %mul3A_1991 = vector.broadcast %mul3A_1990 : f32 to vector<16xf32>
      %mul3A_1992 = arith.mulf %mul3A_1991, %sub3A_1985 : vector<16xf32>
      %mul3A_1993 = arith.mulf %mul3A_1992, %mul3A_1976 : vector<16xf32>
      %mul3A_1994 = arith.mulf %mul3A_1993, %sub3A_1931 : vector<16xf32>
      %mul3A_1995 = arith.mulf %mul3A_1993, %sub3A_1938 : vector<16xf32>
      %mul3A_1996 = arith.mulf %mul3A_1993, %sub3A_1945 : vector<16xf32>
      %swap3A_1997 = arith.constant 48 : index
      %swap3A_1998 = tpu.vector_load %arg33[%swap3A_1997] {strides = array<i32>} : memref<128xf32, #tpu.memory_space<vmem>>, vector<16xf32>,
      %swap3A_1999 = vector.shape_cast %swap3A_1998 : vector<16xf32> to vector<16xf32>
      %swap3A_2000 = vector.shape_cast %mul3A_1994 : vector<16xf32> to vector<16xf32>
      tpu.vector_store %arg33[%swap3A_1997], %swap3A_2000 {strides = array<i32>} : memref<128xf32, #tpu.memory_space<vmem>>, vector<16xf32>,
      %swap3A_2001 = arith.constant 48 : index
      %swap3A_2002 = tpu.vector_load %arg34[%swap3A_2001] {strides = array<i32>} : memref<128xf32, #tpu.memory_space<vmem>>, vector<16xf32>,
      %swap3A_2003 = vector.shape_cast %swap3A_2002 : vector<16xf32> to vector<16xf32>
      %swap3A_2004 = vector.shape_cast %mul3A_1995 : vector<16xf32> to vector<16xf32>
      tpu.vector_store %arg34[%swap3A_2001], %swap3A_2004 {strides = array<i32>} : memref<128xf32, #tpu.memory_space<vmem>>, vector<16xf32>,
      %swap3A_2005 = arith.constant 48 : index
      %swap3A_2006 = tpu.vector_load %arg35[%swap3A_2005] {strides = array<i32>} : memref<128xf32, #tpu.memory_space<vmem>>, vector<16xf32>,
      %swap3A_2007 = vector.shape_cast %swap3A_2006 : vector<16xf32> to vector<16xf32>
      %swap3A_2008 = vector.shape_cast %mul3A_1996 : vector<16xf32> to vector<16xf32>
      tpu.vector_store %arg35[%swap3A_2005], %swap3A_2008 {strides = array<i32>} : memref<128xf32, #tpu.memory_space<vmem>>, vector<16xf32>,
      %neg3A_2009 = arith.constant 0.000000e+00 : f32
      %neg3A_2010 = vector.broadcast %neg3A_2009 : f32 to vector<16xf32>
      %neg3A_2011 = arith.subf %neg3A_2010, %mul3A_1994 : vector<16xf32>
      %swap3A_2012 = arith.constant 48 : index
      %swap3A_2013 = tpu.vector_load %arg36[%swap3A_2012] {strides = array<i32>} : memref<128xf32, #tpu.memory_space<vmem>>, vector<16xf32>,
      %swap3A_2014 = vector.shape_cast %swap3A_2013 : vector<16xf32> to vector<16xf32>
      %swap3A_2015 = vector.shape_cast %neg3A_2011 : vector<16xf32> to vector<16xf32>
      tpu.vector_store %arg36[%swap3A_2012], %swap3A_2015 {strides = array<i32>} : memref<128xf32, #tpu.memory_space<vmem>>, vector<16xf32>,
      %neg3A_2016 = arith.constant 0.000000e+00 : f32
      %neg3A_2017 = vector.broadcast %neg3A_2016 : f32 to vector<16xf32>
      %neg3A_2018 = arith.subf %neg3A_2017, %mul3A_1995 : vector<16xf32>
      %swap3A_2019 = arith.constant 48 : index
      %swap3A_2020 = tpu.vector_load %arg37[%swap3A_2019] {strides = array<i32>} : memref<128xf32, #tpu.memory_space<vmem>>, vector<16xf32>,
      %swap3A_2021 = vector.shape_cast %swap3A_2020 : vector<16xf32> to vector<16xf32>
      %swap3A_2022 = vector.shape_cast %neg3A_2018 : vector<16xf32> to vector<16xf32>
      tpu.vector_store %arg37[%swap3A_2019], %swap3A_2022 {strides = array<i32>} : memref<128xf32, #tpu.memory_space<vmem>>, vector<16xf32>,
      %neg3A_2023 = arith.constant 0.000000e+00 : f32
      %neg3A_2024 = vector.broadcast %neg3A_2023 : f32 to vector<16xf32>
      %neg3A_2025 = arith.subf %neg3A_2024, %mul3A_1996 : vector<16xf32>
      %swap3A_2026 = arith.constant 48 : index
      %swap3A_2027 = tpu.vector_load %arg38[%swap3A_2026] {strides = array<i32>} : memref<128xf32, #tpu.memory_space<vmem>>, vector<16xf32>,
      %swap3A_2028 = vector.shape_cast %swap3A_2027 : vector<16xf32> to vector<16xf32>
      %swap3A_2029 = vector.shape_cast %neg3A_2025 : vector<16xf32> to vector<16xf32>
      tpu.vector_store %arg38[%swap3A_2026], %swap3A_2029 {strides = array<i32>} : memref<128xf32, #tpu.memory_space<vmem>>, vector<16xf32>,
      %swap3A_2030 = arith.constant 48 : index
      %swap3A_2031 = tpu.vector_load %arg39[%swap3A_2030] {strides = array<i32>} : memref<128xf32, #tpu.memory_space<vmem>>, vector<16xf32>,
      %swap3A_2032 = vector.shape_cast %swap3A_2031 : vector<16xf32> to vector<16xf32>
      %swap3A_2033 = vector.shape_cast %mul3A_1989 : vector<16xf32> to vector<16xf32>
      tpu.vector_store %arg39[%swap3A_2030], %swap3A_2033 {strides = array<i32>} : memref<128xf32, #tpu.memory_space<vmem>>, vector<16xf32>,
      %get3A_2034 = arith.constant 64 : index
      %get3A_2035 = tpu.vector_load %arg20[%get3A_2034] {strides = array<i32>} : memref<128xf32, #tpu.memory_space<vmem>>, vector<16xf32>,
      %get3A_2036 = vector.shape_cast %get3A_2035 : vector<16xf32> to vector<16xf32>
      %get3A_2037 = arith.constant 64 : index
      %get3A_2038 = tpu.vector_load %arg23[%get3A_2037] {strides = array<i32>} : memref<128xf32, #tpu.memory_space<vmem>>, vector<16xf32>,
      %get3A_2039 = vector.shape_cast %get3A_2038 : vector<16xf32> to vector<16xf32>
      %sub3A_2040 = arith.subf %get3A_2036, %get3A_2039 : vector<16xf32>
      %get3A_2041 = arith.constant 64 : index
      %get3A_2042 = tpu.vector_load %arg21[%get3A_2041] {strides = array<i32>} : memref<128xf32, #tpu.memory_space<vmem>>, vector<16xf32>,
      %get3A_2043 = vector.shape_cast %get3A_2042 : vector<16xf32> to vector<16xf32>
      %get3A_2044 = arith.constant 64 : index
      %get3A_2045 = tpu.vector_load %arg24[%get3A_2044] {strides = array<i32>} : memref<128xf32, #tpu.memory_space<vmem>>, vector<16xf32>,
      %get3A_2046 = vector.shape_cast %get3A_2045 : vector<16xf32> to vector<16xf32>
      %sub3A_2047 = arith.subf %get3A_2043, %get3A_2046 : vector<16xf32>
      %get3A_2048 = arith.constant 64 : index
      %get3A_2049 = tpu.vector_load %arg22[%get3A_2048] {strides = array<i32>} : memref<128xf32, #tpu.memory_space<vmem>>, vector<16xf32>,
      %get3A_2050 = vector.shape_cast %get3A_2049 : vector<16xf32> to vector<16xf32>
      %get3A_2051 = arith.constant 64 : index
      %get3A_2052 = tpu.vector_load %arg25[%get3A_2051] {strides = array<i32>} : memref<128xf32, #tpu.memory_space<vmem>>, vector<16xf32>,
      %get3A_2053 = vector.shape_cast %get3A_2052 : vector<16xf32> to vector<16xf32>
      %sub3A_2054 = arith.subf %get3A_2050, %get3A_2053 : vector<16xf32>
      %mul3A_2055 = arith.mulf %sub3A_2040, %sub3A_2040 : vector<16xf32>
      %mul3A_2056 = arith.mulf %sub3A_2047, %sub3A_2047 : vector<16xf32>
      %add3A_2057 = arith.addf %mul3A_2055, %mul3A_2056 : vector<16xf32>
      %mul3A_2058 = arith.mulf %sub3A_2054, %sub3A_2054 : vector<16xf32>
      %add3A_2059 = arith.addf %add3A_2057, %mul3A_2058 : vector<16xf32>
      %bitcast_convert_type3A_2060 = tpu.bitcast %add3A_2059 : vector<16xf32> -> vector<16xi32>
      %shift_right_logical3A_2061 = arith.constant 1 : i32
      %shift_right_logical3A_2062 = vector.broadcast %shift_right_logical3A_2061 : i32 to vector<16xi32>
      %shift_right_logical3A_2063 = arith.shrui %bitcast_convert_type3A_2060, %shift_right_logical3A_2062 : vector<16xi32>
      %sub3A_2064 = arith.constant 1597463007 : i32
      %sub3A_2065 = vector.broadcast %sub3A_2064 : i32 to vector<16xi32>
      %sub3A_2066 = arith.subi %sub3A_2065, %shift_right_logical3A_2063 : vector<16xi32>
      %bitcast_convert_type3A_2067 = tpu.bitcast %sub3A_2066 : vector<16xi32> -> vector<16xf32>
      %mul3A_2068 = arith.constant 5.000000e-01 : f32
      %mul3A_2069 = vector.broadcast %mul3A_2068 : f32 to vector<16xf32>
      %mul3A_2070 = arith.mulf %mul3A_2069, %add3A_2059 : vector<16xf32>
      %mul3A_2071 = arith.mulf %mul3A_2070, %bitcast_convert_type3A_2067 : vector<16xf32>
      %mul3A_2072 = arith.mulf %mul3A_2071, %bitcast_convert_type3A_2067 : vector<16xf32>
      %sub3A_2073 = arith.constant 1.500000e+00 : f32
      %sub3A_2074 = vector.broadcast %sub3A_2073 : f32 to vector<16xf32>
      %sub3A_2075 = arith.subf %sub3A_2074, %mul3A_2072 : vector<16xf32>
      %mul3A_2076 = arith.mulf %bitcast_convert_type3A_2067, %sub3A_2075 : vector<16xf32>
      %mul3A_2077 = arith.constant 5.000000e-01 : f32
      %mul3A_2078 = vector.broadcast %mul3A_2077 : f32 to vector<16xf32>
      %mul3A_2079 = arith.mulf %mul3A_2078, %add3A_2059 : vector<16xf32>
      %mul3A_2080 = arith.mulf %mul3A_2079, %mul3A_2076 : vector<16xf32>
      %mul3A_2081 = arith.mulf %mul3A_2080, %mul3A_2076 : vector<16xf32>
      %sub3A_2082 = arith.constant 1.500000e+00 : f32
      %sub3A_2083 = vector.broadcast %sub3A_2082 : f32 to vector<16xf32>
      %sub3A_2084 = arith.subf %sub3A_2083, %mul3A_2081 : vector<16xf32>
      %mul3A_2085 = arith.mulf %mul3A_2076, %sub3A_2084 : vector<16xf32>
      %mul3A_2086 = arith.constant 128 : i32
      %mul3A_2087 = arith.muli %add3A_1577, %mul3A_2086 : i32
      %add3A_2088 = arith.constant 64 : i32
      %add3A_2089 = arith.addi %mul3A_2087, %add3A_2088 : i32
      %get3A_2090 = arith.index_cast %add3A_2089 : i32 to index
      %get3A_2091 = tpu.vector_load %arg13[%get3A_2090] {strides = array<i32>} : memref<15616xf32, #tpu.memory_space<vmem>>, vector<16xf32>,
      %get3A_2092 = vector.shape_cast %get3A_2091 : vector<16xf32> to vector<16xf32>
      %mul3A_2093 = arith.mulf %add3A_2059, %mul3A_2085 : vector<16xf32>
      %sub3A_2094 = arith.subf %mul3A_2093, %get3A_2092 : vector<16xf32>
      %mul3A_2095 = arith.constant 2.000000e+01 : f32
      %mul3A_2096 = vector.broadcast %mul3A_2095 : f32 to vector<16xf32>
      %mul3A_2097 = arith.mulf %mul3A_2096, %sub3A_2094 : vector<16xf32>
      %mul3A_2098 = arith.mulf %mul3A_2097, %sub3A_2094 : vector<16xf32>
      %mul3A_2099 = arith.constant 4.000000e+01 : f32
      %mul3A_2100 = vector.broadcast %mul3A_2099 : f32 to vector<16xf32>
      %mul3A_2101 = arith.mulf %mul3A_2100, %sub3A_2094 : vector<16xf32>
      %mul3A_2102 = arith.mulf %mul3A_2101, %mul3A_2085 : vector<16xf32>
      %mul3A_2103 = arith.mulf %mul3A_2102, %sub3A_2040 : vector<16xf32>
      %mul3A_2104 = arith.mulf %mul3A_2102, %sub3A_2047 : vector<16xf32>
      %mul3A_2105 = arith.mulf %mul3A_2102, %sub3A_2054 : vector<16xf32>
      %swap3A_2106 = arith.constant 64 : index
      %swap3A_2107 = tpu.vector_load %arg33[%swap3A_2106] {strides = array<i32>} : memref<128xf32, #tpu.memory_space<vmem>>, vector<16xf32>,
      %swap3A_2108 = vector.shape_cast %swap3A_2107 : vector<16xf32> to vector<16xf32>
      %swap3A_2109 = vector.shape_cast %mul3A_2103 : vector<16xf32> to vector<16xf32>
      tpu.vector_store %arg33[%swap3A_2106], %swap3A_2109 {strides = array<i32>} : memref<128xf32, #tpu.memory_space<vmem>>, vector<16xf32>,
      %swap3A_2110 = arith.constant 64 : index
      %swap3A_2111 = tpu.vector_load %arg34[%swap3A_2110] {strides = array<i32>} : memref<128xf32, #tpu.memory_space<vmem>>, vector<16xf32>,
      %swap3A_2112 = vector.shape_cast %swap3A_2111 : vector<16xf32> to vector<16xf32>
      %swap3A_2113 = vector.shape_cast %mul3A_2104 : vector<16xf32> to vector<16xf32>
      tpu.vector_store %arg34[%swap3A_2110], %swap3A_2113 {strides = array<i32>} : memref<128xf32, #tpu.memory_space<vmem>>, vector<16xf32>,
      %swap3A_2114 = arith.constant 64 : index
      %swap3A_2115 = tpu.vector_load %arg35[%swap3A_2114] {strides = array<i32>} : memref<128xf32, #tpu.memory_space<vmem>>, vector<16xf32>,
      %swap3A_2116 = vector.shape_cast %swap3A_2115 : vector<16xf32> to vector<16xf32>
      %swap3A_2117 = vector.shape_cast %mul3A_2105 : vector<16xf32> to vector<16xf32>
      tpu.vector_store %arg35[%swap3A_2114], %swap3A_2117 {strides = array<i32>} : memref<128xf32, #tpu.memory_space<vmem>>, vector<16xf32>,
      %neg3A_2118 = arith.constant 0.000000e+00 : f32
      %neg3A_2119 = vector.broadcast %neg3A_2118 : f32 to vector<16xf32>
      %neg3A_2120 = arith.subf %neg3A_2119, %mul3A_2103 : vector<16xf32>
      %swap3A_2121 = arith.constant 64 : index
      %swap3A_2122 = tpu.vector_load %arg36[%swap3A_2121] {strides = array<i32>} : memref<128xf32, #tpu.memory_space<vmem>>, vector<16xf32>,
      %swap3A_2123 = vector.shape_cast %swap3A_2122 : vector<16xf32> to vector<16xf32>
      %swap3A_2124 = vector.shape_cast %neg3A_2120 : vector<16xf32> to vector<16xf32>
      tpu.vector_store %arg36[%swap3A_2121], %swap3A_2124 {strides = array<i32>} : memref<128xf32, #tpu.memory_space<vmem>>, vector<16xf32>,
      %neg3A_2125 = arith.constant 0.000000e+00 : f32
      %neg3A_2126 = vector.broadcast %neg3A_2125 : f32 to vector<16xf32>
      %neg3A_2127 = arith.subf %neg3A_2126, %mul3A_2104 : vector<16xf32>
      %swap3A_2128 = arith.constant 64 : index
      %swap3A_2129 = tpu.vector_load %arg37[%swap3A_2128] {strides = array<i32>} : memref<128xf32, #tpu.memory_space<vmem>>, vector<16xf32>,
      %swap3A_2130 = vector.shape_cast %swap3A_2129 : vector<16xf32> to vector<16xf32>
      %swap3A_2131 = vector.shape_cast %neg3A_2127 : vector<16xf32> to vector<16xf32>
      tpu.vector_store %arg37[%swap3A_2128], %swap3A_2131 {strides = array<i32>} : memref<128xf32, #tpu.memory_space<vmem>>, vector<16xf32>,
      %neg3A_2132 = arith.constant 0.000000e+00 : f32
      %neg3A_2133 = vector.broadcast %neg3A_2132 : f32 to vector<16xf32>
      %neg3A_2134 = arith.subf %neg3A_2133, %mul3A_2105 : vector<16xf32>
      %swap3A_2135 = arith.constant 64 : index
      %swap3A_2136 = tpu.vector_load %arg38[%swap3A_2135] {strides = array<i32>} : memref<128xf32, #tpu.memory_space<vmem>>, vector<16xf32>,
      %swap3A_2137 = vector.shape_cast %swap3A_2136 : vector<16xf32> to vector<16xf32>
      %swap3A_2138 = vector.shape_cast %neg3A_2134 : vector<16xf32> to vector<16xf32>
      tpu.vector_store %arg38[%swap3A_2135], %swap3A_2138 {strides = array<i32>} : memref<128xf32, #tpu.memory_space<vmem>>, vector<16xf32>,
      %swap3A_2139 = arith.constant 64 : index
      %swap3A_2140 = tpu.vector_load %arg39[%swap3A_2139] {strides = array<i32>} : memref<128xf32, #tpu.memory_space<vmem>>, vector<16xf32>,
      %swap3A_2141 = vector.shape_cast %swap3A_2140 : vector<16xf32> to vector<16xf32>
      %swap3A_2142 = vector.shape_cast %mul3A_2098 : vector<16xf32> to vector<16xf32>
      tpu.vector_store %arg39[%swap3A_2139], %swap3A_2142 {strides = array<i32>} : memref<128xf32, #tpu.memory_space<vmem>>, vector<16xf32>,
      %get3A_2143 = arith.constant 80 : index
      %get3A_2144 = tpu.vector_load %arg20[%get3A_2143] {strides = array<i32>} : memref<128xf32, #tpu.memory_space<vmem>>, vector<16xf32>,
      %get3A_2145 = vector.shape_cast %get3A_2144 : vector<16xf32> to vector<16xf32>
      %get3A_2146 = arith.constant 80 : index
      %get3A_2147 = tpu.vector_load %arg23[%get3A_2146] {strides = array<i32>} : memref<128xf32, #tpu.memory_space<vmem>>, vector<16xf32>,
      %get3A_2148 = vector.shape_cast %get3A_2147 : vector<16xf32> to vector<16xf32>
      %sub3A_2149 = arith.subf %get3A_2145, %get3A_2148 : vector<16xf32>
      %get3A_2150 = arith.constant 80 : index
      %get3A_2151 = tpu.vector_load %arg21[%get3A_2150] {strides = array<i32>} : memref<128xf32, #tpu.memory_space<vmem>>, vector<16xf32>,
      %get3A_2152 = vector.shape_cast %get3A_2151 : vector<16xf32> to vector<16xf32>
      %get3A_2153 = arith.constant 80 : index
      %get3A_2154 = tpu.vector_load %arg24[%get3A_2153] {strides = array<i32>} : memref<128xf32, #tpu.memory_space<vmem>>, vector<16xf32>,
      %get3A_2155 = vector.shape_cast %get3A_2154 : vector<16xf32> to vector<16xf32>
      %sub3A_2156 = arith.subf %get3A_2152, %get3A_2155 : vector<16xf32>
      %get3A_2157 = arith.constant 80 : index
      %get3A_2158 = tpu.vector_load %arg22[%get3A_2157] {strides = array<i32>} : memref<128xf32, #tpu.memory_space<vmem>>, vector<16xf32>,
      %get3A_2159 = vector.shape_cast %get3A_2158 : vector<16xf32> to vector<16xf32>
      %get3A_2160 = arith.constant 80 : index
      %get3A_2161 = tpu.vector_load %arg25[%get3A_2160] {strides = array<i32>} : memref<128xf32, #tpu.memory_space<vmem>>, vector<16xf32>,
      %get3A_2162 = vector.shape_cast %get3A_2161 : vector<16xf32> to vector<16xf32>
      %sub3A_2163 = arith.subf %get3A_2159, %get3A_2162 : vector<16xf32>
      %mul3A_2164 = arith.mulf %sub3A_2149, %sub3A_2149 : vector<16xf32>
      %mul3A_2165 = arith.mulf %sub3A_2156, %sub3A_2156 : vector<16xf32>
      %add3A_2166 = arith.addf %mul3A_2164, %mul3A_2165 : vector<16xf32>
      %mul3A_2167 = arith.mulf %sub3A_2163, %sub3A_2163 : vector<16xf32>
      %add3A_2168 = arith.addf %add3A_2166, %mul3A_2167 : vector<16xf32>
      %bitcast_convert_type3A_2169 = tpu.bitcast %add3A_2168 : vector<16xf32> -> vector<16xi32>
      %shift_right_logical3A_2170 = arith.constant 1 : i32
      %shift_right_logical3A_2171 = vector.broadcast %shift_right_logical3A_2170 : i32 to vector<16xi32>
      %shift_right_logical3A_2172 = arith.shrui %bitcast_convert_type3A_2169, %shift_right_logical3A_2171 : vector<16xi32>
      %sub3A_2173 = arith.constant 1597463007 : i32
      %sub3A_2174 = vector.broadcast %sub3A_2173 : i32 to vector<16xi32>
      %sub3A_2175 = arith.subi %sub3A_2174, %shift_right_logical3A_2172 : vector<16xi32>
      %bitcast_convert_type3A_2176 = tpu.bitcast %sub3A_2175 : vector<16xi32> -> vector<16xf32>
      %mul3A_2177 = arith.constant 5.000000e-01 : f32
      %mul3A_2178 = vector.broadcast %mul3A_2177 : f32 to vector<16xf32>
      %mul3A_2179 = arith.mulf %mul3A_2178, %add3A_2168 : vector<16xf32>
      %mul3A_2180 = arith.mulf %mul3A_2179, %bitcast_convert_type3A_2176 : vector<16xf32>
      %mul3A_2181 = arith.mulf %mul3A_2180, %bitcast_convert_type3A_2176 : vector<16xf32>
      %sub3A_2182 = arith.constant 1.500000e+00 : f32
      %sub3A_2183 = vector.broadcast %sub3A_2182 : f32 to vector<16xf32>
      %sub3A_2184 = arith.subf %sub3A_2183, %mul3A_2181 : vector<16xf32>
      %mul3A_2185 = arith.mulf %bitcast_convert_type3A_2176, %sub3A_2184 : vector<16xf32>
      %mul3A_2186 = arith.constant 5.000000e-01 : f32
      %mul3A_2187 = vector.broadcast %mul3A_2186 : f32 to vector<16xf32>
      %mul3A_2188 = arith.mulf %mul3A_2187, %add3A_2168 : vector<16xf32>
      %mul3A_2189 = arith.mulf %mul3A_2188, %mul3A_2185 : vector<16xf32>
      %mul3A_2190 = arith.mulf %mul3A_2189, %mul3A_2185 : vector<16xf32>
      %sub3A_2191 = arith.constant 1.500000e+00 : f32
      %sub3A_2192 = vector.broadcast %sub3A_2191 : f32 to vector<16xf32>
      %sub3A_2193 = arith.subf %sub3A_2192, %mul3A_2190 : vector<16xf32>
      %mul3A_2194 = arith.mulf %mul3A_2185, %sub3A_2193 : vector<16xf32>
      %mul3A_2195 = arith.constant 128 : i32
      %mul3A_2196 = arith.muli %add3A_1577, %mul3A_2195 : i32
      %add3A_2197 = arith.constant 80 : i32
      %add3A_2198 = arith.addi %mul3A_2196, %add3A_2197 : i32
      %get3A_2199 = arith.index_cast %add3A_2198 : i32 to index
      %get3A_2200 = tpu.vector_load %arg13[%get3A_2199] {strides = array<i32>} : memref<15616xf32, #tpu.memory_space<vmem>>, vector<16xf32>,
      %get3A_2201 = vector.shape_cast %get3A_2200 : vector<16xf32> to vector<16xf32>
      %mul3A_2202 = arith.mulf %add3A_2168, %mul3A_2194 : vector<16xf32>
      %sub3A_2203 = arith.subf %mul3A_2202, %get3A_2201 : vector<16xf32>
      %mul3A_2204 = arith.constant 2.000000e+01 : f32
      %mul3A_2205 = vector.broadcast %mul3A_2204 : f32 to vector<16xf32>
      %mul3A_2206 = arith.mulf %mul3A_2205, %sub3A_2203 : vector<16xf32>
      %mul3A_2207 = arith.mulf %mul3A_2206, %sub3A_2203 : vector<16xf32>
      %mul3A_2208 = arith.constant 4.000000e+01 : f32
      %mul3A_2209 = vector.broadcast %mul3A_2208 : f32 to vector<16xf32>
      %mul3A_2210 = arith.mulf %mul3A_2209, %sub3A_2203 : vector<16xf32>
      %mul3A_2211 = arith.mulf %mul3A_2210, %mul3A_2194 : vector<16xf32>
      %mul3A_2212 = arith.mulf %mul3A_2211, %sub3A_2149 : vector<16xf32>
      %mul3A_2213 = arith.mulf %mul3A_2211, %sub3A_2156 : vector<16xf32>
      %mul3A_2214 = arith.mulf %mul3A_2211, %sub3A_2163 : vector<16xf32>
      %swap3A_2215 = arith.constant 80 : index
      %swap3A_2216 = tpu.vector_load %arg33[%swap3A_2215] {strides = array<i32>} : memref<128xf32, #tpu.memory_space<vmem>>, vector<16xf32>,
      %swap3A_2217 = vector.shape_cast %swap3A_2216 : vector<16xf32> to vector<16xf32>
      %swap3A_2218 = vector.shape_cast %mul3A_2212 : vector<16xf32> to vector<16xf32>
      tpu.vector_store %arg33[%swap3A_2215], %swap3A_2218 {strides = array<i32>} : memref<128xf32, #tpu.memory_space<vmem>>, vector<16xf32>,
      %swap3A_2219 = arith.constant 80 : index
      %swap3A_2220 = tpu.vector_load %arg34[%swap3A_2219] {strides = array<i32>} : memref<128xf32, #tpu.memory_space<vmem>>, vector<16xf32>,
      %swap3A_2221 = vector.shape_cast %swap3A_2220 : vector<16xf32> to vector<16xf32>
      %swap3A_2222 = vector.shape_cast %mul3A_2213 : vector<16xf32> to vector<16xf32>
      tpu.vector_store %arg34[%swap3A_2219], %swap3A_2222 {strides = array<i32>} : memref<128xf32, #tpu.memory_space<vmem>>, vector<16xf32>,
      %swap3A_2223 = arith.constant 80 : index
      %swap3A_2224 = tpu.vector_load %arg35[%swap3A_2223] {strides = array<i32>} : memref<128xf32, #tpu.memory_space<vmem>>, vector<16xf32>,
      %swap3A_2225 = vector.shape_cast %swap3A_2224 : vector<16xf32> to vector<16xf32>
      %swap3A_2226 = vector.shape_cast %mul3A_2214 : vector<16xf32> to vector<16xf32>
      tpu.vector_store %arg35[%swap3A_2223], %swap3A_2226 {strides = array<i32>} : memref<128xf32, #tpu.memory_space<vmem>>, vector<16xf32>,
      %neg3A_2227 = arith.constant 0.000000e+00 : f32
      %neg3A_2228 = vector.broadcast %neg3A_2227 : f32 to vector<16xf32>
      %neg3A_2229 = arith.subf %neg3A_2228, %mul3A_2212 : vector<16xf32>
      %swap3A_2230 = arith.constant 80 : index
      %swap3A_2231 = tpu.vector_load %arg36[%swap3A_2230] {strides = array<i32>} : memref<128xf32, #tpu.memory_space<vmem>>, vector<16xf32>,
      %swap3A_2232 = vector.shape_cast %swap3A_2231 : vector<16xf32> to vector<16xf32>
      %swap3A_2233 = vector.shape_cast %neg3A_2229 : vector<16xf32> to vector<16xf32>
      tpu.vector_store %arg36[%swap3A_2230], %swap3A_2233 {strides = array<i32>} : memref<128xf32, #tpu.memory_space<vmem>>, vector<16xf32>,
      %neg3A_2234 = arith.constant 0.000000e+00 : f32
      %neg3A_2235 = vector.broadcast %neg3A_2234 : f32 to vector<16xf32>
      %neg3A_2236 = arith.subf %neg3A_2235, %mul3A_2213 : vector<16xf32>
      %swap3A_2237 = arith.constant 80 : index
      %swap3A_2238 = tpu.vector_load %arg37[%swap3A_2237] {strides = array<i32>} : memref<128xf32, #tpu.memory_space<vmem>>, vector<16xf32>,
      %swap3A_2239 = vector.shape_cast %swap3A_2238 : vector<16xf32> to vector<16xf32>
      %swap3A_2240 = vector.shape_cast %neg3A_2236 : vector<16xf32> to vector<16xf32>
      tpu.vector_store %arg37[%swap3A_2237], %swap3A_2240 {strides = array<i32>} : memref<128xf32, #tpu.memory_space<vmem>>, vector<16xf32>,
      %neg3A_2241 = arith.constant 0.000000e+00 : f32
      %neg3A_2242 = vector.broadcast %neg3A_2241 : f32 to vector<16xf32>
      %neg3A_2243 = arith.subf %neg3A_2242, %mul3A_2214 : vector<16xf32>
      %swap3A_2244 = arith.constant 80 : index
      %swap3A_2245 = tpu.vector_load %arg38[%swap3A_2244] {strides = array<i32>} : memref<128xf32, #tpu.memory_space<vmem>>, vector<16xf32>,
      %swap3A_2246 = vector.shape_cast %swap3A_2245 : vector<16xf32> to vector<16xf32>
      %swap3A_2247 = vector.shape_cast %neg3A_2243 : vector<16xf32> to vector<16xf32>
      tpu.vector_store %arg38[%swap3A_2244], %swap3A_2247 {strides = array<i32>} : memref<128xf32, #tpu.memory_space<vmem>>, vector<16xf32>,
      %swap3A_2248 = arith.constant 80 : index
      %swap3A_2249 = tpu.vector_load %arg39[%swap3A_2248] {strides = array<i32>} : memref<128xf32, #tpu.memory_space<vmem>>, vector<16xf32>,
      %swap3A_2250 = vector.shape_cast %swap3A_2249 : vector<16xf32> to vector<16xf32>
      %swap3A_2251 = vector.shape_cast %mul3A_2207 : vector<16xf32> to vector<16xf32>
      tpu.vector_store %arg39[%swap3A_2248], %swap3A_2251 {strides = array<i32>} : memref<128xf32, #tpu.memory_space<vmem>>, vector<16xf32>,
      %get3A_2252 = arith.constant 96 : index
      %get3A_2253 = tpu.vector_load %arg20[%get3A_2252] {strides = array<i32>} : memref<128xf32, #tpu.memory_space<vmem>>, vector<16xf32>,
      %get3A_2254 = vector.shape_cast %get3A_2253 : vector<16xf32> to vector<16xf32>
      %get3A_2255 = arith.constant 96 : index
      %get3A_2256 = tpu.vector_load %arg23[%get3A_2255] {strides = array<i32>} : memref<128xf32, #tpu.memory_space<vmem>>, vector<16xf32>,
      %get3A_2257 = vector.shape_cast %get3A_2256 : vector<16xf32> to vector<16xf32>
      %sub3A_2258 = arith.subf %get3A_2254, %get3A_2257 : vector<16xf32>
      %get3A_2259 = arith.constant 96 : index
      %get3A_2260 = tpu.vector_load %arg21[%get3A_2259] {strides = array<i32>} : memref<128xf32, #tpu.memory_space<vmem>>, vector<16xf32>,
      %get3A_2261 = vector.shape_cast %get3A_2260 : vector<16xf32> to vector<16xf32>
      %get3A_2262 = arith.constant 96 : index
      %get3A_2263 = tpu.vector_load %arg24[%get3A_2262] {strides = array<i32>} : memref<128xf32, #tpu.memory_space<vmem>>, vector<16xf32>,
      %get3A_2264 = vector.shape_cast %get3A_2263 : vector<16xf32> to vector<16xf32>
      %sub3A_2265 = arith.subf %get3A_2261, %get3A_2264 : vector<16xf32>
      %get3A_2266 = arith.constant 96 : index
      %get3A_2267 = tpu.vector_load %arg22[%get3A_2266] {strides = array<i32>} : memref<128xf32, #tpu.memory_space<vmem>>, vector<16xf32>,
      %get3A_2268 = vector.shape_cast %get3A_2267 : vector<16xf32> to vector<16xf32>
      %get3A_2269 = arith.constant 96 : index
      %get3A_2270 = tpu.vector_load %arg25[%get3A_2269] {strides = array<i32>} : memref<128xf32, #tpu.memory_space<vmem>>, vector<16xf32>,
      %get3A_2271 = vector.shape_cast %get3A_2270 : vector<16xf32> to vector<16xf32>
      %sub3A_2272 = arith.subf %get3A_2268, %get3A_2271 : vector<16xf32>
      %mul3A_2273 = arith.mulf %sub3A_2258, %sub3A_2258 : vector<16xf32>
      %mul3A_2274 = arith.mulf %sub3A_2265, %sub3A_2265 : vector<16xf32>
      %add3A_2275 = arith.addf %mul3A_2273, %mul3A_2274 : vector<16xf32>
      %mul3A_2276 = arith.mulf %sub3A_2272, %sub3A_2272 : vector<16xf32>
      %add3A_2277 = arith.addf %add3A_2275, %mul3A_2276 : vector<16xf32>
      %bitcast_convert_type3A_2278 = tpu.bitcast %add3A_2277 : vector<16xf32> -> vector<16xi32>
      %shift_right_logical3A_2279 = arith.constant 1 : i32
      %shift_right_logical3A_2280 = vector.broadcast %shift_right_logical3A_2279 : i32 to vector<16xi32>
      %shift_right_logical3A_2281 = arith.shrui %bitcast_convert_type3A_2278, %shift_right_logical3A_2280 : vector<16xi32>
      %sub3A_2282 = arith.constant 1597463007 : i32
      %sub3A_2283 = vector.broadcast %sub3A_2282 : i32 to vector<16xi32>
      %sub3A_2284 = arith.subi %sub3A_2283, %shift_right_logical3A_2281 : vector<16xi32>
      %bitcast_convert_type3A_2285 = tpu.bitcast %sub3A_2284 : vector<16xi32> -> vector<16xf32>
      %mul3A_2286 = arith.constant 5.000000e-01 : f32
      %mul3A_2287 = vector.broadcast %mul3A_2286 : f32 to vector<16xf32>
      %mul3A_2288 = arith.mulf %mul3A_2287, %add3A_2277 : vector<16xf32>
      %mul3A_2289 = arith.mulf %mul3A_2288, %bitcast_convert_type3A_2285 : vector<16xf32>
      %mul3A_2290 = arith.mulf %mul3A_2289, %bitcast_convert_type3A_2285 : vector<16xf32>
      %sub3A_2291 = arith.constant 1.500000e+00 : f32
      %sub3A_2292 = vector.broadcast %sub3A_2291 : f32 to vector<16xf32>
      %sub3A_2293 = arith.subf %sub3A_2292, %mul3A_2290 : vector<16xf32>
      %mul3A_2294 = arith.mulf %bitcast_convert_type3A_2285, %sub3A_2293 : vector<16xf32>
      %mul3A_2295 = arith.constant 5.000000e-01 : f32
      %mul3A_2296 = vector.broadcast %mul3A_2295 : f32 to vector<16xf32>
      %mul3A_2297 = arith.mulf %mul3A_2296, %add3A_2277 : vector<16xf32>
      %mul3A_2298 = arith.mulf %mul3A_2297, %mul3A_2294 : vector<16xf32>
      %mul3A_2299 = arith.mulf %mul3A_2298, %mul3A_2294 : vector<16xf32>
      %sub3A_2300 = arith.constant 1.500000e+00 : f32
      %sub3A_2301 = vector.broadcast %sub3A_2300 : f32 to vector<16xf32>
      %sub3A_2302 = arith.subf %sub3A_2301, %mul3A_2299 : vector<16xf32>
      %mul3A_2303 = arith.mulf %mul3A_2294, %sub3A_2302 : vector<16xf32>
      %mul3A_2304 = arith.constant 128 : i32
      %mul3A_2305 = arith.muli %add3A_1577, %mul3A_2304 : i32
      %add3A_2306 = arith.constant 96 : i32
      %add3A_2307 = arith.addi %mul3A_2305, %add3A_2306 : i32
      %get3A_2308 = arith.index_cast %add3A_2307 : i32 to index
      %get3A_2309 = tpu.vector_load %arg13[%get3A_2308] {strides = array<i32>} : memref<15616xf32, #tpu.memory_space<vmem>>, vector<16xf32>,
      %get3A_2310 = vector.shape_cast %get3A_2309 : vector<16xf32> to vector<16xf32>
      %mul3A_2311 = arith.mulf %add3A_2277, %mul3A_2303 : vector<16xf32>
      %sub3A_2312 = arith.subf %mul3A_2311, %get3A_2310 : vector<16xf32>
      %mul3A_2313 = arith.constant 2.000000e+01 : f32
      %mul3A_2314 = vector.broadcast %mul3A_2313 : f32 to vector<16xf32>
      %mul3A_2315 = arith.mulf %mul3A_2314, %sub3A_2312 : vector<16xf32>
      %mul3A_2316 = arith.mulf %mul3A_2315, %sub3A_2312 : vector<16xf32>
      %mul3A_2317 = arith.constant 4.000000e+01 : f32
      %mul3A_2318 = vector.broadcast %mul3A_2317 : f32 to vector<16xf32>
      %mul3A_2319 = arith.mulf %mul3A_2318, %sub3A_2312 : vector<16xf32>
      %mul3A_2320 = arith.mulf %mul3A_2319, %mul3A_2303 : vector<16xf32>
      %mul3A_2321 = arith.mulf %mul3A_2320, %sub3A_2258 : vector<16xf32>
      %mul3A_2322 = arith.mulf %mul3A_2320, %sub3A_2265 : vector<16xf32>
      %mul3A_2323 = arith.mulf %mul3A_2320, %sub3A_2272 : vector<16xf32>
      %swap3A_2324 = arith.constant 96 : index
      %swap3A_2325 = tpu.vector_load %arg33[%swap3A_2324] {strides = array<i32>} : memref<128xf32, #tpu.memory_space<vmem>>, vector<16xf32>,
      %swap3A_2326 = vector.shape_cast %swap3A_2325 : vector<16xf32> to vector<16xf32>
      %swap3A_2327 = vector.shape_cast %mul3A_2321 : vector<16xf32> to vector<16xf32>
      tpu.vector_store %arg33[%swap3A_2324], %swap3A_2327 {strides = array<i32>} : memref<128xf32, #tpu.memory_space<vmem>>, vector<16xf32>,
      %swap3A_2328 = arith.constant 96 : index
      %swap3A_2329 = tpu.vector_load %arg34[%swap3A_2328] {strides = array<i32>} : memref<128xf32, #tpu.memory_space<vmem>>, vector<16xf32>,
      %swap3A_2330 = vector.shape_cast %swap3A_2329 : vector<16xf32> to vector<16xf32>
      %swap3A_2331 = vector.shape_cast %mul3A_2322 : vector<16xf32> to vector<16xf32>
      tpu.vector_store %arg34[%swap3A_2328], %swap3A_2331 {strides = array<i32>} : memref<128xf32, #tpu.memory_space<vmem>>, vector<16xf32>,
      %swap3A_2332 = arith.constant 96 : index
      %swap3A_2333 = tpu.vector_load %arg35[%swap3A_2332] {strides = array<i32>} : memref<128xf32, #tpu.memory_space<vmem>>, vector<16xf32>,
      %swap3A_2334 = vector.shape_cast %swap3A_2333 : vector<16xf32> to vector<16xf32>
      %swap3A_2335 = vector.shape_cast %mul3A_2323 : vector<16xf32> to vector<16xf32>
      tpu.vector_store %arg35[%swap3A_2332], %swap3A_2335 {strides = array<i32>} : memref<128xf32, #tpu.memory_space<vmem>>, vector<16xf32>,
      %neg3A_2336 = arith.constant 0.000000e+00 : f32
      %neg3A_2337 = vector.broadcast %neg3A_2336 : f32 to vector<16xf32>
      %neg3A_2338 = arith.subf %neg3A_2337, %mul3A_2321 : vector<16xf32>
      %swap3A_2339 = arith.constant 96 : index
      %swap3A_2340 = tpu.vector_load %arg36[%swap3A_2339] {strides = array<i32>} : memref<128xf32, #tpu.memory_space<vmem>>, vector<16xf32>,
      %swap3A_2341 = vector.shape_cast %swap3A_2340 : vector<16xf32> to vector<16xf32>
      %swap3A_2342 = vector.shape_cast %neg3A_2338 : vector<16xf32> to vector<16xf32>
      tpu.vector_store %arg36[%swap3A_2339], %swap3A_2342 {strides = array<i32>} : memref<128xf32, #tpu.memory_space<vmem>>, vector<16xf32>,
      %neg3A_2343 = arith.constant 0.000000e+00 : f32
      %neg3A_2344 = vector.broadcast %neg3A_2343 : f32 to vector<16xf32>
      %neg3A_2345 = arith.subf %neg3A_2344, %mul3A_2322 : vector<16xf32>
      %swap3A_2346 = arith.constant 96 : index
      %swap3A_2347 = tpu.vector_load %arg37[%swap3A_2346] {strides = array<i32>} : memref<128xf32, #tpu.memory_space<vmem>>, vector<16xf32>,
      %swap3A_2348 = vector.shape_cast %swap3A_2347 : vector<16xf32> to vector<16xf32>
      %swap3A_2349 = vector.shape_cast %neg3A_2345 : vector<16xf32> to vector<16xf32>
      tpu.vector_store %arg37[%swap3A_2346], %swap3A_2349 {strides = array<i32>} : memref<128xf32, #tpu.memory_space<vmem>>, vector<16xf32>,
      %neg3A_2350 = arith.constant 0.000000e+00 : f32
      %neg3A_2351 = vector.broadcast %neg3A_2350 : f32 to vector<16xf32>
      %neg3A_2352 = arith.subf %neg3A_2351, %mul3A_2323 : vector<16xf32>
      %swap3A_2353 = arith.constant 96 : index
      %swap3A_2354 = tpu.vector_load %arg38[%swap3A_2353] {strides = array<i32>} : memref<128xf32, #tpu.memory_space<vmem>>, vector<16xf32>,
      %swap3A_2355 = vector.shape_cast %swap3A_2354 : vector<16xf32> to vector<16xf32>
      %swap3A_2356 = vector.shape_cast %neg3A_2352 : vector<16xf32> to vector<16xf32>
      tpu.vector_store %arg38[%swap3A_2353], %swap3A_2356 {strides = array<i32>} : memref<128xf32, #tpu.memory_space<vmem>>, vector<16xf32>,
      %swap3A_2357 = arith.constant 96 : index
      %swap3A_2358 = tpu.vector_load %arg39[%swap3A_2357] {strides = array<i32>} : memref<128xf32, #tpu.memory_space<vmem>>, vector<16xf32>,
      %swap3A_2359 = vector.shape_cast %swap3A_2358 : vector<16xf32> to vector<16xf32>
      %swap3A_2360 = vector.shape_cast %mul3A_2316 : vector<16xf32> to vector<16xf32>
      tpu.vector_store %arg39[%swap3A_2357], %swap3A_2360 {strides = array<i32>} : memref<128xf32, #tpu.memory_space<vmem>>, vector<16xf32>,
      %get3A_2361 = arith.constant 112 : index
      %get3A_2362 = tpu.vector_load %arg20[%get3A_2361] {strides = array<i32>} : memref<128xf32, #tpu.memory_space<vmem>>, vector<16xf32>,
      %get3A_2363 = vector.shape_cast %get3A_2362 : vector<16xf32> to vector<16xf32>
      %get3A_2364 = arith.constant 112 : index
      %get3A_2365 = tpu.vector_load %arg23[%get3A_2364] {strides = array<i32>} : memref<128xf32, #tpu.memory_space<vmem>>, vector<16xf32>,
      %get3A_2366 = vector.shape_cast %get3A_2365 : vector<16xf32> to vector<16xf32>
      %sub3A_2367 = arith.subf %get3A_2363, %get3A_2366 : vector<16xf32>
      %get3A_2368 = arith.constant 112 : index
      %get3A_2369 = tpu.vector_load %arg21[%get3A_2368] {strides = array<i32>} : memref<128xf32, #tpu.memory_space<vmem>>, vector<16xf32>,
      %get3A_2370 = vector.shape_cast %get3A_2369 : vector<16xf32> to vector<16xf32>
      %get3A_2371 = arith.constant 112 : index
      %get3A_2372 = tpu.vector_load %arg24[%get3A_2371] {strides = array<i32>} : memref<128xf32, #tpu.memory_space<vmem>>, vector<16xf32>,
      %get3A_2373 = vector.shape_cast %get3A_2372 : vector<16xf32> to vector<16xf32>
      %sub3A_2374 = arith.subf %get3A_2370, %get3A_2373 : vector<16xf32>
      %get3A_2375 = arith.constant 112 : index
      %get3A_2376 = tpu.vector_load %arg22[%get3A_2375] {strides = array<i32>} : memref<128xf32, #tpu.memory_space<vmem>>, vector<16xf32>,
      %get3A_2377 = vector.shape_cast %get3A_2376 : vector<16xf32> to vector<16xf32>
      %get3A_2378 = arith.constant 112 : index
      %get3A_2379 = tpu.vector_load %arg25[%get3A_2378] {strides = array<i32>} : memref<128xf32, #tpu.memory_space<vmem>>, vector<16xf32>,
      %get3A_2380 = vector.shape_cast %get3A_2379 : vector<16xf32> to vector<16xf32>
      %sub3A_2381 = arith.subf %get3A_2377, %get3A_2380 : vector<16xf32>
      %mul3A_2382 = arith.mulf %sub3A_2367, %sub3A_2367 : vector<16xf32>
      %mul3A_2383 = arith.mulf %sub3A_2374, %sub3A_2374 : vector<16xf32>
      %add3A_2384 = arith.addf %mul3A_2382, %mul3A_2383 : vector<16xf32>
      %mul3A_2385 = arith.mulf %sub3A_2381, %sub3A_2381 : vector<16xf32>
      %add3A_2386 = arith.addf %add3A_2384, %mul3A_2385 : vector<16xf32>
      %bitcast_convert_type3A_2387 = tpu.bitcast %add3A_2386 : vector<16xf32> -> vector<16xi32>
      %shift_right_logical3A_2388 = arith.constant 1 : i32
      %shift_right_logical3A_2389 = vector.broadcast %shift_right_logical3A_2388 : i32 to vector<16xi32>
      %shift_right_logical3A_2390 = arith.shrui %bitcast_convert_type3A_2387, %shift_right_logical3A_2389 : vector<16xi32>
      %sub3A_2391 = arith.constant 1597463007 : i32
      %sub3A_2392 = vector.broadcast %sub3A_2391 : i32 to vector<16xi32>
      %sub3A_2393 = arith.subi %sub3A_2392, %shift_right_logical3A_2390 : vector<16xi32>
      %bitcast_convert_type3A_2394 = tpu.bitcast %sub3A_2393 : vector<16xi32> -> vector<16xf32>
      %mul3A_2395 = arith.constant 5.000000e-01 : f32
      %mul3A_2396 = vector.broadcast %mul3A_2395 : f32 to vector<16xf32>
      %mul3A_2397 = arith.mulf %mul3A_2396, %add3A_2386 : vector<16xf32>
      %mul3A_2398 = arith.mulf %mul3A_2397, %bitcast_convert_type3A_2394 : vector<16xf32>
      %mul3A_2399 = arith.mulf %mul3A_2398, %bitcast_convert_type3A_2394 : vector<16xf32>
      %sub3A_2400 = arith.constant 1.500000e+00 : f32
      %sub3A_2401 = vector.broadcast %sub3A_2400 : f32 to vector<16xf32>
      %sub3A_2402 = arith.subf %sub3A_2401, %mul3A_2399 : vector<16xf32>
      %mul3A_2403 = arith.mulf %bitcast_convert_type3A_2394, %sub3A_2402 : vector<16xf32>
      %mul3A_2404 = arith.constant 5.000000e-01 : f32
      %mul3A_2405 = vector.broadcast %mul3A_2404 : f32 to vector<16xf32>
      %mul3A_2406 = arith.mulf %mul3A_2405, %add3A_2386 : vector<16xf32>
      %mul3A_2407 = arith.mulf %mul3A_2406, %mul3A_2403 : vector<16xf32>
      %mul3A_2408 = arith.mulf %mul3A_2407, %mul3A_2403 : vector<16xf32>
      %sub3A_2409 = arith.constant 1.500000e+00 : f32
      %sub3A_2410 = vector.broadcast %sub3A_2409 : f32 to vector<16xf32>
      %sub3A_2411 = arith.subf %sub3A_2410, %mul3A_2408 : vector<16xf32>
      %mul3A_2412 = arith.mulf %mul3A_2403, %sub3A_2411 : vector<16xf32>
      %mul3A_2413 = arith.constant 128 : i32
      %mul3A_2414 = arith.muli %add3A_1577, %mul3A_2413 : i32
      %add3A_2415 = arith.constant 112 : i32
      %add3A_2416 = arith.addi %mul3A_2414, %add3A_2415 : i32
      %get3A_2417 = arith.index_cast %add3A_2416 : i32 to index
      %get3A_2418 = tpu.vector_load %arg13[%get3A_2417] {strides = array<i32>} : memref<15616xf32, #tpu.memory_space<vmem>>, vector<16xf32>,
      %get3A_2419 = vector.shape_cast %get3A_2418 : vector<16xf32> to vector<16xf32>
      %mul3A_2420 = arith.mulf %add3A_2386, %mul3A_2412 : vector<16xf32>
      %sub3A_2421 = arith.subf %mul3A_2420, %get3A_2419 : vector<16xf32>
      %mul3A_2422 = arith.constant 2.000000e+01 : f32
      %mul3A_2423 = vector.broadcast %mul3A_2422 : f32 to vector<16xf32>
      %mul3A_2424 = arith.mulf %mul3A_2423, %sub3A_2421 : vector<16xf32>
      %mul3A_2425 = arith.mulf %mul3A_2424, %sub3A_2421 : vector<16xf32>
      %mul3A_2426 = arith.constant 4.000000e+01 : f32
      %mul3A_2427 = vector.broadcast %mul3A_2426 : f32 to vector<16xf32>
      %mul3A_2428 = arith.mulf %mul3A_2427, %sub3A_2421 : vector<16xf32>
      %mul3A_2429 = arith.mulf %mul3A_2428, %mul3A_2412 : vector<16xf32>
      %mul3A_2430 = arith.mulf %mul3A_2429, %sub3A_2367 : vector<16xf32>
      %mul3A_2431 = arith.mulf %mul3A_2429, %sub3A_2374 : vector<16xf32>
      %mul3A_2432 = arith.mulf %mul3A_2429, %sub3A_2381 : vector<16xf32>
      %swap3A_2433 = arith.constant 112 : index
      %swap3A_2434 = tpu.vector_load %arg33[%swap3A_2433] {strides = array<i32>} : memref<128xf32, #tpu.memory_space<vmem>>, vector<16xf32>,
      %swap3A_2435 = vector.shape_cast %swap3A_2434 : vector<16xf32> to vector<16xf32>
      %swap3A_2436 = vector.shape_cast %mul3A_2430 : vector<16xf32> to vector<16xf32>
      tpu.vector_store %arg33[%swap3A_2433], %swap3A_2436 {strides = array<i32>} : memref<128xf32, #tpu.memory_space<vmem>>, vector<16xf32>,
      %swap3A_2437 = arith.constant 112 : index
      %swap3A_2438 = tpu.vector_load %arg34[%swap3A_2437] {strides = array<i32>} : memref<128xf32, #tpu.memory_space<vmem>>, vector<16xf32>,
      %swap3A_2439 = vector.shape_cast %swap3A_2438 : vector<16xf32> to vector<16xf32>
      %swap3A_2440 = vector.shape_cast %mul3A_2431 : vector<16xf32> to vector<16xf32>
      tpu.vector_store %arg34[%swap3A_2437], %swap3A_2440 {strides = array<i32>} : memref<128xf32, #tpu.memory_space<vmem>>, vector<16xf32>,
      %swap3A_2441 = arith.constant 112 : index
      %swap3A_2442 = tpu.vector_load %arg35[%swap3A_2441] {strides = array<i32>} : memref<128xf32, #tpu.memory_space<vmem>>, vector<16xf32>,
      %swap3A_2443 = vector.shape_cast %swap3A_2442 : vector<16xf32> to vector<16xf32>
      %swap3A_2444 = vector.shape_cast %mul3A_2432 : vector<16xf32> to vector<16xf32>
      tpu.vector_store %arg35[%swap3A_2441], %swap3A_2444 {strides = array<i32>} : memref<128xf32, #tpu.memory_space<vmem>>, vector<16xf32>,
      %neg3A_2445 = arith.constant 0.000000e+00 : f32
      %neg3A_2446 = vector.broadcast %neg3A_2445 : f32 to vector<16xf32>
      %neg3A_2447 = arith.subf %neg3A_2446, %mul3A_2430 : vector<16xf32>
      %swap3A_2448 = arith.constant 112 : index
      %swap3A_2449 = tpu.vector_load %arg36[%swap3A_2448] {strides = array<i32>} : memref<128xf32, #tpu.memory_space<vmem>>, vector<16xf32>,
      %swap3A_2450 = vector.shape_cast %swap3A_2449 : vector<16xf32> to vector<16xf32>
      %swap3A_2451 = vector.shape_cast %neg3A_2447 : vector<16xf32> to vector<16xf32>
      tpu.vector_store %arg36[%swap3A_2448], %swap3A_2451 {strides = array<i32>} : memref<128xf32, #tpu.memory_space<vmem>>, vector<16xf32>,
      %neg3A_2452 = arith.constant 0.000000e+00 : f32
      %neg3A_2453 = vector.broadcast %neg3A_2452 : f32 to vector<16xf32>
      %neg3A_2454 = arith.subf %neg3A_2453, %mul3A_2431 : vector<16xf32>
      %swap3A_2455 = arith.constant 112 : index
      %swap3A_2456 = tpu.vector_load %arg37[%swap3A_2455] {strides = array<i32>} : memref<128xf32, #tpu.memory_space<vmem>>, vector<16xf32>,
      %swap3A_2457 = vector.shape_cast %swap3A_2456 : vector<16xf32> to vector<16xf32>
      %swap3A_2458 = vector.shape_cast %neg3A_2454 : vector<16xf32> to vector<16xf32>
      tpu.vector_store %arg37[%swap3A_2455], %swap3A_2458 {strides = array<i32>} : memref<128xf32, #tpu.memory_space<vmem>>, vector<16xf32>,
      %neg3A_2459 = arith.constant 0.000000e+00 : f32
      %neg3A_2460 = vector.broadcast %neg3A_2459 : f32 to vector<16xf32>
      %neg3A_2461 = arith.subf %neg3A_2460, %mul3A_2432 : vector<16xf32>
      %swap3A_2462 = arith.constant 112 : index
      %swap3A_2463 = tpu.vector_load %arg38[%swap3A_2462] {strides = array<i32>} : memref<128xf32, #tpu.memory_space<vmem>>, vector<16xf32>,
      %swap3A_2464 = vector.shape_cast %swap3A_2463 : vector<16xf32> to vector<16xf32>
      %swap3A_2465 = vector.shape_cast %neg3A_2461 : vector<16xf32> to vector<16xf32>
      tpu.vector_store %arg38[%swap3A_2462], %swap3A_2465 {strides = array<i32>} : memref<128xf32, #tpu.memory_space<vmem>>, vector<16xf32>,
      %swap3A_2466 = arith.constant 112 : index
      %swap3A_2467 = tpu.vector_load %arg39[%swap3A_2466] {strides = array<i32>} : memref<128xf32, #tpu.memory_space<vmem>>, vector<16xf32>,
      %swap3A_2468 = vector.shape_cast %swap3A_2467 : vector<16xf32> to vector<16xf32>
      %swap3A_2469 = vector.shape_cast %mul3A_2425 : vector<16xf32> to vector<16xf32>
      tpu.vector_store %arg39[%swap3A_2466], %swap3A_2469 {strides = array<i32>} : memref<128xf32, #tpu.memory_space<vmem>>, vector<16xf32>,
      %dma_start3A_2470 = arith.constant 0 : i32
      %dma_start3A_2471 = tpu.memref_slice %arg10[%add3A_1577, %dma_start3A_2470] : memref<122x128xi32, #tpu.memory_space<vmem>> -> memref<1x128xi32, #tpu.memory_space<vmem>>
      %dma_start3A_2472 = tpu.memref_squeeze %dma_start3A_2471 : memref<1x128xi32, #tpu.memory_space<vmem>> -> memref<128xi32, #tpu.memory_space<vmem>>
      %dma_start3A_2473 = arith.constant 0 : i32
      %dma_start3A_2474 = tpu.memref_slice %arg54[%dma_start3A_2473] : memref<50048xf32, #tpu.memory_space<vmem_shared>> -> memref<50048xf32, #tpu.memory_space<vmem_shared>>
      tpu.enqueue_indirect_dma source(%arg33 : memref<128xf32, #tpu.memory_space<vmem>>) target(%dma_start3A_2474 : memref<50048xf32, #tpu.memory_space<vmem_shared>>) offsets(%dma_start3A_2472 : memref<128xi32, #tpu.memory_space<vmem>>) semaphore(%arg61 : memref<!tpu.dma_semaphore, #tpu.memory_space<semaphore_mem>>) {add = true}
      %dma_start3A_2475 = arith.constant 0 : i32
      %dma_start3A_2476 = tpu.memref_slice %arg10[%add3A_1577, %dma_start3A_2475] : memref<122x128xi32, #tpu.memory_space<vmem>> -> memref<1x128xi32, #tpu.memory_space<vmem>>
      %dma_start3A_2477 = tpu.memref_squeeze %dma_start3A_2476 : memref<1x128xi32, #tpu.memory_space<vmem>> -> memref<128xi32, #tpu.memory_space<vmem>>
      %dma_start3A_2478 = arith.constant 0 : i32
      %dma_start3A_2479 = tpu.memref_slice %arg55[%dma_start3A_2478] : memref<50048xf32, #tpu.memory_space<vmem_shared>> -> memref<50048xf32, #tpu.memory_space<vmem_shared>>
      tpu.enqueue_indirect_dma source(%arg34 : memref<128xf32, #tpu.memory_space<vmem>>) target(%dma_start3A_2479 : memref<50048xf32, #tpu.memory_space<vmem_shared>>) offsets(%dma_start3A_2477 : memref<128xi32, #tpu.memory_space<vmem>>) semaphore(%arg61 : memref<!tpu.dma_semaphore, #tpu.memory_space<semaphore_mem>>) {add = true}
      %dma_start3A_2480 = arith.constant 0 : i32
      %dma_start3A_2481 = tpu.memref_slice %arg10[%add3A_1577, %dma_start3A_2480] : memref<122x128xi32, #tpu.memory_space<vmem>> -> memref<1x128xi32, #tpu.memory_space<vmem>>
      %dma_start3A_2482 = tpu.memref_squeeze %dma_start3A_2481 : memref<1x128xi32, #tpu.memory_space<vmem>> -> memref<128xi32, #tpu.memory_space<vmem>>
      %dma_start3A_2483 = arith.constant 0 : i32
      %dma_start3A_2484 = tpu.memref_slice %arg56[%dma_start3A_2483] : memref<50048xf32, #tpu.memory_space<vmem_shared>> -> memref<50048xf32, #tpu.memory_space<vmem_shared>>
      tpu.enqueue_indirect_dma source(%arg35 : memref<128xf32, #tpu.memory_space<vmem>>) target(%dma_start3A_2484 : memref<50048xf32, #tpu.memory_space<vmem_shared>>) offsets(%dma_start3A_2482 : memref<128xi32, #tpu.memory_space<vmem>>) semaphore(%arg61 : memref<!tpu.dma_semaphore, #tpu.memory_space<semaphore_mem>>) {add = true}
      %dma_start3A_2485 = arith.constant 0 : i32
      %dma_start3A_2486 = tpu.memref_slice %arg11[%add3A_1577, %dma_start3A_2485] : memref<122x128xi32, #tpu.memory_space<vmem>> -> memref<1x128xi32, #tpu.memory_space<vmem>>
      %dma_start3A_2487 = tpu.memref_squeeze %dma_start3A_2486 : memref<1x128xi32, #tpu.memory_space<vmem>> -> memref<128xi32, #tpu.memory_space<vmem>>
      %dma_start3A_2488 = arith.constant 0 : i32
      %dma_start3A_2489 = tpu.memref_slice %arg54[%dma_start3A_2488] : memref<50048xf32, #tpu.memory_space<vmem_shared>> -> memref<50048xf32, #tpu.memory_space<vmem_shared>>
      tpu.enqueue_indirect_dma source(%arg36 : memref<128xf32, #tpu.memory_space<vmem>>) target(%dma_start3A_2489 : memref<50048xf32, #tpu.memory_space<vmem_shared>>) offsets(%dma_start3A_2487 : memref<128xi32, #tpu.memory_space<vmem>>) semaphore(%arg61 : memref<!tpu.dma_semaphore, #tpu.memory_space<semaphore_mem>>) {add = true}
      %dma_start3A_2490 = arith.constant 0 : i32
      %dma_start3A_2491 = tpu.memref_slice %arg11[%add3A_1577, %dma_start3A_2490] : memref<122x128xi32, #tpu.memory_space<vmem>> -> memref<1x128xi32, #tpu.memory_space<vmem>>
      %dma_start3A_2492 = tpu.memref_squeeze %dma_start3A_2491 : memref<1x128xi32, #tpu.memory_space<vmem>> -> memref<128xi32, #tpu.memory_space<vmem>>
      %dma_start3A_2493 = arith.constant 0 : i32
      %dma_start3A_2494 = tpu.memref_slice %arg55[%dma_start3A_2493] : memref<50048xf32, #tpu.memory_space<vmem_shared>> -> memref<50048xf32, #tpu.memory_space<vmem_shared>>
      tpu.enqueue_indirect_dma source(%arg37 : memref<128xf32, #tpu.memory_space<vmem>>) target(%dma_start3A_2494 : memref<50048xf32, #tpu.memory_space<vmem_shared>>) offsets(%dma_start3A_2492 : memref<128xi32, #tpu.memory_space<vmem>>) semaphore(%arg61 : memref<!tpu.dma_semaphore, #tpu.memory_space<semaphore_mem>>) {add = true}
      %dma_start3A_2495 = arith.constant 0 : i32
      %dma_start3A_2496 = tpu.memref_slice %arg11[%add3A_1577, %dma_start3A_2495] : memref<122x128xi32, #tpu.memory_space<vmem>> -> memref<1x128xi32, #tpu.memory_space<vmem>>
      %dma_start3A_2497 = tpu.memref_squeeze %dma_start3A_2496 : memref<1x128xi32, #tpu.memory_space<vmem>> -> memref<128xi32, #tpu.memory_space<vmem>>
      %dma_start3A_2498 = arith.constant 0 : i32
      %dma_start3A_2499 = tpu.memref_slice %arg56[%dma_start3A_2498] : memref<50048xf32, #tpu.memory_space<vmem_shared>> -> memref<50048xf32, #tpu.memory_space<vmem_shared>>
      tpu.enqueue_indirect_dma source(%arg38 : memref<128xf32, #tpu.memory_space<vmem>>) target(%dma_start3A_2499 : memref<50048xf32, #tpu.memory_space<vmem_shared>>) offsets(%dma_start3A_2497 : memref<128xi32, #tpu.memory_space<vmem>>) semaphore(%arg61 : memref<!tpu.dma_semaphore, #tpu.memory_space<semaphore_mem>>) {add = true}
      %dma_start3A_2500 = arith.constant 0 : i32
      %dma_start3A_2501 = tpu.memref_slice %arg12[%add3A_1577, %dma_start3A_2500] : memref<122x128xi32, #tpu.memory_space<vmem>> -> memref<1x128xi32, #tpu.memory_space<vmem>>
      %dma_start3A_2502 = tpu.memref_squeeze %dma_start3A_2501 : memref<1x128xi32, #tpu.memory_space<vmem>> -> memref<128xi32, #tpu.memory_space<vmem>>
      %dma_start3A_2503 = arith.constant 0 : i32
      %dma_start3A_2504 = tpu.memref_slice %arg57[%dma_start3A_2503] : memref<1008xf32, #tpu.memory_space<vmem_shared>> -> memref<1008xf32, #tpu.memory_space<vmem_shared>>
      tpu.enqueue_indirect_dma source(%arg39 : memref<128xf32, #tpu.memory_space<vmem>>) target(%dma_start3A_2504 : memref<1008xf32, #tpu.memory_space<vmem_shared>>) offsets(%dma_start3A_2502 : memref<128xi32, #tpu.memory_space<vmem>>) semaphore(%arg61 : memref<!tpu.dma_semaphore, #tpu.memory_space<semaphore_mem>>) {add = true}
    }
    %scan3A_592 = arith.constant 61 : i32
    %dma_wait3A_593 = arith.constant 0 : i32
    %dma_wait3A_594 = tpu.memref_slice %arg52[%dma_wait3A_593] : memref<12512xf32, #tpu.memory_space<vmem>> -> memref<896xf32, #tpu.memory_space<vmem>>
    %dma_wait3A_595 = arith.constant 0 : i32
    %dma_wait3A_596 = tpu.memref_slice %arg7[%dma_wait3A_595] : memref<3128xf32, #tpu.memory_space<hbm>> -> memref<896xf32, #tpu.memory_space<hbm>>
    %dma_wait3A_597 = arith.constant 0 : i32
    %dma_wait3A_598 = tpu.memref_slice %arg52[%dma_wait3A_597] : memref<12512xf32, #tpu.memory_space<vmem>> -> memref<896xf32, #tpu.memory_space<vmem>>
    %dma_wait3A_599 = arith.constant 0 : i32
    %dma_wait3A_600 = tpu.memref_slice %arg7[%dma_wait3A_599] : memref<3128xf32, #tpu.memory_space<hbm>> -> memref<896xf32, #tpu.memory_space<hbm>>
    tpu.wait_dma2 semaphore(%arg60 : memref<!tpu.dma_semaphore, #tpu.memory_space<semaphore_mem>>) src(%dma_wait3A_600 : memref<896xf32, #tpu.memory_space<hbm>>) dst(%dma_wait3A_598 : memref<896xf32, #tpu.memory_space<vmem>>)
    %dma_wait3A_601 = arith.constant 0 : i32
    %dma_wait3A_602 = tpu.memref_slice %arg52[%dma_wait3A_601] : memref<12512xf32, #tpu.memory_space<vmem>> -> memref<896xf32, #tpu.memory_space<vmem>>
    %dma_wait3A_603 = arith.constant 0 : i32
    %dma_wait3A_604 = tpu.memref_slice %arg7[%dma_wait3A_603] : memref<3128xf32, #tpu.memory_space<hbm>> -> memref<896xf32, #tpu.memory_space<hbm>>
    %dma_wait3A_605 = arith.constant 0 : i32
    %dma_wait3A_606 = tpu.memref_slice %arg52[%dma_wait3A_605] : memref<12512xf32, #tpu.memory_space<vmem>> -> memref<896xf32, #tpu.memory_space<vmem>>
    %dma_wait3A_607 = arith.constant 0 : i32
    %dma_wait3A_608 = tpu.memref_slice %arg7[%dma_wait3A_607] : memref<3128xf32, #tpu.memory_space<hbm>> -> memref<896xf32, #tpu.memory_space<hbm>>
    tpu.wait_dma2 semaphore(%arg61 : memref<!tpu.dma_semaphore, #tpu.memory_space<semaphore_mem>>) src(%dma_wait3A_608 : memref<896xf32, #tpu.memory_space<hbm>>) dst(%dma_wait3A_606 : memref<896xf32, #tpu.memory_space<vmem>>)
    %barrier3A_609 = arith.constant 0 : index
    tpu.barrier barrier_id(%barrier3A_609)
    %mul3A_610 = arith.constant 3128 : i32
    %mul3A_611 = arith.muli %arg1, %mul3A_610 : i32
    "tpu.region"() ({
      %run_scoped3A = tpu.sem_alloc : memref<!tpu.dma_semaphore, #tpu.memory_space<semaphore_mem>>
      %dma_start3A_648 = arith.constant 0 : i32
      %dma_start3A_649 = tpu.memref_slice %arg52[%dma_start3A_648] : memref<12512xf32, #tpu.memory_space<vmem>> -> memref<3128xf32, #tpu.memory_space<vmem>>
      %dma_start3A_650 = tpu.memref_slice %arg54[%mul3A_611] : memref<50048xf32, #tpu.memory_space<vmem_shared>> -> memref<3128xf32, #tpu.memory_space<vmem_shared>>
      %dma_start3A_651 = arith.constant 0 : i32
      %dma_start3A_652 = tpu.memref_slice %arg52[%dma_start3A_651] : memref<12512xf32, #tpu.memory_space<vmem>> -> memref<3128xf32, #tpu.memory_space<vmem>>
      %dma_start3A_653 = tpu.memref_slice %arg54[%mul3A_611] : memref<50048xf32, #tpu.memory_space<vmem_shared>> -> memref<3128xf32, #tpu.memory_space<vmem_shared>>
      tpu.enqueue_dma source(%dma_start3A_653 : memref<3128xf32, #tpu.memory_space<vmem_shared>>) target(%dma_start3A_652 : memref<3128xf32, #tpu.memory_space<vmem>>) target_semaphore(%run_scoped3A : memref<!tpu.dma_semaphore, #tpu.memory_space<semaphore_mem>>)
      %dma_wait3A_654 = arith.constant 0 : i32
      %dma_wait3A_655 = tpu.memref_slice %arg52[%dma_wait3A_654] : memref<12512xf32, #tpu.memory_space<vmem>> -> memref<3128xf32, #tpu.memory_space<vmem>>
      %dma_wait3A_656 = tpu.memref_slice %arg54[%mul3A_611] : memref<50048xf32, #tpu.memory_space<vmem_shared>> -> memref<3128xf32, #tpu.memory_space<vmem_shared>>
      %dma_wait3A_657 = arith.constant 0 : i32
      %dma_wait3A_658 = tpu.memref_slice %arg52[%dma_wait3A_657] : memref<12512xf32, #tpu.memory_space<vmem>> -> memref<3128xf32, #tpu.memory_space<vmem>>
      %dma_wait3A_659 = tpu.memref_slice %arg54[%mul3A_611] : memref<50048xf32, #tpu.memory_space<vmem_shared>> -> memref<3128xf32, #tpu.memory_space<vmem_shared>>
      tpu.wait_dma2 semaphore(%run_scoped3A : memref<!tpu.dma_semaphore, #tpu.memory_space<semaphore_mem>>) src(%dma_wait3A_659 : memref<3128xf32, #tpu.memory_space<vmem_shared>>) dst(%dma_wait3A_658 : memref<3128xf32, #tpu.memory_space<vmem>>)
      tpu.yield
    }) : () -> ()
    %mul3A_612 = arith.constant 3 : i32
    %mul3A_613 = arith.muli %arg0, %mul3A_612 : i32
    %add3A_614 = arith.constant 0 : i32
    %add3A_615 = arith.addi %mul3A_613, %add3A_614 : i32
    %mul3A_616 = arith.constant 50048 : i32
    %mul3A_617 = arith.muli %add3A_615, %mul3A_616 : i32
    %mul3A_618 = arith.constant 3128 : i32
    %mul3A_619 = arith.muli %arg1, %mul3A_618 : i32
    %add3A_620 = arith.addi %mul3A_617, %mul3A_619 : i32
    "tpu.region"() ({
      %run_scoped3A = tpu.sem_alloc : memref<!tpu.dma_semaphore, #tpu.memory_space<semaphore_mem>>
      %dma_start3A_648 = arith.constant 0 : i32
      %dma_start3A_649 = tpu.memref_slice %arg52[%dma_start3A_648] : memref<12512xf32, #tpu.memory_space<vmem>> -> memref<3128xf32, #tpu.memory_space<vmem>>
      %dma_start3A_650 = tpu.memref_slice %arg8[%add3A_620] : memref<300288xf32, #tpu.memory_space<hbm>> -> memref<3128xf32, #tpu.memory_space<hbm>>
      %dma_start3A_651 = tpu.memref_slice %arg8[%add3A_620] : memref<300288xf32, #tpu.memory_space<hbm>> -> memref<3128xf32, #tpu.memory_space<hbm>>
      %dma_start3A_652 = arith.constant 0 : i32
      %dma_start3A_653 = tpu.memref_slice %arg52[%dma_start3A_652] : memref<12512xf32, #tpu.memory_space<vmem>> -> memref<3128xf32, #tpu.memory_space<vmem>>
      tpu.enqueue_dma source(%dma_start3A_653 : memref<3128xf32, #tpu.memory_space<vmem>>) target(%dma_start3A_651 : memref<3128xf32, #tpu.memory_space<hbm>>) target_semaphore(%run_scoped3A : memref<!tpu.dma_semaphore, #tpu.memory_space<semaphore_mem>>)
      %dma_wait3A_654 = arith.constant 0 : i32
      %dma_wait3A_655 = tpu.memref_slice %arg52[%dma_wait3A_654] : memref<12512xf32, #tpu.memory_space<vmem>> -> memref<3128xf32, #tpu.memory_space<vmem>>
      %dma_wait3A_656 = tpu.memref_slice %arg8[%add3A_620] : memref<300288xf32, #tpu.memory_space<hbm>> -> memref<3128xf32, #tpu.memory_space<hbm>>
      %dma_wait3A_657 = tpu.memref_slice %arg8[%add3A_620] : memref<300288xf32, #tpu.memory_space<hbm>> -> memref<3128xf32, #tpu.memory_space<hbm>>
      %dma_wait3A_658 = arith.constant 0 : i32
      %dma_wait3A_659 = tpu.memref_slice %arg52[%dma_wait3A_658] : memref<12512xf32, #tpu.memory_space<vmem>> -> memref<3128xf32, #tpu.memory_space<vmem>>
      tpu.wait_dma2 semaphore(%run_scoped3A : memref<!tpu.dma_semaphore, #tpu.memory_space<semaphore_mem>>) src(%dma_wait3A_659 : memref<3128xf32, #tpu.memory_space<vmem>>) dst(%dma_wait3A_657 : memref<3128xf32, #tpu.memory_space<hbm>>)
      tpu.yield
    }) : () -> ()
    %mul3A_621 = arith.constant 3128 : i32
    %mul3A_622 = arith.muli %arg1, %mul3A_621 : i32
    "tpu.region"() ({
      %run_scoped3A = tpu.sem_alloc : memref<!tpu.dma_semaphore, #tpu.memory_space<semaphore_mem>>
      %dma_start3A_648 = arith.constant 0 : i32
      %dma_start3A_649 = tpu.memref_slice %arg52[%dma_start3A_648] : memref<12512xf32, #tpu.memory_space<vmem>> -> memref<3128xf32, #tpu.memory_space<vmem>>
      %dma_start3A_650 = tpu.memref_slice %arg55[%mul3A_622] : memref<50048xf32, #tpu.memory_space<vmem_shared>> -> memref<3128xf32, #tpu.memory_space<vmem_shared>>
      %dma_start3A_651 = arith.constant 0 : i32
      %dma_start3A_652 = tpu.memref_slice %arg52[%dma_start3A_651] : memref<12512xf32, #tpu.memory_space<vmem>> -> memref<3128xf32, #tpu.memory_space<vmem>>
      %dma_start3A_653 = tpu.memref_slice %arg55[%mul3A_622] : memref<50048xf32, #tpu.memory_space<vmem_shared>> -> memref<3128xf32, #tpu.memory_space<vmem_shared>>
      tpu.enqueue_dma source(%dma_start3A_653 : memref<3128xf32, #tpu.memory_space<vmem_shared>>) target(%dma_start3A_652 : memref<3128xf32, #tpu.memory_space<vmem>>) target_semaphore(%run_scoped3A : memref<!tpu.dma_semaphore, #tpu.memory_space<semaphore_mem>>)
      %dma_wait3A_654 = arith.constant 0 : i32
      %dma_wait3A_655 = tpu.memref_slice %arg52[%dma_wait3A_654] : memref<12512xf32, #tpu.memory_space<vmem>> -> memref<3128xf32, #tpu.memory_space<vmem>>
      %dma_wait3A_656 = tpu.memref_slice %arg55[%mul3A_622] : memref<50048xf32, #tpu.memory_space<vmem_shared>> -> memref<3128xf32, #tpu.memory_space<vmem_shared>>
      %dma_wait3A_657 = arith.constant 0 : i32
      %dma_wait3A_658 = tpu.memref_slice %arg52[%dma_wait3A_657] : memref<12512xf32, #tpu.memory_space<vmem>> -> memref<3128xf32, #tpu.memory_space<vmem>>
      %dma_wait3A_659 = tpu.memref_slice %arg55[%mul3A_622] : memref<50048xf32, #tpu.memory_space<vmem_shared>> -> memref<3128xf32, #tpu.memory_space<vmem_shared>>
      tpu.wait_dma2 semaphore(%run_scoped3A : memref<!tpu.dma_semaphore, #tpu.memory_space<semaphore_mem>>) src(%dma_wait3A_659 : memref<3128xf32, #tpu.memory_space<vmem_shared>>) dst(%dma_wait3A_658 : memref<3128xf32, #tpu.memory_space<vmem>>)
      tpu.yield
    }) : () -> ()
    %mul3A_623 = arith.constant 3 : i32
    %mul3A_624 = arith.muli %arg0, %mul3A_623 : i32
    %add3A_625 = arith.constant 1 : i32
    %add3A_626 = arith.addi %mul3A_624, %add3A_625 : i32
    %mul3A_627 = arith.constant 50048 : i32
    %mul3A_628 = arith.muli %add3A_626, %mul3A_627 : i32
    %mul3A_629 = arith.constant 3128 : i32
    %mul3A_630 = arith.muli %arg1, %mul3A_629 : i32
    %add3A_631 = arith.addi %mul3A_628, %mul3A_630 : i32
    "tpu.region"() ({
      %run_scoped3A = tpu.sem_alloc : memref<!tpu.dma_semaphore, #tpu.memory_space<semaphore_mem>>
      %dma_start3A_648 = arith.constant 0 : i32
      %dma_start3A_649 = tpu.memref_slice %arg52[%dma_start3A_648] : memref<12512xf32, #tpu.memory_space<vmem>> -> memref<3128xf32, #tpu.memory_space<vmem>>
      %dma_start3A_650 = tpu.memref_slice %arg8[%add3A_631] : memref<300288xf32, #tpu.memory_space<hbm>> -> memref<3128xf32, #tpu.memory_space<hbm>>
      %dma_start3A_651 = tpu.memref_slice %arg8[%add3A_631] : memref<300288xf32, #tpu.memory_space<hbm>> -> memref<3128xf32, #tpu.memory_space<hbm>>
      %dma_start3A_652 = arith.constant 0 : i32
      %dma_start3A_653 = tpu.memref_slice %arg52[%dma_start3A_652] : memref<12512xf32, #tpu.memory_space<vmem>> -> memref<3128xf32, #tpu.memory_space<vmem>>
      tpu.enqueue_dma source(%dma_start3A_653 : memref<3128xf32, #tpu.memory_space<vmem>>) target(%dma_start3A_651 : memref<3128xf32, #tpu.memory_space<hbm>>) target_semaphore(%run_scoped3A : memref<!tpu.dma_semaphore, #tpu.memory_space<semaphore_mem>>)
      %dma_wait3A_654 = arith.constant 0 : i32
      %dma_wait3A_655 = tpu.memref_slice %arg52[%dma_wait3A_654] : memref<12512xf32, #tpu.memory_space<vmem>> -> memref<3128xf32, #tpu.memory_space<vmem>>
      %dma_wait3A_656 = tpu.memref_slice %arg8[%add3A_631] : memref<300288xf32, #tpu.memory_space<hbm>> -> memref<3128xf32, #tpu.memory_space<hbm>>
      %dma_wait3A_657 = tpu.memref_slice %arg8[%add3A_631] : memref<300288xf32, #tpu.memory_space<hbm>> -> memref<3128xf32, #tpu.memory_space<hbm>>
      %dma_wait3A_658 = arith.constant 0 : i32
      %dma_wait3A_659 = tpu.memref_slice %arg52[%dma_wait3A_658] : memref<12512xf32, #tpu.memory_space<vmem>> -> memref<3128xf32, #tpu.memory_space<vmem>>
      tpu.wait_dma2 semaphore(%run_scoped3A : memref<!tpu.dma_semaphore, #tpu.memory_space<semaphore_mem>>) src(%dma_wait3A_659 : memref<3128xf32, #tpu.memory_space<vmem>>) dst(%dma_wait3A_657 : memref<3128xf32, #tpu.memory_space<hbm>>)
      tpu.yield
    }) : () -> ()
    %mul3A_632 = arith.constant 3128 : i32
    %mul3A_633 = arith.muli %arg1, %mul3A_632 : i32
    "tpu.region"() ({
      %run_scoped3A = tpu.sem_alloc : memref<!tpu.dma_semaphore, #tpu.memory_space<semaphore_mem>>
      %dma_start3A_648 = arith.constant 0 : i32
      %dma_start3A_649 = tpu.memref_slice %arg52[%dma_start3A_648] : memref<12512xf32, #tpu.memory_space<vmem>> -> memref<3128xf32, #tpu.memory_space<vmem>>
      %dma_start3A_650 = tpu.memref_slice %arg56[%mul3A_633] : memref<50048xf32, #tpu.memory_space<vmem_shared>> -> memref<3128xf32, #tpu.memory_space<vmem_shared>>
      %dma_start3A_651 = arith.constant 0 : i32
      %dma_start3A_652 = tpu.memref_slice %arg52[%dma_start3A_651] : memref<12512xf32, #tpu.memory_space<vmem>> -> memref<3128xf32, #tpu.memory_space<vmem>>
      %dma_start3A_653 = tpu.memref_slice %arg56[%mul3A_633] : memref<50048xf32, #tpu.memory_space<vmem_shared>> -> memref<3128xf32, #tpu.memory_space<vmem_shared>>
      tpu.enqueue_dma source(%dma_start3A_653 : memref<3128xf32, #tpu.memory_space<vmem_shared>>) target(%dma_start3A_652 : memref<3128xf32, #tpu.memory_space<vmem>>) target_semaphore(%run_scoped3A : memref<!tpu.dma_semaphore, #tpu.memory_space<semaphore_mem>>)
      %dma_wait3A_654 = arith.constant 0 : i32
      %dma_wait3A_655 = tpu.memref_slice %arg52[%dma_wait3A_654] : memref<12512xf32, #tpu.memory_space<vmem>> -> memref<3128xf32, #tpu.memory_space<vmem>>
      %dma_wait3A_656 = tpu.memref_slice %arg56[%mul3A_633] : memref<50048xf32, #tpu.memory_space<vmem_shared>> -> memref<3128xf32, #tpu.memory_space<vmem_shared>>
      %dma_wait3A_657 = arith.constant 0 : i32
      %dma_wait3A_658 = tpu.memref_slice %arg52[%dma_wait3A_657] : memref<12512xf32, #tpu.memory_space<vmem>> -> memref<3128xf32, #tpu.memory_space<vmem>>
      %dma_wait3A_659 = tpu.memref_slice %arg56[%mul3A_633] : memref<50048xf32, #tpu.memory_space<vmem_shared>> -> memref<3128xf32, #tpu.memory_space<vmem_shared>>
      tpu.wait_dma2 semaphore(%run_scoped3A : memref<!tpu.dma_semaphore, #tpu.memory_space<semaphore_mem>>) src(%dma_wait3A_659 : memref<3128xf32, #tpu.memory_space<vmem_shared>>) dst(%dma_wait3A_658 : memref<3128xf32, #tpu.memory_space<vmem>>)
      tpu.yield
    }) : () -> ()
    %mul3A_634 = arith.constant 3 : i32
    %mul3A_635 = arith.muli %arg0, %mul3A_634 : i32
    %add3A_636 = arith.constant 2 : i32
    %add3A_637 = arith.addi %mul3A_635, %add3A_636 : i32
    %mul3A_638 = arith.constant 50048 : i32
    %mul3A_639 = arith.muli %add3A_637, %mul3A_638 : i32
    %mul3A_640 = arith.constant 3128 : i32
    %mul3A_641 = arith.muli %arg1, %mul3A_640 : i32
    %add3A_642 = arith.addi %mul3A_639, %mul3A_641 : i32
    "tpu.region"() ({
      %run_scoped3A = tpu.sem_alloc : memref<!tpu.dma_semaphore, #tpu.memory_space<semaphore_mem>>
      %dma_start3A_648 = arith.constant 0 : i32
      %dma_start3A_649 = tpu.memref_slice %arg52[%dma_start3A_648] : memref<12512xf32, #tpu.memory_space<vmem>> -> memref<3128xf32, #tpu.memory_space<vmem>>
      %dma_start3A_650 = tpu.memref_slice %arg8[%add3A_642] : memref<300288xf32, #tpu.memory_space<hbm>> -> memref<3128xf32, #tpu.memory_space<hbm>>
      %dma_start3A_651 = tpu.memref_slice %arg8[%add3A_642] : memref<300288xf32, #tpu.memory_space<hbm>> -> memref<3128xf32, #tpu.memory_space<hbm>>
      %dma_start3A_652 = arith.constant 0 : i32
      %dma_start3A_653 = tpu.memref_slice %arg52[%dma_start3A_652] : memref<12512xf32, #tpu.memory_space<vmem>> -> memref<3128xf32, #tpu.memory_space<vmem>>
      tpu.enqueue_dma source(%dma_start3A_653 : memref<3128xf32, #tpu.memory_space<vmem>>) target(%dma_start3A_651 : memref<3128xf32, #tpu.memory_space<hbm>>) target_semaphore(%run_scoped3A : memref<!tpu.dma_semaphore, #tpu.memory_space<semaphore_mem>>)
      %dma_wait3A_654 = arith.constant 0 : i32
      %dma_wait3A_655 = tpu.memref_slice %arg52[%dma_wait3A_654] : memref<12512xf32, #tpu.memory_space<vmem>> -> memref<3128xf32, #tpu.memory_space<vmem>>
      %dma_wait3A_656 = tpu.memref_slice %arg8[%add3A_642] : memref<300288xf32, #tpu.memory_space<hbm>> -> memref<3128xf32, #tpu.memory_space<hbm>>
      %dma_wait3A_657 = tpu.memref_slice %arg8[%add3A_642] : memref<300288xf32, #tpu.memory_space<hbm>> -> memref<3128xf32, #tpu.memory_space<hbm>>
      %dma_wait3A_658 = arith.constant 0 : i32
      %dma_wait3A_659 = tpu.memref_slice %arg52[%dma_wait3A_658] : memref<12512xf32, #tpu.memory_space<vmem>> -> memref<3128xf32, #tpu.memory_space<vmem>>
      tpu.wait_dma2 semaphore(%run_scoped3A : memref<!tpu.dma_semaphore, #tpu.memory_space<semaphore_mem>>) src(%dma_wait3A_659 : memref<3128xf32, #tpu.memory_space<vmem>>) dst(%dma_wait3A_657 : memref<3128xf32, #tpu.memory_space<hbm>>)
      tpu.yield
    }) : () -> ()
    %eq3A_643 = arith.constant 0 : i32
    %eq3A_644 = arith.cmpi eq, %arg1, %eq3A_643 : i32
    %convert_element_type3A_645 = arith.extui %eq3A_644 : i1 to i32
    %cond3A_646 = arith.constant 0 : i32
    %cond3A_647 = arith.cmpi ne, %convert_element_type3A_645, %cond3A_646 : i32
    scf.if %cond3A_647 {
      "tpu.region"() ({
        %run_scoped3A = tpu.sem_alloc : memref<!tpu.dma_semaphore, #tpu.memory_space<semaphore_mem>>
        %dma_start3A_650 = arith.constant 0 : i32
        %dma_start3A_651 = tpu.memref_slice %arg52[%dma_start3A_650] : memref<12512xf32, #tpu.memory_space<vmem>> -> memref<1008xf32, #tpu.memory_space<vmem>>
        %dma_start3A_652 = arith.constant 0 : i32
        %dma_start3A_653 = tpu.memref_slice %arg52[%dma_start3A_652] : memref<12512xf32, #tpu.memory_space<vmem>> -> memref<1008xf32, #tpu.memory_space<vmem>>
        tpu.enqueue_dma source(%arg57 : memref<1008xf32, #tpu.memory_space<vmem_shared>>) target(%dma_start3A_653 : memref<1008xf32, #tpu.memory_space<vmem>>) target_semaphore(%run_scoped3A : memref<!tpu.dma_semaphore, #tpu.memory_space<semaphore_mem>>)
        %dma_wait3A_654 = arith.constant 0 : i32
        %dma_wait3A_655 = tpu.memref_slice %arg52[%dma_wait3A_654] : memref<12512xf32, #tpu.memory_space<vmem>> -> memref<1008xf32, #tpu.memory_space<vmem>>
        %dma_wait3A_656 = arith.constant 0 : i32
        %dma_wait3A_657 = tpu.memref_slice %arg52[%dma_wait3A_656] : memref<12512xf32, #tpu.memory_space<vmem>> -> memref<1008xf32, #tpu.memory_space<vmem>>
        tpu.wait_dma2 semaphore(%run_scoped3A : memref<!tpu.dma_semaphore, #tpu.memory_space<semaphore_mem>>) src(%arg57 : memref<1008xf32, #tpu.memory_space<vmem_shared>>) dst(%dma_wait3A_657 : memref<1008xf32, #tpu.memory_space<vmem>>)
        tpu.yield
      }) : () -> ()
      %mul3A_648 = arith.constant 1008 : i32
      %mul3A_649 = arith.muli %arg0, %mul3A_648 : i32
      "tpu.region"() ({
        %run_scoped3A = tpu.sem_alloc : memref<!tpu.dma_semaphore, #tpu.memory_space<semaphore_mem>>
        %dma_start3A_650 = arith.constant 0 : i32
        %dma_start3A_651 = tpu.memref_slice %arg52[%dma_start3A_650] : memref<12512xf32, #tpu.memory_space<vmem>> -> memref<1008xf32, #tpu.memory_space<vmem>>
        %dma_start3A_652 = tpu.memref_slice %arg9[%mul3A_649] : memref<2016xf32, #tpu.memory_space<hbm>> -> memref<1008xf32, #tpu.memory_space<hbm>>
        %dma_start3A_653 = tpu.memref_slice %arg9[%mul3A_649] : memref<2016xf32, #tpu.memory_space<hbm>> -> memref<1008xf32, #tpu.memory_space<hbm>>
        %dma_start3A_654 = arith.constant 0 : i32
        %dma_start3A_655 = tpu.memref_slice %arg52[%dma_start3A_654] : memref<12512xf32, #tpu.memory_space<vmem>> -> memref<1008xf32, #tpu.memory_space<vmem>>
        tpu.enqueue_dma source(%dma_start3A_655 : memref<1008xf32, #tpu.memory_space<vmem>>) target(%dma_start3A_653 : memref<1008xf32, #tpu.memory_space<hbm>>) target_semaphore(%run_scoped3A : memref<!tpu.dma_semaphore, #tpu.memory_space<semaphore_mem>>)
        %dma_wait3A_656 = arith.constant 0 : i32
        %dma_wait3A_657 = tpu.memref_slice %arg52[%dma_wait3A_656] : memref<12512xf32, #tpu.memory_space<vmem>> -> memref<1008xf32, #tpu.memory_space<vmem>>
        %dma_wait3A_658 = tpu.memref_slice %arg9[%mul3A_649] : memref<2016xf32, #tpu.memory_space<hbm>> -> memref<1008xf32, #tpu.memory_space<hbm>>
        %dma_wait3A_659 = tpu.memref_slice %arg9[%mul3A_649] : memref<2016xf32, #tpu.memory_space<hbm>> -> memref<1008xf32, #tpu.memory_space<hbm>>
        %dma_wait3A_660 = arith.constant 0 : i32
        %dma_wait3A_661 = tpu.memref_slice %arg52[%dma_wait3A_660] : memref<12512xf32, #tpu.memory_space<vmem>> -> memref<1008xf32, #tpu.memory_space<vmem>>
        tpu.wait_dma2 semaphore(%run_scoped3A : memref<!tpu.dma_semaphore, #tpu.memory_space<semaphore_mem>>) src(%dma_wait3A_661 : memref<1008xf32, #tpu.memory_space<vmem>>) dst(%dma_wait3A_659 : memref<1008xf32, #tpu.memory_space<hbm>>)
        tpu.yield
      }) : () -> ()
    } else {
    }
    return
  }
}

module attributes {stable_mosaic.version = 14 : i64} {
  func.func @_combine_body(%arg0: memref<2x150144xf32, #tpu.memory_space<vmem>>, %arg1: memref<2x1008xf32, #tpu.memory_space<vmem>>, %arg2: memref<150144xf32, #tpu.memory_space<vmem>>, %arg3: memref<1008xf32, #tpu.memory_space<vmem>>) attributes {dimension_semantics = [], scalar_prefetch = 0 : i64, scratch_operands = 0 : i64, tpu.core_type = #tpu.core_type<tc>} {
    %get3A = arith.constant 0 : index
    %get3A_0 = arith.constant 0 : index
    %get3A_1 = vector.load %arg0[%get3A, %get3A_0] : memref<2x150144xf32, #tpu.memory_space<vmem>>, vector<1x150144xf32>
    %get3A_2 = vector.shape_cast %get3A_1 : vector<1x150144xf32> to vector<150144xf32>
    %get3A_3 = arith.constant 1 : index
    %get3A_4 = arith.constant 0 : index
    %get3A_5 = vector.load %arg0[%get3A_3, %get3A_4] : memref<2x150144xf32, #tpu.memory_space<vmem>>, vector<1x150144xf32>
    %get3A_6 = vector.shape_cast %get3A_5 : vector<1x150144xf32> to vector<150144xf32>
    %add3A = arith.addf %get3A_2, %get3A_6 : vector<150144xf32>
    %swap3A = arith.constant 0 : index
    %swap3A_7 = vector.load %arg2[%swap3A] : memref<150144xf32, #tpu.memory_space<vmem>>, vector<150144xf32>
    tpu.vector_store %arg2[%swap3A], %add3A {strides = array<i32>} : memref<150144xf32, #tpu.memory_space<vmem>>, vector<150144xf32>,
    %get3A_8 = arith.constant 0 : index
    %get3A_9 = arith.constant 0 : index
    %get3A_10 = vector.load %arg1[%get3A_8, %get3A_9] : memref<2x1008xf32, #tpu.memory_space<vmem>>, vector<1x1008xf32>
    %get3A_11 = vector.shape_cast %get3A_10 : vector<1x1008xf32> to vector<1008xf32>
    %get3A_12 = arith.constant 1 : index
    %get3A_13 = arith.constant 0 : index
    %get3A_14 = vector.load %arg1[%get3A_12, %get3A_13] : memref<2x1008xf32, #tpu.memory_space<vmem>>, vector<1x1008xf32>
    %get3A_15 = vector.shape_cast %get3A_14 : vector<1x1008xf32> to vector<1008xf32>
    %add3A_16 = arith.addf %get3A_11, %get3A_15 : vector<1008xf32>
    %swap3A_17 = arith.constant 0 : index
    %swap3A_18 = vector.load %arg3[%swap3A_17] : memref<1008xf32, #tpu.memory_space<vmem>>, vector<1008xf32>
    tpu.vector_store %arg3[%swap3A_17], %add3A_16 {strides = array<i32>} : memref<1008xf32, #tpu.memory_space<vmem>>, vector<1008xf32>,
    return
  }
}

</mosaic_0001>

<sc_bundles>
// kernel: kernel.4.cloned.1.call-start
scs
__scs_entry_jumppad:
0x0: {  	(pc) =	sbr.rel $0x88, $3  }
0x1: {  	(tag) =	ssettag $0x0;
	lr =	simm.s32 $0x1  }
0x2: {  	[smem:$0x3F9D] =	sst lr;
	_ =	strace $0xD0000000  }
0x3: {  	_ = 	snop  }
0x4: {  	_ = 	snop  }
0x5: {  	_ = 	snop  }
0x6: {  	_ = 	snop  }
0x7: {  	_ = 	snop  }
__scs_overlays_trampoline_lowered:
0x8: {  	[smem:$0x3FAC] =	sst s0  }
0x9: {  	[smem:$0x3FAD] =	sst s1  }
0xa: {  	[smem:$0x3FAE] =	sst s2  }
0xb: {  	[smem:$0x3FAF] =	sst s3  }
0xc: {  	[smem:$0x3FB0] =	sst s4  }
0xd: {  	[smem:$0x3FB1] =	sst s5  }
0xe: {  	[smem:$0x3FB2] =	sst s6  }
0xf: {  	[smem:$0x3FB3] =	sst s7  }
0x10: {  	[smem:$0x3FB4] =	sst s8  }
0x11: {  	[smem:$0x3FB5] =	sst s9;
	s0 =	simm.s32 @!p0 $0x0  }
0x12: {  	s1 =	sld [smem:$0x3F9B];
	s0 =	simm.s32 @p0 $0x1  }
0x13: {  	[smem:$0x3FB6] =	sst s0;
	s0 =	simm.s32 @!p1 $0x0  }
0x14: {  	s2 =	sld [smem:$0x3F9A];
	s0 =	simm.s32 @p1 $0x1  }
0x15: {  	[smem:$0x3FB7] =	sst s0;
	s0 =	simm.s32 @!p2 $0x0  }
0x16: {  	s3 =	sld [smem:$0x3FDB];
	s0 =	simm.s32 @p2 $0x1  }
0x17: {  	s4 =	simm.s32 $0x1BF5;
	[smem:$0x3FB9] =	sst s0  }
0x18: {  	s0 =	sld [smem:$0x3F9C];
	_ =	swait.ge [sflag:s4], $0x0  }
0x19: {  	s7 =	sld [smem:$0x3F9D]  }
0x1a: {  	s8 =	sadd.s32 $0xFFFFE003, lr  }
0x1b: {  	s9 =	sadd.s32 $0xFFFFFEF7, lr;
	s5 =	simm.s32 $0xFFFFFFFF;
	p2 =	slt.u32 s8, $0xFFFFF086  }
0x1c: {  	p1 =	slt.u32 s9, $0xF7A;
	s5 =	simm.s32 @!p2 $0x0  }
0x1d: {  	s5 =	simm.s32 @p1 $0x1;
	p0 =	seq.s32 s7, s2  }
0x1e: {  	s7 =	smul.u32 @!p0 $0xF7A, s2;
	p2 =	seq.s32 @!p0 s5, $0x0  }
0x1f: {  	s9 =	smul.u32 $0xF7A, s1;
	s8 =	simm.s32 @!p0 $0x1BF5;
	p2 =	por !p2, p0  }
0x20: {  	[sflag:s8] =	ssyncset.s32 @!p0 $0xFFFFF086;
	s6 =	sadd.s32 @!p0 s3, s7;
	s7 =	simm.s32 @!p0 $0x108  }
0x21: {  	s3 =	sadd.s32 s3, s9;
	s6 =	sadd.s32 @!p0 $0x88, s6;
	s7 =	simm.s32 @p2 $0x1082  }
0x22: {  	[simem:s7], [sflag:s8] =	dma.local @!p0 [hbm:s6], $0xF7A  }
0x23: {  	s9 =	sor.u32 $0xD0000000, s2;
	s6 =	simm.s32 $0x108;
	_ =	swait.ge @!p0 [sflag:s8], $0x0  }
0x24: {  	s3 =	sadd.s32 $0x88, s3;
	s6 =	simm.s32 @!p1 $0x1082;
	[sflag:s4] =	ssyncset.s32 $0xFFFFF086  }
0x25: {  	[simem:s6], [sflag:s4] =	dma.local [hbm:s3], $0xF7A  }
0x26: {  	[smem:$0x3F9D] =	sst s1;
	(tag) =	ssettag s2;
	_ =	strace s9  }
0x27: {  	s1 =	sld [smem:$0x3FAD]  }
0x28: {  	s2 =	sld [smem:$0x3FAE]  }
0x29: {  	s4 =	sld [smem:$0x3FB0]  }
0x2a: {  	p0 =	seq.s32 s5, $0x0;
	s5 =	sld [smem:$0x3FB1]  }
0x2b: {  	s6 =	sld [smem:$0x3FB2]  }
0x2c: {  	s7 =	sld [smem:$0x3FB3]  }
0x2d: {  	s3 =	simm.s32 $0x108;
	s8 =	sld [smem:$0x3FB4]  }
0x2e: {  	s3 =	simm.s32 @!p0 $0x1082;
	s9 =	sld [smem:$0x3FB5]  }
0x2f: {  	lr =	sadd.s32 s0, s3;
	s0 =	sld [smem:$0x3FAC]  }
0x30: {  	s3 =	sld [smem:$0x3FAF]  }
0x31: {  	[smem:$0x3FB8] =	sst s10  }
0x32: {  	s10 =	sld [smem:$0x3FB6];
	_ =	sdelay $0x3  }
0x33: {  	p0 =	seq.s32 s10, $0x1;
	s10 =	sld [smem:$0x3FB8];
	_ =	sdelay $0x3  }
0x34: {  	[smem:$0x3FB8] =	sst s10  }
0x35: {  	s10 =	sld [smem:$0x3FB7];
	_ =	sdelay $0x3  }
0x36: {  	p1 =	seq.s32 s10, $0x1;
	s10 =	sld [smem:$0x3FB8];
	_ =	sdelay $0x3  }
0x37: {  	[smem:$0x3FB8] =	sst s10  }
0x38: {  	s10 =	sld [smem:$0x3FB9]  }
0x39: {  	_ = 	snop;
	(pc) =	sbr.ind lr, $3  }
0x3a: {  	_ = 	snop  }
0x3b: {  	_ = 	snop  }
0x3c: {  	p2 =	seq.s32 s10, $0x1;
	s10 =	sld [smem:$0x3FB8]  }
0x3d: {  	_ =	shalt  }
0x3e: {  	_ =	shalt  }
0x3f: {  	_ =	shalt  }
0x40: {  	_ =	shalt  }
0x41: {  	_ =	shalt  }
0x42: {  	_ =	shalt  }
0x43: {  	_ =	shalt  }
0x44: {  	_ =	shalt  }
0x45: {  	_ =	shalt  }
0x46: {  	_ =	shalt  }
0x47: {  	_ =	shalt  }
0x48: {  	_ =	shalt  }
0x49: {  	_ =	shalt  }
0x4a: {  	_ =	shalt  }
0x4b: {  	_ =	shalt  }
0x4c: {  	_ =	shalt  }
0x4d: {  	_ =	shalt  }
0x4e: {  	_ =	shalt  }
0x4f: {  	_ =	shalt  }
0x50: {  	_ =	shalt  }
0x51: {  	_ =	shalt  }
0x52: {  	_ =	shalt  }
0x53: {  	_ =	shalt  }
0x54: {  	_ =	shalt  }
0x55: {  	_ =	shalt  }
0x56: {  	_ =	shalt  }
0x57: {  	_ =	shalt  }
0x58: {  	_ =	shalt  }
0x59: {  	_ =	shalt  }
0x5a: {  	_ =	shalt  }
0x5b: {  	_ =	shalt  }
0x5c: {  	_ =	shalt  }
0x5d: {  	_ =	shalt  }
0x5e: {  	_ =	shalt  }
0x5f: {  	_ =	shalt  }
0x60: {  	_ =	shalt  }
0x61: {  	_ =	shalt  }
0x62: {  	_ =	shalt  }
0x63: {  	_ =	shalt  }
0x64: {  	_ =	shalt  }
0x65: {  	_ =	shalt  }
0x66: {  	_ =	shalt  }
0x67: {  	_ =	shalt  }
0x68: {  	_ =	shalt  }
0x69: {  	_ =	shalt  }
0x6a: {  	_ =	shalt  }
0x6b: {  	_ =	shalt  }
0x6c: {  	_ =	shalt  }
0x6d: {  	_ =	shalt  }
0x6e: {  	_ =	shalt  }
0x6f: {  	_ =	shalt  }
0x70: {  	_ =	shalt  }
0x71: {  	_ =	shalt  }
0x72: {  	_ =	shalt  }
0x73: {  	_ =	shalt  }
0x74: {  	_ =	shalt  }
0x75: {  	_ =	shalt  }
0x76: {  	_ =	shalt  }
0x77: {  	_ =	shalt  }
0x78: {  	_ =	shalt  }
0x79: {  	_ =	shalt  }
0x7a: {  	_ =	shalt  }
0x7b: {  	_ =	shalt  }
0x7c: {  	_ =	shalt  }
0x7d: {  	_ =	shalt  }
0x7e: {  	_ =	shalt  }
0x7f: {  	_ =	shalt  }
0x80: {  	_ =	shalt  }
0x81: {  	_ =	shalt  }
0x82: {  	_ =	shalt  }
0x83: {  	_ =	shalt  }
0x84: {  	_ =	shalt  }
0x85: {  	_ =	shalt  }
0x86: {  	_ =	shalt  }
0x87: {  	_ =	shalt  }
.Lfunc_end0:
.L_simem_size_0:
called_computation_lowered:
.L_overlay_start_0:
0x88: {  	s2 =	sld [smem:$0x3FD9]  }
0x89: {  	s3 =	sld [smem:$0x3FFE];
	_ =	sdelay $0x1  }
0x8a: {  	s1 =	srdreg.scid  }
0x8b: {  	s0 =	sand.u32 $0x1, s1  }
0x8c: {  	s14 =	sshll.u32 s0, $0xA;
	s2 =	sadd.s32 s3, s2  }
0x8d: {  	s2 =	sadd.s32 s2, s14  }
0x8e: {  	[smem:$0x3FC4] =	sst s2  }
0x8f: {  	_ = 	snop  }
0x90: {  	s2 =	sld [smem:$0x3FD0];
	_ =	sdelay $0x2  }
0x91: {  	s15 =	simm.s32 $0xA;
	s4 =	simm.s32 $0x10  }
0x92: {  	[smem:s4], [sflag:s15] =	dma.local [hbm:s2], $0x1  }
0x93: {  	_ =	swait.eq [sflag:s15], $0x1  }
0x94: {  	[sflag:s15] =	ssyncset.done $0x0  }
0x95: {  	[sflag:s15] =	ssyncadd.s32 $0xFFFFFFFF  }
0x96: {  	s16 =	sld [smem:$0x11];
	(tm) =	ssettm $0x1  }
0x97: {  	s17 =	sld [smem:$0x3FFB];
	_ =	sdelay $0x3  }
0x98: {  	_ =	strace s17  }
0x99: {  	s3 =	sld [smem:$0x3FFC];
	_ =	sdelay $0x3  }
0x9a: {  	_ =	strace s3  }
0x9b: {  	s3 =	sld [smem:$0x3FFD];
	_ =	sdelay $0x3  }
0x9c: {  	_ =	strace s3  }
0x9d: {  	_ =	strace $0x8FFFFFFF  }
0x9e: {  	s18 =	sld [smem:$0x3FDB];
	_ =	sdelay $0x1  }
0x9f: {  	s19 =	simm.s32 $_scs_section_size  }
0xa0: {  	s5 =	simm.s32 $_size__tile_overlayer_lowered;
	s6 =	simm.s32 $_tile_overlayer_lowered  }
0xa1: {  	s22 =	simm.s32 $0x1BFF;
	s21 =	sshll.u32 s6, $0x1;
	s3 =	sadd.s32 s19, s18  }
0xa2: {  	s7 =	simm.s32 $0x0;
	s20 =	sshll.u32 s5, $0x1;
	s5 =	sadd.s32 s21, s3  }
0xa3: {  	[timem:s7], [sflag:s22] =	dma.local [hbm:s5], s20  }
0xa4: {  	_ =	swait.ge [sflag:s22], s20  }
0xa5: {  	s4 =	ssub.s32 $0x0, s20;
	[sflag:s22] =	ssyncset.done $0x0  }
0xa6: {  	[sflag:s22] =	ssyncadd.s32 s4;
	_ =	sdelay $0x1  }
0xa7: {  	s23 =	simm.s32 $0x1B8B  }
0xa8: {  	_ =	swait.ge [sflag:s23], $0x1  }
0xa9: {  	[sflag:s23] =	ssyncset.done $0x0  }
0xaa: {  	s25 =	simm.s32 $0x1B8E;
	s24 =	sld [smem:$0x3FFE];
	[sflag:s23] =	ssyncadd.s32 $0xFFFFFFFF  }
0xab: {  	s26 =	simm.s32 $execute0_lowered;
	[smem:$0x3FD2] =	sst s25  }
0xac: {  	s5 =	sshll.u32 s26, $0x1;
	_ =	strace $0x80000046;
	[dreg:$0x1] =	wrdreg $0xFFFFFFFF  }
0xad: {  	s28 =	simm.s32 $_size_execute0_lowered;
	s3 =	sadd.s32 s3, s5;
	[dreg:$0x0] =	wrdreg $0x0  }
0xae: {  	s5 =	sshll.u32 s28, $0x1;
	[dreg:$0x2] =	wrdreg s3  }
0xaf: {  	[dreg:$0x3] =	wrdreg s5  }
0xb0: {  	[dreg:$0x4] =	wrdreg $0xC0  }
0xb1: {  	_ =	task [dreg:s7], $0x5FFFF  }
0xb2: {  	[dreg:$0x1] =	wrdreg $0xFFFFFFFF  }
0xb3: {  	[dreg:$0x0] =	wrdreg $0x60  }
0xb4: {  	[dreg:$0x2] =	wrdreg s24  }
0xb5: {  	[dreg:$0x3] =	wrdreg s16  }
0xb6: {  	[dreg:$0x4] =	wrdreg $0x141000  }
0xb7: {  	[dreg:$0x5] =	wrdreg $0x171E00  }
0xb8: {  	[dreg:$0x6] =	wrdreg $0x17E180  }
0xb9: {  	[dreg:$0x7] =	wrdreg $0x18A500  }
0xba: {  	[dreg:$0x8] =	wrdreg $0x196880  }
0xbb: {  	[dreg:$0x9] =	wrdreg $0x9  }
0xbc: {  	_ =	task.clear_ibuf [dreg:s7], $0xAFFFF;
	_ =	strace $0x90000046  }
0xbd: {  	s29 =	simm.s32 $0x9;
	_ =	strace $0x80000048  }
0xbe: {  	_ =	swait.ge [sflag:s29], $0x1  }
0xbf: {  	[sflag:s29] =	ssyncadd.s32 $0xFFFFFFFF  }
0xc0: {  	_ =	strace $0x90000048  }
0xc1: {  	_ =	sfence  }
0xc2: {  	s30 =	sld [smem:$0x0];
	_ =	sdelay $0x2  }
0xc3: {  	s31 =	sshll.u32 s1, $0xD;
	s1 =	sshrl.u32 s1, $0x2  }
0xc4: {  	s3 =	sand.u32 $0x4000, s31;
	s1 =	sadd.s32 s1, s30  }
0xc5: {  	s0 =	sor.u32 s3, s0;
	s1 =	sshll.u32 s1, $0x11  }
0xc6: {  	s0 =	sor.u32 s1, s0  }
0xc7: {  	s0 =	sadd.s32 $0x8F2B, s0  }
0xc8: {  	[sflag:s0] =	ssyncadd.remote.s32 $0x1  }
0xc9: {  	_ =	sfence.sel $0xFFFF  }
0xca: {  	[dreg:$0x0] =	wrdreg $0xFFFFFFFF;
	(pc) =	sbr.abs _section_cstart, $3  }
0xcb: {  	[dreg:$0x1] =	wrdreg $0xFFFFFFFF  }
0xcc: {  	_ =	task.clear_ibuf [dreg:s7], $0x2FFFF;
	_ =	strace $0x9FFFFFFF  }
0xcd: {  	(tm) =	ssettm $0x7FFFFFFF  }
tec
execute0_lowered:
.L_overlay_start_1:
0x0: {  	(tag) =	ssettag $0x1  }
0x1: {  	s0 =	rddreg [dreg:$0x0]  }
0x2: {  	s1 =	rddreg [dreg:$0x2]  }
0x3: {  	s2 =	rddreg [dreg:$0x3]  }
0x4: {  	s4 =	stileid.u32;
	s5 =	srdreg.scid  }
0x5: {  	s3 =	rddreg [dreg:$0x4];
	s22 =	simm.s32 $0x0;
	s29 =	simm.s32 $0x80  }
0x6: {  	s17 =	simm.s32 $0x10300;
	s18 =	simm.s32 $0x10380;
	s19 =	simm.s32 $0x10400  }
0x7: {  	s16 =	simm.s32 $0x10680;
	s28 =	simm.s32 $0x10800;
	s30 =	simm.s32 $0x10980  }
0x8: {  	s31 =	simm.s32 $0x4;
	s7 =	sand.u32 $0x1, s5;
	s8 =	smul.u32 $0x30E0, s4  }
0x9: {  	s6 =	sshll.u32 s4, $0x1;
	s5 =	rddreg [dreg:$0x5];
	s11 =	smul.u32 $0xC38, s4  }
0xa: {  	[smem:$0x7FF] =	sst s22;
	p0 =	sne.s32 s4, $0x0;
	s12 =	smul.u32 $0x24A80, s7  }
0xb: {  	s9 =	sor.u32 s7, s6;
	s6 =	rddreg [dreg:$0x6];
	s14 =	smul.u32 $0x7E, s7  }
0xc: {  	_ =	strace $0x80000047;
	s7 =	ssub.s32 $0x2, s7;
	s10 =	smul.u32 $0x7A0, s9  }
0xd: {  	s13 =	sshrl.u32 s8, $0x3;
	s15 =	sshrl.u32 s7, $0x1;
	s9 =	sshll.u32 s9, $0xB  }
0xe: {  	s23 =	sadd.s32 s8, s1;
	s13 =	sadd.s32 s13, s0;
	s12 =	sadd.s32 s11, s12  }
0xf: {  	s14 =	sadd.s32 s14, s0;
	[dreg:$0xd] =	wrdreg s23;
	s21 =	sadd.s32 $0x30000, s13  }
0x10: {  	s10 =	sadd.s32 s10, s0;
	s8 =	sadd.s32 $0x4EA00, s14;
	[dreg:$0xc] =	wrdreg s21  }
0x11: {  	s12 =	sshrl.u32 s12, $0x3;
	s13 =	simm.s32 $0x0;
	[dreg:$0x14] =	wrdreg s8  }
0x12: {  	s12 =	sadd.s32 s12, s0;
	s0 =	sadd.s32 s0, s9;
	[dreg:$0x16] =	wrdreg s13  }
0x13: {  	s7 =	ssub.s32 s7, s15;
	s20 =	sadd.s32 $0x36200, s10;
	[dreg:$0x8] =	wrdreg s0  }
0x14: {  	s15 =	simm.s32 $0x2;
	s10 =	sadd.s32 s11, s2;
	[dreg:$0xb] =	wrdreg s20  }
0x15: {  	s23 =	simm.s32 $0x10880;
	s9 =	sadd.s32 $0x10000, s0;
	[dreg:$0xe] =	wrdreg s10  }
0x16: {  	s14 =	simm.s32 $0x10600;
	s0 =	sadd.s32 $0x20000, s0;
	[dreg:$0x9] =	wrdreg s9  }
0x17: {  	s21 =	simm.s32 $0x10500;
	s24 =	sadd.s32 $0x45600, s12;
	[dreg:$0xa] =	wrdreg s0  }
0x18: {  	s8 =	simm.s32 $0x10580;
	s25 =	sadd.s32 $0x46E70, s12;
	[dreg:$0x11] =	wrdreg s24  }
0x19: {  	s26 =	sadd.s32 $0x486E0, s12;
	s12 =	smax.u32 s7, $0x1;
	[dreg:$0x12] =	wrdreg s25  }
0x1a: {  	s20 =	simm.s32 $0x10480;
	s7 =	simm.s32 $0x10700;
	[dreg:$0x13] =	wrdreg s26  }
0x1b: {  	s9 =	sadd.s32 s11, s3;
	s11 =	sadd.s32 s11, s5;
	[dreg:$0x15] =	wrdreg s12  }
0x1c: {  	s26 =	simm.s32 $0x1;
	s12 =	simm.s32 $0x5;
	[dreg:$0xf] =	wrdreg s9  }
0x1d: {  	s25 =	simm.s32 $0x10780;
	s24 =	simm.s32 $0x10900;
	[dreg:$0x10] =	wrdreg s11  }
.LBB2_1:
0x1e: {  	s0 =	rddreg [dreg:$0x8]  }
0x1f: {  	[tilespmem:s22], [sflag:$0x1] =	stream.linear.gather [hbm4b:s0+s22], $0x3D00, $0x38;
	[tilespmem:$0x196C8] =	vst v63  }
0x20: {  	s13 =	rddreg [dreg:$0x9];
	s4 =	simm.s32 $0x4000  }
0x21: {  	[tilespmem:s4], [sflag:$0x1] =	stream.linear.gather [hbm4b:s13+s22], $0x3D00, $0x38;
	[tilespmem:$0x196C8] =	vst v63  }
0x22: {  	s4 =	rddreg [dreg:$0xa];
	s13 =	simm.s32 $0x8000  }
0x23: {  	[tilespmem:s13], [sflag:$0x1] =	stream.linear.gather [hbm4b:s4+s22], $0x3D00, $0x38;
	[tilespmem:$0x196C8] =	vst v63  }
0x24: {  	s4 =	rddreg [dreg:$0xb];
	s13 =	simm.s32 $0xC000  }
0x25: {  	[tilespmem:s13], [sflag:$0x1] =	stream.linear.gather [hbm4b:s4+s22], $0x3D00, $0x38;
	[tilespmem:$0x196C8] =	vst v63  }
0x26: {  	s13 =	rddreg [dreg:$0xc];
	s4 =	simm.s32 $0x11000  }
0x27: {  	[tilespmem:s4], [sflag:$0x1] =	stream.linear.gather [hbm4b:s13+s22], $0x30E0, $0x38;
	[tilespmem:$0x196C8] =	vst v63  }
0x28: {  	_ =	swait.ge [sflag:s26], $0x3D00  }
0x29: {  	[sflag:s26] =	ssyncset.done $0x0  }
0x2a: {  	[sflag:s26] =	ssyncadd.s32 $0xFFFFC300  }
0x2b: {  	_ =	swait.ge [sflag:s26], $0x3D00  }
0x2c: {  	[sflag:s26] =	ssyncset.done $0x0  }
0x2d: {  	[sflag:s26] =	ssyncadd.s32 $0xFFFFC300  }
0x2e: {  	_ =	swait.ge [sflag:s26], $0x3D00  }
0x2f: {  	[sflag:s26] =	ssyncset.done $0x0  }
0x30: {  	[sflag:s26] =	ssyncadd.s32 $0xFFFFC300  }
0x31: {  	_ =	swait.ge [sflag:s26], $0x3D00  }
0x32: {  	[sflag:s26] =	ssyncset.done $0x0  }
0x33: {  	[sflag:s26] =	ssyncadd.s32 $0xFFFFC300  }
0x34: {  	_ =	swait.ge [sflag:s26], $0x30E0  }
0x35: {  	[sflag:s26] =	ssyncset.done $0x0  }
0x36: {  	s13 =	rddreg [dreg:$0xd];
	[sflag:s26] =	ssyncadd.s32 $0xFFFFCF20  }
0x37: {  	[spmem:s13] =	stream.linear.scatter [tilespmem:s4], [sflag:$0x5], $0x30E0, $0x38;
	[tilespmem:$0x196C8] =	vst v63  }
0x38: {  	_ =	swait.ge [sflag:s12], $0x30E0  }
0x39: {  	[sflag:s12] =	ssyncset.done $0x0  }
0x3a: {  	[sflag:s12] =	ssyncadd.s32 $0xFFFFCF20  }
0x3b: {  	s13 =	rddreg [dreg:$0x1]  }
0x3c: {  	[tilespmem:s4], [sflag:$0x5] =	stream.linear.gather [hbm4b:s13+s22], $0xC38, $0x38;
	[tilespmem:$0x196C8] =	vst v63  }
0x3d: {  	_ =	swait.ge [sflag:s12], $0xC38  }
0x3e: {  	[sflag:s12] =	ssyncset.done $0x0  }
0x3f: {  	[sflag:s12] =	ssyncadd.s32 $0xFFFFF3C8  }
0x40: {  	[spmem:s10] =	stream.linear.scatter [tilespmem:s4], [sflag:$0x1], $0xC38, $0x38;
	[tilespmem:$0x196C8] =	vst v63  }
0x41: {  	_ = 	snop  }
0x42: {  	[spmem:s9] =	stream.linear.scatter [tilespmem:s4], [sflag:$0x1], $0xC38, $0x38;
	[tilespmem:$0x196C8] =	vst v63  }
0x43: {  	_ = 	snop  }
0x44: {  	[spmem:s11] =	stream.linear.scatter [tilespmem:s4], [sflag:$0x1], $0xC38, $0x38;
	[tilespmem:$0x196C8] =	vst v63  }
0x45: {  	_ =	swait.ge [sflag:s26], $0xC38  }
0x46: {  	[sflag:s26] =	ssyncset.done $0x0  }
0x47: {  	[sflag:s26] =	ssyncadd.s32 $0xFFFFF3C8  }
0x48: {  	_ =	swait.ge [sflag:s26], $0xC38  }
0x49: {  	[sflag:s26] =	ssyncset.done $0x0  }
0x4a: {  	[sflag:s26] =	ssyncadd.s32 $0xFFFFF3C8  }
0x4b: {  	_ =	swait.ge [sflag:s26], $0xC38  }
0x4c: {  	[sflag:s26] =	ssyncset.done $0x0  }
0x4d: {  	s0 =	simm.s32 @!p0 $0x11000;
	[sflag:s26] =	ssyncadd.s32 $0xFFFFF3C8  }
0x4e: {  	[spmem:s6] =	stream.linear.scatter @!p0 [tilespmem:s0], [sflag:$0x5], $0x3F0, $0x38;
	[tilespmem:$0x196C8] =	vst v63  }
0x4f: {  	s0 =	simm.s32 @!p0 $0x5  }
0x50: {  	_ =	swait.ge @!p0 [sflag:s0], $0x3F0  }
0x51: {  	[sflag:s0] =	ssyncset.done @!p0 $0x0  }
0x52: {  	[sflag:s0] =	ssyncadd.s32 @!p0 $0xFFFFFC10  }
0x53: {  	[bflag:$0x0] =	sbarrier.arrive $0xFFFF  }
0x54: {  	v0 =	vld [tilespmem:$0x0];
	_ =	sdelay $0x2  }
0x55: {  	v1 =	vld [tilespmem:$0x4000];
	_ =	sdelay $0x1  }
0x56: {  	v0 =	vshll.u32 v0, $0x2  }
0x57: {  	v3 =	vld [tilespmem:$0x10];
	v2 =	vor.u32 $0x1, v0  }
0x58: {  	v56 =	vor.u32 $0x2, v0;
	[tilespmem:$0x10A00] =	vst v2  }
0x59: {  	v1 =	vshll.u32 v1, $0x2;
	v0 =	vor.u32 $0x3, v0;
	[tilespmem:$0x10A80] =	vst v56  }
0x5a: {  	v63 =	vld [tilespmem:$0x20];
	v57 =	vor.u32 $0x1, v1;
	[tilespmem:$0x10B00] =	vst v0  }
0x5b: {  	v59 =	vor.u32 $0x2, v1;
	[tilespmem:$0x10B80] =	vst v57  }
0x5c: {  	v61 =	vshll.u32 v3, $0x2;
	v60 =	vor.u32 $0x3, v1;
	[tilespmem:$0x10C00] =	vst v59  }
0x5d: {  	v14 =	vld [tilespmem:$0x30];
	v62 =	vor.u32 $0x1, v61;
	[tilespmem:$0x10C80] =	vst v60  }
0x5e: {  	v6 =	vor.u32 $0x2, v61;
	[tilespmem:$0x10A10] =	vst v62  }
0x5f: {  	v12 =	vshll.u32 v63, $0x2;
	v7 =	vor.u32 $0x3, v61;
	[tilespmem:$0x10A90] =	vst v6  }
0x60: {  	v23 =	vld [tilespmem:$0x40];
	v13 =	vor.u32 $0x1, v12;
	[tilespmem:$0x10B10] =	vst v7  }
0x61: {  	v15 =	vor.u32 $0x2, v12;
	[tilespmem:$0x10A20] =	vst v13  }
0x62: {  	v21 =	vshll.u32 v14, $0x2;
	v16 =	vor.u32 $0x3, v12;
	[tilespmem:$0x10AA0] =	vst v15  }
0x63: {  	v32 =	vld [tilespmem:$0x50];
	v22 =	vor.u32 $0x1, v21;
	[tilespmem:$0x10B20] =	vst v16  }
0x64: {  	v24 =	vor.u32 $0x2, v21;
	[tilespmem:$0x10A30] =	vst v22  }
0x65: {  	v30 =	vshll.u32 v23, $0x2;
	v25 =	vor.u32 $0x3, v21;
	[tilespmem:$0x10AB0] =	vst v24  }
0x66: {  	v41 =	vld [tilespmem:$0x60];
	v31 =	vor.u32 $0x1, v30;
	[tilespmem:$0x10B30] =	vst v25  }
0x67: {  	v33 =	vor.u32 $0x2, v30;
	[tilespmem:$0x10A40] =	vst v31  }
0x68: {  	v39 =	vshll.u32 v32, $0x2;
	v34 =	vor.u32 $0x3, v30;
	[tilespmem:$0x10AC0] =	vst v33  }
0x69: {  	v9 =	vld [tilespmem:$0x4020];
	v40 =	vor.u32 $0x1, v39;
	[tilespmem:$0x10B40] =	vst v34  }
0x6a: {  	v42 =	vor.u32 $0x2, v39;
	[tilespmem:$0x10A50] =	vst v40  }
0x6b: {  	v48 =	vshll.u32 v41, $0x2;
	v43 =	vor.u32 $0x3, v39;
	[tilespmem:$0x10AD0] =	vst v42  }
0x6c: {  	v58 =	vld [tilespmem:$0x4010];
	v49 =	vor.u32 $0x1, v48;
	[tilespmem:$0x10B50] =	vst v43  }
0x6d: {  	v51 =	vor.u32 $0x2, v48;
	[tilespmem:$0x10A60] =	vst v49  }
0x6e: {  	v1 =	vshll.u32 v9, $0x2;
	v52 =	vor.u32 $0x3, v48;
	[tilespmem:$0x10AE0] =	vst v51  }
0x6f: {  	v27 =	vld [tilespmem:$0x4040];
	v17 =	vor.u32 $0x1, v1;
	[tilespmem:$0x10B60] =	vst v52  }
0x70: {  	v19 =	vor.u32 $0x2, v1;
	[tilespmem:$0x10BA0] =	vst v17  }
0x71: {  	v2 =	vshll.u32 v58, $0x2;
	v20 =	vor.u32 $0x3, v1;
	[tilespmem:$0x10C20] =	vst v19  }
0x72: {  	v50 =	vld [tilespmem:$0x70];
	v8 =	vor.u32 $0x1, v2;
	[tilespmem:$0x10CA0] =	vst v20  }
0x73: {  	v10 =	vor.u32 $0x2, v2;
	[tilespmem:$0x10B90] =	vst v8  }
0x74: {  	v1 =	vshll.u32 v27, $0x2;
	v11 =	vor.u32 $0x3, v2;
	[tilespmem:$0x10C10] =	vst v10  }
0x75: {  	v18 =	vld [tilespmem:$0x4030];
	v35 =	vor.u32 $0x1, v1;
	[tilespmem:$0x10C90] =	vst v11  }
0x76: {  	v37 =	vor.u32 $0x2, v1;
	[tilespmem:$0x10BC0] =	vst v35  }
0x77: {  	v57 =	vshll.u32 v50, $0x2;
	v38 =	vor.u32 $0x3, v1;
	[tilespmem:$0x10C40] =	vst v37  }
0x78: {  	v45 =	vld [tilespmem:$0x4060];
	v58 =	vor.u32 $0x1, v57;
	[tilespmem:$0x10CC0] =	vst v38  }
0x79: {  	v59 =	vor.u32 $0x2, v57;
	[tilespmem:$0x10A70] =	vst v58  }
0x7a: {  	v2 =	vshll.u32 v18, $0x2;
	v60 =	vor.u32 $0x3, v57;
	[tilespmem:$0x10AF0] =	vst v59  }
0x7b: {  	v36 =	vld [tilespmem:$0x4050];
	v26 =	vor.u32 $0x1, v2;
	[tilespmem:$0x10B70] =	vst v60  }
0x7c: {  	v28 =	vor.u32 $0x2, v2;
	[tilespmem:$0x10BB0] =	vst v26  }
0x7d: {  	v1 =	vshll.u32 v45, $0x2;
	v29 =	vor.u32 $0x3, v2;
	[tilespmem:$0x10C30] =	vst v28  }
0x7e: {  	v54 =	vld [tilespmem:$0x4070];
	v53 =	vor.u32 $0x1, v1;
	[tilespmem:$0x10CB0] =	vst v29  }
0x7f: {  	v55 =	vor.u32 $0x2, v1;
	[tilespmem:$0x10BE0] =	vst v53  }
0x80: {  	v2 =	vshll.u32 v36, $0x2;
	v56 =	vor.u32 $0x3, v1;
	[tilespmem:$0x10C60] =	vst v55  }
0x81: {  	v44 =	vor.u32 $0x1, v2;
	[tilespmem:$0x10CE0] =	vst v56  }
0x82: {  	v46 =	vor.u32 $0x2, v2;
	[tilespmem:$0x10BD0] =	vst v44  }
0x83: {  	v47 =	vor.u32 $0x3, v2;
	v2 =	vshll.u32 v54, $0x2;
	[tilespmem:$0x10C50] =	vst v46  }
0x84: {  	[tilespmem:$0x10CD0] =	vst v47;
	v61 =	vor.u32 $0x1, v2  }
0x85: {  	v62 =	vor.u32 $0x2, v2;
	[tilespmem:$0x10BF0] =	vst v61  }
0x86: {  	v63 =	vor.u32 $0x3, v2;
	[tilespmem:$0x10C70] =	vst v62  }
0x87: {  	s9 =	simm.s32 $0xFD00;
	s4 =	simm.s32 $0x10A00;
	[tilespmem:$0x10CF0] =	vst v63  }
0x88: {  	[tilespmem:s9], [sflag:$0x1] =	stream.indirect.gather [spmem:s1], $0x1, s4, s29, $0xb8;
	[tilespmem:$0x196C8] =	vst v63  }
0x89: {  	s10 =	simm.s32 $0x10A80;
	s11 =	simm.s32 $0xFD80  }
0x8a: {  	[tilespmem:s11], [sflag:$0x1] =	stream.indirect.gather [spmem:s1], $0x1, s10, s29, $0xb8;
	[tilespmem:$0x196C8] =	vst v63  }
0x8b: {  	s13 =	simm.s32 $0x10B00;
	s22 =	simm.s32 $0xFE00  }
0x8c: {  	[tilespmem:s22], [sflag:$0x1] =	stream.indirect.gather [spmem:s1], $0x1, s13, s29, $0xb8;
	[tilespmem:$0x196C8] =	vst v63  }
0x8d: {  	s4 =	simm.s32 $0x10B80;
	s9 =	simm.s32 $0xFE80  }
0x8e: {  	[tilespmem:s9], [sflag:$0x1] =	stream.indirect.gather [spmem:s1], $0x1, s4, s29, $0xb8;
	[tilespmem:$0x196C8] =	vst v63  }
0x8f: {  	s10 =	simm.s32 $0x10C00;
	s11 =	simm.s32 $0xFF00;
	s13 =	simm.s32 $0x10C80  }
0x90: {  	[tilespmem:s11], [sflag:$0x1] =	stream.indirect.gather [spmem:s1], $0x1, s10, s29, $0xb8;
	[tilespmem:$0x196C8] =	vst v63  }
0x91: {  	s22 =	simm.s32 $0xFF80;
	s4 =	simm.s32 $0x0;
	s11 =	simm.s32 $0x10D00  }
0x92: {  	[tilespmem:s22], [sflag:$0x1] =	stream.indirect.gather [spmem:s1], $0x1, s13, s29, $0xb8;
	[tilespmem:$0x196C8] =	vst v63  }
.LBB2_2:
0x93: {  	s0 =	sshra.s32 s4, $0x2  }
0x94: {  	v0 =	vld [tilespmem:s0+$0x80];
	_ =	sdelay $0x2  }
0x95: {  	v1 =	vld [tilespmem:s0+$0x4080];
	_ =	sdelay $0x1  }
0x96: {  	v0 =	vshll.u32 v0, $0x2  }
0x97: {  	v2 =	vor.u32 $0x1, v0  }
0x98: {  	v13 =	vor.u32 $0x2, v0;
	[tilespmem:$0x10D00] =	vst v2  }
0x99: {  	v1 =	vshll.u32 v1, $0x2;
	v0 =	vor.u32 $0x3, v0;
	[tilespmem:$0x10D80] =	vst v13  }
0x9a: {  	v14 =	vor.u32 $0x1, v1;
	[tilespmem:$0x10E00] =	vst v0  }
0x9b: {  	v15 =	vor.u32 $0x2, v1;
	[tilespmem:$0x10E80] =	vst v14  }
0x9c: {  	v16 =	vor.u32 $0x3, v1;
	[tilespmem:$0x10F00] =	vst v15  }
0x9d: {  	[tilespmem:$0x10F80] =	vst v16  }
0x9e: {  	v0 =	vld [tilespmem:s0+$0x90];
	_ =	sdelay $0x2  }
0x9f: {  	v17 =	vld [tilespmem:s0+$0x4090];
	_ =	sdelay $0x1  }
0xa0: {  	v0 =	vshll.u32 v0, $0x2  }
0xa1: {  	v18 =	vor.u32 $0x1, v0  }
0xa2: {  	v19 =	vor.u32 $0x2, v0;
	[tilespmem:$0x10D10] =	vst v18  }
0xa3: {  	v1 =	vshll.u32 v17, $0x2;
	v0 =	vor.u32 $0x3, v0;
	[tilespmem:$0x10D90] =	vst v19  }
0xa4: {  	v20 =	vor.u32 $0x1, v1;
	[tilespmem:$0x10E10] =	vst v0  }
0xa5: {  	v21 =	vor.u32 $0x2, v1;
	[tilespmem:$0x10E90] =	vst v20  }
0xa6: {  	v22 =	vor.u32 $0x3, v1;
	[tilespmem:$0x10F10] =	vst v21  }
0xa7: {  	[tilespmem:$0x10F90] =	vst v22  }
0xa8: {  	v0 =	vld [tilespmem:s0+$0xA0];
	_ =	sdelay $0x2  }
0xa9: {  	v23 =	vld [tilespmem:s0+$0x40A0];
	_ =	sdelay $0x1  }
0xaa: {  	v0 =	vshll.u32 v0, $0x2  }
0xab: {  	v24 =	vor.u32 $0x1, v0  }
0xac: {  	v25 =	vor.u32 $0x2, v0;
	[tilespmem:$0x10D20] =	vst v24  }
0xad: {  	v1 =	vshll.u32 v23, $0x2;
	v0 =	vor.u32 $0x3, v0;
	[tilespmem:$0x10DA0] =	vst v25  }
0xae: {  	v26 =	vor.u32 $0x1, v1;
	[tilespmem:$0x10E20] =	vst v0  }
0xaf: {  	v27 =	vor.u32 $0x2, v1;
	[tilespmem:$0x10EA0] =	vst v26  }
0xb0: {  	v28 =	vor.u32 $0x3, v1;
	[tilespmem:$0x10F20] =	vst v27  }
0xb1: {  	[tilespmem:$0x10FA0] =	vst v28  }
0xb2: {  	v0 =	vld [tilespmem:s0+$0xB0];
	_ =	sdelay $0x2  }
0xb3: {  	v29 =	vld [tilespmem:s0+$0x40B0];
	_ =	sdelay $0x1  }
0xb4: {  	v0 =	vshll.u32 v0, $0x2  }
0xb5: {  	v30 =	vor.u32 $0x1, v0  }
0xb6: {  	v31 =	vor.u32 $0x2, v0;
	[tilespmem:$0x10D30] =	vst v30  }
0xb7: {  	v1 =	vshll.u32 v29, $0x2;
	v0 =	vor.u32 $0x3, v0;
	[tilespmem:$0x10DB0] =	vst v31  }
0xb8: {  	v32 =	vor.u32 $0x1, v1;
	[tilespmem:$0x10E30] =	vst v0  }
0xb9: {  	v33 =	vor.u32 $0x2, v1;
	[tilespmem:$0x10EB0] =	vst v32  }
0xba: {  	v34 =	vor.u32 $0x3, v1;
	[tilespmem:$0x10F30] =	vst v33  }
0xbb: {  	[tilespmem:$0x10FB0] =	vst v34  }
0xbc: {  	v0 =	vld [tilespmem:s0+$0xC0];
	_ =	sdelay $0x2  }
0xbd: {  	v35 =	vld [tilespmem:s0+$0x40C0];
	_ =	sdelay $0x1  }
0xbe: {  	v0 =	vshll.u32 v0, $0x2  }
0xbf: {  	v36 =	vor.u32 $0x1, v0  }
0xc0: {  	v37 =	vor.u32 $0x2, v0;
	[tilespmem:$0x10D40] =	vst v36  }
0xc1: {  	v1 =	vshll.u32 v35, $0x2;
	v0 =	vor.u32 $0x3, v0;
	[tilespmem:$0x10DC0] =	vst v37  }
0xc2: {  	v38 =	vor.u32 $0x1, v1;
	[tilespmem:$0x10E40] =	vst v0  }
0xc3: {  	v39 =	vor.u32 $0x2, v1;
	[tilespmem:$0x10EC0] =	vst v38  }
0xc4: {  	v40 =	vor.u32 $0x3, v1;
	[tilespmem:$0x10F40] =	vst v39  }
0xc5: {  	[tilespmem:$0x10FC0] =	vst v40  }
0xc6: {  	v0 =	vld [tilespmem:s0+$0xD0];
	_ =	sdelay $0x2  }
0xc7: {  	v41 =	vld [tilespmem:s0+$0x40D0];
	_ =	sdelay $0x1  }
0xc8: {  	v0 =	vshll.u32 v0, $0x2  }
0xc9: {  	v42 =	vor.u32 $0x1, v0  }
0xca: {  	v43 =	vor.u32 $0x2, v0;
	[tilespmem:$0x10D50] =	vst v42  }
0xcb: {  	v1 =	vshll.u32 v41, $0x2;
	v0 =	vor.u32 $0x3, v0;
	[tilespmem:$0x10DD0] =	vst v43  }
0xcc: {  	v44 =	vor.u32 $0x1, v1;
	[tilespmem:$0x10E50] =	vst v0  }
0xcd: {  	v45 =	vor.u32 $0x2, v1;
	[tilespmem:$0x10ED0] =	vst v44  }
0xce: {  	v46 =	vor.u32 $0x3, v1;
	[tilespmem:$0x10F50] =	vst v45  }
0xcf: {  	[tilespmem:$0x10FD0] =	vst v46  }
0xd0: {  	v0 =	vld [tilespmem:s0+$0xE0];
	_ =	sdelay $0x2  }
0xd1: {  	v47 =	vld [tilespmem:s0+$0x40E0];
	_ =	sdelay $0x1  }
0xd2: {  	v0 =	vshll.u32 v0, $0x2  }
0xd3: {  	v48 =	vor.u32 $0x1, v0  }
0xd4: {  	v49 =	vor.u32 $0x2, v0;
	[tilespmem:$0x10D60] =	vst v48  }
0xd5: {  	v1 =	vshll.u32 v47, $0x2;
	v0 =	vor.u32 $0x3, v0;
	[tilespmem:$0x10DE0] =	vst v49  }
0xd6: {  	v50 =	vor.u32 $0x1, v1;
	[tilespmem:$0x10E60] =	vst v0  }
0xd7: {  	v51 =	vor.u32 $0x2, v1;
	[tilespmem:$0x10EE0] =	vst v50  }
0xd8: {  	v52 =	vor.u32 $0x3, v1;
	[tilespmem:$0x10F60] =	vst v51  }
0xd9: {  	[tilespmem:$0x10FE0] =	vst v52  }
0xda: {  	v0 =	vld [tilespmem:s0+$0xF0];
	_ =	sdelay $0x2  }
0xdb: {  	v53 =	vld [tilespmem:s0+$0x40F0];
	_ =	sdelay $0x1  }
0xdc: {  	v0 =	vshll.u32 v0, $0x2  }
0xdd: {  	v54 =	vor.u32 $0x1, v0  }
0xde: {  	v55 =	vor.u32 $0x2, v0;
	[tilespmem:$0x10D70] =	vst v54  }
0xdf: {  	v1 =	vshll.u32 v53, $0x2;
	v0 =	vor.u32 $0x3, v0;
	[tilespmem:$0x10DF0] =	vst v55  }
0xe0: {  	v56 =	vor.u32 $0x1, v1;
	[tilespmem:$0x10E70] =	vst v0  }
0xe1: {  	v57 =	vor.u32 $0x2, v1;
	[tilespmem:$0x10EF0] =	vst v56  }
0xe2: {  	v58 =	vor.u32 $0x3, v1;
	[tilespmem:$0x10F70] =	vst v57  }
0xe3: {  	s9 =	simm.s32 $0x10000;
	[tilespmem:$0x10FF0] =	vst v58  }
0xe4: {  	[tilespmem:s9], [sflag:$0x2] =	stream.indirect.gather [spmem:s1], $0x1, s11, s29, $0xb8;
	[tilespmem:$0x196C8] =	vst v63  }
0xe5: {  	s22 =	simm.s32 $0x10D80;
	s10 =	simm.s32 $0x10080  }
0xe6: {  	[tilespmem:s10], [sflag:$0x2] =	stream.indirect.gather [spmem:s1], $0x1, s22, s29, $0xb8;
	[tilespmem:$0x196C8] =	vst v63  }
0xe7: {  	s13 =	simm.s32 $0x10E00;
	s22 =	simm.s32 $0x10100  }
0xe8: {  	[tilespmem:s22], [sflag:$0x2] =	stream.indirect.gather [spmem:s1], $0x1, s13, s29, $0xb8;
	[tilespmem:$0x196C8] =	vst v63  }
0xe9: {  	s13 =	simm.s32 $0x10E80;
	s22 =	simm.s32 $0x10180  }
0xea: {  	[tilespmem:s22], [sflag:$0x2] =	stream.indirect.gather [spmem:s1], $0x1, s13, s29, $0xb8;
	[tilespmem:$0x196C8] =	vst v63  }
0xeb: {  	s13 =	simm.s32 $0x10F00;
	s22 =	simm.s32 $0x10200  }
0xec: {  	[tilespmem:s22], [sflag:$0x2] =	stream.indirect.gather [spmem:s1], $0x1, s13, s29, $0xb8;
	[tilespmem:$0x196C8] =	vst v63  }
0xed: {  	p1 =	seq.s32 s4, $0x0;
	s13 =	simm.s32 $0x10F80;
	s22 =	simm.s32 $0x10280  }
0xee: {  	[tilespmem:s22], [sflag:$0x2] =	stream.indirect.gather [spmem:s1], $0x1, s13, s29, $0xb8;
	[tilespmem:$0x196C8] =	vst v63  }
0xef: {  	s22 =	simm.s32 @!p1 $0x3  }
0xf0: {  	_ =	swait.ge @!p1 [sflag:s22], $0x380  }
0xf1: {  	[sflag:s22] =	ssyncset.done @!p1 $0x0  }
0xf2: {  	[sflag:s22] =	ssyncadd.s32 @!p1 $0xFFFFFC80  }
0xf3: {  	_ =	swait.ge [sflag:s26], $0x300  }
0xf4: {  	[sflag:s26] =	ssyncset.done $0x0  }
0xf5: {  	[sflag:s26] =	ssyncadd.s32 $0xFFFFFD00  }
0xf6: {  	v59 =	vld [tilespmem:$0xFD00]  }
0xf7: {  	v60 =	vld [tilespmem:$0xFE80]  }
0xf8: {  	v61 =	vld [tilespmem:$0xFD80]  }
0xf9: {  	v3 =	vld [tilespmem:$0xFF00]  }
0xfa: {  	v4 =	vld [tilespmem:$0xFE00]  }
0xfb: {  	v5 =	vld [tilespmem:$0xFF80];
	_ =	sdelay $0x2  }
0xfc: {  	v0 =	vsub.f32 v59, v60;
	v62 =	vsub.f32 v61, v3;
	_ =	sdelay $0x1  }
0xfd: {  	v63 =	vsub.f32 v4, v5;
	v13 =	vmul.f32 v0, v0;
	v14 =	vmul.f32 v62, v62;
	_ =	sdelay $0x1  }
0xfe: {  	v15 =	vmul.f32 v63, v63;
	v3 =	vadd.f32 v14, v13;
	_ =	sdelay $0x1  }
0xff: {  	v3 =	vadd.f32 v15, v3;
	_ =	sdelay $0x1  }
0x100: {  	v4 =	vshrl.u32 v3, $0x1;
	v16 =	vmul.f32 $5.000000000e-01, v3  }
0x101: {  	v4 =	vsub.s32 $0x5F3759DF, v4  }
0x102: {  	v6 =	vmul.f32 v4, v16  }
0x103: {  	v7 =	vld [tilespmem:$0xFD10]  }
0x104: {  	v8 =	vld [tilespmem:$0xFE90];
	v6 =	vmul.f32 v4, v6  }
0x105: {  	v9 =	vld [tilespmem:$0xFD90]  }
0x106: {  	v17 =	vld [tilespmem:$0xFF10];
	v6 =	vsub.f32 $1.500000000e+00, v6  }
0x107: {  	v10 =	vld [tilespmem:$0xFE10]  }
0x108: {  	v11 =	vld [tilespmem:$0xFF90];
	v4 =	vmul.f32 v4, v6;
	_ =	sdelay $0x1  }
0x109: {  	v5 =	vmul.f32 v4, v16  }
0x10a: {  	v7 =	vsub.f32 v7, v8;
	v6 =	vsub.f32 v9, v17  }
0x10b: {  	v5 =	vmul.f32 v5, v4  }
0x10c: {  	v18 =	vsub.f32 v10, v11;
	v19 =	vmul.f32 v7, v7;
	v20 =	vmul.f32 v6, v6  }
0x10d: {  	v5 =	vsub.f32 $1.500000000e+00, v5  }
0x10e: {  	v21 =	vld [tilespmem:s0+$0xC000];
	v23 =	vmul.f32 v18, v18;
	v22 =	vadd.f32 v20, v19  }
0x10f: {  	v4 =	vmul.f32 v5, v4  }
0x110: {  	v5 =	vadd.f32 v23, v22  }
0x111: {  	v3 =	vmul.f32 v4, v3  }
0x112: {  	v9 =	vshrl.u32 v5, $0x1;
	v24 =	vmul.f32 $5.000000000e-01, v5  }
0x113: {  	v9 =	vsub.s32 $0x5F3759DF, v9;
	v3 =	vsub.f32 v3, v21  }
0x114: {  	v12 =	vmul.f32 v9, v24  }
0x115: {  	v26 =	vld [tilespmem:$0xFD20];
	v11 =	vmul.f32 $4.000000000e+01, v3  }
0x116: {  	v27 =	vld [tilespmem:$0xFF20];
	v25 =	vmul.f32 v9, v12;
	v31 =	vmul.f32 $2.000000000e+01, v3  }
0x117: {  	v13 =	vld [tilespmem:$0xFEA0];
	v4 =	vmul.f32 v11, v4  }
0x118: {  	v14 =	vld [tilespmem:$0xFDA0];
	v11 =	vsub.f32 $1.500000000e+00, v25;
	v3 =	vmul.f32 v31, v3  }
0x119: {  	v28 =	vld [tilespmem:$0xFE20];
	v0 =	vmul.f32 v4, v0  }
0x11a: {  	v30 =	vld [tilespmem:$0xFFA0];
	v9 =	vmul.f32 v9, v11;
	v1 =	vmul.f32 v4, v62;
	[tilespmem:$0x10600] =	vst v3  }
0x11b: {  	v2 =	vmul.f32 v4, v63;
	[tilespmem:$0x10300] =	vst v0  }
0x11c: {  	v32 =	vsub.f32 v26, v13;
	v15 =	vsub.f32 $0.0e+00, v0;
	v29 =	vmul.f32 v9, v24;
	[tilespmem:$0x10380] =	vst v1  }
0x11d: {  	v11 =	vsub.f32 v14, v27;
	v1 =	vsub.f32 $0.0e+00, v1;
	[tilespmem:$0x10400] =	vst v2  }
0x11e: {  	v2 =	vsub.f32 $0.0e+00, v2;
	[tilespmem:$0x10480] =	vst v15;
	v4 =	vmul.f32 v29, v9  }
0x11f: {  	v34 =	vmul.f32 v32, v32;
	v0 =	vsub.f32 v28, v30;
	v35 =	vmul.f32 v11, v11;
	[tilespmem:$0x10500] =	vst v1  }
0x120: {  	[tilespmem:$0x10580] =	vst v2;
	v33 =	vsub.f32 $1.500000000e+00, v4  }
0x121: {  	v3 =	vadd.f32 v35, v34;
	v37 =	vmul.f32 v0, v0;
	v36 =	vld [tilespmem:s0+$0xC010]  }
0x122: {  	v2 =	vmul.f32 v33, v9  }
0x123: {  	v3 =	vadd.f32 v37, v3  }
0x124: {  	v5 =	vmul.f32 v2, v5  }
0x125: {  	v39 =	vshrl.u32 v3, $0x1;
	v40 =	vmul.f32 $5.000000000e-01, v3  }
0x126: {  	v38 =	vsub.f32 v5, v36;
	v5 =	vsub.s32 $0x5F3759DF, v39  }
0x127: {  	v41 =	vmul.f32 v5, v40  }
0x128: {  	v43 =	vld [tilespmem:$0xFD30];
	v10 =	vmul.f32 $4.000000000e+01, v38  }
0x129: {  	v44 =	vld [tilespmem:$0xFEB0];
	v51 =	vmul.f32 $2.000000000e+01, v38;
	v42 =	vmul.f32 v5, v41  }
0x12a: {  	v45 =	vld [tilespmem:$0xFDB0];
	v2 =	vmul.f32 v10, v2  }
0x12b: {  	v47 =	vld [tilespmem:$0xFF30];
	v4 =	vmul.f32 v51, v38;
	v10 =	vsub.f32 $1.500000000e+00, v42  }
0x12c: {  	v48 =	vld [tilespmem:$0xFE30];
	v7 =	vmul.f32 v2, v7  }
0x12d: {  	v50 =	vld [tilespmem:$0xFFB0];
	v6 =	vmul.f32 v2, v6;
	[tilespmem:$0x10610] =	vst v4;
	v5 =	vmul.f32 v5, v10  }
0x12e: {  	v2 =	vmul.f32 v2, v18;
	[tilespmem:$0x10310] =	vst v7  }
0x12f: {  	v52 =	vsub.f32 v43, v44;
	v46 =	vsub.f32 $0.0e+00, v7;
	[tilespmem:$0x10390] =	vst v6;
	v49 =	vmul.f32 v5, v40  }
0x130: {  	v10 =	vsub.f32 v45, v47;
	v6 =	vsub.f32 $0.0e+00, v6;
	[tilespmem:$0x10410] =	vst v2  }
0x131: {  	v2 =	vsub.f32 $0.0e+00, v2;
	[tilespmem:$0x10490] =	vst v46;
	v8 =	vmul.f32 v49, v5  }
0x132: {  	v54 =	vsub.f32 v48, v50;
	v55 =	vmul.f32 v52, v52;
	v56 =	vmul.f32 v10, v10;
	[tilespmem:$0x10510] =	vst v6  }
0x133: {  	[tilespmem:$0x10590] =	vst v2;
	v53 =	vsub.f32 $1.500000000e+00, v8  }
0x134: {  	v59 =	vmul.f32 v54, v54;
	v57 =	vld [tilespmem:s0+$0xC020];
	v58 =	vadd.f32 v56, v55  }
0x135: {  	v2 =	vmul.f32 v53, v5  }
0x136: {  	v5 =	vadd.f32 v59, v58  }
0x137: {  	v3 =	vmul.f32 v2, v3  }
0x138: {  	v7 =	vshrl.u32 v5, $0x1;
	v60 =	vmul.f32 $5.000000000e-01, v5  }
0x139: {  	v7 =	vsub.s32 $0x5F3759DF, v7;
	v3 =	vsub.f32 v3, v57  }
0x13a: {  	v61 =	vmul.f32 v7, v60  }
0x13b: {  	v19 =	vld [tilespmem:$0xFDC0];
	v9 =	vmul.f32 $4.000000000e+01, v3  }
0x13c: {  	v63 =	vld [tilespmem:$0xFD40];
	v62 =	vmul.f32 v7, v61;
	v25 =	vmul.f32 $2.000000000e+01, v3  }
0x13d: {  	v18 =	vld [tilespmem:$0xFEC0];
	v2 =	vmul.f32 v9, v2  }
0x13e: {  	v21 =	vld [tilespmem:$0xFF40];
	v9 =	vsub.f32 $1.500000000e+00, v62;
	v3 =	vmul.f32 v25, v3  }
0x13f: {  	v22 =	vld [tilespmem:$0xFE40];
	v1 =	vmul.f32 v2, v32  }
0x140: {  	v24 =	vld [tilespmem:$0xFFC0];
	v7 =	vmul.f32 v7, v9;
	v11 =	vmul.f32 v2, v11;
	[tilespmem:$0x10620] =	vst v3  }
0x141: {  	v0 =	vmul.f32 v2, v0;
	[tilespmem:$0x10320] =	vst v1  }
0x142: {  	v26 =	vsub.f32 v63, v18;
	v20 =	vsub.f32 $0.0e+00, v1;
	v23 =	vmul.f32 v7, v60;
	[tilespmem:$0x103A0] =	vst v11  }
0x143: {  	v9 =	vsub.f32 v19, v21;
	v11 =	vsub.f32 $0.0e+00, v11;
	[tilespmem:$0x10420] =	vst v0  }
0x144: {  	v0 =	vsub.f32 $0.0e+00, v0;
	[tilespmem:$0x104A0] =	vst v20;
	v2 =	vmul.f32 v23, v7  }
0x145: {  	v28 =	vmul.f32 v26, v26;
	v1 =	vsub.f32 v22, v24;
	v29 =	vmul.f32 v9, v9;
	[tilespmem:$0x10520] =	vst v11  }
0x146: {  	[tilespmem:$0x105A0] =	vst v0;
	v27 =	vsub.f32 $1.500000000e+00, v2  }
0x147: {  	v31 =	vmul.f32 v1, v1;
	v30 =	vld [tilespmem:s0+$0xC030];
	v2 =	vadd.f32 v29, v28  }
0x148: {  	v0 =	vmul.f32 v27, v7  }
0x149: {  	v2 =	vadd.f32 v31, v2  }
0x14a: {  	v5 =	vmul.f32 v0, v5  }
0x14b: {  	v33 =	vshrl.u32 v2, $0x1;
	v34 =	vmul.f32 $5.000000000e-01, v2  }
0x14c: {  	v32 =	vsub.f32 v5, v30;
	v5 =	vsub.s32 $0x5F3759DF, v33  }
0x14d: {  	v35 =	vmul.f32 v5, v34  }
0x14e: {  	v37 =	vld [tilespmem:$0xFD50];
	v8 =	vmul.f32 $4.000000000e+01, v32  }
0x14f: {  	v39 =	vld [tilespmem:$0xFDD0];
	v45 =	vmul.f32 $2.000000000e+01, v32;
	v36 =	vmul.f32 v5, v35  }
0x150: {  	v38 =	vld [tilespmem:$0xFED0];
	v0 =	vmul.f32 v8, v0  }
0x151: {  	v41 =	vld [tilespmem:$0xFF50];
	v3 =	vmul.f32 v45, v32;
	v8 =	vsub.f32 $1.500000000e+00, v36  }
0x152: {  	v44 =	vld [tilespmem:$0xFFD0];
	v6 =	vmul.f32 v0, v52  }
0x153: {  	v42 =	vld [tilespmem:$0xFE50];
	v10 =	vmul.f32 v0, v10;
	[tilespmem:$0x10630] =	vst v3;
	v5 =	vmul.f32 v5, v8  }
0x154: {  	v0 =	vmul.f32 v0, v54;
	[tilespmem:$0x10330] =	vst v6  }
0x155: {  	v46 =	vsub.f32 v37, v38;
	v40 =	vsub.f32 $0.0e+00, v6;
	[tilespmem:$0x103B0] =	vst v10;
	v43 =	vmul.f32 v5, v34  }
0x156: {  	v8 =	vsub.f32 v39, v41;
	v10 =	vsub.f32 $0.0e+00, v10;
	[tilespmem:$0x10430] =	vst v0  }
0x157: {  	v0 =	vsub.f32 $0.0e+00, v0;
	[tilespmem:$0x104B0] =	vst v40;
	v4 =	vmul.f32 v43, v5  }
0x158: {  	v48 =	vsub.f32 v42, v44;
	v49 =	vmul.f32 v46, v46;
	v50 =	vmul.f32 v8, v8;
	[tilespmem:$0x10530] =	vst v10  }
0x159: {  	[tilespmem:$0x105B0] =	vst v0;
	v47 =	vsub.f32 $1.500000000e+00, v4  }
0x15a: {  	v52 =	vmul.f32 v48, v48;
	v51 =	vld [tilespmem:s0+$0xC040];
	v4 =	vadd.f32 v50, v49  }
0x15b: {  	v0 =	vmul.f32 v47, v5  }
0x15c: {  	v4 =	vadd.f32 v52, v4  }
0x15d: {  	v2 =	vmul.f32 v0, v2  }
0x15e: {  	v5 =	vshrl.u32 v4, $0x1;
	v53 =	vmul.f32 $5.000000000e-01, v4  }
0x15f: {  	v5 =	vsub.s32 $0x5F3759DF, v5;
	v2 =	vsub.f32 v2, v51  }
0x160: {  	v54 =	vmul.f32 v5, v53  }
0x161: {  	v56 =	vld [tilespmem:$0xFD60];
	v7 =	vmul.f32 $4.000000000e+01, v2  }
0x162: {  	v58 =	vld [tilespmem:$0xFDE0];
	v55 =	vmul.f32 v5, v54;
	v18 =	vmul.f32 $2.000000000e+01, v2  }
0x163: {  	v57 =	vld [tilespmem:$0xFEE0];
	v0 =	vmul.f32 v7, v0  }
0x164: {  	v60 =	vld [tilespmem:$0xFF60];
	v7 =	vsub.f32 $1.500000000e+00, v55;
	v2 =	vmul.f32 v18, v2  }
0x165: {  	v63 =	vld [tilespmem:$0xFFE0];
	v11 =	vmul.f32 v0, v26  }
0x166: {  	v61 =	vld [tilespmem:$0xFE60];
	v5 =	vmul.f32 v5, v7;
	v9 =	vmul.f32 v0, v9;
	[tilespmem:$0x10640] =	vst v2  }
0x167: {  	v0 =	vmul.f32 v0, v1;
	[tilespmem:$0x10340] =	vst v11  }
0x168: {  	v19 =	vsub.f32 v56, v57;
	v59 =	vsub.f32 $0.0e+00, v11;
	v62 =	vmul.f32 v5, v53;
	[tilespmem:$0x103C0] =	vst v9  }
0x169: {  	v7 =	vsub.f32 v58, v60;
	v9 =	vsub.f32 $0.0e+00, v9;
	[tilespmem:$0x10440] =	vst v0  }
0x16a: {  	v0 =	vsub.f32 $0.0e+00, v0;
	[tilespmem:$0x104C0] =	vst v59;
	v1 =	vmul.f32 v62, v5  }
0x16b: {  	v21 =	vsub.f32 v61, v63;
	v22 =	vmul.f32 v19, v19;
	v23 =	vmul.f32 v7, v7;
	[tilespmem:$0x10540] =	vst v9  }
0x16c: {  	[tilespmem:$0x105C0] =	vst v0;
	v20 =	vsub.f32 $1.500000000e+00, v1  }
0x16d: {  	v25 =	vmul.f32 v21, v21;
	v2 =	vadd.f32 v23, v22;
	v24 =	vld [tilespmem:s0+$0xC050]  }
0x16e: {  	v0 =	vmul.f32 v20, v5  }
0x16f: {  	v2 =	vadd.f32 v25, v2  }
0x170: {  	v4 =	vmul.f32 v0, v4  }
0x171: {  	v5 =	vshrl.u32 v2, $0x1;
	v26 =	vmul.f32 $5.000000000e-01, v2  }
0x172: {  	v5 =	vsub.s32 $0x5F3759DF, v5;
	v4 =	vsub.f32 v4, v24  }
0x173: {  	v27 =	vmul.f32 v5, v26  }
0x174: {  	v29 =	vld [tilespmem:$0xFD70];
	v11 =	vmul.f32 $4.000000000e+01, v4  }
0x175: {  	v31 =	vld [tilespmem:$0xFDF0];
	v28 =	vmul.f32 v5, v27;
	v34 =	vmul.f32 $2.000000000e+01, v4  }
0x176: {  	v30 =	vld [tilespmem:$0xFEF0];
	v0 =	vmul.f32 v11, v0  }
0x177: {  	v32 =	vld [tilespmem:$0xFF70];
	v11 =	vsub.f32 $1.500000000e+00, v28;
	v4 =	vmul.f32 v34, v4  }
0x178: {  	v33 =	vld [tilespmem:$0xFE70];
	v10 =	vmul.f32 v0, v46  }
0x179: {  	v35 =	vld [tilespmem:$0xFFF0];
	v8 =	vmul.f32 v0, v8;
	v5 =	vmul.f32 v5, v11;
	[tilespmem:$0x10650] =	vst v4  }
0x17a: {  	v0 =	vmul.f32 v0, v48;
	[tilespmem:$0x10350] =	vst v10  }
0x17b: {  	v36 =	vsub.f32 v29, v30;
	v10 =	vsub.f32 $0.0e+00, v10;
	[tilespmem:$0x103D0] =	vst v8;
	v6 =	vmul.f32 v5, v26  }
0x17c: {  	v37 =	vsub.f32 v31, v32;
	v8 =	vsub.f32 $0.0e+00, v8;
	[tilespmem:$0x10450] =	vst v0  }
0x17d: {  	v0 =	vsub.f32 $0.0e+00, v0;
	[tilespmem:$0x104D0] =	vst v10;
	v6 =	vmul.f32 v6, v5  }
0x17e: {  	v3 =	vsub.f32 v33, v35;
	v40 =	vmul.f32 v36, v36;
	v11 =	vmul.f32 v37, v37;
	[tilespmem:$0x10550] =	vst v8  }
0x17f: {  	[tilespmem:$0x105D0] =	vst v0;
	v38 =	vsub.f32 $1.500000000e+00, v6  }
0x180: {  	v42 =	vmul.f32 v3, v3;
	v41 =	vadd.f32 v11, v40;
	v39 =	vld [tilespmem:s0+$0xC060]  }
0x181: {  	v4 =	vmul.f32 v38, v5  }
0x182: {  	v5 =	vadd.f32 v42, v41  }
0x183: {  	v2 =	vmul.f32 v4, v2  }
0x184: {  	v43 =	vshrl.u32 v5, $0x1;
	v10 =	vmul.f32 $5.000000000e-01, v5  }
0x185: {  	v6 =	vsub.s32 $0x5F3759DF, v43;
	v2 =	vsub.f32 v2, v39  }
0x186: {  	v45 =	vmul.f32 v6, v10  }
0x187: {  	v44 =	vmul.f32 $4.000000000e+01, v2  }
0x188: {  	v46 =	vmul.f32 v6, v45;
	v48 =	vmul.f32 $2.000000000e+01, v2  }
0x189: {  	v4 =	vmul.f32 v44, v4  }
0x18a: {  	v11 =	vsub.f32 $1.500000000e+00, v46;
	v2 =	vmul.f32 v48, v2  }
0x18b: {  	v9 =	vmul.f32 v4, v19  }
0x18c: {  	v6 =	vmul.f32 v6, v11;
	v7 =	vmul.f32 v4, v7;
	[tilespmem:$0x10660] =	vst v2  }
0x18d: {  	v1 =	vmul.f32 v4, v21;
	[tilespmem:$0x10360] =	vst v9  }
0x18e: {  	v47 =	vsub.f32 $0.0e+00, v9;
	[tilespmem:$0x103E0] =	vst v7;
	v49 =	vmul.f32 v6, v10  }
0x18f: {  	v7 =	vsub.f32 $0.0e+00, v7;
	[tilespmem:$0x10460] =	vst v1  }
0x190: {  	v1 =	vsub.f32 $0.0e+00, v1;
	[tilespmem:$0x104E0] =	vst v47;
	v50 =	vmul.f32 v49, v6  }
0x191: {  	[tilespmem:$0x10560] =	vst v7  }
0x192: {  	[tilespmem:$0x105E0] =	vst v1;
	v51 =	vsub.f32 $1.500000000e+00, v50  }
0x193: {  	v2 =	vld [tilespmem:s0+$0xC070]  }
0x194: {  	v1 =	vmul.f32 v51, v6;
	_ =	sdelay $0x1  }
0x195: {  	v52 =	vmul.f32 v1, v5;
	_ =	sdelay $0x1  }
0x196: {  	v2 =	vsub.f32 v52, v2;
	_ =	sdelay $0x1  }
0x197: {  	v4 =	vmul.f32 $4.000000000e+01, v2  }
0x198: {  	v53 =	vmul.f32 $2.000000000e+01, v2  }
0x199: {  	v1 =	vmul.f32 v4, v1  }
0x19a: {  	v55 =	vmul.f32 v53, v2  }
0x19b: {  	v0 =	vmul.f32 v1, v36  }
0x19c: {  	v4 =	vmul.f32 v1, v37;
	[tilespmem:$0x10670] =	vst v55  }
0x19d: {  	v1 =	vmul.f32 v1, v3;
	[tilespmem:$0x10370] =	vst v0  }
0x19e: {  	[tilespmem:$0x103F0] =	vst v4;
	v0 =	vsub.f32 $0.0e+00, v0  }
0x19f: {  	[tilespmem:$0x10470] =	vst v1;
	v4 =	vsub.f32 $0.0e+00, v4  }
0x1a0: {  	v54 =	vsub.f32 $0.0e+00, v1;
	[tilespmem:$0x104F0] =	vst v0  }
0x1a1: {  	[tilespmem:$0x10570] =	vst v4  }
0x1a2: {  	[tilespmem:$0x105F0] =	vst v54  }
0x1a3: {  	[spmem:s2] =	stream.indirect.scatter.add.f32 [tilespmem:s17], [sflag:$0x3], $0x1, s0, s29, $0xb8;
	[tilespmem:$0x196C8] =	vst v63  }
0x1a4: {  	_ = 	snop  }
0x1a5: {  	[spmem:s3] =	stream.indirect.scatter.add.f32 [tilespmem:s18], [sflag:$0x3], $0x1, s0, s29, $0xb8;
	[tilespmem:$0x196C8] =	vst v63  }
0x1a6: {  	_ = 	snop  }
0x1a7: {  	[spmem:s5] =	stream.indirect.scatter.add.f32 [tilespmem:s19], [sflag:$0x3], $0x1, s0, s29, $0xb8;
	[tilespmem:$0x196C8] =	vst v63  }
0x1a8: {  	s9 =	sadd.s32 $0x4000, s0  }
0x1a9: {  	[spmem:s2] =	stream.indirect.scatter.add.f32 [tilespmem:s20], [sflag:$0x3], $0x1, s9, s29, $0xb8;
	[tilespmem:$0x196C8] =	vst v63  }
0x1aa: {  	_ = 	snop  }
0x1ab: {  	[spmem:s3] =	stream.indirect.scatter.add.f32 [tilespmem:s21], [sflag:$0x3], $0x1, s9, s29, $0xb8;
	[tilespmem:$0x196C8] =	vst v63  }
0x1ac: {  	p1 =	seq.s32 s4, $0xF000  }
0x1ad: {  	[spmem:s5] =	stream.indirect.scatter.add.f32 [tilespmem:s8], [sflag:$0x3], $0x1, s9, s29, $0xb8;
	[tilespmem:$0x196C8] =	vst v63  }
0x1ae: {  	s10 =	sadd.s32 $0x8000, s0;
	s22 =	sshra.s32 @!p1 s4, $0x2  }
0x1af: {  	[spmem:s6] =	stream.indirect.scatter.add.f32 [tilespmem:s14], [sflag:$0x3], $0x1, s10, s29, $0xb8;
	[tilespmem:$0x196C8] =	vst v63  }
0x1b0: {  	v0 =	vld @!p1 [tilespmem:s22+$0x100];
	_ =	sdelay $0x2  }
0x1b1: {  	v1 =	vld @!p1 [tilespmem:s22+$0x4100];
	_ =	sdelay $0x1  }
0x1b2: {  	v0 =	vshll.u32 @!p1 v0, $0x2  }
0x1b3: {  	v2 =	vor.u32 @!p1 $0x1, v0  }
0x1b4: {  	[tilespmem:$0x10A00] =	vst @!p1 v2;
	v2 =	vor.u32 @!p1 $0x2, v0  }
0x1b5: {  	v1 =	vshll.u32 @!p1 v1, $0x2;
	v0 =	vor.u32 @!p1 $0x3, v0;
	[tilespmem:$0x10A80] =	vst @!p1 v2  }
0x1b6: {  	[tilespmem:$0x10B00] =	vst @!p1 v0;
	v0 =	vor.u32 @!p1 $0x1, v1  }
0x1b7: {  	[tilespmem:$0x10B80] =	vst @!p1 v0;
	v0 =	vor.u32 @!p1 $0x2, v1  }
0x1b8: {  	[tilespmem:$0x10C00] =	vst @!p1 v0;
	v0 =	vor.u32 @!p1 $0x3, v1  }
0x1b9: {  	[tilespmem:$0x10C80] =	vst @!p1 v0  }
0x1ba: {  	v0 =	vld @!p1 [tilespmem:s22+$0x110];
	_ =	sdelay $0x2  }
0x1bb: {  	v1 =	vld @!p1 [tilespmem:s22+$0x4110];
	_ =	sdelay $0x1  }
0x1bc: {  	v0 =	vshll.u32 @!p1 v0, $0x2  }
0x1bd: {  	v2 =	vor.u32 @!p1 $0x1, v0  }
0x1be: {  	[tilespmem:$0x10A10] =	vst @!p1 v2;
	v2 =	vor.u32 @!p1 $0x2, v0  }
0x1bf: {  	v1 =	vshll.u32 @!p1 v1, $0x2;
	v0 =	vor.u32 @!p1 $0x3, v0;
	[tilespmem:$0x10A90] =	vst @!p1 v2  }
0x1c0: {  	[tilespmem:$0x10B10] =	vst @!p1 v0;
	v0 =	vor.u32 @!p1 $0x1, v1  }
0x1c1: {  	[tilespmem:$0x10B90] =	vst @!p1 v0;
	v0 =	vor.u32 @!p1 $0x2, v1  }
0x1c2: {  	[tilespmem:$0x10C10] =	vst @!p1 v0;
	v0 =	vor.u32 @!p1 $0x3, v1  }
0x1c3: {  	[tilespmem:$0x10C90] =	vst @!p1 v0  }
0x1c4: {  	v0 =	vld @!p1 [tilespmem:s22+$0x120];
	_ =	sdelay $0x2  }
0x1c5: {  	v1 =	vld @!p1 [tilespmem:s22+$0x4120];
	_ =	sdelay $0x1  }
0x1c6: {  	v0 =	vshll.u32 @!p1 v0, $0x2  }
0x1c7: {  	v2 =	vor.u32 @!p1 $0x1, v0  }
0x1c8: {  	[tilespmem:$0x10A20] =	vst @!p1 v2;
	v2 =	vor.u32 @!p1 $0x2, v0  }
0x1c9: {  	v1 =	vshll.u32 @!p1 v1, $0x2;
	v0 =	vor.u32 @!p1 $0x3, v0;
	[tilespmem:$0x10AA0] =	vst @!p1 v2  }
0x1ca: {  	[tilespmem:$0x10B20] =	vst @!p1 v0;
	v0 =	vor.u32 @!p1 $0x1, v1  }
0x1cb: {  	[tilespmem:$0x10BA0] =	vst @!p1 v0;
	v0 =	vor.u32 @!p1 $0x2, v1  }
0x1cc: {  	[tilespmem:$0x10C20] =	vst @!p1 v0;
	v0 =	vor.u32 @!p1 $0x3, v1  }
0x1cd: {  	[tilespmem:$0x10CA0] =	vst @!p1 v0  }
0x1ce: {  	v0 =	vld @!p1 [tilespmem:s22+$0x130];
	_ =	sdelay $0x2  }
0x1cf: {  	v1 =	vld @!p1 [tilespmem:s22+$0x4130];
	_ =	sdelay $0x1  }
0x1d0: {  	v0 =	vshll.u32 @!p1 v0, $0x2  }
0x1d1: {  	v2 =	vor.u32 @!p1 $0x1, v0  }
0x1d2: {  	[tilespmem:$0x10A30] =	vst @!p1 v2;
	v2 =	vor.u32 @!p1 $0x2, v0  }
0x1d3: {  	v1 =	vshll.u32 @!p1 v1, $0x2;
	v0 =	vor.u32 @!p1 $0x3, v0;
	[tilespmem:$0x10AB0] =	vst @!p1 v2  }
0x1d4: {  	[tilespmem:$0x10B30] =	vst @!p1 v0;
	v0 =	vor.u32 @!p1 $0x1, v1  }
0x1d5: {  	[tilespmem:$0x10BB0] =	vst @!p1 v0;
	v0 =	vor.u32 @!p1 $0x2, v1  }
0x1d6: {  	[tilespmem:$0x10C30] =	vst @!p1 v0;
	v0 =	vor.u32 @!p1 $0x3, v1  }
0x1d7: {  	[tilespmem:$0x10CB0] =	vst @!p1 v0  }
0x1d8: {  	v0 =	vld @!p1 [tilespmem:s22+$0x140];
	_ =	sdelay $0x2  }
0x1d9: {  	v1 =	vld @!p1 [tilespmem:s22+$0x4140];
	_ =	sdelay $0x1  }
0x1da: {  	v0 =	vshll.u32 @!p1 v0, $0x2  }
0x1db: {  	v2 =	vor.u32 @!p1 $0x1, v0  }
0x1dc: {  	[tilespmem:$0x10A40] =	vst @!p1 v2;
	v2 =	vor.u32 @!p1 $0x2, v0  }
0x1dd: {  	v1 =	vshll.u32 @!p1 v1, $0x2;
	v0 =	vor.u32 @!p1 $0x3, v0;
	[tilespmem:$0x10AC0] =	vst @!p1 v2  }
0x1de: {  	[tilespmem:$0x10B40] =	vst @!p1 v0;
	v0 =	vor.u32 @!p1 $0x1, v1  }
0x1df: {  	[tilespmem:$0x10BC0] =	vst @!p1 v0;
	v0 =	vor.u32 @!p1 $0x2, v1  }
0x1e0: {  	[tilespmem:$0x10C40] =	vst @!p1 v0;
	v0 =	vor.u32 @!p1 $0x3, v1  }
0x1e1: {  	[tilespmem:$0x10CC0] =	vst @!p1 v0  }
0x1e2: {  	v0 =	vld @!p1 [tilespmem:s22+$0x150];
	_ =	sdelay $0x2  }
0x1e3: {  	v1 =	vld @!p1 [tilespmem:s22+$0x4150];
	_ =	sdelay $0x1  }
0x1e4: {  	v0 =	vshll.u32 @!p1 v0, $0x2  }
0x1e5: {  	v2 =	vor.u32 @!p1 $0x1, v0  }
0x1e6: {  	[tilespmem:$0x10A50] =	vst @!p1 v2;
	v2 =	vor.u32 @!p1 $0x2, v0  }
0x1e7: {  	v1 =	vshll.u32 @!p1 v1, $0x2;
	v0 =	vor.u32 @!p1 $0x3, v0;
	[tilespmem:$0x10AD0] =	vst @!p1 v2  }
0x1e8: {  	[tilespmem:$0x10B50] =	vst @!p1 v0;
	v0 =	vor.u32 @!p1 $0x1, v1  }
0x1e9: {  	[tilespmem:$0x10BD0] =	vst @!p1 v0;
	v0 =	vor.u32 @!p1 $0x2, v1  }
0x1ea: {  	[tilespmem:$0x10C50] =	vst @!p1 v0;
	v0 =	vor.u32 @!p1 $0x3, v1  }
0x1eb: {  	[tilespmem:$0x10CD0] =	vst @!p1 v0  }
0x1ec: {  	v0 =	vld @!p1 [tilespmem:s22+$0x160];
	_ =	sdelay $0x2  }
0x1ed: {  	v1 =	vld @!p1 [tilespmem:s22+$0x4160];
	_ =	sdelay $0x1  }
0x1ee: {  	v0 =	vshll.u32 @!p1 v0, $0x2  }
0x1ef: {  	v2 =	vor.u32 @!p1 $0x1, v0  }
0x1f0: {  	[tilespmem:$0x10A60] =	vst @!p1 v2;
	v2 =	vor.u32 @!p1 $0x2, v0  }
0x1f1: {  	v1 =	vshll.u32 @!p1 v1, $0x2;
	v0 =	vor.u32 @!p1 $0x3, v0;
	[tilespmem:$0x10AE0] =	vst @!p1 v2  }
0x1f2: {  	[tilespmem:$0x10B60] =	vst @!p1 v0;
	v0 =	vor.u32 @!p1 $0x1, v1  }
0x1f3: {  	[tilespmem:$0x10BE0] =	vst @!p1 v0;
	v0 =	vor.u32 @!p1 $0x2, v1  }
0x1f4: {  	[tilespmem:$0x10C60] =	vst @!p1 v0;
	v0 =	vor.u32 @!p1 $0x3, v1  }
0x1f5: {  	[tilespmem:$0x10CE0] =	vst @!p1 v0  }
0x1f6: {  	v0 =	vld @!p1 [tilespmem:s22+$0x170];
	_ =	sdelay $0x2  }
0x1f7: {  	v1 =	vld @!p1 [tilespmem:s22+$0x4170];
	_ =	sdelay $0x1  }
0x1f8: {  	v0 =	vshll.u32 @!p1 v0, $0x2  }
0x1f9: {  	v2 =	vor.u32 @!p1 $0x1, v0  }
0x1fa: {  	[tilespmem:$0x10A70] =	vst @!p1 v2;
	v2 =	vor.u32 @!p1 $0x2, v0  }
0x1fb: {  	v1 =	vshll.u32 @!p1 v1, $0x2;
	v0 =	vor.u32 @!p1 $0x3, v0;
	[tilespmem:$0x10AF0] =	vst @!p1 v2  }
0x1fc: {  	[tilespmem:$0x10B70] =	vst @!p1 v0;
	v0 =	vor.u32 @!p1 $0x1, v1  }
0x1fd: {  	[tilespmem:$0x10BF0] =	vst @!p1 v0;
	v0 =	vor.u32 @!p1 $0x2, v1  }
0x1fe: {  	[tilespmem:$0x10C70] =	vst @!p1 v0;
	v0 =	vor.u32 @!p1 $0x3, v1  }
0x1ff: {  	s9 =	simm.s32 @!p1 $0x10A00;
	s10 =	simm.s32 @!p1 $0xFD00;
	s22 =	simm.s32 @!p1 $0x80;
	[tilespmem:$0x10CF0] =	vst @!p1 v0  }
0x200: {  	[tilespmem:s10], [sflag:$0x1] =	stream.indirect.gather @!p1 [spmem:s1], $0x1, s9, s22, $0xb8;
	[tilespmem:$0x196C8] =	vst v63  }
0x201: {  	s9 =	simm.s32 @!p1 $0x10A80;
	s10 =	simm.s32 @!p1 $0xFD80  }
0x202: {  	[tilespmem:s10], [sflag:$0x1] =	stream.indirect.gather @!p1 [spmem:s1], $0x1, s9, s22, $0xb8;
	[tilespmem:$0x196C8] =	vst v63  }
0x203: {  	s9 =	simm.s32 @!p1 $0x10B00;
	s10 =	simm.s32 @!p1 $0xFE00  }
0x204: {  	[tilespmem:s10], [sflag:$0x1] =	stream.indirect.gather @!p1 [spmem:s1], $0x1, s9, s22, $0xb8;
	[tilespmem:$0x196C8] =	vst v63  }
0x205: {  	s9 =	simm.s32 @!p1 $0x10B80;
	s10 =	simm.s32 @!p1 $0xFE80  }
0x206: {  	[tilespmem:s10], [sflag:$0x1] =	stream.indirect.gather @!p1 [spmem:s1], $0x1, s9, s22, $0xb8;
	[tilespmem:$0x196C8] =	vst v63  }
0x207: {  	s9 =	simm.s32 @!p1 $0x10C00;
	s10 =	simm.s32 @!p1 $0xFF00  }
0x208: {  	[tilespmem:s10], [sflag:$0x1] =	stream.indirect.gather @!p1 [spmem:s1], $0x1, s9, s22, $0xb8;
	[tilespmem:$0x196C8] =	vst v63  }
0x209: {  	p2 =	seq.s32 @!p1 s4, $0x0;
	s9 =	simm.s32 @!p1 $0x10C80;
	s10 =	simm.s32 @!p1 $0xFF80  }
0x20a: {  	[tilespmem:s10], [sflag:$0x1] =	stream.indirect.gather @!p1 [spmem:s1], $0x1, s9, s22, $0xb8;
	[tilespmem:$0x196C8] =	vst v63  }
0x20b: {  	p1 =	por p1, !p2  }
0x20c: {  	_ =	swait.ge @p1 [sflag:s31], $0x380  }
0x20d: {  	[sflag:s31] =	ssyncset.done @p1 $0x0  }
0x20e: {  	[sflag:s31] =	ssyncadd.s32 @p1 $0xFFFFFC80  }
0x20f: {  	_ =	swait.ge [sflag:s15], $0x300  }
0x210: {  	[sflag:s15] =	ssyncset.done $0x0  }
0x211: {  	[sflag:s15] =	ssyncadd.s32 $0xFFFFFD00  }
0x212: {  	v56 =	vld [tilespmem:$0x10000]  }
0x213: {  	v57 =	vld [tilespmem:$0x10180]  }
0x214: {  	v58 =	vld [tilespmem:$0x10080]  }
0x215: {  	v59 =	vld [tilespmem:$0x10200]  }
0x216: {  	v60 =	vld [tilespmem:$0x10100]  }
0x217: {  	v61 =	vld [tilespmem:$0x10280];
	_ =	sdelay $0x2  }
0x218: {  	v0 =	vsub.f32 v56, v57;
	v62 =	vsub.f32 v58, v59;
	_ =	sdelay $0x1  }
0x219: {  	v63 =	vsub.f32 v60, v61;
	v14 =	vmul.f32 v0, v0;
	v15 =	vmul.f32 v62, v62;
	_ =	sdelay $0x1  }
0x21a: {  	v16 =	vmul.f32 v63, v63;
	v3 =	vadd.f32 v15, v14;
	_ =	sdelay $0x1  }
0x21b: {  	v3 =	vadd.f32 v16, v3;
	_ =	sdelay $0x1  }
0x21c: {  	v4 =	vshrl.u32 v3, $0x1;
	v17 =	vmul.f32 $5.000000000e-01, v3  }
0x21d: {  	v4 =	vsub.s32 $0x5F3759DF, v4  }
0x21e: {  	v18 =	vmul.f32 v4, v17  }
0x21f: {  	v19 =	vld [tilespmem:$0x10010]  }
0x220: {  	v20 =	vld [tilespmem:$0x10190];
	v6 =	vmul.f32 v4, v18  }
0x221: {  	v21 =	vld [tilespmem:$0x10090]  }
0x222: {  	v22 =	vld [tilespmem:$0x10210];
	v6 =	vsub.f32 $1.500000000e+00, v6  }
0x223: {  	v23 =	vld [tilespmem:$0x10110]  }
0x224: {  	v24 =	vld [tilespmem:$0x10290];
	v4 =	vmul.f32 v4, v6;
	_ =	sdelay $0x1  }
0x225: {  	v5 =	vmul.f32 v4, v17  }
0x226: {  	v7 =	vsub.f32 v19, v20;
	v6 =	vsub.f32 v21, v22  }
0x227: {  	v5 =	vmul.f32 v5, v4  }
0x228: {  	v25 =	vsub.f32 v23, v24;
	v26 =	vmul.f32 v7, v7;
	v27 =	vmul.f32 v6, v6  }
0x229: {  	v5 =	vsub.f32 $1.500000000e+00, v5  }
0x22a: {  	v28 =	vld [tilespmem:s0+$0xC080];
	v30 =	vmul.f32 v25, v25;
	v29 =	vadd.f32 v27, v26  }
0x22b: {  	v4 =	vmul.f32 v5, v4  }
0x22c: {  	v5 =	vadd.f32 v30, v29  }
0x22d: {  	v3 =	vmul.f32 v4, v3  }
0x22e: {  	v9 =	vshrl.u32 v5, $0x1;
	v31 =	vmul.f32 $5.000000000e-01, v5  }
0x22f: {  	v9 =	vsub.s32 $0x5F3759DF, v9;
	v3 =	vsub.f32 v3, v28  }
0x230: {  	v32 =	vmul.f32 v9, v31  }
0x231: {  	v34 =	vld [tilespmem:$0x10020];
	v11 =	vmul.f32 $4.000000000e+01, v3  }
0x232: {  	v35 =	vld [tilespmem:$0x101A0];
	v33 =	vmul.f32 v9, v32;
	v42 =	vmul.f32 $2.000000000e+01, v3  }
0x233: {  	v36 =	vld [tilespmem:$0x100A0];
	v4 =	vmul.f32 v11, v4  }
0x234: {  	v38 =	vld [tilespmem:$0x10220];
	v11 =	vsub.f32 $1.500000000e+00, v33;
	v3 =	vmul.f32 v42, v3  }
0x235: {  	v39 =	vld [tilespmem:$0x10120];
	v0 =	vmul.f32 v4, v0  }
0x236: {  	v41 =	vld [tilespmem:$0x102A0];
	v9 =	vmul.f32 v9, v11;
	v1 =	vmul.f32 v4, v62;
	[tilespmem:$0x10980] =	vst v3  }
0x237: {  	v2 =	vmul.f32 v4, v63;
	[tilespmem:$0x10680] =	vst v0  }
0x238: {  	v43 =	vsub.f32 v34, v35;
	v37 =	vsub.f32 $0.0e+00, v0;
	v40 =	vmul.f32 v9, v31;
	[tilespmem:$0x10700] =	vst v1  }
0x239: {  	v11 =	vsub.f32 v36, v38;
	v1 =	vsub.f32 $0.0e+00, v1;
	[tilespmem:$0x10780] =	vst v2  }
0x23a: {  	v2 =	vsub.f32 $0.0e+00, v2;
	[tilespmem:$0x10800] =	vst v37;
	v4 =	vmul.f32 v40, v9  }
0x23b: {  	v45 =	vmul.f32 v43, v43;
	v0 =	vsub.f32 v39, v41;
	v46 =	vmul.f32 v11, v11;
	[tilespmem:$0x10880] =	vst v1  }
0x23c: {  	[tilespmem:$0x10900] =	vst v2;
	v44 =	vsub.f32 $1.500000000e+00, v4  }
0x23d: {  	v3 =	vadd.f32 v46, v45;
	v48 =	vmul.f32 v0, v0;
	v47 =	vld [tilespmem:s0+$0xC090]  }
0x23e: {  	v2 =	vmul.f32 v44, v9  }
0x23f: {  	v3 =	vadd.f32 v48, v3  }
0x240: {  	v5 =	vmul.f32 v2, v5  }
0x241: {  	v50 =	vshrl.u32 v3, $0x1;
	v51 =	vmul.f32 $5.000000000e-01, v3  }
0x242: {  	v49 =	vsub.f32 v5, v47;
	v5 =	vsub.s32 $0x5F3759DF, v50  }
0x243: {  	v52 =	vmul.f32 v5, v51  }
0x244: {  	v54 =	vld [tilespmem:$0x10030];
	v10 =	vmul.f32 $4.000000000e+01, v49  }
0x245: {  	v55 =	vld [tilespmem:$0x101B0];
	v62 =	vmul.f32 $2.000000000e+01, v49;
	v53 =	vmul.f32 v5, v52  }
0x246: {  	v56 =	vld [tilespmem:$0x100B0];
	v2 =	vmul.f32 v10, v2  }
0x247: {  	v58 =	vld [tilespmem:$0x10230];
	v4 =	vmul.f32 v62, v49;
	v10 =	vsub.f32 $1.500000000e+00, v53  }
0x248: {  	v59 =	vld [tilespmem:$0x10130];
	v7 =	vmul.f32 v2, v7  }
0x249: {  	v61 =	vld [tilespmem:$0x102B0];
	v6 =	vmul.f32 v2, v6;
	[tilespmem:$0x10990] =	vst v4;
	v5 =	vmul.f32 v5, v10  }
0x24a: {  	v2 =	vmul.f32 v2, v25;
	[tilespmem:$0x10690] =	vst v7  }
0x24b: {  	v63 =	vsub.f32 v54, v55;
	v57 =	vsub.f32 $0.0e+00, v7;
	[tilespmem:$0x10710] =	vst v6;
	v60 =	vmul.f32 v5, v51  }
0x24c: {  	v10 =	vsub.f32 v56, v58;
	v6 =	vsub.f32 $0.0e+00, v6;
	[tilespmem:$0x10790] =	vst v2  }
0x24d: {  	v2 =	vsub.f32 $0.0e+00, v2;
	[tilespmem:$0x10810] =	vst v57;
	v8 =	vmul.f32 v60, v5  }
0x24e: {  	v18 =	vsub.f32 v59, v61;
	v19 =	vmul.f32 v63, v63;
	v20 =	vmul.f32 v10, v10;
	[tilespmem:$0x10890] =	vst v6  }
0x24f: {  	[tilespmem:$0x10910] =	vst v2;
	v17 =	vsub.f32 $1.500000000e+00, v8  }
0x250: {  	v23 =	vmul.f32 v18, v18;
	v21 =	vld [tilespmem:s0+$0xC0A0];
	v22 =	vadd.f32 v20, v19  }
0x251: {  	v2 =	vmul.f32 v17, v5  }
0x252: {  	v5 =	vadd.f32 v23, v22  }
0x253: {  	v3 =	vmul.f32 v2, v3  }
0x254: {  	v7 =	vshrl.u32 v5, $0x1;
	v24 =	vmul.f32 $5.000000000e-01, v5  }
0x255: {  	v7 =	vsub.s32 $0x5F3759DF, v7;
	v3 =	vsub.f32 v3, v21  }
0x256: {  	v25 =	vmul.f32 v7, v24  }
0x257: {  	v27 =	vld [tilespmem:$0x10040];
	v9 =	vmul.f32 $4.000000000e+01, v3  }
0x258: {  	v29 =	vld [tilespmem:$0x100C0];
	v26 =	vmul.f32 v7, v25;
	v35 =	vmul.f32 $2.000000000e+01, v3  }
0x259: {  	v28 =	vld [tilespmem:$0x101C0];
	v2 =	vmul.f32 v9, v2  }
0x25a: {  	v31 =	vld [tilespmem:$0x10240];
	v9 =	vsub.f32 $1.500000000e+00, v26;
	v3 =	vmul.f32 v35, v3  }
0x25b: {  	v34 =	vld [tilespmem:$0x102C0];
	v1 =	vmul.f32 v2, v43  }
0x25c: {  	v32 =	vld [tilespmem:$0x10140];
	v7 =	vmul.f32 v7, v9;
	v11 =	vmul.f32 v2, v11;
	[tilespmem:$0x109A0] =	vst v3  }
0x25d: {  	v0 =	vmul.f32 v2, v0;
	[tilespmem:$0x106A0] =	vst v1  }
0x25e: {  	v36 =	vsub.f32 v27, v28;
	v30 =	vsub.f32 $0.0e+00, v1;
	v33 =	vmul.f32 v7, v24;
	[tilespmem:$0x10720] =	vst v11  }
0x25f: {  	v9 =	vsub.f32 v29, v31;
	v11 =	vsub.f32 $0.0e+00, v11;
	[tilespmem:$0x107A0] =	vst v0  }
0x260: {  	v0 =	vsub.f32 $0.0e+00, v0;
	[tilespmem:$0x10820] =	vst v30;
	v2 =	vmul.f32 v33, v7  }
0x261: {  	v38 =	vmul.f32 v36, v36;
	v1 =	vsub.f32 v32, v34;
	v39 =	vmul.f32 v9, v9;
	[tilespmem:$0x108A0] =	vst v11  }
0x262: {  	[tilespmem:$0x10920] =	vst v0;
	v37 =	vsub.f32 $1.500000000e+00, v2  }
0x263: {  	v41 =	vmul.f32 v1, v1;
	v40 =	vld [tilespmem:s0+$0xC0B0];
	v2 =	vadd.f32 v39, v38  }
0x264: {  	v0 =	vmul.f32 v37, v7  }
0x265: {  	v2 =	vadd.f32 v41, v2  }
0x266: {  	v5 =	vmul.f32 v0, v5  }
0x267: {  	v43 =	vshrl.u32 v2, $0x1;
	v44 =	vmul.f32 $5.000000000e-01, v2  }
0x268: {  	v42 =	vsub.f32 v5, v40;
	v5 =	vsub.s32 $0x5F3759DF, v43  }
0x269: {  	v45 =	vmul.f32 v5, v44  }
0x26a: {  	v48 =	vld [tilespmem:$0x101D0];
	v8 =	vmul.f32 $4.000000000e+01, v42  }
0x26b: {  	v47 =	vld [tilespmem:$0x10050];
	v55 =	vmul.f32 $2.000000000e+01, v42;
	v46 =	vmul.f32 v5, v45  }
0x26c: {  	v49 =	vld [tilespmem:$0x100D0];
	v0 =	vmul.f32 v8, v0  }
0x26d: {  	v51 =	vld [tilespmem:$0x10250];
	v3 =	vmul.f32 v55, v42;
	v8 =	vsub.f32 $1.500000000e+00, v46  }
0x26e: {  	v54 =	vld [tilespmem:$0x102D0];
	v6 =	vmul.f32 v0, v63  }
0x26f: {  	v52 =	vld [tilespmem:$0x10150];
	v10 =	vmul.f32 v0, v10;
	[tilespmem:$0x109B0] =	vst v3;
	v5 =	vmul.f32 v5, v8  }
0x270: {  	v0 =	vmul.f32 v0, v18;
	[tilespmem:$0x106B0] =	vst v6  }
0x271: {  	v56 =	vsub.f32 v47, v48;
	v50 =	vsub.f32 $0.0e+00, v6;
	[tilespmem:$0x10730] =	vst v10;
	v53 =	vmul.f32 v5, v44  }
0x272: {  	v8 =	vsub.f32 v49, v51;
	v10 =	vsub.f32 $0.0e+00, v10;
	[tilespmem:$0x107B0] =	vst v0  }
0x273: {  	v0 =	vsub.f32 $0.0e+00, v0;
	[tilespmem:$0x10830] =	vst v50;
	v4 =	vmul.f32 v53, v5  }
0x274: {  	v58 =	vsub.f32 v52, v54;
	v59 =	vmul.f32 v56, v56;
	v60 =	vmul.f32 v8, v8;
	[tilespmem:$0x108B0] =	vst v10  }
0x275: {  	[tilespmem:$0x10930] =	vst v0;
	v57 =	vsub.f32 $1.500000000e+00, v4  }
0x276: {  	v62 =	vmul.f32 v58, v58;
	v61 =	vld [tilespmem:s0+$0xC0C0];
	v4 =	vadd.f32 v60, v59  }
0x277: {  	v0 =	vmul.f32 v57, v5  }
0x278: {  	v4 =	vadd.f32 v62, v4  }
0x279: {  	v2 =	vmul.f32 v0, v2  }
0x27a: {  	v5 =	vshrl.u32 v4, $0x1;
	v63 =	vmul.f32 $5.000000000e-01, v4  }
0x27b: {  	v5 =	vsub.s32 $0x5F3759DF, v5;
	v2 =	vsub.f32 v2, v61  }
0x27c: {  	v16 =	vmul.f32 v5, v63  }
0x27d: {  	v19 =	vld [tilespmem:$0x101E0];
	v7 =	vmul.f32 $4.000000000e+01, v2  }
0x27e: {  	v20 =	vld [tilespmem:$0x100E0];
	v17 =	vmul.f32 v5, v16;
	v26 =	vmul.f32 $2.000000000e+01, v2  }
0x27f: {  	v18 =	vld [tilespmem:$0x10060];
	v0 =	vmul.f32 v7, v0  }
0x280: {  	v22 =	vld [tilespmem:$0x10260];
	v7 =	vsub.f32 $1.500000000e+00, v17;
	v2 =	vmul.f32 v26, v2  }
0x281: {  	v23 =	vld [tilespmem:$0x10160];
	v11 =	vmul.f32 v0, v36  }
0x282: {  	v25 =	vld [tilespmem:$0x102E0];
	v5 =	vmul.f32 v5, v7;
	v9 =	vmul.f32 v0, v9;
	[tilespmem:$0x109C0] =	vst v2  }
0x283: {  	v0 =	vmul.f32 v0, v1;
	[tilespmem:$0x106C0] =	vst v11  }
0x284: {  	v27 =	vsub.f32 v18, v19;
	v21 =	vsub.f32 $0.0e+00, v11;
	v24 =	vmul.f32 v5, v63;
	[tilespmem:$0x10740] =	vst v9  }
0x285: {  	v7 =	vsub.f32 v20, v22;
	v9 =	vsub.f32 $0.0e+00, v9;
	[tilespmem:$0x107C0] =	vst v0  }
0x286: {  	v0 =	vsub.f32 $0.0e+00, v0;
	[tilespmem:$0x10840] =	vst v21;
	v1 =	vmul.f32 v24, v5  }
0x287: {  	v29 =	vsub.f32 v23, v25;
	v30 =	vmul.f32 v27, v27;
	v31 =	vmul.f32 v7, v7;
	[tilespmem:$0x108C0] =	vst v9  }
0x288: {  	[tilespmem:$0x10940] =	vst v0;
	v28 =	vsub.f32 $1.500000000e+00, v1  }
0x289: {  	v33 =	vmul.f32 v29, v29;
	v2 =	vadd.f32 v31, v30;
	v32 =	vld [tilespmem:s0+$0xC0D0]  }
0x28a: {  	v0 =	vmul.f32 v28, v5  }
0x28b: {  	v2 =	vadd.f32 v33, v2  }
0x28c: {  	v4 =	vmul.f32 v0, v4  }
0x28d: {  	v5 =	vshrl.u32 v2, $0x1;
	v34 =	vmul.f32 $5.000000000e-01, v2  }
0x28e: {  	v5 =	vsub.s32 $0x5F3759DF, v5;
	v4 =	vsub.f32 v4, v32  }
0x28f: {  	v35 =	vmul.f32 v5, v34  }
0x290: {  	v38 =	vld [tilespmem:$0x101F0];
	v11 =	vmul.f32 $4.000000000e+01, v4  }
0x291: {  	v39 =	vld [tilespmem:$0x100F0];
	v36 =	vmul.f32 v5, v35;
	v42 =	vmul.f32 $2.000000000e+01, v4  }
0x292: {  	v40 =	vld [tilespmem:$0x10270];
	v0 =	vmul.f32 v11, v0  }
0x293: {  	v37 =	vld [tilespmem:$0x10070];
	v11 =	vsub.f32 $1.500000000e+00, v36;
	v4 =	vmul.f32 v42, v4  }
0x294: {  	v41 =	vld [tilespmem:$0x10170];
	v10 =	vmul.f32 v0, v56  }
0x295: {  	v43 =	vld [tilespmem:$0x102F0];
	v8 =	vmul.f32 v0, v8;
	v5 =	vmul.f32 v5, v11;
	[tilespmem:$0x109D0] =	vst v4  }
0x296: {  	v0 =	vmul.f32 v0, v58;
	[tilespmem:$0x106D0] =	vst v10  }
0x297: {  	v45 =	vsub.f32 v39, v40;
	v10 =	vsub.f32 $0.0e+00, v10;
	[tilespmem:$0x10750] =	vst v8;
	v6 =	vmul.f32 v5, v34  }
0x298: {  	v44 =	vsub.f32 v37, v38;
	v8 =	vsub.f32 $0.0e+00, v8;
	[tilespmem:$0x107D0] =	vst v0  }
0x299: {  	v0 =	vsub.f32 $0.0e+00, v0;
	[tilespmem:$0x10850] =	vst v10;
	v6 =	vmul.f32 v6, v5  }
0x29a: {  	v3 =	vsub.f32 v41, v43;
	v48 =	vmul.f32 v44, v44;
	v11 =	vmul.f32 v45, v45;
	[tilespmem:$0x108D0] =	vst v8  }
0x29b: {  	[tilespmem:$0x10950] =	vst v0;
	v46 =	vsub.f32 $1.500000000e+00, v6  }
0x29c: {  	v50 =	vmul.f32 v3, v3;
	v49 =	vadd.f32 v11, v48;
	v47 =	vld [tilespmem:s0+$0xC0E0]  }
0x29d: {  	v4 =	vmul.f32 v46, v5  }
0x29e: {  	v5 =	vadd.f32 v50, v49  }
0x29f: {  	v2 =	vmul.f32 v4, v2  }
0x2a0: {  	v51 =	vshrl.u32 v5, $0x1;
	v10 =	vmul.f32 $5.000000000e-01, v5  }
0x2a1: {  	v6 =	vsub.s32 $0x5F3759DF, v51;
	v2 =	vsub.f32 v2, v47  }
0x2a2: {  	v53 =	vmul.f32 v6, v10  }
0x2a3: {  	v52 =	vmul.f32 $4.000000000e+01, v2  }
0x2a4: {  	v54 =	vmul.f32 v6, v53;
	v56 =	vmul.f32 $2.000000000e+01, v2  }
0x2a5: {  	v4 =	vmul.f32 v52, v4  }
0x2a6: {  	v11 =	vsub.f32 $1.500000000e+00, v54;
	v2 =	vmul.f32 v56, v2  }
0x2a7: {  	v9 =	vmul.f32 v4, v27  }
0x2a8: {  	v6 =	vmul.f32 v6, v11;
	v7 =	vmul.f32 v4, v7;
	[tilespmem:$0x109E0] =	vst v2  }
0x2a9: {  	v1 =	vmul.f32 v4, v29;
	[tilespmem:$0x106E0] =	vst v9  }
0x2aa: {  	v55 =	vsub.f32 $0.0e+00, v9;
	[tilespmem:$0x10760] =	vst v7;
	v57 =	vmul.f32 v6, v10  }
0x2ab: {  	v7 =	vsub.f32 $0.0e+00, v7;
	[tilespmem:$0x107E0] =	vst v1  }
0x2ac: {  	v1 =	vsub.f32 $0.0e+00, v1;
	[tilespmem:$0x10860] =	vst v55;
	v58 =	vmul.f32 v57, v6  }
0x2ad: {  	[tilespmem:$0x108E0] =	vst v7  }
0x2ae: {  	[tilespmem:$0x10960] =	vst v1;
	v59 =	vsub.f32 $1.500000000e+00, v58  }
0x2af: {  	v2 =	vld [tilespmem:s0+$0xC0F0]  }
0x2b0: {  	v1 =	vmul.f32 v59, v6;
	_ =	sdelay $0x1  }
0x2b1: {  	v60 =	vmul.f32 v1, v5;
	_ =	sdelay $0x1  }
0x2b2: {  	v2 =	vsub.f32 v60, v2;
	_ =	sdelay $0x1  }
0x2b3: {  	v4 =	vmul.f32 $4.000000000e+01, v2  }
0x2b4: {  	v61 =	vmul.f32 $2.000000000e+01, v2  }
0x2b5: {  	v1 =	vmul.f32 v4, v1  }
0x2b6: {  	v63 =	vmul.f32 v61, v2  }
0x2b7: {  	v0 =	vmul.f32 v1, v44  }
0x2b8: {  	v4 =	vmul.f32 v1, v45;
	[tilespmem:$0x109F0] =	vst v63  }
0x2b9: {  	v1 =	vmul.f32 v1, v3;
	[tilespmem:$0x106F0] =	vst v0  }
0x2ba: {  	[tilespmem:$0x10770] =	vst v4;
	v0 =	vsub.f32 $0.0e+00, v0  }
0x2bb: {  	[tilespmem:$0x107F0] =	vst v1;
	v4 =	vsub.f32 $0.0e+00, v4  }
0x2bc: {  	v62 =	vsub.f32 $0.0e+00, v1;
	[tilespmem:$0x10870] =	vst v0  }
0x2bd: {  	[tilespmem:$0x108F0] =	vst v4  }
0x2be: {  	s13 =	sadd.s32 $0x80, s0;
	[tilespmem:$0x10970] =	vst v62  }
0x2bf: {  	[spmem:s2] =	stream.indirect.scatter.add.f32 [tilespmem:s16], [sflag:$0x4], $0x1, s13, s29, $0xb8;
	[tilespmem:$0x196C8] =	vst v63  }
0x2c0: {  	_ = 	snop  }
0x2c1: {  	[spmem:s3] =	stream.indirect.scatter.add.f32 [tilespmem:s7], [sflag:$0x4], $0x1, s13, s29, $0xb8;
	[tilespmem:$0x196C8] =	vst v63  }
0x2c2: {  	_ = 	snop  }
0x2c3: {  	[spmem:s5] =	stream.indirect.scatter.add.f32 [tilespmem:s25], [sflag:$0x4], $0x1, s13, s29, $0xb8;
	[tilespmem:$0x196C8] =	vst v63  }
0x2c4: {  	s4 =	sadd.s32 $0x400, s4;
	s22 =	sadd.s32 $0x4080, s0  }
0x2c5: {  	[spmem:s2] =	stream.indirect.scatter.add.f32 [tilespmem:s28], [sflag:$0x4], $0x1, s22, s29, $0xb8;
	[tilespmem:$0x196C8] =	vst v63  }
0x2c6: {  	p1 =	sne.s32 s4, $0xF400  }
0x2c7: {  	[spmem:s3] =	stream.indirect.scatter.add.f32 [tilespmem:s23], [sflag:$0x4], $0x1, s22, s29, $0xb8;
	[tilespmem:$0x196C8] =	vst v63  }
.Ltmp0:
0x2c8: {  	_ = 	snop;
	(pc) =	sbr.rel @p1 .LBB2_2-.Ltmp0, $4  }
0x2c9: {  	_ = 	snop  }
0x2ca: {  	[spmem:s5] =	stream.indirect.scatter.add.f32 [tilespmem:s24], [sflag:$0x4], $0x1, s22, s29, $0xb8;
	[tilespmem:$0x196C8] =	vst v63  }
0x2cb: {  	s0 =	sadd.s32 $0x8080, s0  }
0x2cc: {  	[spmem:s6] =	stream.indirect.scatter.add.f32 [tilespmem:s30], [sflag:$0x4], $0x1, s0, s29, $0xb8;
	[tilespmem:$0x196C8] =	vst v63  }
0x2cd: {  	s0 =	simm.s32 $0x3  }
0x2ce: {  	_ =	swait.ge [sflag:s0], $0x380  }
0x2cf: {  	[sflag:s0] =	ssyncset.done $0x0  }
0x2d0: {  	[sflag:s0] =	ssyncadd.s32 $0xFFFFFC80  }
0x2d1: {  	_ =	swait.ge [sflag:s31], $0x380  }
0x2d2: {  	[sflag:s31] =	ssyncset.done $0x0  }
0x2d3: {  	[sflag:s31] =	ssyncadd.s32 $0xFFFFFC80  }
0x2d4: {  	[bflag:$0x0] =	sbarrier.arrive $0xFFFF  }
0x2d5: {  	s9 =	simm.s32 $0x11000;
	s10 =	rddreg [dreg:$0xe]  }
0x2d6: {  	[tilespmem:s9], [sflag:$0x5] =	stream.linear.gather [spmem:s10], $0xC38, $0x38;
	[tilespmem:$0x196C8] =	vst v63  }
0x2d7: {  	_ =	swait.ge [sflag:s12], $0xC38  }
0x2d8: {  	[sflag:s12] =	ssyncset.done $0x0  }
0x2d9: {  	s22 =	simm.s32 $0x0;
	s4 =	rddreg [dreg:$0x11];
	[sflag:s12] =	ssyncadd.s32 $0xFFFFF3C8  }
0x2da: {  	[hbm4b:s4+s22] =	stream.linear.scatter [tilespmem:s9], [sflag:$0x5], $0xC38, $0x38;
	[tilespmem:$0x196C8] =	vst v63  }
0x2db: {  	_ =	swait.ge [sflag:s12], $0xC38  }
0x2dc: {  	[sflag:s12] =	ssyncset.done $0x0  }
0x2dd: {  	s4 =	simm.s32 $0x5;
	[sflag:s12] =	ssyncadd.s32 $0xFFFFF3C8;
	s12 =	rddreg [dreg:$0xf]  }
0x2de: {  	[tilespmem:s9], [sflag:$0x5] =	stream.linear.gather [spmem:s12], $0xC38, $0x38;
	[tilespmem:$0x196C8] =	vst v63  }
0x2df: {  	_ =	swait.ge [sflag:s4], $0xC38  }
0x2e0: {  	[sflag:s4] =	ssyncset.done $0x0  }
0x2e1: {  	s11 =	rddreg [dreg:$0x12];
	[sflag:s4] =	ssyncadd.s32 $0xFFFFF3C8  }
0x2e2: {  	[hbm4b:s11+s22] =	stream.linear.scatter [tilespmem:s9], [sflag:$0x5], $0xC38, $0x38;
	[tilespmem:$0x196C8] =	vst v63  }
0x2e3: {  	_ =	swait.ge [sflag:s4], $0xC38  }
0x2e4: {  	[sflag:s4] =	ssyncset.done $0x0  }
0x2e5: {  	s11 =	rddreg [dreg:$0x10];
	[sflag:s4] =	ssyncadd.s32 $0xFFFFF3C8  }
0x2e6: {  	[tilespmem:s9], [sflag:$0x5] =	stream.linear.gather [spmem:s11], $0xC38, $0x38;
	[tilespmem:$0x196C8] =	vst v63  }
0x2e7: {  	_ =	swait.ge [sflag:s4], $0xC38  }
0x2e8: {  	[sflag:s4] =	ssyncset.done $0x0  }
0x2e9: {  	s13 =	rddreg [dreg:$0x13];
	[sflag:s4] =	ssyncadd.s32 $0xFFFFF3C8  }
0x2ea: {  	[hbm4b:s13+s22] =	stream.linear.scatter [tilespmem:s9], [sflag:$0x5], $0xC38, $0x38;
	[tilespmem:$0x196C8] =	vst v63  }
0x2eb: {  	_ =	swait.ge [sflag:s4], $0xC38  }
0x2ec: {  	[sflag:s4] =	ssyncset.done $0x0  }
0x2ed: {  	s0 =	simm.s32 @!p0 $0x11000;
	[sflag:s4] =	ssyncadd.s32 $0xFFFFF3C8;
	s4 =	simm.s32 @!p0 $0x5  }
0x2ee: {  	[tilespmem:s0], [sflag:$0x5] =	stream.linear.gather @!p0 [spmem:s6], $0x3F0, $0x38;
	[tilespmem:$0x196C8] =	vst v63  }
0x2ef: {  	_ =	swait.ge @!p0 [sflag:s4], $0x3F0  }
0x2f0: {  	[sflag:s4] =	ssyncset.done @!p0 $0x0  }
0x2f1: {  	s9 =	simm.s32 @!p0 $0x0;
	s13 =	rddreg [dreg:$0x14];
	[sflag:s4] =	ssyncadd.s32 @!p0 $0xFFFFFC10  }
0x2f2: {  	[hbm4b:s13+s9] =	stream.linear.scatter @!p0 [tilespmem:s0], [sflag:$0x5], $0x3F0, $0x38;
	[tilespmem:$0x196C8] =	vst v63  }
0x2f3: {  	_ =	swait.ge @!p0 [sflag:s4], $0x3F0  }
0x2f4: {  	s0 =	rddreg [dreg:$0x16]  }
0x2f5: {  	s13 =	sadd.s32 $0x1, s0;
	s0 =	rddreg [dreg:$0x15]  }
0x2f6: {  	p1 =	sne.s32 s13, s0  }
.Ltmp1:
0x2f7: {  	_ = 	snop;
	(pc) =	sbr.rel @p1 .LBB2_1-.Ltmp1, $3  }
0x2f8: {  	_ =	sdelay $0x1  }
0x2f9: {  	s9 =	smov.u32 s12;
	[sflag:s4] =	ssyncset.done @!p0 $0x0  }
0x2fa: {  	s12 =	simm.s32 $0x5;
	[sflag:s4] =	ssyncadd.s32 @!p0 $0xFFFFFC10;
	[dreg:$0x16] =	wrdreg s13  }
0x2fb: {  	_ =	sfence.sel $0x180000  }
0x2fc: {  	[bflag:$0x0] =	sbarrier.arrive $0xFFFF  }
0x2fd: {  	_ =	strace $0x90000047  }
0x2fe: {  	[bflag:$0x2] =	sbarrier.arrive $0xFFFF  }
0x2ff: {  	s0 =	rddreg [dreg:$0x7]  }
0x300: {  	s0 =	sadd.s32 @!p0 $0x100000, s0  }
0x301: {  	[sflag:s0] =	ssyncadd.tile.s32 @!p0 $0x1;
	_ =	shalt  }
.Lfunc_end2:
_tile_overlayer_lowered:
.L_overlay_start_2:
0x302: {  	(tag) =	ssettag $0x2  }
0x303: {  	s0 =	rddreg [dreg:$0x0];
	s2 =	stileid.u32  }
0x304: {  	s1 =	rddreg [dreg:$0x1];
	p0 =	sne.s32 s2, $0x0  }
0x305: {  	s3 =	rddreg [dreg:$0x2];
	[bflag:$0x3] =	sbarrier.arrive $0xFFFF;
	s2 =	simm.s32 @!p0 $0x1C05  }
0x306: {  	[timem:s3], [sflag:s2] =	dma.local @!p0 [hbm:s0], s1  }
0x307: {  	s0 =	simm.s32 @!p0 $0x5  }
0x308: {  	_ =	swait.ge @!p0 [sflag:s0], s1  }
0x309: {  	s1 =	ssub.s32 @!p0 $0x0, s1;
	[sflag:s0] =	ssyncset.done @!p0 $0x0  }
0x30a: {  	[sflag:s0] =	ssyncadd.s32 @!p0 s1  }
0x30b: {  	[bflag:$0x3] =	sbarrier.arrive $0xFFFF  }
0x30c: {  	_ =	shalt  }

</sc_bundles>
